<compile_context>
chip_gen: v7x
topology: tpu7x:2x2x1
jax: 0.10.2.dev20260603
libtpu: 0.0.44.dev20260713+nightly
codegen_flags: <defaults>
</compile_context>

<pallas_src>
import functools

import jax
import jax.numpy as jnp
from jax import lax
from jax.experimental import pallas as pl
from jax.experimental.pallas import tpu as pltpu
from jax.experimental.pallas import tpu_sc as plsc

NC = 2
NS = 16
NW = NC * NS
_C = 128
_DC = 125
_DW = 16
_BLK = 5000
_G = 64
F32 = jnp.float32



def _deg_body(n, npad, cpw, dst_hbm, zeros_hbm, ones_hbm, degp_hbm,
              didx, zbuf, obuf, deg_sh):
    c = lax.axis_index("c")
    s = lax.axis_index("s")
    wid = c * NS + s
    pltpu.sync_copy(zeros_hbm, zbuf)
    pltpu.sync_copy(ones_hbm, obuf)
    pltpu.sync_copy(dst_hbm.at[wid], didx)
    for k in range(npad // NS // _C):
        pltpu.sync_copy(zbuf, deg_sh.at[pl.ds(s * (npad // NS) + k * _C, _C)])
    plsc.subcore_barrier()

    def step(j, carry):
        pltpu.sync_copy(obuf, deg_sh.at[didx.at[j]], add=True)
        return carry

    lax.fori_loop(0, cpw, step, 0)
    plsc.subcore_barrier()
    for k in range(n // NS // _DC):
        r0 = s * (n // NS) + k * _DC
        pltpu.sync_copy(deg_sh.at[pl.ds(r0, _DC)], zbuf.at[pl.ds(0, _DC)])
        pltpu.sync_copy(zbuf.at[pl.ds(0, _DC)], degp_hbm.at[c, pl.ds(r0, _DC)])


def _agg_body(n, npad, h, cpw, y_hbm, src_hbm, dst_hbm, accp_hbm,
              sidx, didx, rows0, rows1, gsem0, gsem1, ssem, acc_sh):
    c = lax.axis_index("c")
    s = lax.axis_index("s")
    wid = c * NS + s
    half = cpw // 2
    rows = (rows0, rows1)
    gsems = (gsem0, gsem1)

    pltpu.async_copy(src_hbm.at[wid, pl.ds(0, half)], sidx, gsem0)
    pltpu.async_copy(dst_hbm.at[wid, pl.ds(0, half)], didx, gsem1)

    def zrow(i, carry):
        for k8 in range(h // 16):
            rows0[i, pl.ds(k8 * 16, 16)] = jnp.zeros((16,), F32)
        return carry

    lax.fori_loop(0, _C, zrow, 0)
    zch = npad // NS // _C
    for k in range(zch):
        pltpu.async_copy(
            rows0, acc_sh.at[pl.ds(s * (npad // NS) + k * _C, _C)], ssem)
    for k in range(zch):
        pltpu.make_async_copy(rows0, acc_sh.at[pl.ds(0, _C)], ssem).wait()
    pltpu.make_async_copy(src_hbm.at[wid, pl.ds(0, half)], sidx, gsem0).wait()
    pltpu.make_async_copy(dst_hbm.at[wid, pl.ds(0, half)], didx, gsem1).wait()
    plsc.subcore_barrier()

    pltpu.async_copy(y_hbm.at[sidx.at[0]], rows0, gsem0)

    def g_wait(b):
        pltpu.make_async_copy(y_hbm.at[sidx.at[0]], rows[b], gsems[b]).wait()

    def s_wait():
        pltpu.make_async_copy(rows[0], acc_sh.at[didx.at[0]], ssem).wait()

    g_wait(0)
    pltpu.async_copy(rows0, acc_sh.at[didx.at[0]], ssem, add=True)
    pltpu.async_copy(y_hbm.at[sidx.at[1]], rows1, gsem1)

    def pair(i, carry):
        for off in range(2):
            k = 2 * i + 1 + off
            b = (1 + off) % 2
            g_wait(b)
            s_wait()
            if off == 0:
                @pl.when(k == half - 1)
                def _():
                    pltpu.sync_copy(src_hbm.at[wid, pl.ds(half, half)], sidx)
            else:
                @pl.when(k == half)
                def _():
                    pltpu.sync_copy(dst_hbm.at[wid, pl.ds(half, half)], didx)
            kl = k - half * (k // half)
            pltpu.async_copy(rows[b], acc_sh.at[didx.at[kl]], ssem, add=True)
            k1 = k + 1
            kg = k1 - half * (k1 // half)
            pltpu.async_copy(y_hbm.at[sidx.at[kg]], rows[1 - b],
                             gsems[1 - b])
        return carry

    lax.fori_loop(0, (cpw - 2) // 2, pair, 0)
    g_wait((cpw - 1) % 2)
    s_wait()
    pltpu.async_copy(rows[(cpw - 1) % 2],
                     acc_sh.at[didx.at[half - 1]], ssem, add=True)
    s_wait()
    plsc.subcore_barrier()
    nch = n // NS // _DC
    for k in range(nch):
        r0 = s * (n // NS) + k * _DC
        if k >= 2:
            pltpu.make_async_copy(
                rows[k % 2].at[pl.ds(0, _DC)], accp_hbm.at[c, pl.ds(0, _DC)],
                gsems[k % 2]).wait()
        pltpu.sync_copy(acc_sh.at[pl.ds(r0, _DC)], rows[k % 2].at[pl.ds(0, _DC)])
        pltpu.async_copy(rows[k % 2].at[pl.ds(0, _DC)],
                         accp_hbm.at[c, pl.ds(r0, _DC)], gsems[k % 2])
    pltpu.make_async_copy(
        rows[(nch - 2) % 2].at[pl.ds(0, _DC)], accp_hbm.at[c, pl.ds(0, _DC)],
        gsems[(nch - 2) % 2]).wait()
    pltpu.make_async_copy(
        rows[(nch - 1) % 2].at[pl.ds(0, _DC)], accp_hbm.at[c, pl.ds(0, _DC)],
        gsems[(nch - 1) % 2]).wait()


def _make_deg(n, npad, cpw):
    mesh = plsc.VectorSubcoreMesh(core_axis_name="c", subcore_axis_name="s")
    return pl.kernel(
        functools.partial(_deg_body, n, npad, cpw),
        out_type=jax.ShapeDtypeStruct((NC, n, _DW), F32),
        mesh=mesh,
        scratch_types=[
            pltpu.VMEM((cpw, _C), jnp.int32),
            pltpu.VMEM((_C, _DW), F32),
            pltpu.VMEM((_C, _DW), F32),
            pltpu.VMEM_SHARED((npad, _DW), F32),
        ],
        compiler_params=pltpu.CompilerParams(use_tc_tiling_on_sc=False),
    )


def _make_agg(n, npad, h, cpw):
    mesh = plsc.VectorSubcoreMesh(core_axis_name="c", subcore_axis_name="s")
    return pl.kernel(
        functools.partial(_agg_body, n, npad, h, cpw),
        out_type=jax.ShapeDtypeStruct((NC, n, h), F32),
        mesh=mesh,
        scratch_types=[
            pltpu.VMEM((cpw // 2, _C), jnp.int32),
            pltpu.VMEM((cpw // 2, _C), jnp.int32),
            pltpu.VMEM((_C, h), F32),
            pltpu.VMEM((_C, h), F32),
            pltpu.SemaphoreType.DMA,
            pltpu.SemaphoreType.DMA,
            pltpu.SemaphoreType.DMA,
            pltpu.VMEM_SHARED((npad, h), F32),
        ],
        compiler_params=pltpu.CompilerParams(use_tc_tiling_on_sc=False),
    )



def _tc1a_body(x_ref, w_ref, xw_ref):
    xw_ref[...] = jnp.dot(x_ref[...], w_ref[...], preferred_element_type=F32)


def _tc1b_body(xw_ref, degp_ref, y_ref, dinv_ref):
    deg = degp_ref[0, :, 0:1] + degp_ref[1, :, 0:1] + 1.0
    di = lax.rsqrt(deg)
    dinv_ref[...] = di
    y_ref[...] = xw_ref[...] * di


def _tc_mid_body(accp_ref, y_ref, dinv_ref, b_ref, w_ref, out_ref):
    di = dinv_ref[...]
    hcur = jnp.maximum(
        di * (accp_ref[0] + accp_ref[1] + y_ref[...]) + b_ref[...], 0.0)
    out_ref[...] = jnp.dot(hcur, w_ref[...], preferred_element_type=F32) * di


def _tc_fin_body(nblk, accp_ref, y_ref, dinv_ref, b_ref, batch_ref,
                 wfc_ref, bfc_ref, out_ref, sums, counts):
    i = pl.program_id(0)

    @pl.when(i == 0)
    def _():
        sums[...] = jnp.zeros_like(sums)
        counts[...] = jnp.zeros_like(counts)

    di = dinv_ref[...]
    hcur = jnp.maximum(
        di * (accp_ref[0] + accp_ref[1] + y_ref[...]) + b_ref[...], 0.0)
    gid = lax.broadcasted_iota(jnp.int32, (_G, hcur.shape[0]), 0).astype(F32)
    sel_t = (batch_ref[0] == gid).astype(F32)
    sums[...] += lax.dot_general(sel_t, hcur, (((1,), (0,)), ((), ())),
                                 preferred_element_type=F32)
    counts[...] += jnp.broadcast_to(jnp.sum(sel_t, axis=1)[:, None],
                                    counts.shape)

    @pl.when(i == nblk - 1)
    def _():
        pooled = sums[...] / jnp.maximum(counts[...], 1.0)
        out_ref[...] = jnp.dot(pooled, wfc_ref[...],
                               preferred_element_type=F32) + bfc_ref[...]


def _tc1a(x, w, n, d, h, nblk):
    return pl.pallas_call(
        _tc1a_body,
        grid=(nblk,),
        in_specs=[
            pl.BlockSpec((_BLK, d), lambda i: (i, 0)),
            pl.BlockSpec((d, h), lambda i: (0, 0)),
        ],
        out_specs=pl.BlockSpec((_BLK, h), lambda i: (i, 0)),
        out_shape=jax.ShapeDtypeStruct((n, h), F32),
    )(x, w)


def _tc1b(xw, degp, n, h, nblk):
    return pl.pallas_call(
        _tc1b_body,
        grid=(nblk,),
        in_specs=[
            pl.BlockSpec((_BLK, h), lambda i: (i, 0)),
            pl.BlockSpec((NC, _BLK, _DW), lambda i: (0, i, 0)),
        ],
        out_specs=[
            pl.BlockSpec((_BLK, h), lambda i: (i, 0)),
            pl.BlockSpec((_BLK, 1), lambda i: (i, 0)),
        ],
        out_shape=[
            jax.ShapeDtypeStruct((n, h), F32),
            jax.ShapeDtypeStruct((n, 1), F32),
        ],
    )(xw, degp)


def _tc_mid(accp, y, dinv, b, w, n, h, nblk):
    return pl.pallas_call(
        _tc_mid_body,
        grid=(nblk,),
        in_specs=[
            pl.BlockSpec((NC, _BLK, h), lambda i: (0, i, 0)),
            pl.BlockSpec((_BLK, h), lambda i: (i, 0)),
            pl.BlockSpec((_BLK, 1), lambda i: (i, 0)),
            pl.BlockSpec((1, h), lambda i: (0, 0)),
            pl.BlockSpec((h, h), lambda i: (0, 0)),
        ],
        out_specs=pl.BlockSpec((_BLK, h), lambda i: (i, 0)),
        out_shape=jax.ShapeDtypeStruct((n, h), F32),
    )(accp, y, dinv, b, w)


def _tc_fin(accp, y, dinv, b, batchf, wfc, bfc, n, h, nout, nblk):
    return pl.pallas_call(
        functools.partial(_tc_fin_body, nblk),
        grid=(nblk,),
        in_specs=[
            pl.BlockSpec((NC, _BLK, h), lambda i: (0, i, 0)),
            pl.BlockSpec((_BLK, h), lambda i: (i, 0)),
            pl.BlockSpec((_BLK, 1), lambda i: (i, 0)),
            pl.BlockSpec((1, h), lambda i: (0, 0)),
            pl.BlockSpec((1, 1, _BLK), lambda i: (i, 0, 0)),
            pl.BlockSpec((h, nout), lambda i: (0, 0)),
            pl.BlockSpec((1, nout), lambda i: (0, 0)),
        ],
        out_specs=pl.BlockSpec((_G, nout), lambda i: (0, 0)),
        out_shape=jax.ShapeDtypeStruct((_G, nout), F32),
        scratch_shapes=[
            pltpu.VMEM((_G, h), F32),
            pltpu.VMEM((_G, h), F32),
        ],
    )(accp, y, dinv, b, batchf, wfc, bfc)



def kernel(x, edge_index, batch, W1, b1, W2, b2, W3, b3, Wfc, bfc):
    n, d = x.shape
    h = W1.shape[1]
    e = edge_index.shape[1]
    nout = Wfc.shape[1]
    assert n % _BLK == 0 and (n // NS) % _DC == 0
    nblk = n // _BLK
    blk = NW * _C
    cpw = ((e + blk - 1) // blk + 3) // 4 * 4
    ep = cpw * blk
    pad_e = ep - e
    assert cpw >= 8
    npad = ((n + NS * _C - 1) // (NS * _C)) * (NS * _C)
    assert npad > n

    src_f = edge_index[0]
    dst_f = edge_index[1]
    if pad_e:
        pad_src = (jnp.arange(pad_e, dtype=jnp.int32) * 977) % n
        src_f = jnp.concatenate([src_f, pad_src])
        dst_f = jnp.concatenate(
            [dst_f, jnp.full((pad_e,), n, dtype=jnp.int32)])
    dst3 = dst_f.reshape(NW, cpw, _C)
    src3 = lax.optimization_barrier(src_f.reshape(NW, cpw, _C))
    zeros_t = jnp.zeros((_C, _DW), F32)
    ones_t = jnp.ones((_C, _DW), F32)

    deg_call = _make_deg(n, npad, cpw)
    agg_call = _make_agg(n, npad, h, cpw)

    degp = deg_call(dst3, zeros_t, ones_t)
    xw1 = _tc1a(x.astype(F32), W1, n, d, h, nblk)
    y1, dinv = _tc1b(xw1, degp, n, h, nblk)
    p1 = agg_call(y1, src3, dst3)
    y2 = _tc_mid(p1, y1, dinv, b1.reshape(1, h), W2, n, h, nblk)
    p2 = agg_call(y2, src3, dst3)
    y3 = _tc_mid(p2, y2, dinv, b2.reshape(1, h), W3, n, h, nblk)
    p3 = agg_call(y3, src3, dst3)
    batchf = batch.astype(F32).reshape(nblk, 1, _BLK)
    return _tc_fin(p3, y3, dinv, b3.reshape(1, h), batchf, Wfc,
                   bfc.reshape(1, nout), n, h, nout, nblk)

# --- scband reference (transcript-rebuilt; emitter-appended) ---
"""Pipeline reference for scband-gcnpeptide-struct-20461224198768 (READ-ONLY COPY).

The authoritative reference and input builder live on the scoring server;
editing this copy changes nothing except your own understanding.
"""

import jax, jax.numpy as jnp
import numpy as np

N = 10000
E = 320000
D = 128
H = 128
G = 64
OUT = 11


def setup_inputs(seed: int = 0) -> dict:
    key = jax.random.key(seed)
    ks = jax.random.split(key, 12)
    x = jax.random.normal(ks[0], (N, D), dtype=jnp.float32)
    edge_index = jax.random.randint(ks[1], (2, E), 0, N, dtype=jnp.int32)
    batch = jnp.sort(jax.random.randint(ks[2], (N,), 0, G, dtype=jnp.int32))
    W1 = jax.random.normal(ks[3], (D, H), dtype=jnp.float32) * 0.05
    b1 = jnp.zeros((H,), dtype=jnp.float32)
    W2 = jax.random.normal(ks[4], (H, H), dtype=jnp.float32) * 0.05
    b2 = jnp.zeros((H,), dtype=jnp.float32)
    W3 = jax.random.normal(ks[5], (H, H), dtype=jnp.float32) * 0.05
    b3 = jnp.zeros((H,), dtype=jnp.float32)
    Wfc = jax.random.normal(ks[6], (H, OUT), dtype=jnp.float32) * 0.05
    bfc = jnp.zeros((OUT,), dtype=jnp.float32)
    return {"x": x, "edge_index": edge_index, "batch": batch,
            "W1": W1, "b1": b1, "W2": W2, "b2": b2, "W3": W3, "b3": b3,
            "Wfc": Wfc, "bfc": bfc}


def _gcn_conv(x, W, b, src, dst, ew, num_nodes):
    # PyG GCNConv: D^{-1/2} (A + I) D^{-1/2} X W + b, aggregate at dst
    loop = jnp.arange(num_nodes, dtype=src.dtype)
    s = jnp.concatenate([src, loop])
    d = jnp.concatenate([dst, loop])
    w = jnp.concatenate([ew, jnp.ones((num_nodes,), dtype=jnp.float32)])
    deg = jnp.zeros((num_nodes,), dtype=jnp.float32).at[d].add(w)
    dinv = jnp.where(deg > 0, jax.lax.rsqrt(jnp.maximum(deg, 1e-12)), 0.0)
    norm = dinv[s] * w * dinv[d]
    xw = x @ W
    msg = xw[s] * norm[:, None]
    out = jnp.zeros_like(xw).at[d].add(msg)
    return out + b


def reference(x, edge_index, batch, W1, b1, W2, b2, W3, b3, Wfc, bfc):
    src = edge_index[0]
    dst = edge_index[1]
    ew = jnp.ones((E,), dtype=jnp.float32)  # edge_weight defaults to ones
    h = jax.nn.relu(_gcn_conv(x.astype(jnp.float32), W1, b1, src, dst, ew, N))
    # dropout is identity in eval mode
    h = jax.nn.relu(_gcn_conv(h, W2, b2, src, dst, ew, N))
    h = jax.nn.relu(_gcn_conv(h, W3, b3, src, dst, ew, N))
    # global_mean_pool over batch ids
    sums = jnp.zeros((G, H), dtype=jnp.float32).at[batch].add(h)
    counts = jnp.zeros((G,), dtype=jnp.float32).at[batch].add(1.0)
    pooled = sums / jnp.maximum(counts, 1.0)[:, None]
    return pooled @ Wfc + bfc

if __name__ == "__main__":
    import jax
    _d = setup_inputs()
    print(jax.jit(kernel)(*tuple(_d.values())))

</pallas_src>

<mosaic_0001>
#map = affine_map<(d0, d1) -> (0, 0)>
#map1 = affine_map<(d0, d1) -> (0, 0, 0)>
module attributes {stable_mosaic.version = 14 : i64} {
  func.func @_agg_body(%arg0: i32, %arg1: i32, %arg2: memref<10000x128xf32, #tpu.memory_space<hbm>>, %arg3: memref<32x80x128xi32, #tpu.memory_space<hbm>>, %arg4: memref<32x80x128xi32, #tpu.memory_space<hbm>>, %arg5: memref<2x10000x128xf32, #tpu.memory_space<hbm>>, %arg6: memref<40x128xi32, #tpu.memory_space<vmem>>, %arg7: memref<40x128xi32, #tpu.memory_space<vmem>>, %arg8: memref<128x128xf32, #tpu.memory_space<vmem>>, %arg9: memref<128x128xf32, #tpu.memory_space<vmem>>, %arg10: memref<!tpu.dma_semaphore, #tpu.memory_space<semaphore_mem>>, %arg11: memref<!tpu.dma_semaphore, #tpu.memory_space<semaphore_mem>>, %arg12: memref<!tpu.dma_semaphore, #tpu.memory_space<semaphore_mem>>, %arg13: memref<10240x128xf32, #tpu.memory_space<vmem_shared>>) attributes {dimension_semantics = [#tpu.dimension_semantics<core_parallel>, #tpu.dimension_semantics<subcore_parallel>], iteration_bounds = array<i64: 2, 16>, scalar_prefetch = 0 : i64, scratch_operands = 8 : i64, tpu.core_type = #tpu.core_type<sc_vector_subcore>, window_params = [{transform_indices = #map}, {transform_indices = #map1}, {transform_indices = #map1}, {transform_indices = #map1}]} {
    %mul3A = arith.constant 16 : i32
    %mul3A_0 = arith.muli %arg0, %mul3A : i32
    %add3A = arith.addi %mul3A_0, %arg1 : i32
    %dma_start3A = arith.constant 0 : i32
    %dma_start3A_1 = arith.constant 0 : i32
    %dma_start3A_2 = tpu.memref_slice %arg3[%add3A, %dma_start3A, %dma_start3A_1] : memref<32x80x128xi32, #tpu.memory_space<hbm>> -> memref<1x40x128xi32, #tpu.memory_space<hbm>>
    %dma_start3A_3 = tpu.memref_squeeze %dma_start3A_2 : memref<1x40x128xi32, #tpu.memory_space<hbm>> -> memref<40x128xi32, #tpu.memory_space<hbm>>
    %dma_start3A_4 = arith.constant 0 : i32
    %dma_start3A_5 = arith.constant 0 : i32
    %dma_start3A_6 = tpu.memref_slice %arg3[%add3A, %dma_start3A_4, %dma_start3A_5] : memref<32x80x128xi32, #tpu.memory_space<hbm>> -> memref<1x40x128xi32, #tpu.memory_space<hbm>>
    %dma_start3A_7 = tpu.memref_squeeze %dma_start3A_6 : memref<1x40x128xi32, #tpu.memory_space<hbm>> -> memref<40x128xi32, #tpu.memory_space<hbm>>
    tpu.enqueue_dma source(%dma_start3A_7 : memref<40x128xi32, #tpu.memory_space<hbm>>) target(%arg6 : memref<40x128xi32, #tpu.memory_space<vmem>>) target_semaphore(%arg10 : memref<!tpu.dma_semaphore, #tpu.memory_space<semaphore_mem>>)
    %dma_start3A_8 = arith.constant 0 : i32
    %dma_start3A_9 = arith.constant 0 : i32
    %dma_start3A_10 = tpu.memref_slice %arg4[%add3A, %dma_start3A_8, %dma_start3A_9] : memref<32x80x128xi32, #tpu.memory_space<hbm>> -> memref<1x40x128xi32, #tpu.memory_space<hbm>>
    %dma_start3A_11 = tpu.memref_squeeze %dma_start3A_10 : memref<1x40x128xi32, #tpu.memory_space<hbm>> -> memref<40x128xi32, #tpu.memory_space<hbm>>
    %dma_start3A_12 = arith.constant 0 : i32
    %dma_start3A_13 = arith.constant 0 : i32
    %dma_start3A_14 = tpu.memref_slice %arg4[%add3A, %dma_start3A_12, %dma_start3A_13] : memref<32x80x128xi32, #tpu.memory_space<hbm>> -> memref<1x40x128xi32, #tpu.memory_space<hbm>>
    %dma_start3A_15 = tpu.memref_squeeze %dma_start3A_14 : memref<1x40x128xi32, #tpu.memory_space<hbm>> -> memref<40x128xi32, #tpu.memory_space<hbm>>
    tpu.enqueue_dma source(%dma_start3A_15 : memref<40x128xi32, #tpu.memory_space<hbm>>) target(%arg7 : memref<40x128xi32, #tpu.memory_space<vmem>>) target_semaphore(%arg11 : memref<!tpu.dma_semaphore, #tpu.memory_space<semaphore_mem>>)
    %scan3A = arith.constant 0 : i32
    %scan3A_16 = arith.constant 0 : i32
    %scan3A_17 = arith.constant 128 : i32
    %scan3A_18 = arith.addi %scan3A_16, %scan3A_17 : i32
    %scan3A_19 = arith.constant 1 : i32
    scf.for %scan3A_319 = %scan3A_16 to %scan3A_18 step %scan3A_19  : i32 {
      %broadcast_in_dim3A = arith.constant 0.000000e+00 : f32
      %broadcast_in_dim3A_320 = vector.broadcast %broadcast_in_dim3A : f32 to vector<16xf32>
      %swap3A = arith.index_cast %scan3A_319 : i32 to index
      %swap3A_321 = arith.constant 0 : index
      %swap3A_322 = tpu.vector_load %arg8[%swap3A, %swap3A_321] {strides = array<i32>} : memref<128x128xf32, #tpu.memory_space<vmem>>, vector<1x16xf32>,
      %swap3A_323 = vector.shape_cast %swap3A_322 : vector<1x16xf32> to vector<16xf32>
      %swap3A_324 = vector.shape_cast %broadcast_in_dim3A_320 : vector<16xf32> to vector<1x16xf32>
      tpu.vector_store %arg8[%swap3A, %swap3A_321], %swap3A_324 {strides = array<i32>} : memref<128x128xf32, #tpu.memory_space<vmem>>, vector<1x16xf32>,
      %broadcast_in_dim3A_325 = arith.constant 0.000000e+00 : f32
      %broadcast_in_dim3A_326 = vector.broadcast %broadcast_in_dim3A_325 : f32 to vector<16xf32>
      %swap3A_327 = arith.index_cast %scan3A_319 : i32 to index
      %swap3A_328 = arith.constant 16 : index
      %swap3A_329 = tpu.vector_load %arg8[%swap3A_327, %swap3A_328] {strides = array<i32>} : memref<128x128xf32, #tpu.memory_space<vmem>>, vector<1x16xf32>,
      %swap3A_330 = vector.shape_cast %swap3A_329 : vector<1x16xf32> to vector<16xf32>
      %swap3A_331 = vector.shape_cast %broadcast_in_dim3A_326 : vector<16xf32> to vector<1x16xf32>
      tpu.vector_store %arg8[%swap3A_327, %swap3A_328], %swap3A_331 {strides = array<i32>} : memref<128x128xf32, #tpu.memory_space<vmem>>, vector<1x16xf32>,
      %broadcast_in_dim3A_332 = arith.constant 0.000000e+00 : f32
      %broadcast_in_dim3A_333 = vector.broadcast %broadcast_in_dim3A_332 : f32 to vector<16xf32>
      %swap3A_334 = arith.index_cast %scan3A_319 : i32 to index
      %swap3A_335 = arith.constant 32 : index
      %swap3A_336 = tpu.vector_load %arg8[%swap3A_334, %swap3A_335] {strides = array<i32>} : memref<128x128xf32, #tpu.memory_space<vmem>>, vector<1x16xf32>,
      %swap3A_337 = vector.shape_cast %swap3A_336 : vector<1x16xf32> to vector<16xf32>
      %swap3A_338 = vector.shape_cast %broadcast_in_dim3A_333 : vector<16xf32> to vector<1x16xf32>
      tpu.vector_store %arg8[%swap3A_334, %swap3A_335], %swap3A_338 {strides = array<i32>} : memref<128x128xf32, #tpu.memory_space<vmem>>, vector<1x16xf32>,
      %broadcast_in_dim3A_339 = arith.constant 0.000000e+00 : f32
      %broadcast_in_dim3A_340 = vector.broadcast %broadcast_in_dim3A_339 : f32 to vector<16xf32>
      %swap3A_341 = arith.index_cast %scan3A_319 : i32 to index
      %swap3A_342 = arith.constant 48 : index
      %swap3A_343 = tpu.vector_load %arg8[%swap3A_341, %swap3A_342] {strides = array<i32>} : memref<128x128xf32, #tpu.memory_space<vmem>>, vector<1x16xf32>,
      %swap3A_344 = vector.shape_cast %swap3A_343 : vector<1x16xf32> to vector<16xf32>
      %swap3A_345 = vector.shape_cast %broadcast_in_dim3A_340 : vector<16xf32> to vector<1x16xf32>
      tpu.vector_store %arg8[%swap3A_341, %swap3A_342], %swap3A_345 {strides = array<i32>} : memref<128x128xf32, #tpu.memory_space<vmem>>, vector<1x16xf32>,
      %broadcast_in_dim3A_346 = arith.constant 0.000000e+00 : f32
      %broadcast_in_dim3A_347 = vector.broadcast %broadcast_in_dim3A_346 : f32 to vector<16xf32>
      %swap3A_348 = arith.index_cast %scan3A_319 : i32 to index
      %swap3A_349 = arith.constant 64 : index
      %swap3A_350 = tpu.vector_load %arg8[%swap3A_348, %swap3A_349] {strides = array<i32>} : memref<128x128xf32, #tpu.memory_space<vmem>>, vector<1x16xf32>,
      %swap3A_351 = vector.shape_cast %swap3A_350 : vector<1x16xf32> to vector<16xf32>
      %swap3A_352 = vector.shape_cast %broadcast_in_dim3A_347 : vector<16xf32> to vector<1x16xf32>
      tpu.vector_store %arg8[%swap3A_348, %swap3A_349], %swap3A_352 {strides = array<i32>} : memref<128x128xf32, #tpu.memory_space<vmem>>, vector<1x16xf32>,
      %broadcast_in_dim3A_353 = arith.constant 0.000000e+00 : f32
      %broadcast_in_dim3A_354 = vector.broadcast %broadcast_in_dim3A_353 : f32 to vector<16xf32>
      %swap3A_355 = arith.index_cast %scan3A_319 : i32 to index
      %swap3A_356 = arith.constant 80 : index
      %swap3A_357 = tpu.vector_load %arg8[%swap3A_355, %swap3A_356] {strides = array<i32>} : memref<128x128xf32, #tpu.memory_space<vmem>>, vector<1x16xf32>,
      %swap3A_358 = vector.shape_cast %swap3A_357 : vector<1x16xf32> to vector<16xf32>
      %swap3A_359 = vector.shape_cast %broadcast_in_dim3A_354 : vector<16xf32> to vector<1x16xf32>
      tpu.vector_store %arg8[%swap3A_355, %swap3A_356], %swap3A_359 {strides = array<i32>} : memref<128x128xf32, #tpu.memory_space<vmem>>, vector<1x16xf32>,
      %broadcast_in_dim3A_360 = arith.constant 0.000000e+00 : f32
      %broadcast_in_dim3A_361 = vector.broadcast %broadcast_in_dim3A_360 : f32 to vector<16xf32>
      %swap3A_362 = arith.index_cast %scan3A_319 : i32 to index
      %swap3A_363 = arith.constant 96 : index
      %swap3A_364 = tpu.vector_load %arg8[%swap3A_362, %swap3A_363] {strides = array<i32>} : memref<128x128xf32, #tpu.memory_space<vmem>>, vector<1x16xf32>,
      %swap3A_365 = vector.shape_cast %swap3A_364 : vector<1x16xf32> to vector<16xf32>
      %swap3A_366 = vector.shape_cast %broadcast_in_dim3A_361 : vector<16xf32> to vector<1x16xf32>
      tpu.vector_store %arg8[%swap3A_362, %swap3A_363], %swap3A_366 {strides = array<i32>} : memref<128x128xf32, #tpu.memory_space<vmem>>, vector<1x16xf32>,
      %broadcast_in_dim3A_367 = arith.constant 0.000000e+00 : f32
      %broadcast_in_dim3A_368 = vector.broadcast %broadcast_in_dim3A_367 : f32 to vector<16xf32>
      %swap3A_369 = arith.index_cast %scan3A_319 : i32 to index
      %swap3A_370 = arith.constant 112 : index
      %swap3A_371 = tpu.vector_load %arg8[%swap3A_369, %swap3A_370] {strides = array<i32>} : memref<128x128xf32, #tpu.memory_space<vmem>>, vector<1x16xf32>,
      %swap3A_372 = vector.shape_cast %swap3A_371 : vector<1x16xf32> to vector<16xf32>
      %swap3A_373 = vector.shape_cast %broadcast_in_dim3A_368 : vector<16xf32> to vector<1x16xf32>
      tpu.vector_store %arg8[%swap3A_369, %swap3A_370], %swap3A_373 {strides = array<i32>} : memref<128x128xf32, #tpu.memory_space<vmem>>, vector<1x16xf32>,
    }
    %scan3A_20 = arith.constant 128 : i32
    %mul3A_21 = arith.constant 640 : i32
    %mul3A_22 = arith.muli %arg1, %mul3A_21 : i32
    %add3A_23 = arith.constant 0 : i32
    %add3A_24 = arith.addi %mul3A_22, %add3A_23 : i32
    %dma_start3A_25 = arith.constant 0 : i32
    %dma_start3A_26 = tpu.memref_slice %arg13[%add3A_24, %dma_start3A_25] : memref<10240x128xf32, #tpu.memory_space<vmem_shared>> -> memref<128x128xf32, #tpu.memory_space<vmem_shared>>
    %dma_start3A_27 = arith.constant 0 : i32
    %dma_start3A_28 = tpu.memref_slice %arg13[%add3A_24, %dma_start3A_27] : memref<10240x128xf32, #tpu.memory_space<vmem_shared>> -> memref<128x128xf32, #tpu.memory_space<vmem_shared>>
    tpu.enqueue_dma source(%arg8 : memref<128x128xf32, #tpu.memory_space<vmem>>) target(%dma_start3A_28 : memref<128x128xf32, #tpu.memory_space<vmem_shared>>) target_semaphore(%arg12 : memref<!tpu.dma_semaphore, #tpu.memory_space<semaphore_mem>>)
    %mul3A_29 = arith.constant 640 : i32
    %mul3A_30 = arith.muli %arg1, %mul3A_29 : i32
    %add3A_31 = arith.constant 128 : i32
    %add3A_32 = arith.addi %mul3A_30, %add3A_31 : i32
    %dma_start3A_33 = arith.constant 0 : i32
    %dma_start3A_34 = tpu.memref_slice %arg13[%add3A_32, %dma_start3A_33] : memref<10240x128xf32, #tpu.memory_space<vmem_shared>> -> memref<128x128xf32, #tpu.memory_space<vmem_shared>>
    %dma_start3A_35 = arith.constant 0 : i32
    %dma_start3A_36 = tpu.memref_slice %arg13[%add3A_32, %dma_start3A_35] : memref<10240x128xf32, #tpu.memory_space<vmem_shared>> -> memref<128x128xf32, #tpu.memory_space<vmem_shared>>
    tpu.enqueue_dma source(%arg8 : memref<128x128xf32, #tpu.memory_space<vmem>>) target(%dma_start3A_36 : memref<128x128xf32, #tpu.memory_space<vmem_shared>>) target_semaphore(%arg12 : memref<!tpu.dma_semaphore, #tpu.memory_space<semaphore_mem>>)
    %mul3A_37 = arith.constant 640 : i32
    %mul3A_38 = arith.muli %arg1, %mul3A_37 : i32
    %add3A_39 = arith.constant 256 : i32
    %add3A_40 = arith.addi %mul3A_38, %add3A_39 : i32
    %dma_start3A_41 = arith.constant 0 : i32
    %dma_start3A_42 = tpu.memref_slice %arg13[%add3A_40, %dma_start3A_41] : memref<10240x128xf32, #tpu.memory_space<vmem_shared>> -> memref<128x128xf32, #tpu.memory_space<vmem_shared>>
    %dma_start3A_43 = arith.constant 0 : i32
    %dma_start3A_44 = tpu.memref_slice %arg13[%add3A_40, %dma_start3A_43] : memref<10240x128xf32, #tpu.memory_space<vmem_shared>> -> memref<128x128xf32, #tpu.memory_space<vmem_shared>>
    tpu.enqueue_dma source(%arg8 : memref<128x128xf32, #tpu.memory_space<vmem>>) target(%dma_start3A_44 : memref<128x128xf32, #tpu.memory_space<vmem_shared>>) target_semaphore(%arg12 : memref<!tpu.dma_semaphore, #tpu.memory_space<semaphore_mem>>)
    %mul3A_45 = arith.constant 640 : i32
    %mul3A_46 = arith.muli %arg1, %mul3A_45 : i32
    %add3A_47 = arith.constant 384 : i32
    %add3A_48 = arith.addi %mul3A_46, %add3A_47 : i32
    %dma_start3A_49 = arith.constant 0 : i32
    %dma_start3A_50 = tpu.memref_slice %arg13[%add3A_48, %dma_start3A_49] : memref<10240x128xf32, #tpu.memory_space<vmem_shared>> -> memref<128x128xf32, #tpu.memory_space<vmem_shared>>
    %dma_start3A_51 = arith.constant 0 : i32
    %dma_start3A_52 = tpu.memref_slice %arg13[%add3A_48, %dma_start3A_51] : memref<10240x128xf32, #tpu.memory_space<vmem_shared>> -> memref<128x128xf32, #tpu.memory_space<vmem_shared>>
    tpu.enqueue_dma source(%arg8 : memref<128x128xf32, #tpu.memory_space<vmem>>) target(%dma_start3A_52 : memref<128x128xf32, #tpu.memory_space<vmem_shared>>) target_semaphore(%arg12 : memref<!tpu.dma_semaphore, #tpu.memory_space<semaphore_mem>>)
    %mul3A_53 = arith.constant 640 : i32
    %mul3A_54 = arith.muli %arg1, %mul3A_53 : i32
    %add3A_55 = arith.constant 512 : i32
    %add3A_56 = arith.addi %mul3A_54, %add3A_55 : i32
    %dma_start3A_57 = arith.constant 0 : i32
    %dma_start3A_58 = tpu.memref_slice %arg13[%add3A_56, %dma_start3A_57] : memref<10240x128xf32, #tpu.memory_space<vmem_shared>> -> memref<128x128xf32, #tpu.memory_space<vmem_shared>>
    %dma_start3A_59 = arith.constant 0 : i32
    %dma_start3A_60 = tpu.memref_slice %arg13[%add3A_56, %dma_start3A_59] : memref<10240x128xf32, #tpu.memory_space<vmem_shared>> -> memref<128x128xf32, #tpu.memory_space<vmem_shared>>
    tpu.enqueue_dma source(%arg8 : memref<128x128xf32, #tpu.memory_space<vmem>>) target(%dma_start3A_60 : memref<128x128xf32, #tpu.memory_space<vmem_shared>>) target_semaphore(%arg12 : memref<!tpu.dma_semaphore, #tpu.memory_space<semaphore_mem>>)
    %dma_wait3A = arith.constant 0 : i32
    %dma_wait3A_61 = arith.constant 0 : i32
    %dma_wait3A_62 = tpu.memref_slice %arg13[%dma_wait3A, %dma_wait3A_61] : memref<10240x128xf32, #tpu.memory_space<vmem_shared>> -> memref<128x128xf32, #tpu.memory_space<vmem_shared>>
    %dma_wait3A_63 = arith.constant 0 : i32
    %dma_wait3A_64 = arith.constant 0 : i32
    %dma_wait3A_65 = tpu.memref_slice %arg13[%dma_wait3A_63, %dma_wait3A_64] : memref<10240x128xf32, #tpu.memory_space<vmem_shared>> -> memref<128x128xf32, #tpu.memory_space<vmem_shared>>
    tpu.wait_dma2 semaphore(%arg12 : memref<!tpu.dma_semaphore, #tpu.memory_space<semaphore_mem>>) src(%arg8 : memref<128x128xf32, #tpu.memory_space<vmem>>) dst(%dma_wait3A_65 : memref<128x128xf32, #tpu.memory_space<vmem_shared>>)
    %dma_wait3A_66 = arith.constant 0 : i32
    %dma_wait3A_67 = arith.constant 0 : i32
    %dma_wait3A_68 = tpu.memref_slice %arg13[%dma_wait3A_66, %dma_wait3A_67] : memref<10240x128xf32, #tpu.memory_space<vmem_shared>> -> memref<128x128xf32, #tpu.memory_space<vmem_shared>>
    %dma_wait3A_69 = arith.constant 0 : i32
    %dma_wait3A_70 = arith.constant 0 : i32
    %dma_wait3A_71 = tpu.memref_slice %arg13[%dma_wait3A_69, %dma_wait3A_70] : memref<10240x128xf32, #tpu.memory_space<vmem_shared>> -> memref<128x128xf32, #tpu.memory_space<vmem_shared>>
    tpu.wait_dma2 semaphore(%arg12 : memref<!tpu.dma_semaphore, #tpu.memory_space<semaphore_mem>>) src(%arg8 : memref<128x128xf32, #tpu.memory_space<vmem>>) dst(%dma_wait3A_71 : memref<128x128xf32, #tpu.memory_space<vmem_shared>>)
    %dma_wait3A_72 = arith.constant 0 : i32
    %dma_wait3A_73 = arith.constant 0 : i32
    %dma_wait3A_74 = tpu.memref_slice %arg13[%dma_wait3A_72, %dma_wait3A_73] : memref<10240x128xf32, #tpu.memory_space<vmem_shared>> -> memref<128x128xf32, #tpu.memory_space<vmem_shared>>
    %dma_wait3A_75 = arith.constant 0 : i32
    %dma_wait3A_76 = arith.constant 0 : i32
    %dma_wait3A_77 = tpu.memref_slice %arg13[%dma_wait3A_75, %dma_wait3A_76] : memref<10240x128xf32, #tpu.memory_space<vmem_shared>> -> memref<128x128xf32, #tpu.memory_space<vmem_shared>>
    tpu.wait_dma2 semaphore(%arg12 : memref<!tpu.dma_semaphore, #tpu.memory_space<semaphore_mem>>) src(%arg8 : memref<128x128xf32, #tpu.memory_space<vmem>>) dst(%dma_wait3A_77 : memref<128x128xf32, #tpu.memory_space<vmem_shared>>)
    %dma_wait3A_78 = arith.constant 0 : i32
    %dma_wait3A_79 = arith.constant 0 : i32
    %dma_wait3A_80 = tpu.memref_slice %arg13[%dma_wait3A_78, %dma_wait3A_79] : memref<10240x128xf32, #tpu.memory_space<vmem_shared>> -> memref<128x128xf32, #tpu.memory_space<vmem_shared>>
    %dma_wait3A_81 = arith.constant 0 : i32
    %dma_wait3A_82 = arith.constant 0 : i32
    %dma_wait3A_83 = tpu.memref_slice %arg13[%dma_wait3A_81, %dma_wait3A_82] : memref<10240x128xf32, #tpu.memory_space<vmem_shared>> -> memref<128x128xf32, #tpu.memory_space<vmem_shared>>
    tpu.wait_dma2 semaphore(%arg12 : memref<!tpu.dma_semaphore, #tpu.memory_space<semaphore_mem>>) src(%arg8 : memref<128x128xf32, #tpu.memory_space<vmem>>) dst(%dma_wait3A_83 : memref<128x128xf32, #tpu.memory_space<vmem_shared>>)
    %dma_wait3A_84 = arith.constant 0 : i32
    %dma_wait3A_85 = arith.constant 0 : i32
    %dma_wait3A_86 = tpu.memref_slice %arg13[%dma_wait3A_84, %dma_wait3A_85] : memref<10240x128xf32, #tpu.memory_space<vmem_shared>> -> memref<128x128xf32, #tpu.memory_space<vmem_shared>>
    %dma_wait3A_87 = arith.constant 0 : i32
    %dma_wait3A_88 = arith.constant 0 : i32
    %dma_wait3A_89 = tpu.memref_slice %arg13[%dma_wait3A_87, %dma_wait3A_88] : memref<10240x128xf32, #tpu.memory_space<vmem_shared>> -> memref<128x128xf32, #tpu.memory_space<vmem_shared>>
    tpu.wait_dma2 semaphore(%arg12 : memref<!tpu.dma_semaphore, #tpu.memory_space<semaphore_mem>>) src(%arg8 : memref<128x128xf32, #tpu.memory_space<vmem>>) dst(%dma_wait3A_89 : memref<128x128xf32, #tpu.memory_space<vmem_shared>>)
    %dma_wait3A_90 = arith.constant 0 : i32
    %dma_wait3A_91 = arith.constant 0 : i32
    %dma_wait3A_92 = tpu.memref_slice %arg3[%add3A, %dma_wait3A_90, %dma_wait3A_91] : memref<32x80x128xi32, #tpu.memory_space<hbm>> -> memref<1x40x128xi32, #tpu.memory_space<hbm>>
    %dma_wait3A_93 = tpu.memref_squeeze %dma_wait3A_92 : memref<1x40x128xi32, #tpu.memory_space<hbm>> -> memref<40x128xi32, #tpu.memory_space<hbm>>
    %dma_wait3A_94 = arith.constant 0 : i32
    %dma_wait3A_95 = arith.constant 0 : i32
    %dma_wait3A_96 = tpu.memref_slice %arg3[%add3A, %dma_wait3A_94, %dma_wait3A_95] : memref<32x80x128xi32, #tpu.memory_space<hbm>> -> memref<1x40x128xi32, #tpu.memory_space<hbm>>
    %dma_wait3A_97 = tpu.memref_squeeze %dma_wait3A_96 : memref<1x40x128xi32, #tpu.memory_space<hbm>> -> memref<40x128xi32, #tpu.memory_space<hbm>>
    tpu.wait_dma2 semaphore(%arg10 : memref<!tpu.dma_semaphore, #tpu.memory_space<semaphore_mem>>) src(%dma_wait3A_97 : memref<40x128xi32, #tpu.memory_space<hbm>>) dst(%arg6 : memref<40x128xi32, #tpu.memory_space<vmem>>)
    %dma_wait3A_98 = arith.constant 0 : i32
    %dma_wait3A_99 = arith.constant 0 : i32
    %dma_wait3A_100 = tpu.memref_slice %arg4[%add3A, %dma_wait3A_98, %dma_wait3A_99] : memref<32x80x128xi32, #tpu.memory_space<hbm>> -> memref<1x40x128xi32, #tpu.memory_space<hbm>>
    %dma_wait3A_101 = tpu.memref_squeeze %dma_wait3A_100 : memref<1x40x128xi32, #tpu.memory_space<hbm>> -> memref<40x128xi32, #tpu.memory_space<hbm>>
    %dma_wait3A_102 = arith.constant 0 : i32
    %dma_wait3A_103 = arith.constant 0 : i32
    %dma_wait3A_104 = tpu.memref_slice %arg4[%add3A, %dma_wait3A_102, %dma_wait3A_103] : memref<32x80x128xi32, #tpu.memory_space<hbm>> -> memref<1x40x128xi32, #tpu.memory_space<hbm>>
    %dma_wait3A_105 = tpu.memref_squeeze %dma_wait3A_104 : memref<1x40x128xi32, #tpu.memory_space<hbm>> -> memref<40x128xi32, #tpu.memory_space<hbm>>
    tpu.wait_dma2 semaphore(%arg11 : memref<!tpu.dma_semaphore, #tpu.memory_space<semaphore_mem>>) src(%dma_wait3A_105 : memref<40x128xi32, #tpu.memory_space<hbm>>) dst(%arg7 : memref<40x128xi32, #tpu.memory_space<vmem>>)
    %barrier3A = arith.constant 0 : index
    tpu.barrier barrier_id(%barrier3A)
    %dma_start3A_106 = arith.constant 0 : i32
    %dma_start3A_107 = arith.constant 0 : i32
    %dma_start3A_108 = tpu.memref_slice %arg6[%dma_start3A_106, %dma_start3A_107] : memref<40x128xi32, #tpu.memory_space<vmem>> -> memref<1x128xi32, #tpu.memory_space<vmem>>
    %dma_start3A_109 = tpu.memref_squeeze %dma_start3A_108 : memref<1x128xi32, #tpu.memory_space<vmem>> -> memref<128xi32, #tpu.memory_space<vmem>>
    %dma_start3A_110 = arith.constant 0 : i32
    %dma_start3A_111 = arith.constant 0 : i32
    %dma_start3A_112 = tpu.memref_slice %arg2[%dma_start3A_110, %dma_start3A_111] : memref<10000x128xf32, #tpu.memory_space<hbm>> -> memref<10000x128xf32, #tpu.memory_space<hbm>>
    tpu.enqueue_indirect_dma source(%dma_start3A_112 : memref<10000x128xf32, #tpu.memory_space<hbm>>) target(%arg8 : memref<128x128xf32, #tpu.memory_space<vmem>>) offsets(%dma_start3A_109 : memref<128xi32, #tpu.memory_space<vmem>>) semaphore(%arg10 : memref<!tpu.dma_semaphore, #tpu.memory_space<semaphore_mem>>)
    %dma_wait3A_113 = arith.constant 0 : i32
    %dma_wait3A_114 = arith.constant 0 : i32
    %dma_wait3A_115 = tpu.memref_slice %arg6[%dma_wait3A_113, %dma_wait3A_114] : memref<40x128xi32, #tpu.memory_space<vmem>> -> memref<1x128xi32, #tpu.memory_space<vmem>>
    %dma_wait3A_116 = tpu.memref_squeeze %dma_wait3A_115 : memref<1x128xi32, #tpu.memory_space<vmem>> -> memref<128xi32, #tpu.memory_space<vmem>>
    %dma_wait3A_117 = arith.constant 0 : i32
    %dma_wait3A_118 = arith.constant 0 : i32
    %dma_wait3A_119 = tpu.memref_slice %arg2[%dma_wait3A_117, %dma_wait3A_118] : memref<10000x128xf32, #tpu.memory_space<hbm>> -> memref<10000x128xf32, #tpu.memory_space<hbm>>
    tpu.wait_indirect_dma semaphore(%arg10 : memref<!tpu.dma_semaphore, #tpu.memory_space<semaphore_mem>>) src(%dma_wait3A_119 : memref<10000x128xf32, #tpu.memory_space<hbm>>) dst(%arg8 : memref<128x128xf32, #tpu.memory_space<vmem>>)
    %dma_start3A_120 = arith.constant 0 : i32
    %dma_start3A_121 = arith.constant 0 : i32
    %dma_start3A_122 = tpu.memref_slice %arg7[%dma_start3A_120, %dma_start3A_121] : memref<40x128xi32, #tpu.memory_space<vmem>> -> memref<1x128xi32, #tpu.memory_space<vmem>>
    %dma_start3A_123 = tpu.memref_squeeze %dma_start3A_122 : memref<1x128xi32, #tpu.memory_space<vmem>> -> memref<128xi32, #tpu.memory_space<vmem>>
    %dma_start3A_124 = arith.constant 0 : i32
    %dma_start3A_125 = arith.constant 0 : i32
    %dma_start3A_126 = tpu.memref_slice %arg13[%dma_start3A_124, %dma_start3A_125] : memref<10240x128xf32, #tpu.memory_space<vmem_shared>> -> memref<10240x128xf32, #tpu.memory_space<vmem_shared>>
    tpu.enqueue_indirect_dma source(%arg8 : memref<128x128xf32, #tpu.memory_space<vmem>>) target(%dma_start3A_126 : memref<10240x128xf32, #tpu.memory_space<vmem_shared>>) offsets(%dma_start3A_123 : memref<128xi32, #tpu.memory_space<vmem>>) semaphore(%arg12 : memref<!tpu.dma_semaphore, #tpu.memory_space<semaphore_mem>>) {add = true}
    %dma_start3A_127 = arith.constant 1 : i32
    %dma_start3A_128 = arith.constant 0 : i32
    %dma_start3A_129 = tpu.memref_slice %arg6[%dma_start3A_127, %dma_start3A_128] : memref<40x128xi32, #tpu.memory_space<vmem>> -> memref<1x128xi32, #tpu.memory_space<vmem>>
    %dma_start3A_130 = tpu.memref_squeeze %dma_start3A_129 : memref<1x128xi32, #tpu.memory_space<vmem>> -> memref<128xi32, #tpu.memory_space<vmem>>
    %dma_start3A_131 = arith.constant 0 : i32
    %dma_start3A_132 = arith.constant 0 : i32
    %dma_start3A_133 = tpu.memref_slice %arg2[%dma_start3A_131, %dma_start3A_132] : memref<10000x128xf32, #tpu.memory_space<hbm>> -> memref<10000x128xf32, #tpu.memory_space<hbm>>
    tpu.enqueue_indirect_dma source(%dma_start3A_133 : memref<10000x128xf32, #tpu.memory_space<hbm>>) target(%arg9 : memref<128x128xf32, #tpu.memory_space<vmem>>) offsets(%dma_start3A_130 : memref<128xi32, #tpu.memory_space<vmem>>) semaphore(%arg11 : memref<!tpu.dma_semaphore, #tpu.memory_space<semaphore_mem>>)
    %scan3A_134 = arith.constant 0 : i32
    %scan3A_135 = arith.constant 0 : i32
    %scan3A_136 = arith.constant 39 : i32
    %scan3A_137 = arith.addi %scan3A_135, %scan3A_136 : i32
    %scan3A_138 = arith.constant 1 : i32
    scf.for %scan3A_319 = %scan3A_135 to %scan3A_137 step %scan3A_138  : i32 {
      %mul3A_320 = arith.constant 2 : i32
      %mul3A_321 = arith.muli %mul3A_320, %scan3A_319 : i32
      %add3A_322 = arith.constant 1 : i32
      %add3A_323 = arith.addi %mul3A_321, %add3A_322 : i32
      %add3A_324 = arith.constant 0 : i32
      %add3A_325 = arith.addi %add3A_323, %add3A_324 : i32
      %dma_wait3A_326 = arith.constant 0 : i32
      %dma_wait3A_327 = arith.constant 0 : i32
      %dma_wait3A_328 = tpu.memref_slice %arg6[%dma_wait3A_326, %dma_wait3A_327] : memref<40x128xi32, #tpu.memory_space<vmem>> -> memref<1x128xi32, #tpu.memory_space<vmem>>
      %dma_wait3A_329 = tpu.memref_squeeze %dma_wait3A_328 : memref<1x128xi32, #tpu.memory_space<vmem>> -> memref<128xi32, #tpu.memory_space<vmem>>
      %dma_wait3A_330 = arith.constant 0 : i32
      %dma_wait3A_331 = arith.constant 0 : i32
      %dma_wait3A_332 = tpu.memref_slice %arg2[%dma_wait3A_330, %dma_wait3A_331] : memref<10000x128xf32, #tpu.memory_space<hbm>> -> memref<10000x128xf32, #tpu.memory_space<hbm>>
      tpu.wait_indirect_dma semaphore(%arg11 : memref<!tpu.dma_semaphore, #tpu.memory_space<semaphore_mem>>) src(%dma_wait3A_332 : memref<10000x128xf32, #tpu.memory_space<hbm>>) dst(%arg9 : memref<128x128xf32, #tpu.memory_space<vmem>>)
      %dma_wait3A_333 = arith.constant 0 : i32
      %dma_wait3A_334 = arith.constant 0 : i32
      %dma_wait3A_335 = tpu.memref_slice %arg7[%dma_wait3A_333, %dma_wait3A_334] : memref<40x128xi32, #tpu.memory_space<vmem>> -> memref<1x128xi32, #tpu.memory_space<vmem>>
      %dma_wait3A_336 = tpu.memref_squeeze %dma_wait3A_335 : memref<1x128xi32, #tpu.memory_space<vmem>> -> memref<128xi32, #tpu.memory_space<vmem>>
      %dma_wait3A_337 = arith.constant 0 : i32
      %dma_wait3A_338 = arith.constant 0 : i32
      %dma_wait3A_339 = tpu.memref_slice %arg13[%dma_wait3A_337, %dma_wait3A_338] : memref<10240x128xf32, #tpu.memory_space<vmem_shared>> -> memref<10240x128xf32, #tpu.memory_space<vmem_shared>>
      tpu.wait_indirect_dma semaphore(%arg12 : memref<!tpu.dma_semaphore, #tpu.memory_space<semaphore_mem>>) src(%arg8 : memref<128x128xf32, #tpu.memory_space<vmem>>) dst(%dma_wait3A_339 : memref<10240x128xf32, #tpu.memory_space<vmem_shared>>)
      %eq3A = arith.constant 39 : i32
      %eq3A_340 = arith.cmpi eq, %add3A_325, %eq3A : i32
      %convert_element_type3A = arith.extui %eq3A_340 : i1 to i32
      %cond3A = arith.constant 0 : i32
      %cond3A_341 = arith.cmpi ne, %convert_element_type3A, %cond3A : i32
      scf.if %cond3A_341 {
        "tpu.region"() ({
          %run_scoped3A = tpu.sem_alloc : memref<!tpu.dma_semaphore, #tpu.memory_space<semaphore_mem>>
          %dma_start3A_495 = arith.constant 40 : i32
          %dma_start3A_496 = arith.constant 0 : i32
          %dma_start3A_497 = tpu.memref_slice %arg3[%add3A, %dma_start3A_495, %dma_start3A_496] : memref<32x80x128xi32, #tpu.memory_space<hbm>> -> memref<1x40x128xi32, #tpu.memory_space<hbm>>
          %dma_start3A_498 = tpu.memref_squeeze %dma_start3A_497 : memref<1x40x128xi32, #tpu.memory_space<hbm>> -> memref<40x128xi32, #tpu.memory_space<hbm>>
          %dma_start3A_499 = arith.constant 40 : i32
          %dma_start3A_500 = arith.constant 0 : i32
          %dma_start3A_501 = tpu.memref_slice %arg3[%add3A, %dma_start3A_499, %dma_start3A_500] : memref<32x80x128xi32, #tpu.memory_space<hbm>> -> memref<1x40x128xi32, #tpu.memory_space<hbm>>
          %dma_start3A_502 = tpu.memref_squeeze %dma_start3A_501 : memref<1x40x128xi32, #tpu.memory_space<hbm>> -> memref<40x128xi32, #tpu.memory_space<hbm>>
          tpu.enqueue_dma source(%dma_start3A_502 : memref<40x128xi32, #tpu.memory_space<hbm>>) target(%arg6 : memref<40x128xi32, #tpu.memory_space<vmem>>) target_semaphore(%run_scoped3A : memref<!tpu.dma_semaphore, #tpu.memory_space<semaphore_mem>>)
          %dma_wait3A_503 = arith.constant 40 : i32
          %dma_wait3A_504 = arith.constant 0 : i32
          %dma_wait3A_505 = tpu.memref_slice %arg3[%add3A, %dma_wait3A_503, %dma_wait3A_504] : memref<32x80x128xi32, #tpu.memory_space<hbm>> -> memref<1x40x128xi32, #tpu.memory_space<hbm>>
          %dma_wait3A_506 = tpu.memref_squeeze %dma_wait3A_505 : memref<1x40x128xi32, #tpu.memory_space<hbm>> -> memref<40x128xi32, #tpu.memory_space<hbm>>
          %dma_wait3A_507 = arith.constant 40 : i32
          %dma_wait3A_508 = arith.constant 0 : i32
          %dma_wait3A_509 = tpu.memref_slice %arg3[%add3A, %dma_wait3A_507, %dma_wait3A_508] : memref<32x80x128xi32, #tpu.memory_space<hbm>> -> memref<1x40x128xi32, #tpu.memory_space<hbm>>
          %dma_wait3A_510 = tpu.memref_squeeze %dma_wait3A_509 : memref<1x40x128xi32, #tpu.memory_space<hbm>> -> memref<40x128xi32, #tpu.memory_space<hbm>>
          tpu.wait_dma2 semaphore(%run_scoped3A : memref<!tpu.dma_semaphore, #tpu.memory_space<semaphore_mem>>) src(%dma_wait3A_510 : memref<40x128xi32, #tpu.memory_space<hbm>>) dst(%arg6 : memref<40x128xi32, #tpu.memory_space<vmem>>)
          tpu.yield
        }) : () -> ()
      } else {
      }
      %jit3A = arith.constant 40 : i32
      %div3A = arith.divsi %add3A_325, %jit3A : i32
      %sign3A = arith.constant 0 : i32
      %sign3A_342 = arith.cmpi sgt, %add3A_325, %sign3A : i32
      %sign3A_343 = arith.extui %sign3A_342 : i1 to i32
      %sign3A_344 = arith.constant 0 : i32
      %sign3A_345 = arith.cmpi slt, %add3A_325, %sign3A_344 : i32
      %sign3A_346 = arith.extui %sign3A_345 : i1 to i32
      %sign3A_347 = arith.subi %sign3A_343, %sign3A_346 : i32
      %sign3A_348 = arith.constant 0 : i32
      %sign3A_349 = arith.cmpi sgt, %jit3A, %sign3A_348 : i32
      %sign3A_350 = arith.extui %sign3A_349 : i1 to i32
      %sign3A_351 = arith.constant 0 : i32
      %sign3A_352 = arith.cmpi slt, %jit3A, %sign3A_351 : i32
      %sign3A_353 = arith.extui %sign3A_352 : i1 to i32
      %sign3A_354 = arith.subi %sign3A_350, %sign3A_353 : i32
      %ne3A = arith.cmpi ne, %sign3A_347, %sign3A_354 : i32
      %rem3A = arith.remsi %add3A_325, %jit3A : i32
      %ne3A_355 = arith.constant 0 : i32
      %ne3A_356 = arith.cmpi ne, %rem3A, %ne3A_355 : i32
      %and3A = arith.andi %ne3A, %ne3A_356 : i1
      %sub3A = arith.constant 1 : i32
      %sub3A_357 = arith.subi %div3A, %sub3A : i32
      %select_n3A = arith.select %and3A, %sub3A_357, %div3A : i32
      %mul3A_358 = arith.constant 40 : i32
      %mul3A_359 = arith.muli %mul3A_358, %select_n3A : i32
      %sub3A_360 = arith.subi %add3A_325, %mul3A_359 : i32
      %dma_start3A_361 = arith.constant 0 : i32
      %dma_start3A_362 = tpu.memref_slice %arg7[%sub3A_360, %dma_start3A_361] : memref<40x128xi32, #tpu.memory_space<vmem>> -> memref<1x128xi32, #tpu.memory_space<vmem>>
      %dma_start3A_363 = tpu.memref_squeeze %dma_start3A_362 : memref<1x128xi32, #tpu.memory_space<vmem>> -> memref<128xi32, #tpu.memory_space<vmem>>
      %dma_start3A_364 = arith.constant 0 : i32
      %dma_start3A_365 = arith.constant 0 : i32
      %dma_start3A_366 = tpu.memref_slice %arg13[%dma_start3A_364, %dma_start3A_365] : memref<10240x128xf32, #tpu.memory_space<vmem_shared>> -> memref<10240x128xf32, #tpu.memory_space<vmem_shared>>
      tpu.enqueue_indirect_dma source(%arg9 : memref<128x128xf32, #tpu.memory_space<vmem>>) target(%dma_start3A_366 : memref<10240x128xf32, #tpu.memory_space<vmem_shared>>) offsets(%dma_start3A_363 : memref<128xi32, #tpu.memory_space<vmem>>) semaphore(%arg12 : memref<!tpu.dma_semaphore, #tpu.memory_space<semaphore_mem>>) {add = true}
      %add3A_367 = arith.constant 1 : i32
      %add3A_368 = arith.addi %add3A_325, %add3A_367 : i32
      %jit3A_369 = arith.constant 40 : i32
      %div3A_370 = arith.divsi %add3A_368, %jit3A_369 : i32
      %sign3A_371 = arith.constant 0 : i32
      %sign3A_372 = arith.cmpi sgt, %add3A_368, %sign3A_371 : i32
      %sign3A_373 = arith.extui %sign3A_372 : i1 to i32
      %sign3A_374 = arith.constant 0 : i32
      %sign3A_375 = arith.cmpi slt, %add3A_368, %sign3A_374 : i32
      %sign3A_376 = arith.extui %sign3A_375 : i1 to i32
      %sign3A_377 = arith.subi %sign3A_373, %sign3A_376 : i32
      %sign3A_378 = arith.constant 0 : i32
      %sign3A_379 = arith.cmpi sgt, %jit3A_369, %sign3A_378 : i32
      %sign3A_380 = arith.extui %sign3A_379 : i1 to i32
      %sign3A_381 = arith.constant 0 : i32
      %sign3A_382 = arith.cmpi slt, %jit3A_369, %sign3A_381 : i32
      %sign3A_383 = arith.extui %sign3A_382 : i1 to i32
      %sign3A_384 = arith.subi %sign3A_380, %sign3A_383 : i32
      %ne3A_385 = arith.cmpi ne, %sign3A_377, %sign3A_384 : i32
      %rem3A_386 = arith.remsi %add3A_368, %jit3A_369 : i32
      %ne3A_387 = arith.constant 0 : i32
      %ne3A_388 = arith.cmpi ne, %rem3A_386, %ne3A_387 : i32
      %and3A_389 = arith.andi %ne3A_385, %ne3A_388 : i1
      %sub3A_390 = arith.constant 1 : i32
      %sub3A_391 = arith.subi %div3A_370, %sub3A_390 : i32
      %select_n3A_392 = arith.select %and3A_389, %sub3A_391, %div3A_370 : i32
      %mul3A_393 = arith.constant 40 : i32
      %mul3A_394 = arith.muli %mul3A_393, %select_n3A_392 : i32
      %sub3A_395 = arith.subi %add3A_368, %mul3A_394 : i32
      %dma_start3A_396 = arith.constant 0 : i32
      %dma_start3A_397 = tpu.memref_slice %arg6[%sub3A_395, %dma_start3A_396] : memref<40x128xi32, #tpu.memory_space<vmem>> -> memref<1x128xi32, #tpu.memory_space<vmem>>
      %dma_start3A_398 = tpu.memref_squeeze %dma_start3A_397 : memref<1x128xi32, #tpu.memory_space<vmem>> -> memref<128xi32, #tpu.memory_space<vmem>>
      %dma_start3A_399 = arith.constant 0 : i32
      %dma_start3A_400 = arith.constant 0 : i32
      %dma_start3A_401 = tpu.memref_slice %arg2[%dma_start3A_399, %dma_start3A_400] : memref<10000x128xf32, #tpu.memory_space<hbm>> -> memref<10000x128xf32, #tpu.memory_space<hbm>>
      tpu.enqueue_indirect_dma source(%dma_start3A_401 : memref<10000x128xf32, #tpu.memory_space<hbm>>) target(%arg8 : memref<128x128xf32, #tpu.memory_space<vmem>>) offsets(%dma_start3A_398 : memref<128xi32, #tpu.memory_space<vmem>>) semaphore(%arg10 : memref<!tpu.dma_semaphore, #tpu.memory_space<semaphore_mem>>)
      %mul3A_402 = arith.constant 2 : i32
      %mul3A_403 = arith.muli %mul3A_402, %scan3A_319 : i32
      %add3A_404 = arith.constant 1 : i32
      %add3A_405 = arith.addi %mul3A_403, %add3A_404 : i32
      %add3A_406 = arith.constant 1 : i32
      %add3A_407 = arith.addi %add3A_405, %add3A_406 : i32
      %dma_wait3A_408 = arith.constant 0 : i32
      %dma_wait3A_409 = arith.constant 0 : i32
      %dma_wait3A_410 = tpu.memref_slice %arg6[%dma_wait3A_408, %dma_wait3A_409] : memref<40x128xi32, #tpu.memory_space<vmem>> -> memref<1x128xi32, #tpu.memory_space<vmem>>
      %dma_wait3A_411 = tpu.memref_squeeze %dma_wait3A_410 : memref<1x128xi32, #tpu.memory_space<vmem>> -> memref<128xi32, #tpu.memory_space<vmem>>
      %dma_wait3A_412 = arith.constant 0 : i32
      %dma_wait3A_413 = arith.constant 0 : i32
      %dma_wait3A_414 = tpu.memref_slice %arg2[%dma_wait3A_412, %dma_wait3A_413] : memref<10000x128xf32, #tpu.memory_space<hbm>> -> memref<10000x128xf32, #tpu.memory_space<hbm>>
      tpu.wait_indirect_dma semaphore(%arg10 : memref<!tpu.dma_semaphore, #tpu.memory_space<semaphore_mem>>) src(%dma_wait3A_414 : memref<10000x128xf32, #tpu.memory_space<hbm>>) dst(%arg8 : memref<128x128xf32, #tpu.memory_space<vmem>>)
      %dma_wait3A_415 = arith.constant 0 : i32
      %dma_wait3A_416 = arith.constant 0 : i32
      %dma_wait3A_417 = tpu.memref_slice %arg7[%dma_wait3A_415, %dma_wait3A_416] : memref<40x128xi32, #tpu.memory_space<vmem>> -> memref<1x128xi32, #tpu.memory_space<vmem>>
      %dma_wait3A_418 = tpu.memref_squeeze %dma_wait3A_417 : memref<1x128xi32, #tpu.memory_space<vmem>> -> memref<128xi32, #tpu.memory_space<vmem>>
      %dma_wait3A_419 = arith.constant 0 : i32
      %dma_wait3A_420 = arith.constant 0 : i32
      %dma_wait3A_421 = tpu.memref_slice %arg13[%dma_wait3A_419, %dma_wait3A_420] : memref<10240x128xf32, #tpu.memory_space<vmem_shared>> -> memref<10240x128xf32, #tpu.memory_space<vmem_shared>>
      tpu.wait_indirect_dma semaphore(%arg12 : memref<!tpu.dma_semaphore, #tpu.memory_space<semaphore_mem>>) src(%arg8 : memref<128x128xf32, #tpu.memory_space<vmem>>) dst(%dma_wait3A_421 : memref<10240x128xf32, #tpu.memory_space<vmem_shared>>)
      %eq3A_422 = arith.constant 40 : i32
      %eq3A_423 = arith.cmpi eq, %add3A_407, %eq3A_422 : i32
      %convert_element_type3A_424 = arith.extui %eq3A_423 : i1 to i32
      %cond3A_425 = arith.constant 0 : i32
      %cond3A_426 = arith.cmpi ne, %convert_element_type3A_424, %cond3A_425 : i32
      scf.if %cond3A_426 {
        "tpu.region"() ({
          %run_scoped3A = tpu.sem_alloc : memref<!tpu.dma_semaphore, #tpu.memory_space<semaphore_mem>>
          %dma_start3A_495 = arith.constant 40 : i32
          %dma_start3A_496 = arith.constant 0 : i32
          %dma_start3A_497 = tpu.memref_slice %arg4[%add3A, %dma_start3A_495, %dma_start3A_496] : memref<32x80x128xi32, #tpu.memory_space<hbm>> -> memref<1x40x128xi32, #tpu.memory_space<hbm>>
          %dma_start3A_498 = tpu.memref_squeeze %dma_start3A_497 : memref<1x40x128xi32, #tpu.memory_space<hbm>> -> memref<40x128xi32, #tpu.memory_space<hbm>>
          %dma_start3A_499 = arith.constant 40 : i32
          %dma_start3A_500 = arith.constant 0 : i32
          %dma_start3A_501 = tpu.memref_slice %arg4[%add3A, %dma_start3A_499, %dma_start3A_500] : memref<32x80x128xi32, #tpu.memory_space<hbm>> -> memref<1x40x128xi32, #tpu.memory_space<hbm>>
          %dma_start3A_502 = tpu.memref_squeeze %dma_start3A_501 : memref<1x40x128xi32, #tpu.memory_space<hbm>> -> memref<40x128xi32, #tpu.memory_space<hbm>>
          tpu.enqueue_dma source(%dma_start3A_502 : memref<40x128xi32, #tpu.memory_space<hbm>>) target(%arg7 : memref<40x128xi32, #tpu.memory_space<vmem>>) target_semaphore(%run_scoped3A : memref<!tpu.dma_semaphore, #tpu.memory_space<semaphore_mem>>)
          %dma_wait3A_503 = arith.constant 40 : i32
          %dma_wait3A_504 = arith.constant 0 : i32
          %dma_wait3A_505 = tpu.memref_slice %arg4[%add3A, %dma_wait3A_503, %dma_wait3A_504] : memref<32x80x128xi32, #tpu.memory_space<hbm>> -> memref<1x40x128xi32, #tpu.memory_space<hbm>>
          %dma_wait3A_506 = tpu.memref_squeeze %dma_wait3A_505 : memref<1x40x128xi32, #tpu.memory_space<hbm>> -> memref<40x128xi32, #tpu.memory_space<hbm>>
          %dma_wait3A_507 = arith.constant 40 : i32
          %dma_wait3A_508 = arith.constant 0 : i32
          %dma_wait3A_509 = tpu.memref_slice %arg4[%add3A, %dma_wait3A_507, %dma_wait3A_508] : memref<32x80x128xi32, #tpu.memory_space<hbm>> -> memref<1x40x128xi32, #tpu.memory_space<hbm>>
          %dma_wait3A_510 = tpu.memref_squeeze %dma_wait3A_509 : memref<1x40x128xi32, #tpu.memory_space<hbm>> -> memref<40x128xi32, #tpu.memory_space<hbm>>
          tpu.wait_dma2 semaphore(%run_scoped3A : memref<!tpu.dma_semaphore, #tpu.memory_space<semaphore_mem>>) src(%dma_wait3A_510 : memref<40x128xi32, #tpu.memory_space<hbm>>) dst(%arg7 : memref<40x128xi32, #tpu.memory_space<vmem>>)
          tpu.yield
        }) : () -> ()
      } else {
      }
      %jit3A_427 = arith.constant 40 : i32
      %div3A_428 = arith.divsi %add3A_407, %jit3A_427 : i32
      %sign3A_429 = arith.constant 0 : i32
      %sign3A_430 = arith.cmpi sgt, %add3A_407, %sign3A_429 : i32
      %sign3A_431 = arith.extui %sign3A_430 : i1 to i32
      %sign3A_432 = arith.constant 0 : i32
      %sign3A_433 = arith.cmpi slt, %add3A_407, %sign3A_432 : i32
      %sign3A_434 = arith.extui %sign3A_433 : i1 to i32
      %sign3A_435 = arith.subi %sign3A_431, %sign3A_434 : i32
      %sign3A_436 = arith.constant 0 : i32
      %sign3A_437 = arith.cmpi sgt, %jit3A_427, %sign3A_436 : i32
      %sign3A_438 = arith.extui %sign3A_437 : i1 to i32
      %sign3A_439 = arith.constant 0 : i32
      %sign3A_440 = arith.cmpi slt, %jit3A_427, %sign3A_439 : i32
      %sign3A_441 = arith.extui %sign3A_440 : i1 to i32
      %sign3A_442 = arith.subi %sign3A_438, %sign3A_441 : i32
      %ne3A_443 = arith.cmpi ne, %sign3A_435, %sign3A_442 : i32
      %rem3A_444 = arith.remsi %add3A_407, %jit3A_427 : i32
      %ne3A_445 = arith.constant 0 : i32
      %ne3A_446 = arith.cmpi ne, %rem3A_444, %ne3A_445 : i32
      %and3A_447 = arith.andi %ne3A_443, %ne3A_446 : i1
      %sub3A_448 = arith.constant 1 : i32
      %sub3A_449 = arith.subi %div3A_428, %sub3A_448 : i32
      %select_n3A_450 = arith.select %and3A_447, %sub3A_449, %div3A_428 : i32
      %mul3A_451 = arith.constant 40 : i32
      %mul3A_452 = arith.muli %mul3A_451, %select_n3A_450 : i32
      %sub3A_453 = arith.subi %add3A_407, %mul3A_452 : i32
      %dma_start3A_454 = arith.constant 0 : i32
      %dma_start3A_455 = tpu.memref_slice %arg7[%sub3A_453, %dma_start3A_454] : memref<40x128xi32, #tpu.memory_space<vmem>> -> memref<1x128xi32, #tpu.memory_space<vmem>>
      %dma_start3A_456 = tpu.memref_squeeze %dma_start3A_455 : memref<1x128xi32, #tpu.memory_space<vmem>> -> memref<128xi32, #tpu.memory_space<vmem>>
      %dma_start3A_457 = arith.constant 0 : i32
      %dma_start3A_458 = arith.constant 0 : i32
      %dma_start3A_459 = tpu.memref_slice %arg13[%dma_start3A_457, %dma_start3A_458] : memref<10240x128xf32, #tpu.memory_space<vmem_shared>> -> memref<10240x128xf32, #tpu.memory_space<vmem_shared>>
      tpu.enqueue_indirect_dma source(%arg8 : memref<128x128xf32, #tpu.memory_space<vmem>>) target(%dma_start3A_459 : memref<10240x128xf32, #tpu.memory_space<vmem_shared>>) offsets(%dma_start3A_456 : memref<128xi32, #tpu.memory_space<vmem>>) semaphore(%arg12 : memref<!tpu.dma_semaphore, #tpu.memory_space<semaphore_mem>>) {add = true}
      %add3A_460 = arith.constant 1 : i32
      %add3A_461 = arith.addi %add3A_407, %add3A_460 : i32
      %jit3A_462 = arith.constant 40 : i32
      %div3A_463 = arith.divsi %add3A_461, %jit3A_462 : i32
      %sign3A_464 = arith.constant 0 : i32
      %sign3A_465 = arith.cmpi sgt, %add3A_461, %sign3A_464 : i32
      %sign3A_466 = arith.extui %sign3A_465 : i1 to i32
      %sign3A_467 = arith.constant 0 : i32
      %sign3A_468 = arith.cmpi slt, %add3A_461, %sign3A_467 : i32
      %sign3A_469 = arith.extui %sign3A_468 : i1 to i32
      %sign3A_470 = arith.subi %sign3A_466, %sign3A_469 : i32
      %sign3A_471 = arith.constant 0 : i32
      %sign3A_472 = arith.cmpi sgt, %jit3A_462, %sign3A_471 : i32
      %sign3A_473 = arith.extui %sign3A_472 : i1 to i32
      %sign3A_474 = arith.constant 0 : i32
      %sign3A_475 = arith.cmpi slt, %jit3A_462, %sign3A_474 : i32
      %sign3A_476 = arith.extui %sign3A_475 : i1 to i32
      %sign3A_477 = arith.subi %sign3A_473, %sign3A_476 : i32
      %ne3A_478 = arith.cmpi ne, %sign3A_470, %sign3A_477 : i32
      %rem3A_479 = arith.remsi %add3A_461, %jit3A_462 : i32
      %ne3A_480 = arith.constant 0 : i32
      %ne3A_481 = arith.cmpi ne, %rem3A_479, %ne3A_480 : i32
      %and3A_482 = arith.andi %ne3A_478, %ne3A_481 : i1
      %sub3A_483 = arith.constant 1 : i32
      %sub3A_484 = arith.subi %div3A_463, %sub3A_483 : i32
      %select_n3A_485 = arith.select %and3A_482, %sub3A_484, %div3A_463 : i32
      %mul3A_486 = arith.constant 40 : i32
      %mul3A_487 = arith.muli %mul3A_486, %select_n3A_485 : i32
      %sub3A_488 = arith.subi %add3A_461, %mul3A_487 : i32
      %dma_start3A_489 = arith.constant 0 : i32
      %dma_start3A_490 = tpu.memref_slice %arg6[%sub3A_488, %dma_start3A_489] : memref<40x128xi32, #tpu.memory_space<vmem>> -> memref<1x128xi32, #tpu.memory_space<vmem>>
      %dma_start3A_491 = tpu.memref_squeeze %dma_start3A_490 : memref<1x128xi32, #tpu.memory_space<vmem>> -> memref<128xi32, #tpu.memory_space<vmem>>
      %dma_start3A_492 = arith.constant 0 : i32
      %dma_start3A_493 = arith.constant 0 : i32
      %dma_start3A_494 = tpu.memref_slice %arg2[%dma_start3A_492, %dma_start3A_493] : memref<10000x128xf32, #tpu.memory_space<hbm>> -> memref<10000x128xf32, #tpu.memory_space<hbm>>
      tpu.enqueue_indirect_dma source(%dma_start3A_494 : memref<10000x128xf32, #tpu.memory_space<hbm>>) target(%arg9 : memref<128x128xf32, #tpu.memory_space<vmem>>) offsets(%dma_start3A_491 : memref<128xi32, #tpu.memory_space<vmem>>) semaphore(%arg11 : memref<!tpu.dma_semaphore, #tpu.memory_space<semaphore_mem>>)
    }
    %scan3A_139 = arith.constant 39 : i32
    %dma_wait3A_140 = arith.constant 0 : i32
    %dma_wait3A_141 = arith.constant 0 : i32
    %dma_wait3A_142 = tpu.memref_slice %arg6[%dma_wait3A_140, %dma_wait3A_141] : memref<40x128xi32, #tpu.memory_space<vmem>> -> memref<1x128xi32, #tpu.memory_space<vmem>>
    %dma_wait3A_143 = tpu.memref_squeeze %dma_wait3A_142 : memref<1x128xi32, #tpu.memory_space<vmem>> -> memref<128xi32, #tpu.memory_space<vmem>>
    %dma_wait3A_144 = arith.constant 0 : i32
    %dma_wait3A_145 = arith.constant 0 : i32
    %dma_wait3A_146 = tpu.memref_slice %arg2[%dma_wait3A_144, %dma_wait3A_145] : memref<10000x128xf32, #tpu.memory_space<hbm>> -> memref<10000x128xf32, #tpu.memory_space<hbm>>
    tpu.wait_indirect_dma semaphore(%arg11 : memref<!tpu.dma_semaphore, #tpu.memory_space<semaphore_mem>>) src(%dma_wait3A_146 : memref<10000x128xf32, #tpu.memory_space<hbm>>) dst(%arg9 : memref<128x128xf32, #tpu.memory_space<vmem>>)
    %dma_wait3A_147 = arith.constant 0 : i32
    %dma_wait3A_148 = arith.constant 0 : i32
    %dma_wait3A_149 = tpu.memref_slice %arg7[%dma_wait3A_147, %dma_wait3A_148] : memref<40x128xi32, #tpu.memory_space<vmem>> -> memref<1x128xi32, #tpu.memory_space<vmem>>
    %dma_wait3A_150 = tpu.memref_squeeze %dma_wait3A_149 : memref<1x128xi32, #tpu.memory_space<vmem>> -> memref<128xi32, #tpu.memory_space<vmem>>
    %dma_wait3A_151 = arith.constant 0 : i32
    %dma_wait3A_152 = arith.constant 0 : i32
    %dma_wait3A_153 = tpu.memref_slice %arg13[%dma_wait3A_151, %dma_wait3A_152] : memref<10240x128xf32, #tpu.memory_space<vmem_shared>> -> memref<10240x128xf32, #tpu.memory_space<vmem_shared>>
    tpu.wait_indirect_dma semaphore(%arg12 : memref<!tpu.dma_semaphore, #tpu.memory_space<semaphore_mem>>) src(%arg8 : memref<128x128xf32, #tpu.memory_space<vmem>>) dst(%dma_wait3A_153 : memref<10240x128xf32, #tpu.memory_space<vmem_shared>>)
    %dma_start3A_154 = arith.constant 39 : i32
    %dma_start3A_155 = arith.constant 0 : i32
    %dma_start3A_156 = tpu.memref_slice %arg7[%dma_start3A_154, %dma_start3A_155] : memref<40x128xi32, #tpu.memory_space<vmem>> -> memref<1x128xi32, #tpu.memory_space<vmem>>
    %dma_start3A_157 = tpu.memref_squeeze %dma_start3A_156 : memref<1x128xi32, #tpu.memory_space<vmem>> -> memref<128xi32, #tpu.memory_space<vmem>>
    %dma_start3A_158 = arith.constant 0 : i32
    %dma_start3A_159 = arith.constant 0 : i32
    %dma_start3A_160 = tpu.memref_slice %arg13[%dma_start3A_158, %dma_start3A_159] : memref<10240x128xf32, #tpu.memory_space<vmem_shared>> -> memref<10240x128xf32, #tpu.memory_space<vmem_shared>>
    tpu.enqueue_indirect_dma source(%arg9 : memref<128x128xf32, #tpu.memory_space<vmem>>) target(%dma_start3A_160 : memref<10240x128xf32, #tpu.memory_space<vmem_shared>>) offsets(%dma_start3A_157 : memref<128xi32, #tpu.memory_space<vmem>>) semaphore(%arg12 : memref<!tpu.dma_semaphore, #tpu.memory_space<semaphore_mem>>) {add = true}
    %dma_wait3A_161 = arith.constant 0 : i32
    %dma_wait3A_162 = arith.constant 0 : i32
    %dma_wait3A_163 = tpu.memref_slice %arg7[%dma_wait3A_161, %dma_wait3A_162] : memref<40x128xi32, #tpu.memory_space<vmem>> -> memref<1x128xi32, #tpu.memory_space<vmem>>
    %dma_wait3A_164 = tpu.memref_squeeze %dma_wait3A_163 : memref<1x128xi32, #tpu.memory_space<vmem>> -> memref<128xi32, #tpu.memory_space<vmem>>
    %dma_wait3A_165 = arith.constant 0 : i32
    %dma_wait3A_166 = arith.constant 0 : i32
    %dma_wait3A_167 = tpu.memref_slice %arg13[%dma_wait3A_165, %dma_wait3A_166] : memref<10240x128xf32, #tpu.memory_space<vmem_shared>> -> memref<10240x128xf32, #tpu.memory_space<vmem_shared>>
    tpu.wait_indirect_dma semaphore(%arg12 : memref<!tpu.dma_semaphore, #tpu.memory_space<semaphore_mem>>) src(%arg8 : memref<128x128xf32, #tpu.memory_space<vmem>>) dst(%dma_wait3A_167 : memref<10240x128xf32, #tpu.memory_space<vmem_shared>>)
    %barrier3A_168 = arith.constant 0 : index
    tpu.barrier barrier_id(%barrier3A_168)
    %mul3A_169 = arith.constant 625 : i32
    %mul3A_170 = arith.muli %arg1, %mul3A_169 : i32
    %add3A_171 = arith.constant 0 : i32
    %add3A_172 = arith.addi %mul3A_170, %add3A_171 : i32
    "tpu.region"() ({
      %run_scoped3A = tpu.sem_alloc : memref<!tpu.dma_semaphore, #tpu.memory_space<semaphore_mem>>
      %dma_start3A_319 = arith.constant 0 : i32
      %dma_start3A_320 = arith.constant 0 : i32
      %dma_start3A_321 = tpu.memref_slice %arg8[%dma_start3A_319, %dma_start3A_320] : memref<128x128xf32, #tpu.memory_space<vmem>> -> memref<125x128xf32, #tpu.memory_space<vmem>>
      %dma_start3A_322 = arith.constant 0 : i32
      %dma_start3A_323 = tpu.memref_slice %arg13[%add3A_172, %dma_start3A_322] : memref<10240x128xf32, #tpu.memory_space<vmem_shared>> -> memref<125x128xf32, #tpu.memory_space<vmem_shared>>
      %dma_start3A_324 = arith.constant 0 : i32
      %dma_start3A_325 = arith.constant 0 : i32
      %dma_start3A_326 = tpu.memref_slice %arg8[%dma_start3A_324, %dma_start3A_325] : memref<128x128xf32, #tpu.memory_space<vmem>> -> memref<125x128xf32, #tpu.memory_space<vmem>>
      %dma_start3A_327 = arith.constant 0 : i32
      %dma_start3A_328 = tpu.memref_slice %arg13[%add3A_172, %dma_start3A_327] : memref<10240x128xf32, #tpu.memory_space<vmem_shared>> -> memref<125x128xf32, #tpu.memory_space<vmem_shared>>
      tpu.enqueue_dma source(%dma_start3A_328 : memref<125x128xf32, #tpu.memory_space<vmem_shared>>) target(%dma_start3A_326 : memref<125x128xf32, #tpu.memory_space<vmem>>) target_semaphore(%run_scoped3A : memref<!tpu.dma_semaphore, #tpu.memory_space<semaphore_mem>>)
      %dma_wait3A_329 = arith.constant 0 : i32
      %dma_wait3A_330 = arith.constant 0 : i32
      %dma_wait3A_331 = tpu.memref_slice %arg8[%dma_wait3A_329, %dma_wait3A_330] : memref<128x128xf32, #tpu.memory_space<vmem>> -> memref<125x128xf32, #tpu.memory_space<vmem>>
      %dma_wait3A_332 = arith.constant 0 : i32
      %dma_wait3A_333 = tpu.memref_slice %arg13[%add3A_172, %dma_wait3A_332] : memref<10240x128xf32, #tpu.memory_space<vmem_shared>> -> memref<125x128xf32, #tpu.memory_space<vmem_shared>>
      %dma_wait3A_334 = arith.constant 0 : i32
      %dma_wait3A_335 = arith.constant 0 : i32
      %dma_wait3A_336 = tpu.memref_slice %arg8[%dma_wait3A_334, %dma_wait3A_335] : memref<128x128xf32, #tpu.memory_space<vmem>> -> memref<125x128xf32, #tpu.memory_space<vmem>>
      %dma_wait3A_337 = arith.constant 0 : i32
      %dma_wait3A_338 = tpu.memref_slice %arg13[%add3A_172, %dma_wait3A_337] : memref<10240x128xf32, #tpu.memory_space<vmem_shared>> -> memref<125x128xf32, #tpu.memory_space<vmem_shared>>
      tpu.wait_dma2 semaphore(%run_scoped3A : memref<!tpu.dma_semaphore, #tpu.memory_space<semaphore_mem>>) src(%dma_wait3A_338 : memref<125x128xf32, #tpu.memory_space<vmem_shared>>) dst(%dma_wait3A_336 : memref<125x128xf32, #tpu.memory_space<vmem>>)
      tpu.yield
    }) : () -> ()
    %dma_start3A_173 = arith.constant 0 : i32
    %dma_start3A_174 = arith.constant 0 : i32
    %dma_start3A_175 = tpu.memref_slice %arg8[%dma_start3A_173, %dma_start3A_174] : memref<128x128xf32, #tpu.memory_space<vmem>> -> memref<125x128xf32, #tpu.memory_space<vmem>>
    %dma_start3A_176 = arith.constant 0 : i32
    %dma_start3A_177 = tpu.memref_slice %arg5[%arg0, %add3A_172, %dma_start3A_176] : memref<2x10000x128xf32, #tpu.memory_space<hbm>> -> memref<1x125x128xf32, #tpu.memory_space<hbm>>
    %dma_start3A_178 = tpu.memref_squeeze %dma_start3A_177 : memref<1x125x128xf32, #tpu.memory_space<hbm>> -> memref<125x128xf32, #tpu.memory_space<hbm>>
    %dma_start3A_179 = arith.constant 0 : i32
    %dma_start3A_180 = tpu.memref_slice %arg5[%arg0, %add3A_172, %dma_start3A_179] : memref<2x10000x128xf32, #tpu.memory_space<hbm>> -> memref<1x125x128xf32, #tpu.memory_space<hbm>>
    %dma_start3A_181 = tpu.memref_squeeze %dma_start3A_180 : memref<1x125x128xf32, #tpu.memory_space<hbm>> -> memref<125x128xf32, #tpu.memory_space<hbm>>
    %dma_start3A_182 = arith.constant 0 : i32
    %dma_start3A_183 = arith.constant 0 : i32
    %dma_start3A_184 = tpu.memref_slice %arg8[%dma_start3A_182, %dma_start3A_183] : memref<128x128xf32, #tpu.memory_space<vmem>> -> memref<125x128xf32, #tpu.memory_space<vmem>>
    tpu.enqueue_dma source(%dma_start3A_184 : memref<125x128xf32, #tpu.memory_space<vmem>>) target(%dma_start3A_181 : memref<125x128xf32, #tpu.memory_space<hbm>>) target_semaphore(%arg10 : memref<!tpu.dma_semaphore, #tpu.memory_space<semaphore_mem>>)
    %mul3A_185 = arith.constant 625 : i32
    %mul3A_186 = arith.muli %arg1, %mul3A_185 : i32
    %add3A_187 = arith.constant 125 : i32
    %add3A_188 = arith.addi %mul3A_186, %add3A_187 : i32
    "tpu.region"() ({
      %run_scoped3A = tpu.sem_alloc : memref<!tpu.dma_semaphore, #tpu.memory_space<semaphore_mem>>
      %dma_start3A_319 = arith.constant 0 : i32
      %dma_start3A_320 = arith.constant 0 : i32
      %dma_start3A_321 = tpu.memref_slice %arg9[%dma_start3A_319, %dma_start3A_320] : memref<128x128xf32, #tpu.memory_space<vmem>> -> memref<125x128xf32, #tpu.memory_space<vmem>>
      %dma_start3A_322 = arith.constant 0 : i32
      %dma_start3A_323 = tpu.memref_slice %arg13[%add3A_188, %dma_start3A_322] : memref<10240x128xf32, #tpu.memory_space<vmem_shared>> -> memref<125x128xf32, #tpu.memory_space<vmem_shared>>
      %dma_start3A_324 = arith.constant 0 : i32
      %dma_start3A_325 = arith.constant 0 : i32
      %dma_start3A_326 = tpu.memref_slice %arg9[%dma_start3A_324, %dma_start3A_325] : memref<128x128xf32, #tpu.memory_space<vmem>> -> memref<125x128xf32, #tpu.memory_space<vmem>>
      %dma_start3A_327 = arith.constant 0 : i32
      %dma_start3A_328 = tpu.memref_slice %arg13[%add3A_188, %dma_start3A_327] : memref<10240x128xf32, #tpu.memory_space<vmem_shared>> -> memref<125x128xf32, #tpu.memory_space<vmem_shared>>
      tpu.enqueue_dma source(%dma_start3A_328 : memref<125x128xf32, #tpu.memory_space<vmem_shared>>) target(%dma_start3A_326 : memref<125x128xf32, #tpu.memory_space<vmem>>) target_semaphore(%run_scoped3A : memref<!tpu.dma_semaphore, #tpu.memory_space<semaphore_mem>>)
      %dma_wait3A_329 = arith.constant 0 : i32
      %dma_wait3A_330 = arith.constant 0 : i32
      %dma_wait3A_331 = tpu.memref_slice %arg9[%dma_wait3A_329, %dma_wait3A_330] : memref<128x128xf32, #tpu.memory_space<vmem>> -> memref<125x128xf32, #tpu.memory_space<vmem>>
      %dma_wait3A_332 = arith.constant 0 : i32
      %dma_wait3A_333 = tpu.memref_slice %arg13[%add3A_188, %dma_wait3A_332] : memref<10240x128xf32, #tpu.memory_space<vmem_shared>> -> memref<125x128xf32, #tpu.memory_space<vmem_shared>>
      %dma_wait3A_334 = arith.constant 0 : i32
      %dma_wait3A_335 = arith.constant 0 : i32
      %dma_wait3A_336 = tpu.memref_slice %arg9[%dma_wait3A_334, %dma_wait3A_335] : memref<128x128xf32, #tpu.memory_space<vmem>> -> memref<125x128xf32, #tpu.memory_space<vmem>>
      %dma_wait3A_337 = arith.constant 0 : i32
      %dma_wait3A_338 = tpu.memref_slice %arg13[%add3A_188, %dma_wait3A_337] : memref<10240x128xf32, #tpu.memory_space<vmem_shared>> -> memref<125x128xf32, #tpu.memory_space<vmem_shared>>
      tpu.wait_dma2 semaphore(%run_scoped3A : memref<!tpu.dma_semaphore, #tpu.memory_space<semaphore_mem>>) src(%dma_wait3A_338 : memref<125x128xf32, #tpu.memory_space<vmem_shared>>) dst(%dma_wait3A_336 : memref<125x128xf32, #tpu.memory_space<vmem>>)
      tpu.yield
    }) : () -> ()
    %dma_start3A_189 = arith.constant 0 : i32
    %dma_start3A_190 = arith.constant 0 : i32
    %dma_start3A_191 = tpu.memref_slice %arg9[%dma_start3A_189, %dma_start3A_190] : memref<128x128xf32, #tpu.memory_space<vmem>> -> memref<125x128xf32, #tpu.memory_space<vmem>>
    %dma_start3A_192 = arith.constant 0 : i32
    %dma_start3A_193 = tpu.memref_slice %arg5[%arg0, %add3A_188, %dma_start3A_192] : memref<2x10000x128xf32, #tpu.memory_space<hbm>> -> memref<1x125x128xf32, #tpu.memory_space<hbm>>
    %dma_start3A_194 = tpu.memref_squeeze %dma_start3A_193 : memref<1x125x128xf32, #tpu.memory_space<hbm>> -> memref<125x128xf32, #tpu.memory_space<hbm>>
    %dma_start3A_195 = arith.constant 0 : i32
    %dma_start3A_196 = tpu.memref_slice %arg5[%arg0, %add3A_188, %dma_start3A_195] : memref<2x10000x128xf32, #tpu.memory_space<hbm>> -> memref<1x125x128xf32, #tpu.memory_space<hbm>>
    %dma_start3A_197 = tpu.memref_squeeze %dma_start3A_196 : memref<1x125x128xf32, #tpu.memory_space<hbm>> -> memref<125x128xf32, #tpu.memory_space<hbm>>
    %dma_start3A_198 = arith.constant 0 : i32
    %dma_start3A_199 = arith.constant 0 : i32
    %dma_start3A_200 = tpu.memref_slice %arg9[%dma_start3A_198, %dma_start3A_199] : memref<128x128xf32, #tpu.memory_space<vmem>> -> memref<125x128xf32, #tpu.memory_space<vmem>>
    tpu.enqueue_dma source(%dma_start3A_200 : memref<125x128xf32, #tpu.memory_space<vmem>>) target(%dma_start3A_197 : memref<125x128xf32, #tpu.memory_space<hbm>>) target_semaphore(%arg11 : memref<!tpu.dma_semaphore, #tpu.memory_space<semaphore_mem>>)
    %mul3A_201 = arith.constant 625 : i32
    %mul3A_202 = arith.muli %arg1, %mul3A_201 : i32
    %add3A_203 = arith.constant 250 : i32
    %add3A_204 = arith.addi %mul3A_202, %add3A_203 : i32
    %dma_wait3A_205 = arith.constant 0 : i32
    %dma_wait3A_206 = arith.constant 0 : i32
    %dma_wait3A_207 = tpu.memref_slice %arg8[%dma_wait3A_205, %dma_wait3A_206] : memref<128x128xf32, #tpu.memory_space<vmem>> -> memref<125x128xf32, #tpu.memory_space<vmem>>
    %dma_wait3A_208 = arith.constant 0 : i32
    %dma_wait3A_209 = arith.constant 0 : i32
    %dma_wait3A_210 = tpu.memref_slice %arg5[%arg0, %dma_wait3A_208, %dma_wait3A_209] : memref<2x10000x128xf32, #tpu.memory_space<hbm>> -> memref<1x125x128xf32, #tpu.memory_space<hbm>>
    %dma_wait3A_211 = tpu.memref_squeeze %dma_wait3A_210 : memref<1x125x128xf32, #tpu.memory_space<hbm>> -> memref<125x128xf32, #tpu.memory_space<hbm>>
    %dma_wait3A_212 = arith.constant 0 : i32
    %dma_wait3A_213 = arith.constant 0 : i32
    %dma_wait3A_214 = tpu.memref_slice %arg5[%arg0, %dma_wait3A_212, %dma_wait3A_213] : memref<2x10000x128xf32, #tpu.memory_space<hbm>> -> memref<1x125x128xf32, #tpu.memory_space<hbm>>
    %dma_wait3A_215 = tpu.memref_squeeze %dma_wait3A_214 : memref<1x125x128xf32, #tpu.memory_space<hbm>> -> memref<125x128xf32, #tpu.memory_space<hbm>>
    %dma_wait3A_216 = arith.constant 0 : i32
    %dma_wait3A_217 = arith.constant 0 : i32
    %dma_wait3A_218 = tpu.memref_slice %arg8[%dma_wait3A_216, %dma_wait3A_217] : memref<128x128xf32, #tpu.memory_space<vmem>> -> memref<125x128xf32, #tpu.memory_space<vmem>>
    tpu.wait_dma2 semaphore(%arg10 : memref<!tpu.dma_semaphore, #tpu.memory_space<semaphore_mem>>) src(%dma_wait3A_218 : memref<125x128xf32, #tpu.memory_space<vmem>>) dst(%dma_wait3A_215 : memref<125x128xf32, #tpu.memory_space<hbm>>)
    "tpu.region"() ({
      %run_scoped3A = tpu.sem_alloc : memref<!tpu.dma_semaphore, #tpu.memory_space<semaphore_mem>>
      %dma_start3A_319 = arith.constant 0 : i32
      %dma_start3A_320 = arith.constant 0 : i32
      %dma_start3A_321 = tpu.memref_slice %arg8[%dma_start3A_319, %dma_start3A_320] : memref<128x128xf32, #tpu.memory_space<vmem>> -> memref<125x128xf32, #tpu.memory_space<vmem>>
      %dma_start3A_322 = arith.constant 0 : i32
      %dma_start3A_323 = tpu.memref_slice %arg13[%add3A_204, %dma_start3A_322] : memref<10240x128xf32, #tpu.memory_space<vmem_shared>> -> memref<125x128xf32, #tpu.memory_space<vmem_shared>>
      %dma_start3A_324 = arith.constant 0 : i32
      %dma_start3A_325 = arith.constant 0 : i32
      %dma_start3A_326 = tpu.memref_slice %arg8[%dma_start3A_324, %dma_start3A_325] : memref<128x128xf32, #tpu.memory_space<vmem>> -> memref<125x128xf32, #tpu.memory_space<vmem>>
      %dma_start3A_327 = arith.constant 0 : i32
      %dma_start3A_328 = tpu.memref_slice %arg13[%add3A_204, %dma_start3A_327] : memref<10240x128xf32, #tpu.memory_space<vmem_shared>> -> memref<125x128xf32, #tpu.memory_space<vmem_shared>>
      tpu.enqueue_dma source(%dma_start3A_328 : memref<125x128xf32, #tpu.memory_space<vmem_shared>>) target(%dma_start3A_326 : memref<125x128xf32, #tpu.memory_space<vmem>>) target_semaphore(%run_scoped3A : memref<!tpu.dma_semaphore, #tpu.memory_space<semaphore_mem>>)
      %dma_wait3A_329 = arith.constant 0 : i32
      %dma_wait3A_330 = arith.constant 0 : i32
      %dma_wait3A_331 = tpu.memref_slice %arg8[%dma_wait3A_329, %dma_wait3A_330] : memref<128x128xf32, #tpu.memory_space<vmem>> -> memref<125x128xf32, #tpu.memory_space<vmem>>
      %dma_wait3A_332 = arith.constant 0 : i32
      %dma_wait3A_333 = tpu.memref_slice %arg13[%add3A_204, %dma_wait3A_332] : memref<10240x128xf32, #tpu.memory_space<vmem_shared>> -> memref<125x128xf32, #tpu.memory_space<vmem_shared>>
      %dma_wait3A_334 = arith.constant 0 : i32
      %dma_wait3A_335 = arith.constant 0 : i32
      %dma_wait3A_336 = tpu.memref_slice %arg8[%dma_wait3A_334, %dma_wait3A_335] : memref<128x128xf32, #tpu.memory_space<vmem>> -> memref<125x128xf32, #tpu.memory_space<vmem>>
      %dma_wait3A_337 = arith.constant 0 : i32
      %dma_wait3A_338 = tpu.memref_slice %arg13[%add3A_204, %dma_wait3A_337] : memref<10240x128xf32, #tpu.memory_space<vmem_shared>> -> memref<125x128xf32, #tpu.memory_space<vmem_shared>>
      tpu.wait_dma2 semaphore(%run_scoped3A : memref<!tpu.dma_semaphore, #tpu.memory_space<semaphore_mem>>) src(%dma_wait3A_338 : memref<125x128xf32, #tpu.memory_space<vmem_shared>>) dst(%dma_wait3A_336 : memref<125x128xf32, #tpu.memory_space<vmem>>)
      tpu.yield
    }) : () -> ()
    %dma_start3A_219 = arith.constant 0 : i32
    %dma_start3A_220 = arith.constant 0 : i32
    %dma_start3A_221 = tpu.memref_slice %arg8[%dma_start3A_219, %dma_start3A_220] : memref<128x128xf32, #tpu.memory_space<vmem>> -> memref<125x128xf32, #tpu.memory_space<vmem>>
    %dma_start3A_222 = arith.constant 0 : i32
    %dma_start3A_223 = tpu.memref_slice %arg5[%arg0, %add3A_204, %dma_start3A_222] : memref<2x10000x128xf32, #tpu.memory_space<hbm>> -> memref<1x125x128xf32, #tpu.memory_space<hbm>>
    %dma_start3A_224 = tpu.memref_squeeze %dma_start3A_223 : memref<1x125x128xf32, #tpu.memory_space<hbm>> -> memref<125x128xf32, #tpu.memory_space<hbm>>
    %dma_start3A_225 = arith.constant 0 : i32
    %dma_start3A_226 = tpu.memref_slice %arg5[%arg0, %add3A_204, %dma_start3A_225] : memref<2x10000x128xf32, #tpu.memory_space<hbm>> -> memref<1x125x128xf32, #tpu.memory_space<hbm>>
    %dma_start3A_227 = tpu.memref_squeeze %dma_start3A_226 : memref<1x125x128xf32, #tpu.memory_space<hbm>> -> memref<125x128xf32, #tpu.memory_space<hbm>>
    %dma_start3A_228 = arith.constant 0 : i32
    %dma_start3A_229 = arith.constant 0 : i32
    %dma_start3A_230 = tpu.memref_slice %arg8[%dma_start3A_228, %dma_start3A_229] : memref<128x128xf32, #tpu.memory_space<vmem>> -> memref<125x128xf32, #tpu.memory_space<vmem>>
    tpu.enqueue_dma source(%dma_start3A_230 : memref<125x128xf32, #tpu.memory_space<vmem>>) target(%dma_start3A_227 : memref<125x128xf32, #tpu.memory_space<hbm>>) target_semaphore(%arg10 : memref<!tpu.dma_semaphore, #tpu.memory_space<semaphore_mem>>)
    %mul3A_231 = arith.constant 625 : i32
    %mul3A_232 = arith.muli %arg1, %mul3A_231 : i32
    %add3A_233 = arith.constant 375 : i32
    %add3A_234 = arith.addi %mul3A_232, %add3A_233 : i32
    %dma_wait3A_235 = arith.constant 0 : i32
    %dma_wait3A_236 = arith.constant 0 : i32
    %dma_wait3A_237 = tpu.memref_slice %arg9[%dma_wait3A_235, %dma_wait3A_236] : memref<128x128xf32, #tpu.memory_space<vmem>> -> memref<125x128xf32, #tpu.memory_space<vmem>>
    %dma_wait3A_238 = arith.constant 0 : i32
    %dma_wait3A_239 = arith.constant 0 : i32
    %dma_wait3A_240 = tpu.memref_slice %arg5[%arg0, %dma_wait3A_238, %dma_wait3A_239] : memref<2x10000x128xf32, #tpu.memory_space<hbm>> -> memref<1x125x128xf32, #tpu.memory_space<hbm>>
    %dma_wait3A_241 = tpu.memref_squeeze %dma_wait3A_240 : memref<1x125x128xf32, #tpu.memory_space<hbm>> -> memref<125x128xf32, #tpu.memory_space<hbm>>
    %dma_wait3A_242 = arith.constant 0 : i32
    %dma_wait3A_243 = arith.constant 0 : i32
    %dma_wait3A_244 = tpu.memref_slice %arg5[%arg0, %dma_wait3A_242, %dma_wait3A_243] : memref<2x10000x128xf32, #tpu.memory_space<hbm>> -> memref<1x125x128xf32, #tpu.memory_space<hbm>>
    %dma_wait3A_245 = tpu.memref_squeeze %dma_wait3A_244 : memref<1x125x128xf32, #tpu.memory_space<hbm>> -> memref<125x128xf32, #tpu.memory_space<hbm>>
    %dma_wait3A_246 = arith.constant 0 : i32
    %dma_wait3A_247 = arith.constant 0 : i32
    %dma_wait3A_248 = tpu.memref_slice %arg9[%dma_wait3A_246, %dma_wait3A_247] : memref<128x128xf32, #tpu.memory_space<vmem>> -> memref<125x128xf32, #tpu.memory_space<vmem>>
    tpu.wait_dma2 semaphore(%arg11 : memref<!tpu.dma_semaphore, #tpu.memory_space<semaphore_mem>>) src(%dma_wait3A_248 : memref<125x128xf32, #tpu.memory_space<vmem>>) dst(%dma_wait3A_245 : memref<125x128xf32, #tpu.memory_space<hbm>>)
    "tpu.region"() ({
      %run_scoped3A = tpu.sem_alloc : memref<!tpu.dma_semaphore, #tpu.memory_space<semaphore_mem>>
      %dma_start3A_319 = arith.constant 0 : i32
      %dma_start3A_320 = arith.constant 0 : i32
      %dma_start3A_321 = tpu.memref_slice %arg9[%dma_start3A_319, %dma_start3A_320] : memref<128x128xf32, #tpu.memory_space<vmem>> -> memref<125x128xf32, #tpu.memory_space<vmem>>
      %dma_start3A_322 = arith.constant 0 : i32
      %dma_start3A_323 = tpu.memref_slice %arg13[%add3A_234, %dma_start3A_322] : memref<10240x128xf32, #tpu.memory_space<vmem_shared>> -> memref<125x128xf32, #tpu.memory_space<vmem_shared>>
      %dma_start3A_324 = arith.constant 0 : i32
      %dma_start3A_325 = arith.constant 0 : i32
      %dma_start3A_326 = tpu.memref_slice %arg9[%dma_start3A_324, %dma_start3A_325] : memref<128x128xf32, #tpu.memory_space<vmem>> -> memref<125x128xf32, #tpu.memory_space<vmem>>
      %dma_start3A_327 = arith.constant 0 : i32
      %dma_start3A_328 = tpu.memref_slice %arg13[%add3A_234, %dma_start3A_327] : memref<10240x128xf32, #tpu.memory_space<vmem_shared>> -> memref<125x128xf32, #tpu.memory_space<vmem_shared>>
      tpu.enqueue_dma source(%dma_start3A_328 : memref<125x128xf32, #tpu.memory_space<vmem_shared>>) target(%dma_start3A_326 : memref<125x128xf32, #tpu.memory_space<vmem>>) target_semaphore(%run_scoped3A : memref<!tpu.dma_semaphore, #tpu.memory_space<semaphore_mem>>)
      %dma_wait3A_329 = arith.constant 0 : i32
      %dma_wait3A_330 = arith.constant 0 : i32
      %dma_wait3A_331 = tpu.memref_slice %arg9[%dma_wait3A_329, %dma_wait3A_330] : memref<128x128xf32, #tpu.memory_space<vmem>> -> memref<125x128xf32, #tpu.memory_space<vmem>>
      %dma_wait3A_332 = arith.constant 0 : i32
      %dma_wait3A_333 = tpu.memref_slice %arg13[%add3A_234, %dma_wait3A_332] : memref<10240x128xf32, #tpu.memory_space<vmem_shared>> -> memref<125x128xf32, #tpu.memory_space<vmem_shared>>
      %dma_wait3A_334 = arith.constant 0 : i32
      %dma_wait3A_335 = arith.constant 0 : i32
      %dma_wait3A_336 = tpu.memref_slice %arg9[%dma_wait3A_334, %dma_wait3A_335] : memref<128x128xf32, #tpu.memory_space<vmem>> -> memref<125x128xf32, #tpu.memory_space<vmem>>
      %dma_wait3A_337 = arith.constant 0 : i32
      %dma_wait3A_338 = tpu.memref_slice %arg13[%add3A_234, %dma_wait3A_337] : memref<10240x128xf32, #tpu.memory_space<vmem_shared>> -> memref<125x128xf32, #tpu.memory_space<vmem_shared>>
      tpu.wait_dma2 semaphore(%run_scoped3A : memref<!tpu.dma_semaphore, #tpu.memory_space<semaphore_mem>>) src(%dma_wait3A_338 : memref<125x128xf32, #tpu.memory_space<vmem_shared>>) dst(%dma_wait3A_336 : memref<125x128xf32, #tpu.memory_space<vmem>>)
      tpu.yield
    }) : () -> ()
    %dma_start3A_249 = arith.constant 0 : i32
    %dma_start3A_250 = arith.constant 0 : i32
    %dma_start3A_251 = tpu.memref_slice %arg9[%dma_start3A_249, %dma_start3A_250] : memref<128x128xf32, #tpu.memory_space<vmem>> -> memref<125x128xf32, #tpu.memory_space<vmem>>
    %dma_start3A_252 = arith.constant 0 : i32
    %dma_start3A_253 = tpu.memref_slice %arg5[%arg0, %add3A_234, %dma_start3A_252] : memref<2x10000x128xf32, #tpu.memory_space<hbm>> -> memref<1x125x128xf32, #tpu.memory_space<hbm>>
    %dma_start3A_254 = tpu.memref_squeeze %dma_start3A_253 : memref<1x125x128xf32, #tpu.memory_space<hbm>> -> memref<125x128xf32, #tpu.memory_space<hbm>>
    %dma_start3A_255 = arith.constant 0 : i32
    %dma_start3A_256 = tpu.memref_slice %arg5[%arg0, %add3A_234, %dma_start3A_255] : memref<2x10000x128xf32, #tpu.memory_space<hbm>> -> memref<1x125x128xf32, #tpu.memory_space<hbm>>
    %dma_start3A_257 = tpu.memref_squeeze %dma_start3A_256 : memref<1x125x128xf32, #tpu.memory_space<hbm>> -> memref<125x128xf32, #tpu.memory_space<hbm>>
    %dma_start3A_258 = arith.constant 0 : i32
    %dma_start3A_259 = arith.constant 0 : i32
    %dma_start3A_260 = tpu.memref_slice %arg9[%dma_start3A_258, %dma_start3A_259] : memref<128x128xf32, #tpu.memory_space<vmem>> -> memref<125x128xf32, #tpu.memory_space<vmem>>
    tpu.enqueue_dma source(%dma_start3A_260 : memref<125x128xf32, #tpu.memory_space<vmem>>) target(%dma_start3A_257 : memref<125x128xf32, #tpu.memory_space<hbm>>) target_semaphore(%arg11 : memref<!tpu.dma_semaphore, #tpu.memory_space<semaphore_mem>>)
    %mul3A_261 = arith.constant 625 : i32
    %mul3A_262 = arith.muli %arg1, %mul3A_261 : i32
    %add3A_263 = arith.constant 500 : i32
    %add3A_264 = arith.addi %mul3A_262, %add3A_263 : i32
    %dma_wait3A_265 = arith.constant 0 : i32
    %dma_wait3A_266 = arith.constant 0 : i32
    %dma_wait3A_267 = tpu.memref_slice %arg8[%dma_wait3A_265, %dma_wait3A_266] : memref<128x128xf32, #tpu.memory_space<vmem>> -> memref<125x128xf32, #tpu.memory_space<vmem>>
    %dma_wait3A_268 = arith.constant 0 : i32
    %dma_wait3A_269 = arith.constant 0 : i32
    %dma_wait3A_270 = tpu.memref_slice %arg5[%arg0, %dma_wait3A_268, %dma_wait3A_269] : memref<2x10000x128xf32, #tpu.memory_space<hbm>> -> memref<1x125x128xf32, #tpu.memory_space<hbm>>
    %dma_wait3A_271 = tpu.memref_squeeze %dma_wait3A_270 : memref<1x125x128xf32, #tpu.memory_space<hbm>> -> memref<125x128xf32, #tpu.memory_space<hbm>>
    %dma_wait3A_272 = arith.constant 0 : i32
    %dma_wait3A_273 = arith.constant 0 : i32
    %dma_wait3A_274 = tpu.memref_slice %arg5[%arg0, %dma_wait3A_272, %dma_wait3A_273] : memref<2x10000x128xf32, #tpu.memory_space<hbm>> -> memref<1x125x128xf32, #tpu.memory_space<hbm>>
    %dma_wait3A_275 = tpu.memref_squeeze %dma_wait3A_274 : memref<1x125x128xf32, #tpu.memory_space<hbm>> -> memref<125x128xf32, #tpu.memory_space<hbm>>
    %dma_wait3A_276 = arith.constant 0 : i32
    %dma_wait3A_277 = arith.constant 0 : i32
    %dma_wait3A_278 = tpu.memref_slice %arg8[%dma_wait3A_276, %dma_wait3A_277] : memref<128x128xf32, #tpu.memory_space<vmem>> -> memref<125x128xf32, #tpu.memory_space<vmem>>
    tpu.wait_dma2 semaphore(%arg10 : memref<!tpu.dma_semaphore, #tpu.memory_space<semaphore_mem>>) src(%dma_wait3A_278 : memref<125x128xf32, #tpu.memory_space<vmem>>) dst(%dma_wait3A_275 : memref<125x128xf32, #tpu.memory_space<hbm>>)
    "tpu.region"() ({
      %run_scoped3A = tpu.sem_alloc : memref<!tpu.dma_semaphore, #tpu.memory_space<semaphore_mem>>
      %dma_start3A_319 = arith.constant 0 : i32
      %dma_start3A_320 = arith.constant 0 : i32
      %dma_start3A_321 = tpu.memref_slice %arg8[%dma_start3A_319, %dma_start3A_320] : memref<128x128xf32, #tpu.memory_space<vmem>> -> memref<125x128xf32, #tpu.memory_space<vmem>>
      %dma_start3A_322 = arith.constant 0 : i32
      %dma_start3A_323 = tpu.memref_slice %arg13[%add3A_264, %dma_start3A_322] : memref<10240x128xf32, #tpu.memory_space<vmem_shared>> -> memref<125x128xf32, #tpu.memory_space<vmem_shared>>
      %dma_start3A_324 = arith.constant 0 : i32
      %dma_start3A_325 = arith.constant 0 : i32
      %dma_start3A_326 = tpu.memref_slice %arg8[%dma_start3A_324, %dma_start3A_325] : memref<128x128xf32, #tpu.memory_space<vmem>> -> memref<125x128xf32, #tpu.memory_space<vmem>>
      %dma_start3A_327 = arith.constant 0 : i32
      %dma_start3A_328 = tpu.memref_slice %arg13[%add3A_264, %dma_start3A_327] : memref<10240x128xf32, #tpu.memory_space<vmem_shared>> -> memref<125x128xf32, #tpu.memory_space<vmem_shared>>
      tpu.enqueue_dma source(%dma_start3A_328 : memref<125x128xf32, #tpu.memory_space<vmem_shared>>) target(%dma_start3A_326 : memref<125x128xf32, #tpu.memory_space<vmem>>) target_semaphore(%run_scoped3A : memref<!tpu.dma_semaphore, #tpu.memory_space<semaphore_mem>>)
      %dma_wait3A_329 = arith.constant 0 : i32
      %dma_wait3A_330 = arith.constant 0 : i32
      %dma_wait3A_331 = tpu.memref_slice %arg8[%dma_wait3A_329, %dma_wait3A_330] : memref<128x128xf32, #tpu.memory_space<vmem>> -> memref<125x128xf32, #tpu.memory_space<vmem>>
      %dma_wait3A_332 = arith.constant 0 : i32
      %dma_wait3A_333 = tpu.memref_slice %arg13[%add3A_264, %dma_wait3A_332] : memref<10240x128xf32, #tpu.memory_space<vmem_shared>> -> memref<125x128xf32, #tpu.memory_space<vmem_shared>>
      %dma_wait3A_334 = arith.constant 0 : i32
      %dma_wait3A_335 = arith.constant 0 : i32
      %dma_wait3A_336 = tpu.memref_slice %arg8[%dma_wait3A_334, %dma_wait3A_335] : memref<128x128xf32, #tpu.memory_space<vmem>> -> memref<125x128xf32, #tpu.memory_space<vmem>>
      %dma_wait3A_337 = arith.constant 0 : i32
      %dma_wait3A_338 = tpu.memref_slice %arg13[%add3A_264, %dma_wait3A_337] : memref<10240x128xf32, #tpu.memory_space<vmem_shared>> -> memref<125x128xf32, #tpu.memory_space<vmem_shared>>
      tpu.wait_dma2 semaphore(%run_scoped3A : memref<!tpu.dma_semaphore, #tpu.memory_space<semaphore_mem>>) src(%dma_wait3A_338 : memref<125x128xf32, #tpu.memory_space<vmem_shared>>) dst(%dma_wait3A_336 : memref<125x128xf32, #tpu.memory_space<vmem>>)
      tpu.yield
    }) : () -> ()
    %dma_start3A_279 = arith.constant 0 : i32
    %dma_start3A_280 = arith.constant 0 : i32
    %dma_start3A_281 = tpu.memref_slice %arg8[%dma_start3A_279, %dma_start3A_280] : memref<128x128xf32, #tpu.memory_space<vmem>> -> memref<125x128xf32, #tpu.memory_space<vmem>>
    %dma_start3A_282 = arith.constant 0 : i32
    %dma_start3A_283 = tpu.memref_slice %arg5[%arg0, %add3A_264, %dma_start3A_282] : memref<2x10000x128xf32, #tpu.memory_space<hbm>> -> memref<1x125x128xf32, #tpu.memory_space<hbm>>
    %dma_start3A_284 = tpu.memref_squeeze %dma_start3A_283 : memref<1x125x128xf32, #tpu.memory_space<hbm>> -> memref<125x128xf32, #tpu.memory_space<hbm>>
    %dma_start3A_285 = arith.constant 0 : i32
    %dma_start3A_286 = tpu.memref_slice %arg5[%arg0, %add3A_264, %dma_start3A_285] : memref<2x10000x128xf32, #tpu.memory_space<hbm>> -> memref<1x125x128xf32, #tpu.memory_space<hbm>>
    %dma_start3A_287 = tpu.memref_squeeze %dma_start3A_286 : memref<1x125x128xf32, #tpu.memory_space<hbm>> -> memref<125x128xf32, #tpu.memory_space<hbm>>
    %dma_start3A_288 = arith.constant 0 : i32
    %dma_start3A_289 = arith.constant 0 : i32
    %dma_start3A_290 = tpu.memref_slice %arg8[%dma_start3A_288, %dma_start3A_289] : memref<128x128xf32, #tpu.memory_space<vmem>> -> memref<125x128xf32, #tpu.memory_space<vmem>>
    tpu.enqueue_dma source(%dma_start3A_290 : memref<125x128xf32, #tpu.memory_space<vmem>>) target(%dma_start3A_287 : memref<125x128xf32, #tpu.memory_space<hbm>>) target_semaphore(%arg10 : memref<!tpu.dma_semaphore, #tpu.memory_space<semaphore_mem>>)
    %dma_wait3A_291 = arith.constant 0 : i32
    %dma_wait3A_292 = arith.constant 0 : i32
    %dma_wait3A_293 = tpu.memref_slice %arg9[%dma_wait3A_291, %dma_wait3A_292] : memref<128x128xf32, #tpu.memory_space<vmem>> -> memref<125x128xf32, #tpu.memory_space<vmem>>
    %dma_wait3A_294 = arith.constant 0 : i32
    %dma_wait3A_295 = arith.constant 0 : i32
    %dma_wait3A_296 = tpu.memref_slice %arg5[%arg0, %dma_wait3A_294, %dma_wait3A_295] : memref<2x10000x128xf32, #tpu.memory_space<hbm>> -> memref<1x125x128xf32, #tpu.memory_space<hbm>>
    %dma_wait3A_297 = tpu.memref_squeeze %dma_wait3A_296 : memref<1x125x128xf32, #tpu.memory_space<hbm>> -> memref<125x128xf32, #tpu.memory_space<hbm>>
    %dma_wait3A_298 = arith.constant 0 : i32
    %dma_wait3A_299 = arith.constant 0 : i32
    %dma_wait3A_300 = tpu.memref_slice %arg5[%arg0, %dma_wait3A_298, %dma_wait3A_299] : memref<2x10000x128xf32, #tpu.memory_space<hbm>> -> memref<1x125x128xf32, #tpu.memory_space<hbm>>
    %dma_wait3A_301 = tpu.memref_squeeze %dma_wait3A_300 : memref<1x125x128xf32, #tpu.memory_space<hbm>> -> memref<125x128xf32, #tpu.memory_space<hbm>>
    %dma_wait3A_302 = arith.constant 0 : i32
    %dma_wait3A_303 = arith.constant 0 : i32
    %dma_wait3A_304 = tpu.memref_slice %arg9[%dma_wait3A_302, %dma_wait3A_303] : memref<128x128xf32, #tpu.memory_space<vmem>> -> memref<125x128xf32, #tpu.memory_space<vmem>>
    tpu.wait_dma2 semaphore(%arg11 : memref<!tpu.dma_semaphore, #tpu.memory_space<semaphore_mem>>) src(%dma_wait3A_304 : memref<125x128xf32, #tpu.memory_space<vmem>>) dst(%dma_wait3A_301 : memref<125x128xf32, #tpu.memory_space<hbm>>)
    %dma_wait3A_305 = arith.constant 0 : i32
    %dma_wait3A_306 = arith.constant 0 : i32
    %dma_wait3A_307 = tpu.memref_slice %arg8[%dma_wait3A_305, %dma_wait3A_306] : memref<128x128xf32, #tpu.memory_space<vmem>> -> memref<125x128xf32, #tpu.memory_space<vmem>>
    %dma_wait3A_308 = arith.constant 0 : i32
    %dma_wait3A_309 = arith.constant 0 : i32
    %dma_wait3A_310 = tpu.memref_slice %arg5[%arg0, %dma_wait3A_308, %dma_wait3A_309] : memref<2x10000x128xf32, #tpu.memory_space<hbm>> -> memref<1x125x128xf32, #tpu.memory_space<hbm>>
    %dma_wait3A_311 = tpu.memref_squeeze %dma_wait3A_310 : memref<1x125x128xf32, #tpu.memory_space<hbm>> -> memref<125x128xf32, #tpu.memory_space<hbm>>
    %dma_wait3A_312 = arith.constant 0 : i32
    %dma_wait3A_313 = arith.constant 0 : i32
    %dma_wait3A_314 = tpu.memref_slice %arg5[%arg0, %dma_wait3A_312, %dma_wait3A_313] : memref<2x10000x128xf32, #tpu.memory_space<hbm>> -> memref<1x125x128xf32, #tpu.memory_space<hbm>>
    %dma_wait3A_315 = tpu.memref_squeeze %dma_wait3A_314 : memref<1x125x128xf32, #tpu.memory_space<hbm>> -> memref<125x128xf32, #tpu.memory_space<hbm>>
    %dma_wait3A_316 = arith.constant 0 : i32
    %dma_wait3A_317 = arith.constant 0 : i32
    %dma_wait3A_318 = tpu.memref_slice %arg8[%dma_wait3A_316, %dma_wait3A_317] : memref<128x128xf32, #tpu.memory_space<vmem>> -> memref<125x128xf32, #tpu.memory_space<vmem>>
    tpu.wait_dma2 semaphore(%arg10 : memref<!tpu.dma_semaphore, #tpu.memory_space<semaphore_mem>>) src(%dma_wait3A_318 : memref<125x128xf32, #tpu.memory_space<vmem>>) dst(%dma_wait3A_315 : memref<125x128xf32, #tpu.memory_space<hbm>>)
    return
  }
}

#map = affine_map<(d0, d1) -> (0, 0, 0)>
#map1 = affine_map<(d0, d1) -> (0, 0)>
module attributes {stable_mosaic.version = 14 : i64} {
  func.func @_deg_body(%arg0: i32, %arg1: i32, %arg2: memref<32x80x128xi32, #tpu.memory_space<hbm>>, %arg3: memref<128x16xf32, #tpu.memory_space<hbm>>, %arg4: memref<128x16xf32, #tpu.memory_space<hbm>>, %arg5: memref<2x10000x16xf32, #tpu.memory_space<hbm>>, %arg6: memref<80x128xi32, #tpu.memory_space<vmem>>, %arg7: memref<128x16xf32, #tpu.memory_space<vmem>>, %arg8: memref<128x16xf32, #tpu.memory_space<vmem>>, %arg9: memref<10240x16xf32, #tpu.memory_space<vmem_shared>>) attributes {dimension_semantics = [#tpu.dimension_semantics<core_parallel>, #tpu.dimension_semantics<subcore_parallel>], iteration_bounds = array<i64: 2, 16>, scalar_prefetch = 0 : i64, scratch_operands = 4 : i64, tpu.core_type = #tpu.core_type<sc_vector_subcore>, window_params = [{transform_indices = #map}, {transform_indices = #map1}, {transform_indices = #map1}, {transform_indices = #map}]} {
    %mul3A = arith.constant 16 : i32
    %mul3A_0 = arith.muli %arg0, %mul3A : i32
    %add3A = arith.addi %mul3A_0, %arg1 : i32
    "tpu.region"() ({
      %run_scoped3A = tpu.sem_alloc : memref<!tpu.dma_semaphore, #tpu.memory_space<semaphore_mem>>
      tpu.enqueue_dma source(%arg3 : memref<128x16xf32, #tpu.memory_space<hbm>>) target(%arg7 : memref<128x16xf32, #tpu.memory_space<vmem>>) target_semaphore(%run_scoped3A : memref<!tpu.dma_semaphore, #tpu.memory_space<semaphore_mem>>)
      tpu.wait_dma2 semaphore(%run_scoped3A : memref<!tpu.dma_semaphore, #tpu.memory_space<semaphore_mem>>) src(%arg3 : memref<128x16xf32, #tpu.memory_space<hbm>>) dst(%arg7 : memref<128x16xf32, #tpu.memory_space<vmem>>)
      tpu.yield
    }) : () -> ()
    "tpu.region"() ({
      %run_scoped3A = tpu.sem_alloc : memref<!tpu.dma_semaphore, #tpu.memory_space<semaphore_mem>>
      tpu.enqueue_dma source(%arg4 : memref<128x16xf32, #tpu.memory_space<hbm>>) target(%arg8 : memref<128x16xf32, #tpu.memory_space<vmem>>) target_semaphore(%run_scoped3A : memref<!tpu.dma_semaphore, #tpu.memory_space<semaphore_mem>>)
      tpu.wait_dma2 semaphore(%run_scoped3A : memref<!tpu.dma_semaphore, #tpu.memory_space<semaphore_mem>>) src(%arg4 : memref<128x16xf32, #tpu.memory_space<hbm>>) dst(%arg8 : memref<128x16xf32, #tpu.memory_space<vmem>>)
      tpu.yield
    }) : () -> ()
    "tpu.region"() ({
      %run_scoped3A = tpu.sem_alloc : memref<!tpu.dma_semaphore, #tpu.memory_space<semaphore_mem>>
      %dma_start3A = arith.constant 0 : i32
      %dma_start3A_47 = arith.constant 0 : i32
      %dma_start3A_48 = tpu.memref_slice %arg2[%add3A, %dma_start3A, %dma_start3A_47] : memref<32x80x128xi32, #tpu.memory_space<hbm>> -> memref<1x80x128xi32, #tpu.memory_space<hbm>>
      %dma_start3A_49 = tpu.memref_squeeze %dma_start3A_48 : memref<1x80x128xi32, #tpu.memory_space<hbm>> -> memref<80x128xi32, #tpu.memory_space<hbm>>
      %dma_start3A_50 = arith.constant 0 : i32
      %dma_start3A_51 = arith.constant 0 : i32
      %dma_start3A_52 = tpu.memref_slice %arg2[%add3A, %dma_start3A_50, %dma_start3A_51] : memref<32x80x128xi32, #tpu.memory_space<hbm>> -> memref<1x80x128xi32, #tpu.memory_space<hbm>>
      %dma_start3A_53 = tpu.memref_squeeze %dma_start3A_52 : memref<1x80x128xi32, #tpu.memory_space<hbm>> -> memref<80x128xi32, #tpu.memory_space<hbm>>
      tpu.enqueue_dma source(%dma_start3A_53 : memref<80x128xi32, #tpu.memory_space<hbm>>) target(%arg6 : memref<80x128xi32, #tpu.memory_space<vmem>>) target_semaphore(%run_scoped3A : memref<!tpu.dma_semaphore, #tpu.memory_space<semaphore_mem>>)
      %dma_wait3A = arith.constant 0 : i32
      %dma_wait3A_54 = arith.constant 0 : i32
      %dma_wait3A_55 = tpu.memref_slice %arg2[%add3A, %dma_wait3A, %dma_wait3A_54] : memref<32x80x128xi32, #tpu.memory_space<hbm>> -> memref<1x80x128xi32, #tpu.memory_space<hbm>>
      %dma_wait3A_56 = tpu.memref_squeeze %dma_wait3A_55 : memref<1x80x128xi32, #tpu.memory_space<hbm>> -> memref<80x128xi32, #tpu.memory_space<hbm>>
      %dma_wait3A_57 = arith.constant 0 : i32
      %dma_wait3A_58 = arith.constant 0 : i32
      %dma_wait3A_59 = tpu.memref_slice %arg2[%add3A, %dma_wait3A_57, %dma_wait3A_58] : memref<32x80x128xi32, #tpu.memory_space<hbm>> -> memref<1x80x128xi32, #tpu.memory_space<hbm>>
      %dma_wait3A_60 = tpu.memref_squeeze %dma_wait3A_59 : memref<1x80x128xi32, #tpu.memory_space<hbm>> -> memref<80x128xi32, #tpu.memory_space<hbm>>
      tpu.wait_dma2 semaphore(%run_scoped3A : memref<!tpu.dma_semaphore, #tpu.memory_space<semaphore_mem>>) src(%dma_wait3A_60 : memref<80x128xi32, #tpu.memory_space<hbm>>) dst(%arg6 : memref<80x128xi32, #tpu.memory_space<vmem>>)
      tpu.yield
    }) : () -> ()
    %mul3A_1 = arith.constant 640 : i32
    %mul3A_2 = arith.muli %arg1, %mul3A_1 : i32
    %add3A_3 = arith.constant 0 : i32
    %add3A_4 = arith.addi %mul3A_2, %add3A_3 : i32
    "tpu.region"() ({
      %run_scoped3A = tpu.sem_alloc : memref<!tpu.dma_semaphore, #tpu.memory_space<semaphore_mem>>
      %dma_start3A = arith.constant 0 : i32
      %dma_start3A_47 = tpu.memref_slice %arg9[%add3A_4, %dma_start3A] : memref<10240x16xf32, #tpu.memory_space<vmem_shared>> -> memref<128x16xf32, #tpu.memory_space<vmem_shared>>
      %dma_start3A_48 = arith.constant 0 : i32
      %dma_start3A_49 = tpu.memref_slice %arg9[%add3A_4, %dma_start3A_48] : memref<10240x16xf32, #tpu.memory_space<vmem_shared>> -> memref<128x16xf32, #tpu.memory_space<vmem_shared>>
      tpu.enqueue_dma source(%arg7 : memref<128x16xf32, #tpu.memory_space<vmem>>) target(%dma_start3A_49 : memref<128x16xf32, #tpu.memory_space<vmem_shared>>) target_semaphore(%run_scoped3A : memref<!tpu.dma_semaphore, #tpu.memory_space<semaphore_mem>>)
      %dma_wait3A = arith.constant 0 : i32
      %dma_wait3A_50 = tpu.memref_slice %arg9[%add3A_4, %dma_wait3A] : memref<10240x16xf32, #tpu.memory_space<vmem_shared>> -> memref<128x16xf32, #tpu.memory_space<vmem_shared>>
      %dma_wait3A_51 = arith.constant 0 : i32
      %dma_wait3A_52 = tpu.memref_slice %arg9[%add3A_4, %dma_wait3A_51] : memref<10240x16xf32, #tpu.memory_space<vmem_shared>> -> memref<128x16xf32, #tpu.memory_space<vmem_shared>>
      tpu.wait_dma2 semaphore(%run_scoped3A : memref<!tpu.dma_semaphore, #tpu.memory_space<semaphore_mem>>) src(%arg7 : memref<128x16xf32, #tpu.memory_space<vmem>>) dst(%dma_wait3A_52 : memref<128x16xf32, #tpu.memory_space<vmem_shared>>)
      tpu.yield
    }) : () -> ()
    %mul3A_5 = arith.constant 640 : i32
    %mul3A_6 = arith.muli %arg1, %mul3A_5 : i32
    %add3A_7 = arith.constant 128 : i32
    %add3A_8 = arith.addi %mul3A_6, %add3A_7 : i32
    "tpu.region"() ({
      %run_scoped3A = tpu.sem_alloc : memref<!tpu.dma_semaphore, #tpu.memory_space<semaphore_mem>>
      %dma_start3A = arith.constant 0 : i32
      %dma_start3A_47 = tpu.memref_slice %arg9[%add3A_8, %dma_start3A] : memref<10240x16xf32, #tpu.memory_space<vmem_shared>> -> memref<128x16xf32, #tpu.memory_space<vmem_shared>>
      %dma_start3A_48 = arith.constant 0 : i32
      %dma_start3A_49 = tpu.memref_slice %arg9[%add3A_8, %dma_start3A_48] : memref<10240x16xf32, #tpu.memory_space<vmem_shared>> -> memref<128x16xf32, #tpu.memory_space<vmem_shared>>
      tpu.enqueue_dma source(%arg7 : memref<128x16xf32, #tpu.memory_space<vmem>>) target(%dma_start3A_49 : memref<128x16xf32, #tpu.memory_space<vmem_shared>>) target_semaphore(%run_scoped3A : memref<!tpu.dma_semaphore, #tpu.memory_space<semaphore_mem>>)
      %dma_wait3A = arith.constant 0 : i32
      %dma_wait3A_50 = tpu.memref_slice %arg9[%add3A_8, %dma_wait3A] : memref<10240x16xf32, #tpu.memory_space<vmem_shared>> -> memref<128x16xf32, #tpu.memory_space<vmem_shared>>
      %dma_wait3A_51 = arith.constant 0 : i32
      %dma_wait3A_52 = tpu.memref_slice %arg9[%add3A_8, %dma_wait3A_51] : memref<10240x16xf32, #tpu.memory_space<vmem_shared>> -> memref<128x16xf32, #tpu.memory_space<vmem_shared>>
      tpu.wait_dma2 semaphore(%run_scoped3A : memref<!tpu.dma_semaphore, #tpu.memory_space<semaphore_mem>>) src(%arg7 : memref<128x16xf32, #tpu.memory_space<vmem>>) dst(%dma_wait3A_52 : memref<128x16xf32, #tpu.memory_space<vmem_shared>>)
      tpu.yield
    }) : () -> ()
    %mul3A_9 = arith.constant 640 : i32
    %mul3A_10 = arith.muli %arg1, %mul3A_9 : i32
    %add3A_11 = arith.constant 256 : i32
    %add3A_12 = arith.addi %mul3A_10, %add3A_11 : i32
    "tpu.region"() ({
      %run_scoped3A = tpu.sem_alloc : memref<!tpu.dma_semaphore, #tpu.memory_space<semaphore_mem>>
      %dma_start3A = arith.constant 0 : i32
      %dma_start3A_47 = tpu.memref_slice %arg9[%add3A_12, %dma_start3A] : memref<10240x16xf32, #tpu.memory_space<vmem_shared>> -> memref<128x16xf32, #tpu.memory_space<vmem_shared>>
      %dma_start3A_48 = arith.constant 0 : i32
      %dma_start3A_49 = tpu.memref_slice %arg9[%add3A_12, %dma_start3A_48] : memref<10240x16xf32, #tpu.memory_space<vmem_shared>> -> memref<128x16xf32, #tpu.memory_space<vmem_shared>>
      tpu.enqueue_dma source(%arg7 : memref<128x16xf32, #tpu.memory_space<vmem>>) target(%dma_start3A_49 : memref<128x16xf32, #tpu.memory_space<vmem_shared>>) target_semaphore(%run_scoped3A : memref<!tpu.dma_semaphore, #tpu.memory_space<semaphore_mem>>)
      %dma_wait3A = arith.constant 0 : i32
      %dma_wait3A_50 = tpu.memref_slice %arg9[%add3A_12, %dma_wait3A] : memref<10240x16xf32, #tpu.memory_space<vmem_shared>> -> memref<128x16xf32, #tpu.memory_space<vmem_shared>>
      %dma_wait3A_51 = arith.constant 0 : i32
      %dma_wait3A_52 = tpu.memref_slice %arg9[%add3A_12, %dma_wait3A_51] : memref<10240x16xf32, #tpu.memory_space<vmem_shared>> -> memref<128x16xf32, #tpu.memory_space<vmem_shared>>
      tpu.wait_dma2 semaphore(%run_scoped3A : memref<!tpu.dma_semaphore, #tpu.memory_space<semaphore_mem>>) src(%arg7 : memref<128x16xf32, #tpu.memory_space<vmem>>) dst(%dma_wait3A_52 : memref<128x16xf32, #tpu.memory_space<vmem_shared>>)
      tpu.yield
    }) : () -> ()
    %mul3A_13 = arith.constant 640 : i32
    %mul3A_14 = arith.muli %arg1, %mul3A_13 : i32
    %add3A_15 = arith.constant 384 : i32
    %add3A_16 = arith.addi %mul3A_14, %add3A_15 : i32
    "tpu.region"() ({
      %run_scoped3A = tpu.sem_alloc : memref<!tpu.dma_semaphore, #tpu.memory_space<semaphore_mem>>
      %dma_start3A = arith.constant 0 : i32
      %dma_start3A_47 = tpu.memref_slice %arg9[%add3A_16, %dma_start3A] : memref<10240x16xf32, #tpu.memory_space<vmem_shared>> -> memref<128x16xf32, #tpu.memory_space<vmem_shared>>
      %dma_start3A_48 = arith.constant 0 : i32
      %dma_start3A_49 = tpu.memref_slice %arg9[%add3A_16, %dma_start3A_48] : memref<10240x16xf32, #tpu.memory_space<vmem_shared>> -> memref<128x16xf32, #tpu.memory_space<vmem_shared>>
      tpu.enqueue_dma source(%arg7 : memref<128x16xf32, #tpu.memory_space<vmem>>) target(%dma_start3A_49 : memref<128x16xf32, #tpu.memory_space<vmem_shared>>) target_semaphore(%run_scoped3A : memref<!tpu.dma_semaphore, #tpu.memory_space<semaphore_mem>>)
      %dma_wait3A = arith.constant 0 : i32
      %dma_wait3A_50 = tpu.memref_slice %arg9[%add3A_16, %dma_wait3A] : memref<10240x16xf32, #tpu.memory_space<vmem_shared>> -> memref<128x16xf32, #tpu.memory_space<vmem_shared>>
      %dma_wait3A_51 = arith.constant 0 : i32
      %dma_wait3A_52 = tpu.memref_slice %arg9[%add3A_16, %dma_wait3A_51] : memref<10240x16xf32, #tpu.memory_space<vmem_shared>> -> memref<128x16xf32, #tpu.memory_space<vmem_shared>>
      tpu.wait_dma2 semaphore(%run_scoped3A : memref<!tpu.dma_semaphore, #tpu.memory_space<semaphore_mem>>) src(%arg7 : memref<128x16xf32, #tpu.memory_space<vmem>>) dst(%dma_wait3A_52 : memref<128x16xf32, #tpu.memory_space<vmem_shared>>)
      tpu.yield
    }) : () -> ()
    %mul3A_17 = arith.constant 640 : i32
    %mul3A_18 = arith.muli %arg1, %mul3A_17 : i32
    %add3A_19 = arith.constant 512 : i32
    %add3A_20 = arith.addi %mul3A_18, %add3A_19 : i32
    "tpu.region"() ({
      %run_scoped3A = tpu.sem_alloc : memref<!tpu.dma_semaphore, #tpu.memory_space<semaphore_mem>>
      %dma_start3A = arith.constant 0 : i32
      %dma_start3A_47 = tpu.memref_slice %arg9[%add3A_20, %dma_start3A] : memref<10240x16xf32, #tpu.memory_space<vmem_shared>> -> memref<128x16xf32, #tpu.memory_space<vmem_shared>>
      %dma_start3A_48 = arith.constant 0 : i32
      %dma_start3A_49 = tpu.memref_slice %arg9[%add3A_20, %dma_start3A_48] : memref<10240x16xf32, #tpu.memory_space<vmem_shared>> -> memref<128x16xf32, #tpu.memory_space<vmem_shared>>
      tpu.enqueue_dma source(%arg7 : memref<128x16xf32, #tpu.memory_space<vmem>>) target(%dma_start3A_49 : memref<128x16xf32, #tpu.memory_space<vmem_shared>>) target_semaphore(%run_scoped3A : memref<!tpu.dma_semaphore, #tpu.memory_space<semaphore_mem>>)
      %dma_wait3A = arith.constant 0 : i32
      %dma_wait3A_50 = tpu.memref_slice %arg9[%add3A_20, %dma_wait3A] : memref<10240x16xf32, #tpu.memory_space<vmem_shared>> -> memref<128x16xf32, #tpu.memory_space<vmem_shared>>
      %dma_wait3A_51 = arith.constant 0 : i32
      %dma_wait3A_52 = tpu.memref_slice %arg9[%add3A_20, %dma_wait3A_51] : memref<10240x16xf32, #tpu.memory_space<vmem_shared>> -> memref<128x16xf32, #tpu.memory_space<vmem_shared>>
      tpu.wait_dma2 semaphore(%run_scoped3A : memref<!tpu.dma_semaphore, #tpu.memory_space<semaphore_mem>>) src(%arg7 : memref<128x16xf32, #tpu.memory_space<vmem>>) dst(%dma_wait3A_52 : memref<128x16xf32, #tpu.memory_space<vmem_shared>>)
      tpu.yield
    }) : () -> ()
    %barrier3A = arith.constant 0 : index
    tpu.barrier barrier_id(%barrier3A)
    %scan3A = arith.constant 0 : i32
    %scan3A_21 = arith.constant 0 : i32
    %scan3A_22 = arith.constant 80 : i32
    %scan3A_23 = arith.addi %scan3A_21, %scan3A_22 : i32
    %scan3A_24 = arith.constant 1 : i32
    scf.for %scan3A_47 = %scan3A_21 to %scan3A_23 step %scan3A_24  : i32 {
      "tpu.region"() ({
        %run_scoped3A = tpu.sem_alloc : memref<!tpu.dma_semaphore, #tpu.memory_space<semaphore_mem>>
        %dma_start3A = arith.constant 0 : i32
        %dma_start3A_48 = tpu.memref_slice %arg6[%scan3A_47, %dma_start3A] : memref<80x128xi32, #tpu.memory_space<vmem>> -> memref<1x128xi32, #tpu.memory_space<vmem>>
        %dma_start3A_49 = tpu.memref_squeeze %dma_start3A_48 : memref<1x128xi32, #tpu.memory_space<vmem>> -> memref<128xi32, #tpu.memory_space<vmem>>
        %dma_start3A_50 = arith.constant 0 : i32
        %dma_start3A_51 = arith.constant 0 : i32
        %dma_start3A_52 = tpu.memref_slice %arg9[%dma_start3A_50, %dma_start3A_51] : memref<10240x16xf32, #tpu.memory_space<vmem_shared>> -> memref<10240x16xf32, #tpu.memory_space<vmem_shared>>
        tpu.enqueue_indirect_dma source(%arg8 : memref<128x16xf32, #tpu.memory_space<vmem>>) target(%dma_start3A_52 : memref<10240x16xf32, #tpu.memory_space<vmem_shared>>) offsets(%dma_start3A_49 : memref<128xi32, #tpu.memory_space<vmem>>) semaphore(%run_scoped3A : memref<!tpu.dma_semaphore, #tpu.memory_space<semaphore_mem>>) {add = true}
        %dma_wait3A = arith.constant 0 : i32
        %dma_wait3A_53 = tpu.memref_slice %arg6[%scan3A_47, %dma_wait3A] : memref<80x128xi32, #tpu.memory_space<vmem>> -> memref<1x128xi32, #tpu.memory_space<vmem>>
        %dma_wait3A_54 = tpu.memref_squeeze %dma_wait3A_53 : memref<1x128xi32, #tpu.memory_space<vmem>> -> memref<128xi32, #tpu.memory_space<vmem>>
        %dma_wait3A_55 = arith.constant 0 : i32
        %dma_wait3A_56 = arith.constant 0 : i32
        %dma_wait3A_57 = tpu.memref_slice %arg9[%dma_wait3A_55, %dma_wait3A_56] : memref<10240x16xf32, #tpu.memory_space<vmem_shared>> -> memref<10240x16xf32, #tpu.memory_space<vmem_shared>>
        tpu.wait_indirect_dma semaphore(%run_scoped3A : memref<!tpu.dma_semaphore, #tpu.memory_space<semaphore_mem>>) src(%arg8 : memref<128x16xf32, #tpu.memory_space<vmem>>) dst(%dma_wait3A_57 : memref<10240x16xf32, #tpu.memory_space<vmem_shared>>)
        tpu.yield
      }) : () -> ()
    }
    %scan3A_25 = arith.constant 80 : i32
    %barrier3A_26 = arith.constant 0 : index
    tpu.barrier barrier_id(%barrier3A_26)
    %mul3A_27 = arith.constant 625 : i32
    %mul3A_28 = arith.muli %arg1, %mul3A_27 : i32
    %add3A_29 = arith.constant 0 : i32
    %add3A_30 = arith.addi %mul3A_28, %add3A_29 : i32
    "tpu.region"() ({
      %run_scoped3A = tpu.sem_alloc : memref<!tpu.dma_semaphore, #tpu.memory_space<semaphore_mem>>
      %dma_start3A = arith.constant 0 : i32
      %dma_start3A_47 = arith.constant 0 : i32
      %dma_start3A_48 = tpu.memref_slice %arg7[%dma_start3A, %dma_start3A_47] : memref<128x16xf32, #tpu.memory_space<vmem>> -> memref<125x16xf32, #tpu.memory_space<vmem>>
      %dma_start3A_49 = arith.constant 0 : i32
      %dma_start3A_50 = tpu.memref_slice %arg9[%add3A_30, %dma_start3A_49] : memref<10240x16xf32, #tpu.memory_space<vmem_shared>> -> memref<125x16xf32, #tpu.memory_space<vmem_shared>>
      %dma_start3A_51 = arith.constant 0 : i32
      %dma_start3A_52 = arith.constant 0 : i32
      %dma_start3A_53 = tpu.memref_slice %arg7[%dma_start3A_51, %dma_start3A_52] : memref<128x16xf32, #tpu.memory_space<vmem>> -> memref<125x16xf32, #tpu.memory_space<vmem>>
      %dma_start3A_54 = arith.constant 0 : i32
      %dma_start3A_55 = tpu.memref_slice %arg9[%add3A_30, %dma_start3A_54] : memref<10240x16xf32, #tpu.memory_space<vmem_shared>> -> memref<125x16xf32, #tpu.memory_space<vmem_shared>>
      tpu.enqueue_dma source(%dma_start3A_55 : memref<125x16xf32, #tpu.memory_space<vmem_shared>>) target(%dma_start3A_53 : memref<125x16xf32, #tpu.memory_space<vmem>>) target_semaphore(%run_scoped3A : memref<!tpu.dma_semaphore, #tpu.memory_space<semaphore_mem>>)
      %dma_wait3A = arith.constant 0 : i32
      %dma_wait3A_56 = arith.constant 0 : i32
      %dma_wait3A_57 = tpu.memref_slice %arg7[%dma_wait3A, %dma_wait3A_56] : memref<128x16xf32, #tpu.memory_space<vmem>> -> memref<125x16xf32, #tpu.memory_space<vmem>>
      %dma_wait3A_58 = arith.constant 0 : i32
      %dma_wait3A_59 = tpu.memref_slice %arg9[%add3A_30, %dma_wait3A_58] : memref<10240x16xf32, #tpu.memory_space<vmem_shared>> -> memref<125x16xf32, #tpu.memory_space<vmem_shared>>
      %dma_wait3A_60 = arith.constant 0 : i32
      %dma_wait3A_61 = arith.constant 0 : i32
      %dma_wait3A_62 = tpu.memref_slice %arg7[%dma_wait3A_60, %dma_wait3A_61] : memref<128x16xf32, #tpu.memory_space<vmem>> -> memref<125x16xf32, #tpu.memory_space<vmem>>
      %dma_wait3A_63 = arith.constant 0 : i32
      %dma_wait3A_64 = tpu.memref_slice %arg9[%add3A_30, %dma_wait3A_63] : memref<10240x16xf32, #tpu.memory_space<vmem_shared>> -> memref<125x16xf32, #tpu.memory_space<vmem_shared>>
      tpu.wait_dma2 semaphore(%run_scoped3A : memref<!tpu.dma_semaphore, #tpu.memory_space<semaphore_mem>>) src(%dma_wait3A_64 : memref<125x16xf32, #tpu.memory_space<vmem_shared>>) dst(%dma_wait3A_62 : memref<125x16xf32, #tpu.memory_space<vmem>>)
      tpu.yield
    }) : () -> ()
    "tpu.region"() ({
      %run_scoped3A = tpu.sem_alloc : memref<!tpu.dma_semaphore, #tpu.memory_space<semaphore_mem>>
      %dma_start3A = arith.constant 0 : i32
      %dma_start3A_47 = arith.constant 0 : i32
      %dma_start3A_48 = tpu.memref_slice %arg7[%dma_start3A, %dma_start3A_47] : memref<128x16xf32, #tpu.memory_space<vmem>> -> memref<125x16xf32, #tpu.memory_space<vmem>>
      %dma_start3A_49 = arith.constant 0 : i32
      %dma_start3A_50 = tpu.memref_slice %arg5[%arg0, %add3A_30, %dma_start3A_49] : memref<2x10000x16xf32, #tpu.memory_space<hbm>> -> memref<1x125x16xf32, #tpu.memory_space<hbm>>
      %dma_start3A_51 = tpu.memref_squeeze %dma_start3A_50 : memref<1x125x16xf32, #tpu.memory_space<hbm>> -> memref<125x16xf32, #tpu.memory_space<hbm>>
      %dma_start3A_52 = arith.constant 0 : i32
      %dma_start3A_53 = tpu.memref_slice %arg5[%arg0, %add3A_30, %dma_start3A_52] : memref<2x10000x16xf32, #tpu.memory_space<hbm>> -> memref<1x125x16xf32, #tpu.memory_space<hbm>>
      %dma_start3A_54 = tpu.memref_squeeze %dma_start3A_53 : memref<1x125x16xf32, #tpu.memory_space<hbm>> -> memref<125x16xf32, #tpu.memory_space<hbm>>
      %dma_start3A_55 = arith.constant 0 : i32
      %dma_start3A_56 = arith.constant 0 : i32
      %dma_start3A_57 = tpu.memref_slice %arg7[%dma_start3A_55, %dma_start3A_56] : memref<128x16xf32, #tpu.memory_space<vmem>> -> memref<125x16xf32, #tpu.memory_space<vmem>>
      tpu.enqueue_dma source(%dma_start3A_57 : memref<125x16xf32, #tpu.memory_space<vmem>>) target(%dma_start3A_54 : memref<125x16xf32, #tpu.memory_space<hbm>>) target_semaphore(%run_scoped3A : memref<!tpu.dma_semaphore, #tpu.memory_space<semaphore_mem>>)
      %dma_wait3A = arith.constant 0 : i32
      %dma_wait3A_58 = arith.constant 0 : i32
      %dma_wait3A_59 = tpu.memref_slice %arg7[%dma_wait3A, %dma_wait3A_58] : memref<128x16xf32, #tpu.memory_space<vmem>> -> memref<125x16xf32, #tpu.memory_space<vmem>>
      %dma_wait3A_60 = arith.constant 0 : i32
      %dma_wait3A_61 = tpu.memref_slice %arg5[%arg0, %add3A_30, %dma_wait3A_60] : memref<2x10000x16xf32, #tpu.memory_space<hbm>> -> memref<1x125x16xf32, #tpu.memory_space<hbm>>
      %dma_wait3A_62 = tpu.memref_squeeze %dma_wait3A_61 : memref<1x125x16xf32, #tpu.memory_space<hbm>> -> memref<125x16xf32, #tpu.memory_space<hbm>>
      %dma_wait3A_63 = arith.constant 0 : i32
      %dma_wait3A_64 = tpu.memref_slice %arg5[%arg0, %add3A_30, %dma_wait3A_63] : memref<2x10000x16xf32, #tpu.memory_space<hbm>> -> memref<1x125x16xf32, #tpu.memory_space<hbm>>
      %dma_wait3A_65 = tpu.memref_squeeze %dma_wait3A_64 : memref<1x125x16xf32, #tpu.memory_space<hbm>> -> memref<125x16xf32, #tpu.memory_space<hbm>>
      %dma_wait3A_66 = arith.constant 0 : i32
      %dma_wait3A_67 = arith.constant 0 : i32
      %dma_wait3A_68 = tpu.memref_slice %arg7[%dma_wait3A_66, %dma_wait3A_67] : memref<128x16xf32, #tpu.memory_space<vmem>> -> memref<125x16xf32, #tpu.memory_space<vmem>>
      tpu.wait_dma2 semaphore(%run_scoped3A : memref<!tpu.dma_semaphore, #tpu.memory_space<semaphore_mem>>) src(%dma_wait3A_68 : memref<125x16xf32, #tpu.memory_space<vmem>>) dst(%dma_wait3A_65 : memref<125x16xf32, #tpu.memory_space<hbm>>)
      tpu.yield
    }) : () -> ()
    %mul3A_31 = arith.constant 625 : i32
    %mul3A_32 = arith.muli %arg1, %mul3A_31 : i32
    %add3A_33 = arith.constant 125 : i32
    %add3A_34 = arith.addi %mul3A_32, %add3A_33 : i32
    "tpu.region"() ({
      %run_scoped3A = tpu.sem_alloc : memref<!tpu.dma_semaphore, #tpu.memory_space<semaphore_mem>>
      %dma_start3A = arith.constant 0 : i32
      %dma_start3A_47 = arith.constant 0 : i32
      %dma_start3A_48 = tpu.memref_slice %arg7[%dma_start3A, %dma_start3A_47] : memref<128x16xf32, #tpu.memory_space<vmem>> -> memref<125x16xf32, #tpu.memory_space<vmem>>
      %dma_start3A_49 = arith.constant 0 : i32
      %dma_start3A_50 = tpu.memref_slice %arg9[%add3A_34, %dma_start3A_49] : memref<10240x16xf32, #tpu.memory_space<vmem_shared>> -> memref<125x16xf32, #tpu.memory_space<vmem_shared>>
      %dma_start3A_51 = arith.constant 0 : i32
      %dma_start3A_52 = arith.constant 0 : i32
      %dma_start3A_53 = tpu.memref_slice %arg7[%dma_start3A_51, %dma_start3A_52] : memref<128x16xf32, #tpu.memory_space<vmem>> -> memref<125x16xf32, #tpu.memory_space<vmem>>
      %dma_start3A_54 = arith.constant 0 : i32
      %dma_start3A_55 = tpu.memref_slice %arg9[%add3A_34, %dma_start3A_54] : memref<10240x16xf32, #tpu.memory_space<vmem_shared>> -> memref<125x16xf32, #tpu.memory_space<vmem_shared>>
      tpu.enqueue_dma source(%dma_start3A_55 : memref<125x16xf32, #tpu.memory_space<vmem_shared>>) target(%dma_start3A_53 : memref<125x16xf32, #tpu.memory_space<vmem>>) target_semaphore(%run_scoped3A : memref<!tpu.dma_semaphore, #tpu.memory_space<semaphore_mem>>)
      %dma_wait3A = arith.constant 0 : i32
      %dma_wait3A_56 = arith.constant 0 : i32
      %dma_wait3A_57 = tpu.memref_slice %arg7[%dma_wait3A, %dma_wait3A_56] : memref<128x16xf32, #tpu.memory_space<vmem>> -> memref<125x16xf32, #tpu.memory_space<vmem>>
      %dma_wait3A_58 = arith.constant 0 : i32
      %dma_wait3A_59 = tpu.memref_slice %arg9[%add3A_34, %dma_wait3A_58] : memref<10240x16xf32, #tpu.memory_space<vmem_shared>> -> memref<125x16xf32, #tpu.memory_space<vmem_shared>>
      %dma_wait3A_60 = arith.constant 0 : i32
      %dma_wait3A_61 = arith.constant 0 : i32
      %dma_wait3A_62 = tpu.memref_slice %arg7[%dma_wait3A_60, %dma_wait3A_61] : memref<128x16xf32, #tpu.memory_space<vmem>> -> memref<125x16xf32, #tpu.memory_space<vmem>>
      %dma_wait3A_63 = arith.constant 0 : i32
      %dma_wait3A_64 = tpu.memref_slice %arg9[%add3A_34, %dma_wait3A_63] : memref<10240x16xf32, #tpu.memory_space<vmem_shared>> -> memref<125x16xf32, #tpu.memory_space<vmem_shared>>
      tpu.wait_dma2 semaphore(%run_scoped3A : memref<!tpu.dma_semaphore, #tpu.memory_space<semaphore_mem>>) src(%dma_wait3A_64 : memref<125x16xf32, #tpu.memory_space<vmem_shared>>) dst(%dma_wait3A_62 : memref<125x16xf32, #tpu.memory_space<vmem>>)
      tpu.yield
    }) : () -> ()
    "tpu.region"() ({
      %run_scoped3A = tpu.sem_alloc : memref<!tpu.dma_semaphore, #tpu.memory_space<semaphore_mem>>
      %dma_start3A = arith.constant 0 : i32
      %dma_start3A_47 = arith.constant 0 : i32
      %dma_start3A_48 = tpu.memref_slice %arg7[%dma_start3A, %dma_start3A_47] : memref<128x16xf32, #tpu.memory_space<vmem>> -> memref<125x16xf32, #tpu.memory_space<vmem>>
      %dma_start3A_49 = arith.constant 0 : i32
      %dma_start3A_50 = tpu.memref_slice %arg5[%arg0, %add3A_34, %dma_start3A_49] : memref<2x10000x16xf32, #tpu.memory_space<hbm>> -> memref<1x125x16xf32, #tpu.memory_space<hbm>>
      %dma_start3A_51 = tpu.memref_squeeze %dma_start3A_50 : memref<1x125x16xf32, #tpu.memory_space<hbm>> -> memref<125x16xf32, #tpu.memory_space<hbm>>
      %dma_start3A_52 = arith.constant 0 : i32
      %dma_start3A_53 = tpu.memref_slice %arg5[%arg0, %add3A_34, %dma_start3A_52] : memref<2x10000x16xf32, #tpu.memory_space<hbm>> -> memref<1x125x16xf32, #tpu.memory_space<hbm>>
      %dma_start3A_54 = tpu.memref_squeeze %dma_start3A_53 : memref<1x125x16xf32, #tpu.memory_space<hbm>> -> memref<125x16xf32, #tpu.memory_space<hbm>>
      %dma_start3A_55 = arith.constant 0 : i32
      %dma_start3A_56 = arith.constant 0 : i32
      %dma_start3A_57 = tpu.memref_slice %arg7[%dma_start3A_55, %dma_start3A_56] : memref<128x16xf32, #tpu.memory_space<vmem>> -> memref<125x16xf32, #tpu.memory_space<vmem>>
      tpu.enqueue_dma source(%dma_start3A_57 : memref<125x16xf32, #tpu.memory_space<vmem>>) target(%dma_start3A_54 : memref<125x16xf32, #tpu.memory_space<hbm>>) target_semaphore(%run_scoped3A : memref<!tpu.dma_semaphore, #tpu.memory_space<semaphore_mem>>)
      %dma_wait3A = arith.constant 0 : i32
      %dma_wait3A_58 = arith.constant 0 : i32
      %dma_wait3A_59 = tpu.memref_slice %arg7[%dma_wait3A, %dma_wait3A_58] : memref<128x16xf32, #tpu.memory_space<vmem>> -> memref<125x16xf32, #tpu.memory_space<vmem>>
      %dma_wait3A_60 = arith.constant 0 : i32
      %dma_wait3A_61 = tpu.memref_slice %arg5[%arg0, %add3A_34, %dma_wait3A_60] : memref<2x10000x16xf32, #tpu.memory_space<hbm>> -> memref<1x125x16xf32, #tpu.memory_space<hbm>>
      %dma_wait3A_62 = tpu.memref_squeeze %dma_wait3A_61 : memref<1x125x16xf32, #tpu.memory_space<hbm>> -> memref<125x16xf32, #tpu.memory_space<hbm>>
      %dma_wait3A_63 = arith.constant 0 : i32
      %dma_wait3A_64 = tpu.memref_slice %arg5[%arg0, %add3A_34, %dma_wait3A_63] : memref<2x10000x16xf32, #tpu.memory_space<hbm>> -> memref<1x125x16xf32, #tpu.memory_space<hbm>>
      %dma_wait3A_65 = tpu.memref_squeeze %dma_wait3A_64 : memref<1x125x16xf32, #tpu.memory_space<hbm>> -> memref<125x16xf32, #tpu.memory_space<hbm>>
      %dma_wait3A_66 = arith.constant 0 : i32
      %dma_wait3A_67 = arith.constant 0 : i32
      %dma_wait3A_68 = tpu.memref_slice %arg7[%dma_wait3A_66, %dma_wait3A_67] : memref<128x16xf32, #tpu.memory_space<vmem>> -> memref<125x16xf32, #tpu.memory_space<vmem>>
      tpu.wait_dma2 semaphore(%run_scoped3A : memref<!tpu.dma_semaphore, #tpu.memory_space<semaphore_mem>>) src(%dma_wait3A_68 : memref<125x16xf32, #tpu.memory_space<vmem>>) dst(%dma_wait3A_65 : memref<125x16xf32, #tpu.memory_space<hbm>>)
      tpu.yield
    }) : () -> ()
    %mul3A_35 = arith.constant 625 : i32
    %mul3A_36 = arith.muli %arg1, %mul3A_35 : i32
    %add3A_37 = arith.constant 250 : i32
    %add3A_38 = arith.addi %mul3A_36, %add3A_37 : i32
    "tpu.region"() ({
      %run_scoped3A = tpu.sem_alloc : memref<!tpu.dma_semaphore, #tpu.memory_space<semaphore_mem>>
      %dma_start3A = arith.constant 0 : i32
      %dma_start3A_47 = arith.constant 0 : i32
      %dma_start3A_48 = tpu.memref_slice %arg7[%dma_start3A, %dma_start3A_47] : memref<128x16xf32, #tpu.memory_space<vmem>> -> memref<125x16xf32, #tpu.memory_space<vmem>>
      %dma_start3A_49 = arith.constant 0 : i32
      %dma_start3A_50 = tpu.memref_slice %arg9[%add3A_38, %dma_start3A_49] : memref<10240x16xf32, #tpu.memory_space<vmem_shared>> -> memref<125x16xf32, #tpu.memory_space<vmem_shared>>
      %dma_start3A_51 = arith.constant 0 : i32
      %dma_start3A_52 = arith.constant 0 : i32
      %dma_start3A_53 = tpu.memref_slice %arg7[%dma_start3A_51, %dma_start3A_52] : memref<128x16xf32, #tpu.memory_space<vmem>> -> memref<125x16xf32, #tpu.memory_space<vmem>>
      %dma_start3A_54 = arith.constant 0 : i32
      %dma_start3A_55 = tpu.memref_slice %arg9[%add3A_38, %dma_start3A_54] : memref<10240x16xf32, #tpu.memory_space<vmem_shared>> -> memref<125x16xf32, #tpu.memory_space<vmem_shared>>
      tpu.enqueue_dma source(%dma_start3A_55 : memref<125x16xf32, #tpu.memory_space<vmem_shared>>) target(%dma_start3A_53 : memref<125x16xf32, #tpu.memory_space<vmem>>) target_semaphore(%run_scoped3A : memref<!tpu.dma_semaphore, #tpu.memory_space<semaphore_mem>>)
      %dma_wait3A = arith.constant 0 : i32
      %dma_wait3A_56 = arith.constant 0 : i32
      %dma_wait3A_57 = tpu.memref_slice %arg7[%dma_wait3A, %dma_wait3A_56] : memref<128x16xf32, #tpu.memory_space<vmem>> -> memref<125x16xf32, #tpu.memory_space<vmem>>
      %dma_wait3A_58 = arith.constant 0 : i32
      %dma_wait3A_59 = tpu.memref_slice %arg9[%add3A_38, %dma_wait3A_58] : memref<10240x16xf32, #tpu.memory_space<vmem_shared>> -> memref<125x16xf32, #tpu.memory_space<vmem_shared>>
      %dma_wait3A_60 = arith.constant 0 : i32
      %dma_wait3A_61 = arith.constant 0 : i32
      %dma_wait3A_62 = tpu.memref_slice %arg7[%dma_wait3A_60, %dma_wait3A_61] : memref<128x16xf32, #tpu.memory_space<vmem>> -> memref<125x16xf32, #tpu.memory_space<vmem>>
      %dma_wait3A_63 = arith.constant 0 : i32
      %dma_wait3A_64 = tpu.memref_slice %arg9[%add3A_38, %dma_wait3A_63] : memref<10240x16xf32, #tpu.memory_space<vmem_shared>> -> memref<125x16xf32, #tpu.memory_space<vmem_shared>>
      tpu.wait_dma2 semaphore(%run_scoped3A : memref<!tpu.dma_semaphore, #tpu.memory_space<semaphore_mem>>) src(%dma_wait3A_64 : memref<125x16xf32, #tpu.memory_space<vmem_shared>>) dst(%dma_wait3A_62 : memref<125x16xf32, #tpu.memory_space<vmem>>)
      tpu.yield
    }) : () -> ()
    "tpu.region"() ({
      %run_scoped3A = tpu.sem_alloc : memref<!tpu.dma_semaphore, #tpu.memory_space<semaphore_mem>>
      %dma_start3A = arith.constant 0 : i32
      %dma_start3A_47 = arith.constant 0 : i32
      %dma_start3A_48 = tpu.memref_slice %arg7[%dma_start3A, %dma_start3A_47] : memref<128x16xf32, #tpu.memory_space<vmem>> -> memref<125x16xf32, #tpu.memory_space<vmem>>
      %dma_start3A_49 = arith.constant 0 : i32
      %dma_start3A_50 = tpu.memref_slice %arg5[%arg0, %add3A_38, %dma_start3A_49] : memref<2x10000x16xf32, #tpu.memory_space<hbm>> -> memref<1x125x16xf32, #tpu.memory_space<hbm>>
      %dma_start3A_51 = tpu.memref_squeeze %dma_start3A_50 : memref<1x125x16xf32, #tpu.memory_space<hbm>> -> memref<125x16xf32, #tpu.memory_space<hbm>>
      %dma_start3A_52 = arith.constant 0 : i32
      %dma_start3A_53 = tpu.memref_slice %arg5[%arg0, %add3A_38, %dma_start3A_52] : memref<2x10000x16xf32, #tpu.memory_space<hbm>> -> memref<1x125x16xf32, #tpu.memory_space<hbm>>
      %dma_start3A_54 = tpu.memref_squeeze %dma_start3A_53 : memref<1x125x16xf32, #tpu.memory_space<hbm>> -> memref<125x16xf32, #tpu.memory_space<hbm>>
      %dma_start3A_55 = arith.constant 0 : i32
      %dma_start3A_56 = arith.constant 0 : i32
      %dma_start3A_57 = tpu.memref_slice %arg7[%dma_start3A_55, %dma_start3A_56] : memref<128x16xf32, #tpu.memory_space<vmem>> -> memref<125x16xf32, #tpu.memory_space<vmem>>
      tpu.enqueue_dma source(%dma_start3A_57 : memref<125x16xf32, #tpu.memory_space<vmem>>) target(%dma_start3A_54 : memref<125x16xf32, #tpu.memory_space<hbm>>) target_semaphore(%run_scoped3A : memref<!tpu.dma_semaphore, #tpu.memory_space<semaphore_mem>>)
      %dma_wait3A = arith.constant 0 : i32
      %dma_wait3A_58 = arith.constant 0 : i32
      %dma_wait3A_59 = tpu.memref_slice %arg7[%dma_wait3A, %dma_wait3A_58] : memref<128x16xf32, #tpu.memory_space<vmem>> -> memref<125x16xf32, #tpu.memory_space<vmem>>
      %dma_wait3A_60 = arith.constant 0 : i32
      %dma_wait3A_61 = tpu.memref_slice %arg5[%arg0, %add3A_38, %dma_wait3A_60] : memref<2x10000x16xf32, #tpu.memory_space<hbm>> -> memref<1x125x16xf32, #tpu.memory_space<hbm>>
      %dma_wait3A_62 = tpu.memref_squeeze %dma_wait3A_61 : memref<1x125x16xf32, #tpu.memory_space<hbm>> -> memref<125x16xf32, #tpu.memory_space<hbm>>
      %dma_wait3A_63 = arith.constant 0 : i32
      %dma_wait3A_64 = tpu.memref_slice %arg5[%arg0, %add3A_38, %dma_wait3A_63] : memref<2x10000x16xf32, #tpu.memory_space<hbm>> -> memref<1x125x16xf32, #tpu.memory_space<hbm>>
      %dma_wait3A_65 = tpu.memref_squeeze %dma_wait3A_64 : memref<1x125x16xf32, #tpu.memory_space<hbm>> -> memref<125x16xf32, #tpu.memory_space<hbm>>
      %dma_wait3A_66 = arith.constant 0 : i32
      %dma_wait3A_67 = arith.constant 0 : i32
      %dma_wait3A_68 = tpu.memref_slice %arg7[%dma_wait3A_66, %dma_wait3A_67] : memref<128x16xf32, #tpu.memory_space<vmem>> -> memref<125x16xf32, #tpu.memory_space<vmem>>
      tpu.wait_dma2 semaphore(%run_scoped3A : memref<!tpu.dma_semaphore, #tpu.memory_space<semaphore_mem>>) src(%dma_wait3A_68 : memref<125x16xf32, #tpu.memory_space<vmem>>) dst(%dma_wait3A_65 : memref<125x16xf32, #tpu.memory_space<hbm>>)
      tpu.yield
    }) : () -> ()
    %mul3A_39 = arith.constant 625 : i32
    %mul3A_40 = arith.muli %arg1, %mul3A_39 : i32
    %add3A_41 = arith.constant 375 : i32
    %add3A_42 = arith.addi %mul3A_40, %add3A_41 : i32
    "tpu.region"() ({
      %run_scoped3A = tpu.sem_alloc : memref<!tpu.dma_semaphore, #tpu.memory_space<semaphore_mem>>
      %dma_start3A = arith.constant 0 : i32
      %dma_start3A_47 = arith.constant 0 : i32
      %dma_start3A_48 = tpu.memref_slice %arg7[%dma_start3A, %dma_start3A_47] : memref<128x16xf32, #tpu.memory_space<vmem>> -> memref<125x16xf32, #tpu.memory_space<vmem>>
      %dma_start3A_49 = arith.constant 0 : i32
      %dma_start3A_50 = tpu.memref_slice %arg9[%add3A_42, %dma_start3A_49] : memref<10240x16xf32, #tpu.memory_space<vmem_shared>> -> memref<125x16xf32, #tpu.memory_space<vmem_shared>>
      %dma_start3A_51 = arith.constant 0 : i32
      %dma_start3A_52 = arith.constant 0 : i32
      %dma_start3A_53 = tpu.memref_slice %arg7[%dma_start3A_51, %dma_start3A_52] : memref<128x16xf32, #tpu.memory_space<vmem>> -> memref<125x16xf32, #tpu.memory_space<vmem>>
      %dma_start3A_54 = arith.constant 0 : i32
      %dma_start3A_55 = tpu.memref_slice %arg9[%add3A_42, %dma_start3A_54] : memref<10240x16xf32, #tpu.memory_space<vmem_shared>> -> memref<125x16xf32, #tpu.memory_space<vmem_shared>>
      tpu.enqueue_dma source(%dma_start3A_55 : memref<125x16xf32, #tpu.memory_space<vmem_shared>>) target(%dma_start3A_53 : memref<125x16xf32, #tpu.memory_space<vmem>>) target_semaphore(%run_scoped3A : memref<!tpu.dma_semaphore, #tpu.memory_space<semaphore_mem>>)
      %dma_wait3A = arith.constant 0 : i32
      %dma_wait3A_56 = arith.constant 0 : i32
      %dma_wait3A_57 = tpu.memref_slice %arg7[%dma_wait3A, %dma_wait3A_56] : memref<128x16xf32, #tpu.memory_space<vmem>> -> memref<125x16xf32, #tpu.memory_space<vmem>>
      %dma_wait3A_58 = arith.constant 0 : i32
      %dma_wait3A_59 = tpu.memref_slice %arg9[%add3A_42, %dma_wait3A_58] : memref<10240x16xf32, #tpu.memory_space<vmem_shared>> -> memref<125x16xf32, #tpu.memory_space<vmem_shared>>
      %dma_wait3A_60 = arith.constant 0 : i32
      %dma_wait3A_61 = arith.constant 0 : i32
      %dma_wait3A_62 = tpu.memref_slice %arg7[%dma_wait3A_60, %dma_wait3A_61] : memref<128x16xf32, #tpu.memory_space<vmem>> -> memref<125x16xf32, #tpu.memory_space<vmem>>
      %dma_wait3A_63 = arith.constant 0 : i32
      %dma_wait3A_64 = tpu.memref_slice %arg9[%add3A_42, %dma_wait3A_63] : memref<10240x16xf32, #tpu.memory_space<vmem_shared>> -> memref<125x16xf32, #tpu.memory_space<vmem_shared>>
      tpu.wait_dma2 semaphore(%run_scoped3A : memref<!tpu.dma_semaphore, #tpu.memory_space<semaphore_mem>>) src(%dma_wait3A_64 : memref<125x16xf32, #tpu.memory_space<vmem_shared>>) dst(%dma_wait3A_62 : memref<125x16xf32, #tpu.memory_space<vmem>>)
      tpu.yield
    }) : () -> ()
    "tpu.region"() ({
      %run_scoped3A = tpu.sem_alloc : memref<!tpu.dma_semaphore, #tpu.memory_space<semaphore_mem>>
      %dma_start3A = arith.constant 0 : i32
      %dma_start3A_47 = arith.constant 0 : i32
      %dma_start3A_48 = tpu.memref_slice %arg7[%dma_start3A, %dma_start3A_47] : memref<128x16xf32, #tpu.memory_space<vmem>> -> memref<125x16xf32, #tpu.memory_space<vmem>>
      %dma_start3A_49 = arith.constant 0 : i32
      %dma_start3A_50 = tpu.memref_slice %arg5[%arg0, %add3A_42, %dma_start3A_49] : memref<2x10000x16xf32, #tpu.memory_space<hbm>> -> memref<1x125x16xf32, #tpu.memory_space<hbm>>
      %dma_start3A_51 = tpu.memref_squeeze %dma_start3A_50 : memref<1x125x16xf32, #tpu.memory_space<hbm>> -> memref<125x16xf32, #tpu.memory_space<hbm>>
      %dma_start3A_52 = arith.constant 0 : i32
      %dma_start3A_53 = tpu.memref_slice %arg5[%arg0, %add3A_42, %dma_start3A_52] : memref<2x10000x16xf32, #tpu.memory_space<hbm>> -> memref<1x125x16xf32, #tpu.memory_space<hbm>>
      %dma_start3A_54 = tpu.memref_squeeze %dma_start3A_53 : memref<1x125x16xf32, #tpu.memory_space<hbm>> -> memref<125x16xf32, #tpu.memory_space<hbm>>
      %dma_start3A_55 = arith.constant 0 : i32
      %dma_start3A_56 = arith.constant 0 : i32
      %dma_start3A_57 = tpu.memref_slice %arg7[%dma_start3A_55, %dma_start3A_56] : memref<128x16xf32, #tpu.memory_space<vmem>> -> memref<125x16xf32, #tpu.memory_space<vmem>>
      tpu.enqueue_dma source(%dma_start3A_57 : memref<125x16xf32, #tpu.memory_space<vmem>>) target(%dma_start3A_54 : memref<125x16xf32, #tpu.memory_space<hbm>>) target_semaphore(%run_scoped3A : memref<!tpu.dma_semaphore, #tpu.memory_space<semaphore_mem>>)
      %dma_wait3A = arith.constant 0 : i32
      %dma_wait3A_58 = arith.constant 0 : i32
      %dma_wait3A_59 = tpu.memref_slice %arg7[%dma_wait3A, %dma_wait3A_58] : memref<128x16xf32, #tpu.memory_space<vmem>> -> memref<125x16xf32, #tpu.memory_space<vmem>>
      %dma_wait3A_60 = arith.constant 0 : i32
      %dma_wait3A_61 = tpu.memref_slice %arg5[%arg0, %add3A_42, %dma_wait3A_60] : memref<2x10000x16xf32, #tpu.memory_space<hbm>> -> memref<1x125x16xf32, #tpu.memory_space<hbm>>
      %dma_wait3A_62 = tpu.memref_squeeze %dma_wait3A_61 : memref<1x125x16xf32, #tpu.memory_space<hbm>> -> memref<125x16xf32, #tpu.memory_space<hbm>>
      %dma_wait3A_63 = arith.constant 0 : i32
      %dma_wait3A_64 = tpu.memref_slice %arg5[%arg0, %add3A_42, %dma_wait3A_63] : memref<2x10000x16xf32, #tpu.memory_space<hbm>> -> memref<1x125x16xf32, #tpu.memory_space<hbm>>
      %dma_wait3A_65 = tpu.memref_squeeze %dma_wait3A_64 : memref<1x125x16xf32, #tpu.memory_space<hbm>> -> memref<125x16xf32, #tpu.memory_space<hbm>>
      %dma_wait3A_66 = arith.constant 0 : i32
      %dma_wait3A_67 = arith.constant 0 : i32
      %dma_wait3A_68 = tpu.memref_slice %arg7[%dma_wait3A_66, %dma_wait3A_67] : memref<128x16xf32, #tpu.memory_space<vmem>> -> memref<125x16xf32, #tpu.memory_space<vmem>>
      tpu.wait_dma2 semaphore(%run_scoped3A : memref<!tpu.dma_semaphore, #tpu.memory_space<semaphore_mem>>) src(%dma_wait3A_68 : memref<125x16xf32, #tpu.memory_space<vmem>>) dst(%dma_wait3A_65 : memref<125x16xf32, #tpu.memory_space<hbm>>)
      tpu.yield
    }) : () -> ()
    %mul3A_43 = arith.constant 625 : i32
    %mul3A_44 = arith.muli %arg1, %mul3A_43 : i32
    %add3A_45 = arith.constant 500 : i32
    %add3A_46 = arith.addi %mul3A_44, %add3A_45 : i32
    "tpu.region"() ({
      %run_scoped3A = tpu.sem_alloc : memref<!tpu.dma_semaphore, #tpu.memory_space<semaphore_mem>>
      %dma_start3A = arith.constant 0 : i32
      %dma_start3A_47 = arith.constant 0 : i32
      %dma_start3A_48 = tpu.memref_slice %arg7[%dma_start3A, %dma_start3A_47] : memref<128x16xf32, #tpu.memory_space<vmem>> -> memref<125x16xf32, #tpu.memory_space<vmem>>
      %dma_start3A_49 = arith.constant 0 : i32
      %dma_start3A_50 = tpu.memref_slice %arg9[%add3A_46, %dma_start3A_49] : memref<10240x16xf32, #tpu.memory_space<vmem_shared>> -> memref<125x16xf32, #tpu.memory_space<vmem_shared>>
      %dma_start3A_51 = arith.constant 0 : i32
      %dma_start3A_52 = arith.constant 0 : i32
      %dma_start3A_53 = tpu.memref_slice %arg7[%dma_start3A_51, %dma_start3A_52] : memref<128x16xf32, #tpu.memory_space<vmem>> -> memref<125x16xf32, #tpu.memory_space<vmem>>
      %dma_start3A_54 = arith.constant 0 : i32
      %dma_start3A_55 = tpu.memref_slice %arg9[%add3A_46, %dma_start3A_54] : memref<10240x16xf32, #tpu.memory_space<vmem_shared>> -> memref<125x16xf32, #tpu.memory_space<vmem_shared>>
      tpu.enqueue_dma source(%dma_start3A_55 : memref<125x16xf32, #tpu.memory_space<vmem_shared>>) target(%dma_start3A_53 : memref<125x16xf32, #tpu.memory_space<vmem>>) target_semaphore(%run_scoped3A : memref<!tpu.dma_semaphore, #tpu.memory_space<semaphore_mem>>)
      %dma_wait3A = arith.constant 0 : i32
      %dma_wait3A_56 = arith.constant 0 : i32
      %dma_wait3A_57 = tpu.memref_slice %arg7[%dma_wait3A, %dma_wait3A_56] : memref<128x16xf32, #tpu.memory_space<vmem>> -> memref<125x16xf32, #tpu.memory_space<vmem>>
      %dma_wait3A_58 = arith.constant 0 : i32
      %dma_wait3A_59 = tpu.memref_slice %arg9[%add3A_46, %dma_wait3A_58] : memref<10240x16xf32, #tpu.memory_space<vmem_shared>> -> memref<125x16xf32, #tpu.memory_space<vmem_shared>>
      %dma_wait3A_60 = arith.constant 0 : i32
      %dma_wait3A_61 = arith.constant 0 : i32
      %dma_wait3A_62 = tpu.memref_slice %arg7[%dma_wait3A_60, %dma_wait3A_61] : memref<128x16xf32, #tpu.memory_space<vmem>> -> memref<125x16xf32, #tpu.memory_space<vmem>>
      %dma_wait3A_63 = arith.constant 0 : i32
      %dma_wait3A_64 = tpu.memref_slice %arg9[%add3A_46, %dma_wait3A_63] : memref<10240x16xf32, #tpu.memory_space<vmem_shared>> -> memref<125x16xf32, #tpu.memory_space<vmem_shared>>
      tpu.wait_dma2 semaphore(%run_scoped3A : memref<!tpu.dma_semaphore, #tpu.memory_space<semaphore_mem>>) src(%dma_wait3A_64 : memref<125x16xf32, #tpu.memory_space<vmem_shared>>) dst(%dma_wait3A_62 : memref<125x16xf32, #tpu.memory_space<vmem>>)
      tpu.yield
    }) : () -> ()
    "tpu.region"() ({
      %run_scoped3A = tpu.sem_alloc : memref<!tpu.dma_semaphore, #tpu.memory_space<semaphore_mem>>
      %dma_start3A = arith.constant 0 : i32
      %dma_start3A_47 = arith.constant 0 : i32
      %dma_start3A_48 = tpu.memref_slice %arg7[%dma_start3A, %dma_start3A_47] : memref<128x16xf32, #tpu.memory_space<vmem>> -> memref<125x16xf32, #tpu.memory_space<vmem>>
      %dma_start3A_49 = arith.constant 0 : i32
      %dma_start3A_50 = tpu.memref_slice %arg5[%arg0, %add3A_46, %dma_start3A_49] : memref<2x10000x16xf32, #tpu.memory_space<hbm>> -> memref<1x125x16xf32, #tpu.memory_space<hbm>>
      %dma_start3A_51 = tpu.memref_squeeze %dma_start3A_50 : memref<1x125x16xf32, #tpu.memory_space<hbm>> -> memref<125x16xf32, #tpu.memory_space<hbm>>
      %dma_start3A_52 = arith.constant 0 : i32
      %dma_start3A_53 = tpu.memref_slice %arg5[%arg0, %add3A_46, %dma_start3A_52] : memref<2x10000x16xf32, #tpu.memory_space<hbm>> -> memref<1x125x16xf32, #tpu.memory_space<hbm>>
      %dma_start3A_54 = tpu.memref_squeeze %dma_start3A_53 : memref<1x125x16xf32, #tpu.memory_space<hbm>> -> memref<125x16xf32, #tpu.memory_space<hbm>>
      %dma_start3A_55 = arith.constant 0 : i32
      %dma_start3A_56 = arith.constant 0 : i32
      %dma_start3A_57 = tpu.memref_slice %arg7[%dma_start3A_55, %dma_start3A_56] : memref<128x16xf32, #tpu.memory_space<vmem>> -> memref<125x16xf32, #tpu.memory_space<vmem>>
      tpu.enqueue_dma source(%dma_start3A_57 : memref<125x16xf32, #tpu.memory_space<vmem>>) target(%dma_start3A_54 : memref<125x16xf32, #tpu.memory_space<hbm>>) target_semaphore(%run_scoped3A : memref<!tpu.dma_semaphore, #tpu.memory_space<semaphore_mem>>)
      %dma_wait3A = arith.constant 0 : i32
      %dma_wait3A_58 = arith.constant 0 : i32
      %dma_wait3A_59 = tpu.memref_slice %arg7[%dma_wait3A, %dma_wait3A_58] : memref<128x16xf32, #tpu.memory_space<vmem>> -> memref<125x16xf32, #tpu.memory_space<vmem>>
      %dma_wait3A_60 = arith.constant 0 : i32
      %dma_wait3A_61 = tpu.memref_slice %arg5[%arg0, %add3A_46, %dma_wait3A_60] : memref<2x10000x16xf32, #tpu.memory_space<hbm>> -> memref<1x125x16xf32, #tpu.memory_space<hbm>>
      %dma_wait3A_62 = tpu.memref_squeeze %dma_wait3A_61 : memref<1x125x16xf32, #tpu.memory_space<hbm>> -> memref<125x16xf32, #tpu.memory_space<hbm>>
      %dma_wait3A_63 = arith.constant 0 : i32
      %dma_wait3A_64 = tpu.memref_slice %arg5[%arg0, %add3A_46, %dma_wait3A_63] : memref<2x10000x16xf32, #tpu.memory_space<hbm>> -> memref<1x125x16xf32, #tpu.memory_space<hbm>>
      %dma_wait3A_65 = tpu.memref_squeeze %dma_wait3A_64 : memref<1x125x16xf32, #tpu.memory_space<hbm>> -> memref<125x16xf32, #tpu.memory_space<hbm>>
      %dma_wait3A_66 = arith.constant 0 : i32
      %dma_wait3A_67 = arith.constant 0 : i32
      %dma_wait3A_68 = tpu.memref_slice %arg7[%dma_wait3A_66, %dma_wait3A_67] : memref<128x16xf32, #tpu.memory_space<vmem>> -> memref<125x16xf32, #tpu.memory_space<vmem>>
      tpu.wait_dma2 semaphore(%run_scoped3A : memref<!tpu.dma_semaphore, #tpu.memory_space<semaphore_mem>>) src(%dma_wait3A_68 : memref<125x16xf32, #tpu.memory_space<vmem>>) dst(%dma_wait3A_65 : memref<125x16xf32, #tpu.memory_space<hbm>>)
      tpu.yield
    }) : () -> ()
    return
  }
}

#map = affine_map<(d0, d1) -> (0, 0)>
#map1 = affine_map<(d0, d1) -> (0, 0, 0)>
module attributes {stable_mosaic.version = 14 : i64} {
  func.func @_agg_body(%arg0: i32, %arg1: i32, %arg2: memref<10000x128xf32, #tpu.memory_space<hbm>>, %arg3: memref<32x80x128xi32, #tpu.memory_space<hbm>>, %arg4: memref<32x80x128xi32, #tpu.memory_space<hbm>>, %arg5: memref<2x10000x128xf32, #tpu.memory_space<hbm>>, %arg6: memref<40x128xi32, #tpu.memory_space<vmem>>, %arg7: memref<40x128xi32, #tpu.memory_space<vmem>>, %arg8: memref<128x128xf32, #tpu.memory_space<vmem>>, %arg9: memref<128x128xf32, #tpu.memory_space<vmem>>, %arg10: memref<!tpu.dma_semaphore, #tpu.memory_space<semaphore_mem>>, %arg11: memref<!tpu.dma_semaphore, #tpu.memory_space<semaphore_mem>>, %arg12: memref<!tpu.dma_semaphore, #tpu.memory_space<semaphore_mem>>, %arg13: memref<10240x128xf32, #tpu.memory_space<vmem_shared>>) attributes {dimension_semantics = [#tpu.dimension_semantics<core_parallel>, #tpu.dimension_semantics<subcore_parallel>], iteration_bounds = array<i64: 2, 16>, scalar_prefetch = 0 : i64, scratch_operands = 8 : i64, tpu.core_type = #tpu.core_type<sc_vector_subcore>, window_params = [{transform_indices = #map}, {transform_indices = #map1}, {transform_indices = #map1}, {transform_indices = #map1}]} {
    %mul3A = arith.constant 16 : i32
    %mul3A_0 = arith.muli %arg0, %mul3A : i32
    %add3A = arith.addi %mul3A_0, %arg1 : i32
    %dma_start3A = arith.constant 0 : i32
    %dma_start3A_1 = arith.constant 0 : i32
    %dma_start3A_2 = tpu.memref_slice %arg3[%add3A, %dma_start3A, %dma_start3A_1] : memref<32x80x128xi32, #tpu.memory_space<hbm>> -> memref<1x40x128xi32, #tpu.memory_space<hbm>>
    %dma_start3A_3 = tpu.memref_squeeze %dma_start3A_2 : memref<1x40x128xi32, #tpu.memory_space<hbm>> -> memref<40x128xi32, #tpu.memory_space<hbm>>
    %dma_start3A_4 = arith.constant 0 : i32
    %dma_start3A_5 = arith.constant 0 : i32
    %dma_start3A_6 = tpu.memref_slice %arg3[%add3A, %dma_start3A_4, %dma_start3A_5] : memref<32x80x128xi32, #tpu.memory_space<hbm>> -> memref<1x40x128xi32, #tpu.memory_space<hbm>>
    %dma_start3A_7 = tpu.memref_squeeze %dma_start3A_6 : memref<1x40x128xi32, #tpu.memory_space<hbm>> -> memref<40x128xi32, #tpu.memory_space<hbm>>
    tpu.enqueue_dma source(%dma_start3A_7 : memref<40x128xi32, #tpu.memory_space<hbm>>) target(%arg6 : memref<40x128xi32, #tpu.memory_space<vmem>>) target_semaphore(%arg10 : memref<!tpu.dma_semaphore, #tpu.memory_space<semaphore_mem>>)
    %dma_start3A_8 = arith.constant 0 : i32
    %dma_start3A_9 = arith.constant 0 : i32
    %dma_start3A_10 = tpu.memref_slice %arg4[%add3A, %dma_start3A_8, %dma_start3A_9] : memref<32x80x128xi32, #tpu.memory_space<hbm>> -> memref<1x40x128xi32, #tpu.memory_space<hbm>>
    %dma_start3A_11 = tpu.memref_squeeze %dma_start3A_10 : memref<1x40x128xi32, #tpu.memory_space<hbm>> -> memref<40x128xi32, #tpu.memory_space<hbm>>
    %dma_start3A_12 = arith.constant 0 : i32
    %dma_start3A_13 = arith.constant 0 : i32
    %dma_start3A_14 = tpu.memref_slice %arg4[%add3A, %dma_start3A_12, %dma_start3A_13] : memref<32x80x128xi32, #tpu.memory_space<hbm>> -> memref<1x40x128xi32, #tpu.memory_space<hbm>>
    %dma_start3A_15 = tpu.memref_squeeze %dma_start3A_14 : memref<1x40x128xi32, #tpu.memory_space<hbm>> -> memref<40x128xi32, #tpu.memory_space<hbm>>
    tpu.enqueue_dma source(%dma_start3A_15 : memref<40x128xi32, #tpu.memory_space<hbm>>) target(%arg7 : memref<40x128xi32, #tpu.memory_space<vmem>>) target_semaphore(%arg11 : memref<!tpu.dma_semaphore, #tpu.memory_space<semaphore_mem>>)
    %scan3A = arith.constant 0 : i32
    %scan3A_16 = arith.constant 0 : i32
    %scan3A_17 = arith.constant 128 : i32
    %scan3A_18 = arith.addi %scan3A_16, %scan3A_17 : i32
    %scan3A_19 = arith.constant 1 : i32
    scf.for %scan3A_319 = %scan3A_16 to %scan3A_18 step %scan3A_19  : i32 {
      %broadcast_in_dim3A = arith.constant 0.000000e+00 : f32
      %broadcast_in_dim3A_320 = vector.broadcast %broadcast_in_dim3A : f32 to vector<16xf32>
      %swap3A = arith.index_cast %scan3A_319 : i32 to index
      %swap3A_321 = arith.constant 0 : index
      %swap3A_322 = tpu.vector_load %arg8[%swap3A, %swap3A_321] {strides = array<i32>} : memref<128x128xf32, #tpu.memory_space<vmem>>, vector<1x16xf32>,
      %swap3A_323 = vector.shape_cast %swap3A_322 : vector<1x16xf32> to vector<16xf32>
      %swap3A_324 = vector.shape_cast %broadcast_in_dim3A_320 : vector<16xf32> to vector<1x16xf32>
      tpu.vector_store %arg8[%swap3A, %swap3A_321], %swap3A_324 {strides = array<i32>} : memref<128x128xf32, #tpu.memory_space<vmem>>, vector<1x16xf32>,
      %broadcast_in_dim3A_325 = arith.constant 0.000000e+00 : f32
      %broadcast_in_dim3A_326 = vector.broadcast %broadcast_in_dim3A_325 : f32 to vector<16xf32>
      %swap3A_327 = arith.index_cast %scan3A_319 : i32 to index
      %swap3A_328 = arith.constant 16 : index
      %swap3A_329 = tpu.vector_load %arg8[%swap3A_327, %swap3A_328] {strides = array<i32>} : memref<128x128xf32, #tpu.memory_space<vmem>>, vector<1x16xf32>,
      %swap3A_330 = vector.shape_cast %swap3A_329 : vector<1x16xf32> to vector<16xf32>
      %swap3A_331 = vector.shape_cast %broadcast_in_dim3A_326 : vector<16xf32> to vector<1x16xf32>
      tpu.vector_store %arg8[%swap3A_327, %swap3A_328], %swap3A_331 {strides = array<i32>} : memref<128x128xf32, #tpu.memory_space<vmem>>, vector<1x16xf32>,
      %broadcast_in_dim3A_332 = arith.constant 0.000000e+00 : f32
      %broadcast_in_dim3A_333 = vector.broadcast %broadcast_in_dim3A_332 : f32 to vector<16xf32>
      %swap3A_334 = arith.index_cast %scan3A_319 : i32 to index
      %swap3A_335 = arith.constant 32 : index
      %swap3A_336 = tpu.vector_load %arg8[%swap3A_334, %swap3A_335] {strides = array<i32>} : memref<128x128xf32, #tpu.memory_space<vmem>>, vector<1x16xf32>,
      %swap3A_337 = vector.shape_cast %swap3A_336 : vector<1x16xf32> to vector<16xf32>
      %swap3A_338 = vector.shape_cast %broadcast_in_dim3A_333 : vector<16xf32> to vector<1x16xf32>
      tpu.vector_store %arg8[%swap3A_334, %swap3A_335], %swap3A_338 {strides = array<i32>} : memref<128x128xf32, #tpu.memory_space<vmem>>, vector<1x16xf32>,
      %broadcast_in_dim3A_339 = arith.constant 0.000000e+00 : f32
      %broadcast_in_dim3A_340 = vector.broadcast %broadcast_in_dim3A_339 : f32 to vector<16xf32>
      %swap3A_341 = arith.index_cast %scan3A_319 : i32 to index
      %swap3A_342 = arith.constant 48 : index
      %swap3A_343 = tpu.vector_load %arg8[%swap3A_341, %swap3A_342] {strides = array<i32>} : memref<128x128xf32, #tpu.memory_space<vmem>>, vector<1x16xf32>,
      %swap3A_344 = vector.shape_cast %swap3A_343 : vector<1x16xf32> to vector<16xf32>
      %swap3A_345 = vector.shape_cast %broadcast_in_dim3A_340 : vector<16xf32> to vector<1x16xf32>
      tpu.vector_store %arg8[%swap3A_341, %swap3A_342], %swap3A_345 {strides = array<i32>} : memref<128x128xf32, #tpu.memory_space<vmem>>, vector<1x16xf32>,
      %broadcast_in_dim3A_346 = arith.constant 0.000000e+00 : f32
      %broadcast_in_dim3A_347 = vector.broadcast %broadcast_in_dim3A_346 : f32 to vector<16xf32>
      %swap3A_348 = arith.index_cast %scan3A_319 : i32 to index
      %swap3A_349 = arith.constant 64 : index
      %swap3A_350 = tpu.vector_load %arg8[%swap3A_348, %swap3A_349] {strides = array<i32>} : memref<128x128xf32, #tpu.memory_space<vmem>>, vector<1x16xf32>,
      %swap3A_351 = vector.shape_cast %swap3A_350 : vector<1x16xf32> to vector<16xf32>
      %swap3A_352 = vector.shape_cast %broadcast_in_dim3A_347 : vector<16xf32> to vector<1x16xf32>
      tpu.vector_store %arg8[%swap3A_348, %swap3A_349], %swap3A_352 {strides = array<i32>} : memref<128x128xf32, #tpu.memory_space<vmem>>, vector<1x16xf32>,
      %broadcast_in_dim3A_353 = arith.constant 0.000000e+00 : f32
      %broadcast_in_dim3A_354 = vector.broadcast %broadcast_in_dim3A_353 : f32 to vector<16xf32>
      %swap3A_355 = arith.index_cast %scan3A_319 : i32 to index
      %swap3A_356 = arith.constant 80 : index
      %swap3A_357 = tpu.vector_load %arg8[%swap3A_355, %swap3A_356] {strides = array<i32>} : memref<128x128xf32, #tpu.memory_space<vmem>>, vector<1x16xf32>,
      %swap3A_358 = vector.shape_cast %swap3A_357 : vector<1x16xf32> to vector<16xf32>
      %swap3A_359 = vector.shape_cast %broadcast_in_dim3A_354 : vector<16xf32> to vector<1x16xf32>
      tpu.vector_store %arg8[%swap3A_355, %swap3A_356], %swap3A_359 {strides = array<i32>} : memref<128x128xf32, #tpu.memory_space<vmem>>, vector<1x16xf32>,
      %broadcast_in_dim3A_360 = arith.constant 0.000000e+00 : f32
      %broadcast_in_dim3A_361 = vector.broadcast %broadcast_in_dim3A_360 : f32 to vector<16xf32>
      %swap3A_362 = arith.index_cast %scan3A_319 : i32 to index
      %swap3A_363 = arith.constant 96 : index
      %swap3A_364 = tpu.vector_load %arg8[%swap3A_362, %swap3A_363] {strides = array<i32>} : memref<128x128xf32, #tpu.memory_space<vmem>>, vector<1x16xf32>,
      %swap3A_365 = vector.shape_cast %swap3A_364 : vector<1x16xf32> to vector<16xf32>
      %swap3A_366 = vector.shape_cast %broadcast_in_dim3A_361 : vector<16xf32> to vector<1x16xf32>
      tpu.vector_store %arg8[%swap3A_362, %swap3A_363], %swap3A_366 {strides = array<i32>} : memref<128x128xf32, #tpu.memory_space<vmem>>, vector<1x16xf32>,
      %broadcast_in_dim3A_367 = arith.constant 0.000000e+00 : f32
      %broadcast_in_dim3A_368 = vector.broadcast %broadcast_in_dim3A_367 : f32 to vector<16xf32>
      %swap3A_369 = arith.index_cast %scan3A_319 : i32 to index
      %swap3A_370 = arith.constant 112 : index
      %swap3A_371 = tpu.vector_load %arg8[%swap3A_369, %swap3A_370] {strides = array<i32>} : memref<128x128xf32, #tpu.memory_space<vmem>>, vector<1x16xf32>,
      %swap3A_372 = vector.shape_cast %swap3A_371 : vector<1x16xf32> to vector<16xf32>
      %swap3A_373 = vector.shape_cast %broadcast_in_dim3A_368 : vector<16xf32> to vector<1x16xf32>
      tpu.vector_store %arg8[%swap3A_369, %swap3A_370], %swap3A_373 {strides = array<i32>} : memref<128x128xf32, #tpu.memory_space<vmem>>, vector<1x16xf32>,
    }
    %scan3A_20 = arith.constant 128 : i32
    %mul3A_21 = arith.constant 640 : i32
    %mul3A_22 = arith.muli %arg1, %mul3A_21 : i32
    %add3A_23 = arith.constant 0 : i32
    %add3A_24 = arith.addi %mul3A_22, %add3A_23 : i32
    %dma_start3A_25 = arith.constant 0 : i32
    %dma_start3A_26 = tpu.memref_slice %arg13[%add3A_24, %dma_start3A_25] : memref<10240x128xf32, #tpu.memory_space<vmem_shared>> -> memref<128x128xf32, #tpu.memory_space<vmem_shared>>
    %dma_start3A_27 = arith.constant 0 : i32
    %dma_start3A_28 = tpu.memref_slice %arg13[%add3A_24, %dma_start3A_27] : memref<10240x128xf32, #tpu.memory_space<vmem_shared>> -> memref<128x128xf32, #tpu.memory_space<vmem_shared>>
    tpu.enqueue_dma source(%arg8 : memref<128x128xf32, #tpu.memory_space<vmem>>) target(%dma_start3A_28 : memref<128x128xf32, #tpu.memory_space<vmem_shared>>) target_semaphore(%arg12 : memref<!tpu.dma_semaphore, #tpu.memory_space<semaphore_mem>>)
    %mul3A_29 = arith.constant 640 : i32
    %mul3A_30 = arith.muli %arg1, %mul3A_29 : i32
    %add3A_31 = arith.constant 128 : i32
    %add3A_32 = arith.addi %mul3A_30, %add3A_31 : i32
    %dma_start3A_33 = arith.constant 0 : i32
    %dma_start3A_34 = tpu.memref_slice %arg13[%add3A_32, %dma_start3A_33] : memref<10240x128xf32, #tpu.memory_space<vmem_shared>> -> memref<128x128xf32, #tpu.memory_space<vmem_shared>>
    %dma_start3A_35 = arith.constant 0 : i32
    %dma_start3A_36 = tpu.memref_slice %arg13[%add3A_32, %dma_start3A_35] : memref<10240x128xf32, #tpu.memory_space<vmem_shared>> -> memref<128x128xf32, #tpu.memory_space<vmem_shared>>
    tpu.enqueue_dma source(%arg8 : memref<128x128xf32, #tpu.memory_space<vmem>>) target(%dma_start3A_36 : memref<128x128xf32, #tpu.memory_space<vmem_shared>>) target_semaphore(%arg12 : memref<!tpu.dma_semaphore, #tpu.memory_space<semaphore_mem>>)
    %mul3A_37 = arith.constant 640 : i32
    %mul3A_38 = arith.muli %arg1, %mul3A_37 : i32
    %add3A_39 = arith.constant 256 : i32
    %add3A_40 = arith.addi %mul3A_38, %add3A_39 : i32
    %dma_start3A_41 = arith.constant 0 : i32
    %dma_start3A_42 = tpu.memref_slice %arg13[%add3A_40, %dma_start3A_41] : memref<10240x128xf32, #tpu.memory_space<vmem_shared>> -> memref<128x128xf32, #tpu.memory_space<vmem_shared>>
    %dma_start3A_43 = arith.constant 0 : i32
    %dma_start3A_44 = tpu.memref_slice %arg13[%add3A_40, %dma_start3A_43] : memref<10240x128xf32, #tpu.memory_space<vmem_shared>> -> memref<128x128xf32, #tpu.memory_space<vmem_shared>>
    tpu.enqueue_dma source(%arg8 : memref<128x128xf32, #tpu.memory_space<vmem>>) target(%dma_start3A_44 : memref<128x128xf32, #tpu.memory_space<vmem_shared>>) target_semaphore(%arg12 : memref<!tpu.dma_semaphore, #tpu.memory_space<semaphore_mem>>)
    %mul3A_45 = arith.constant 640 : i32
    %mul3A_46 = arith.muli %arg1, %mul3A_45 : i32
    %add3A_47 = arith.constant 384 : i32
    %add3A_48 = arith.addi %mul3A_46, %add3A_47 : i32
    %dma_start3A_49 = arith.constant 0 : i32
    %dma_start3A_50 = tpu.memref_slice %arg13[%add3A_48, %dma_start3A_49] : memref<10240x128xf32, #tpu.memory_space<vmem_shared>> -> memref<128x128xf32, #tpu.memory_space<vmem_shared>>
    %dma_start3A_51 = arith.constant 0 : i32
    %dma_start3A_52 = tpu.memref_slice %arg13[%add3A_48, %dma_start3A_51] : memref<10240x128xf32, #tpu.memory_space<vmem_shared>> -> memref<128x128xf32, #tpu.memory_space<vmem_shared>>
    tpu.enqueue_dma source(%arg8 : memref<128x128xf32, #tpu.memory_space<vmem>>) target(%dma_start3A_52 : memref<128x128xf32, #tpu.memory_space<vmem_shared>>) target_semaphore(%arg12 : memref<!tpu.dma_semaphore, #tpu.memory_space<semaphore_mem>>)
    %mul3A_53 = arith.constant 640 : i32
    %mul3A_54 = arith.muli %arg1, %mul3A_53 : i32
    %add3A_55 = arith.constant 512 : i32
    %add3A_56 = arith.addi %mul3A_54, %add3A_55 : i32
    %dma_start3A_57 = arith.constant 0 : i32
    %dma_start3A_58 = tpu.memref_slice %arg13[%add3A_56, %dma_start3A_57] : memref<10240x128xf32, #tpu.memory_space<vmem_shared>> -> memref<128x128xf32, #tpu.memory_space<vmem_shared>>
    %dma_start3A_59 = arith.constant 0 : i32
    %dma_start3A_60 = tpu.memref_slice %arg13[%add3A_56, %dma_start3A_59] : memref<10240x128xf32, #tpu.memory_space<vmem_shared>> -> memref<128x128xf32, #tpu.memory_space<vmem_shared>>
    tpu.enqueue_dma source(%arg8 : memref<128x128xf32, #tpu.memory_space<vmem>>) target(%dma_start3A_60 : memref<128x128xf32, #tpu.memory_space<vmem_shared>>) target_semaphore(%arg12 : memref<!tpu.dma_semaphore, #tpu.memory_space<semaphore_mem>>)
    %dma_wait3A = arith.constant 0 : i32
    %dma_wait3A_61 = arith.constant 0 : i32
    %dma_wait3A_62 = tpu.memref_slice %arg13[%dma_wait3A, %dma_wait3A_61] : memref<10240x128xf32, #tpu.memory_space<vmem_shared>> -> memref<128x128xf32, #tpu.memory_space<vmem_shared>>
    %dma_wait3A_63 = arith.constant 0 : i32
    %dma_wait3A_64 = arith.constant 0 : i32
    %dma_wait3A_65 = tpu.memref_slice %arg13[%dma_wait3A_63, %dma_wait3A_64] : memref<10240x128xf32, #tpu.memory_space<vmem_shared>> -> memref<128x128xf32, #tpu.memory_space<vmem_shared>>
    tpu.wait_dma2 semaphore(%arg12 : memref<!tpu.dma_semaphore, #tpu.memory_space<semaphore_mem>>) src(%arg8 : memref<128x128xf32, #tpu.memory_space<vmem>>) dst(%dma_wait3A_65 : memref<128x128xf32, #tpu.memory_space<vmem_shared>>)
    %dma_wait3A_66 = arith.constant 0 : i32
    %dma_wait3A_67 = arith.constant 0 : i32
    %dma_wait3A_68 = tpu.memref_slice %arg13[%dma_wait3A_66, %dma_wait3A_67] : memref<10240x128xf32, #tpu.memory_space<vmem_shared>> -> memref<128x128xf32, #tpu.memory_space<vmem_shared>>
    %dma_wait3A_69 = arith.constant 0 : i32
    %dma_wait3A_70 = arith.constant 0 : i32
    %dma_wait3A_71 = tpu.memref_slice %arg13[%dma_wait3A_69, %dma_wait3A_70] : memref<10240x128xf32, #tpu.memory_space<vmem_shared>> -> memref<128x128xf32, #tpu.memory_space<vmem_shared>>
    tpu.wait_dma2 semaphore(%arg12 : memref<!tpu.dma_semaphore, #tpu.memory_space<semaphore_mem>>) src(%arg8 : memref<128x128xf32, #tpu.memory_space<vmem>>) dst(%dma_wait3A_71 : memref<128x128xf32, #tpu.memory_space<vmem_shared>>)
    %dma_wait3A_72 = arith.constant 0 : i32
    %dma_wait3A_73 = arith.constant 0 : i32
    %dma_wait3A_74 = tpu.memref_slice %arg13[%dma_wait3A_72, %dma_wait3A_73] : memref<10240x128xf32, #tpu.memory_space<vmem_shared>> -> memref<128x128xf32, #tpu.memory_space<vmem_shared>>
    %dma_wait3A_75 = arith.constant 0 : i32
    %dma_wait3A_76 = arith.constant 0 : i32
    %dma_wait3A_77 = tpu.memref_slice %arg13[%dma_wait3A_75, %dma_wait3A_76] : memref<10240x128xf32, #tpu.memory_space<vmem_shared>> -> memref<128x128xf32, #tpu.memory_space<vmem_shared>>
    tpu.wait_dma2 semaphore(%arg12 : memref<!tpu.dma_semaphore, #tpu.memory_space<semaphore_mem>>) src(%arg8 : memref<128x128xf32, #tpu.memory_space<vmem>>) dst(%dma_wait3A_77 : memref<128x128xf32, #tpu.memory_space<vmem_shared>>)
    %dma_wait3A_78 = arith.constant 0 : i32
    %dma_wait3A_79 = arith.constant 0 : i32
    %dma_wait3A_80 = tpu.memref_slice %arg13[%dma_wait3A_78, %dma_wait3A_79] : memref<10240x128xf32, #tpu.memory_space<vmem_shared>> -> memref<128x128xf32, #tpu.memory_space<vmem_shared>>
    %dma_wait3A_81 = arith.constant 0 : i32
    %dma_wait3A_82 = arith.constant 0 : i32
    %dma_wait3A_83 = tpu.memref_slice %arg13[%dma_wait3A_81, %dma_wait3A_82] : memref<10240x128xf32, #tpu.memory_space<vmem_shared>> -> memref<128x128xf32, #tpu.memory_space<vmem_shared>>
    tpu.wait_dma2 semaphore(%arg12 : memref<!tpu.dma_semaphore, #tpu.memory_space<semaphore_mem>>) src(%arg8 : memref<128x128xf32, #tpu.memory_space<vmem>>) dst(%dma_wait3A_83 : memref<128x128xf32, #tpu.memory_space<vmem_shared>>)
    %dma_wait3A_84 = arith.constant 0 : i32
    %dma_wait3A_85 = arith.constant 0 : i32
    %dma_wait3A_86 = tpu.memref_slice %arg13[%dma_wait3A_84, %dma_wait3A_85] : memref<10240x128xf32, #tpu.memory_space<vmem_shared>> -> memref<128x128xf32, #tpu.memory_space<vmem_shared>>
    %dma_wait3A_87 = arith.constant 0 : i32
    %dma_wait3A_88 = arith.constant 0 : i32
    %dma_wait3A_89 = tpu.memref_slice %arg13[%dma_wait3A_87, %dma_wait3A_88] : memref<10240x128xf32, #tpu.memory_space<vmem_shared>> -> memref<128x128xf32, #tpu.memory_space<vmem_shared>>
    tpu.wait_dma2 semaphore(%arg12 : memref<!tpu.dma_semaphore, #tpu.memory_space<semaphore_mem>>) src(%arg8 : memref<128x128xf32, #tpu.memory_space<vmem>>) dst(%dma_wait3A_89 : memref<128x128xf32, #tpu.memory_space<vmem_shared>>)
    %dma_wait3A_90 = arith.constant 0 : i32
    %dma_wait3A_91 = arith.constant 0 : i32
    %dma_wait3A_92 = tpu.memref_slice %arg3[%add3A, %dma_wait3A_90, %dma_wait3A_91] : memref<32x80x128xi32, #tpu.memory_space<hbm>> -> memref<1x40x128xi32, #tpu.memory_space<hbm>>
    %dma_wait3A_93 = tpu.memref_squeeze %dma_wait3A_92 : memref<1x40x128xi32, #tpu.memory_space<hbm>> -> memref<40x128xi32, #tpu.memory_space<hbm>>
    %dma_wait3A_94 = arith.constant 0 : i32
    %dma_wait3A_95 = arith.constant 0 : i32
    %dma_wait3A_96 = tpu.memref_slice %arg3[%add3A, %dma_wait3A_94, %dma_wait3A_95] : memref<32x80x128xi32, #tpu.memory_space<hbm>> -> memref<1x40x128xi32, #tpu.memory_space<hbm>>
    %dma_wait3A_97 = tpu.memref_squeeze %dma_wait3A_96 : memref<1x40x128xi32, #tpu.memory_space<hbm>> -> memref<40x128xi32, #tpu.memory_space<hbm>>
    tpu.wait_dma2 semaphore(%arg10 : memref<!tpu.dma_semaphore, #tpu.memory_space<semaphore_mem>>) src(%dma_wait3A_97 : memref<40x128xi32, #tpu.memory_space<hbm>>) dst(%arg6 : memref<40x128xi32, #tpu.memory_space<vmem>>)
    %dma_wait3A_98 = arith.constant 0 : i32
    %dma_wait3A_99 = arith.constant 0 : i32
    %dma_wait3A_100 = tpu.memref_slice %arg4[%add3A, %dma_wait3A_98, %dma_wait3A_99] : memref<32x80x128xi32, #tpu.memory_space<hbm>> -> memref<1x40x128xi32, #tpu.memory_space<hbm>>
    %dma_wait3A_101 = tpu.memref_squeeze %dma_wait3A_100 : memref<1x40x128xi32, #tpu.memory_space<hbm>> -> memref<40x128xi32, #tpu.memory_space<hbm>>
    %dma_wait3A_102 = arith.constant 0 : i32
    %dma_wait3A_103 = arith.constant 0 : i32
    %dma_wait3A_104 = tpu.memref_slice %arg4[%add3A, %dma_wait3A_102, %dma_wait3A_103] : memref<32x80x128xi32, #tpu.memory_space<hbm>> -> memref<1x40x128xi32, #tpu.memory_space<hbm>>
    %dma_wait3A_105 = tpu.memref_squeeze %dma_wait3A_104 : memref<1x40x128xi32, #tpu.memory_space<hbm>> -> memref<40x128xi32, #tpu.memory_space<hbm>>
    tpu.wait_dma2 semaphore(%arg11 : memref<!tpu.dma_semaphore, #tpu.memory_space<semaphore_mem>>) src(%dma_wait3A_105 : memref<40x128xi32, #tpu.memory_space<hbm>>) dst(%arg7 : memref<40x128xi32, #tpu.memory_space<vmem>>)
    %barrier3A = arith.constant 0 : index
    tpu.barrier barrier_id(%barrier3A)
    %dma_start3A_106 = arith.constant 0 : i32
    %dma_start3A_107 = arith.constant 0 : i32
    %dma_start3A_108 = tpu.memref_slice %arg6[%dma_start3A_106, %dma_start3A_107] : memref<40x128xi32, #tpu.memory_space<vmem>> -> memref<1x128xi32, #tpu.memory_space<vmem>>
    %dma_start3A_109 = tpu.memref_squeeze %dma_start3A_108 : memref<1x128xi32, #tpu.memory_space<vmem>> -> memref<128xi32, #tpu.memory_space<vmem>>
    %dma_start3A_110 = arith.constant 0 : i32
    %dma_start3A_111 = arith.constant 0 : i32
    %dma_start3A_112 = tpu.memref_slice %arg2[%dma_start3A_110, %dma_start3A_111] : memref<10000x128xf32, #tpu.memory_space<hbm>> -> memref<10000x128xf32, #tpu.memory_space<hbm>>
    tpu.enqueue_indirect_dma source(%dma_start3A_112 : memref<10000x128xf32, #tpu.memory_space<hbm>>) target(%arg8 : memref<128x128xf32, #tpu.memory_space<vmem>>) offsets(%dma_start3A_109 : memref<128xi32, #tpu.memory_space<vmem>>) semaphore(%arg10 : memref<!tpu.dma_semaphore, #tpu.memory_space<semaphore_mem>>)
    %dma_wait3A_113 = arith.constant 0 : i32
    %dma_wait3A_114 = arith.constant 0 : i32
    %dma_wait3A_115 = tpu.memref_slice %arg6[%dma_wait3A_113, %dma_wait3A_114] : memref<40x128xi32, #tpu.memory_space<vmem>> -> memref<1x128xi32, #tpu.memory_space<vmem>>
    %dma_wait3A_116 = tpu.memref_squeeze %dma_wait3A_115 : memref<1x128xi32, #tpu.memory_space<vmem>> -> memref<128xi32, #tpu.memory_space<vmem>>
    %dma_wait3A_117 = arith.constant 0 : i32
    %dma_wait3A_118 = arith.constant 0 : i32
    %dma_wait3A_119 = tpu.memref_slice %arg2[%dma_wait3A_117, %dma_wait3A_118] : memref<10000x128xf32, #tpu.memory_space<hbm>> -> memref<10000x128xf32, #tpu.memory_space<hbm>>
    tpu.wait_indirect_dma semaphore(%arg10 : memref<!tpu.dma_semaphore, #tpu.memory_space<semaphore_mem>>) src(%dma_wait3A_119 : memref<10000x128xf32, #tpu.memory_space<hbm>>) dst(%arg8 : memref<128x128xf32, #tpu.memory_space<vmem>>)
    %dma_start3A_120 = arith.constant 0 : i32
    %dma_start3A_121 = arith.constant 0 : i32
    %dma_start3A_122 = tpu.memref_slice %arg7[%dma_start3A_120, %dma_start3A_121] : memref<40x128xi32, #tpu.memory_space<vmem>> -> memref<1x128xi32, #tpu.memory_space<vmem>>
    %dma_start3A_123 = tpu.memref_squeeze %dma_start3A_122 : memref<1x128xi32, #tpu.memory_space<vmem>> -> memref<128xi32, #tpu.memory_space<vmem>>
    %dma_start3A_124 = arith.constant 0 : i32
    %dma_start3A_125 = arith.constant 0 : i32
    %dma_start3A_126 = tpu.memref_slice %arg13[%dma_start3A_124, %dma_start3A_125] : memref<10240x128xf32, #tpu.memory_space<vmem_shared>> -> memref<10240x128xf32, #tpu.memory_space<vmem_shared>>
    tpu.enqueue_indirect_dma source(%arg8 : memref<128x128xf32, #tpu.memory_space<vmem>>) target(%dma_start3A_126 : memref<10240x128xf32, #tpu.memory_space<vmem_shared>>) offsets(%dma_start3A_123 : memref<128xi32, #tpu.memory_space<vmem>>) semaphore(%arg12 : memref<!tpu.dma_semaphore, #tpu.memory_space<semaphore_mem>>) {add = true}
    %dma_start3A_127 = arith.constant 1 : i32
    %dma_start3A_128 = arith.constant 0 : i32
    %dma_start3A_129 = tpu.memref_slice %arg6[%dma_start3A_127, %dma_start3A_128] : memref<40x128xi32, #tpu.memory_space<vmem>> -> memref<1x128xi32, #tpu.memory_space<vmem>>
    %dma_start3A_130 = tpu.memref_squeeze %dma_start3A_129 : memref<1x128xi32, #tpu.memory_space<vmem>> -> memref<128xi32, #tpu.memory_space<vmem>>
    %dma_start3A_131 = arith.constant 0 : i32
    %dma_start3A_132 = arith.constant 0 : i32
    %dma_start3A_133 = tpu.memref_slice %arg2[%dma_start3A_131, %dma_start3A_132] : memref<10000x128xf32, #tpu.memory_space<hbm>> -> memref<10000x128xf32, #tpu.memory_space<hbm>>
    tpu.enqueue_indirect_dma source(%dma_start3A_133 : memref<10000x128xf32, #tpu.memory_space<hbm>>) target(%arg9 : memref<128x128xf32, #tpu.memory_space<vmem>>) offsets(%dma_start3A_130 : memref<128xi32, #tpu.memory_space<vmem>>) semaphore(%arg11 : memref<!tpu.dma_semaphore, #tpu.memory_space<semaphore_mem>>)
    %scan3A_134 = arith.constant 0 : i32
    %scan3A_135 = arith.constant 0 : i32
    %scan3A_136 = arith.constant 39 : i32
    %scan3A_137 = arith.addi %scan3A_135, %scan3A_136 : i32
    %scan3A_138 = arith.constant 1 : i32
    scf.for %scan3A_319 = %scan3A_135 to %scan3A_137 step %scan3A_138  : i32 {
      %mul3A_320 = arith.constant 2 : i32
      %mul3A_321 = arith.muli %mul3A_320, %scan3A_319 : i32
      %add3A_322 = arith.constant 1 : i32
      %add3A_323 = arith.addi %mul3A_321, %add3A_322 : i32
      %add3A_324 = arith.constant 0 : i32
      %add3A_325 = arith.addi %add3A_323, %add3A_324 : i32
      %dma_wait3A_326 = arith.constant 0 : i32
      %dma_wait3A_327 = arith.constant 0 : i32
      %dma_wait3A_328 = tpu.memref_slice %arg6[%dma_wait3A_326, %dma_wait3A_327] : memref<40x128xi32, #tpu.memory_space<vmem>> -> memref<1x128xi32, #tpu.memory_space<vmem>>
      %dma_wait3A_329 = tpu.memref_squeeze %dma_wait3A_328 : memref<1x128xi32, #tpu.memory_space<vmem>> -> memref<128xi32, #tpu.memory_space<vmem>>
      %dma_wait3A_330 = arith.constant 0 : i32
      %dma_wait3A_331 = arith.constant 0 : i32
      %dma_wait3A_332 = tpu.memref_slice %arg2[%dma_wait3A_330, %dma_wait3A_331] : memref<10000x128xf32, #tpu.memory_space<hbm>> -> memref<10000x128xf32, #tpu.memory_space<hbm>>
      tpu.wait_indirect_dma semaphore(%arg11 : memref<!tpu.dma_semaphore, #tpu.memory_space<semaphore_mem>>) src(%dma_wait3A_332 : memref<10000x128xf32, #tpu.memory_space<hbm>>) dst(%arg9 : memref<128x128xf32, #tpu.memory_space<vmem>>)
      %dma_wait3A_333 = arith.constant 0 : i32
      %dma_wait3A_334 = arith.constant 0 : i32
      %dma_wait3A_335 = tpu.memref_slice %arg7[%dma_wait3A_333, %dma_wait3A_334] : memref<40x128xi32, #tpu.memory_space<vmem>> -> memref<1x128xi32, #tpu.memory_space<vmem>>
      %dma_wait3A_336 = tpu.memref_squeeze %dma_wait3A_335 : memref<1x128xi32, #tpu.memory_space<vmem>> -> memref<128xi32, #tpu.memory_space<vmem>>
      %dma_wait3A_337 = arith.constant 0 : i32
      %dma_wait3A_338 = arith.constant 0 : i32
      %dma_wait3A_339 = tpu.memref_slice %arg13[%dma_wait3A_337, %dma_wait3A_338] : memref<10240x128xf32, #tpu.memory_space<vmem_shared>> -> memref<10240x128xf32, #tpu.memory_space<vmem_shared>>
      tpu.wait_indirect_dma semaphore(%arg12 : memref<!tpu.dma_semaphore, #tpu.memory_space<semaphore_mem>>) src(%arg8 : memref<128x128xf32, #tpu.memory_space<vmem>>) dst(%dma_wait3A_339 : memref<10240x128xf32, #tpu.memory_space<vmem_shared>>)
      %eq3A = arith.constant 39 : i32
      %eq3A_340 = arith.cmpi eq, %add3A_325, %eq3A : i32
      %convert_element_type3A = arith.extui %eq3A_340 : i1 to i32
      %cond3A = arith.constant 0 : i32
      %cond3A_341 = arith.cmpi ne, %convert_element_type3A, %cond3A : i32
      scf.if %cond3A_341 {
        "tpu.region"() ({
          %run_scoped3A = tpu.sem_alloc : memref<!tpu.dma_semaphore, #tpu.memory_space<semaphore_mem>>
          %dma_start3A_495 = arith.constant 40 : i32
          %dma_start3A_496 = arith.constant 0 : i32
          %dma_start3A_497 = tpu.memref_slice %arg3[%add3A, %dma_start3A_495, %dma_start3A_496] : memref<32x80x128xi32, #tpu.memory_space<hbm>> -> memref<1x40x128xi32, #tpu.memory_space<hbm>>
          %dma_start3A_498 = tpu.memref_squeeze %dma_start3A_497 : memref<1x40x128xi32, #tpu.memory_space<hbm>> -> memref<40x128xi32, #tpu.memory_space<hbm>>
          %dma_start3A_499 = arith.constant 40 : i32
          %dma_start3A_500 = arith.constant 0 : i32
          %dma_start3A_501 = tpu.memref_slice %arg3[%add3A, %dma_start3A_499, %dma_start3A_500] : memref<32x80x128xi32, #tpu.memory_space<hbm>> -> memref<1x40x128xi32, #tpu.memory_space<hbm>>
          %dma_start3A_502 = tpu.memref_squeeze %dma_start3A_501 : memref<1x40x128xi32, #tpu.memory_space<hbm>> -> memref<40x128xi32, #tpu.memory_space<hbm>>
          tpu.enqueue_dma source(%dma_start3A_502 : memref<40x128xi32, #tpu.memory_space<hbm>>) target(%arg6 : memref<40x128xi32, #tpu.memory_space<vmem>>) target_semaphore(%run_scoped3A : memref<!tpu.dma_semaphore, #tpu.memory_space<semaphore_mem>>)
          %dma_wait3A_503 = arith.constant 40 : i32
          %dma_wait3A_504 = arith.constant 0 : i32
          %dma_wait3A_505 = tpu.memref_slice %arg3[%add3A, %dma_wait3A_503, %dma_wait3A_504] : memref<32x80x128xi32, #tpu.memory_space<hbm>> -> memref<1x40x128xi32, #tpu.memory_space<hbm>>
          %dma_wait3A_506 = tpu.memref_squeeze %dma_wait3A_505 : memref<1x40x128xi32, #tpu.memory_space<hbm>> -> memref<40x128xi32, #tpu.memory_space<hbm>>
          %dma_wait3A_507 = arith.constant 40 : i32
          %dma_wait3A_508 = arith.constant 0 : i32
          %dma_wait3A_509 = tpu.memref_slice %arg3[%add3A, %dma_wait3A_507, %dma_wait3A_508] : memref<32x80x128xi32, #tpu.memory_space<hbm>> -> memref<1x40x128xi32, #tpu.memory_space<hbm>>
          %dma_wait3A_510 = tpu.memref_squeeze %dma_wait3A_509 : memref<1x40x128xi32, #tpu.memory_space<hbm>> -> memref<40x128xi32, #tpu.memory_space<hbm>>
          tpu.wait_dma2 semaphore(%run_scoped3A : memref<!tpu.dma_semaphore, #tpu.memory_space<semaphore_mem>>) src(%dma_wait3A_510 : memref<40x128xi32, #tpu.memory_space<hbm>>) dst(%arg6 : memref<40x128xi32, #tpu.memory_space<vmem>>)
          tpu.yield
        }) : () -> ()
      } else {
      }
      %jit3A = arith.constant 40 : i32
      %div3A = arith.divsi %add3A_325, %jit3A : i32
      %sign3A = arith.constant 0 : i32
      %sign3A_342 = arith.cmpi sgt, %add3A_325, %sign3A : i32
      %sign3A_343 = arith.extui %sign3A_342 : i1 to i32
      %sign3A_344 = arith.constant 0 : i32
      %sign3A_345 = arith.cmpi slt, %add3A_325, %sign3A_344 : i32
      %sign3A_346 = arith.extui %sign3A_345 : i1 to i32
      %sign3A_347 = arith.subi %sign3A_343, %sign3A_346 : i32
      %sign3A_348 = arith.constant 0 : i32
      %sign3A_349 = arith.cmpi sgt, %jit3A, %sign3A_348 : i32
      %sign3A_350 = arith.extui %sign3A_349 : i1 to i32
      %sign3A_351 = arith.constant 0 : i32
      %sign3A_352 = arith.cmpi slt, %jit3A, %sign3A_351 : i32
      %sign3A_353 = arith.extui %sign3A_352 : i1 to i32
      %sign3A_354 = arith.subi %sign3A_350, %sign3A_353 : i32
      %ne3A = arith.cmpi ne, %sign3A_347, %sign3A_354 : i32
      %rem3A = arith.remsi %add3A_325, %jit3A : i32
      %ne3A_355 = arith.constant 0 : i32
      %ne3A_356 = arith.cmpi ne, %rem3A, %ne3A_355 : i32
      %and3A = arith.andi %ne3A, %ne3A_356 : i1
      %sub3A = arith.constant 1 : i32
      %sub3A_357 = arith.subi %div3A, %sub3A : i32
      %select_n3A = arith.select %and3A, %sub3A_357, %div3A : i32
      %mul3A_358 = arith.constant 40 : i32
      %mul3A_359 = arith.muli %mul3A_358, %select_n3A : i32
      %sub3A_360 = arith.subi %add3A_325, %mul3A_359 : i32
      %dma_start3A_361 = arith.constant 0 : i32
      %dma_start3A_362 = tpu.memref_slice %arg7[%sub3A_360, %dma_start3A_361] : memref<40x128xi32, #tpu.memory_space<vmem>> -> memref<1x128xi32, #tpu.memory_space<vmem>>
      %dma_start3A_363 = tpu.memref_squeeze %dma_start3A_362 : memref<1x128xi32, #tpu.memory_space<vmem>> -> memref<128xi32, #tpu.memory_space<vmem>>
      %dma_start3A_364 = arith.constant 0 : i32
      %dma_start3A_365 = arith.constant 0 : i32
      %dma_start3A_366 = tpu.memref_slice %arg13[%dma_start3A_364, %dma_start3A_365] : memref<10240x128xf32, #tpu.memory_space<vmem_shared>> -> memref<10240x128xf32, #tpu.memory_space<vmem_shared>>
      tpu.enqueue_indirect_dma source(%arg9 : memref<128x128xf32, #tpu.memory_space<vmem>>) target(%dma_start3A_366 : memref<10240x128xf32, #tpu.memory_space<vmem_shared>>) offsets(%dma_start3A_363 : memref<128xi32, #tpu.memory_space<vmem>>) semaphore(%arg12 : memref<!tpu.dma_semaphore, #tpu.memory_space<semaphore_mem>>) {add = true}
      %add3A_367 = arith.constant 1 : i32
      %add3A_368 = arith.addi %add3A_325, %add3A_367 : i32
      %jit3A_369 = arith.constant 40 : i32
      %div3A_370 = arith.divsi %add3A_368, %jit3A_369 : i32
      %sign3A_371 = arith.constant 0 : i32
      %sign3A_372 = arith.cmpi sgt, %add3A_368, %sign3A_371 : i32
      %sign3A_373 = arith.extui %sign3A_372 : i1 to i32
      %sign3A_374 = arith.constant 0 : i32
      %sign3A_375 = arith.cmpi slt, %add3A_368, %sign3A_374 : i32
      %sign3A_376 = arith.extui %sign3A_375 : i1 to i32
      %sign3A_377 = arith.subi %sign3A_373, %sign3A_376 : i32
      %sign3A_378 = arith.constant 0 : i32
      %sign3A_379 = arith.cmpi sgt, %jit3A_369, %sign3A_378 : i32
      %sign3A_380 = arith.extui %sign3A_379 : i1 to i32
      %sign3A_381 = arith.constant 0 : i32
      %sign3A_382 = arith.cmpi slt, %jit3A_369, %sign3A_381 : i32
      %sign3A_383 = arith.extui %sign3A_382 : i1 to i32
      %sign3A_384 = arith.subi %sign3A_380, %sign3A_383 : i32
      %ne3A_385 = arith.cmpi ne, %sign3A_377, %sign3A_384 : i32
      %rem3A_386 = arith.remsi %add3A_368, %jit3A_369 : i32
      %ne3A_387 = arith.constant 0 : i32
      %ne3A_388 = arith.cmpi ne, %rem3A_386, %ne3A_387 : i32
      %and3A_389 = arith.andi %ne3A_385, %ne3A_388 : i1
      %sub3A_390 = arith.constant 1 : i32
      %sub3A_391 = arith.subi %div3A_370, %sub3A_390 : i32
      %select_n3A_392 = arith.select %and3A_389, %sub3A_391, %div3A_370 : i32
      %mul3A_393 = arith.constant 40 : i32
      %mul3A_394 = arith.muli %mul3A_393, %select_n3A_392 : i32
      %sub3A_395 = arith.subi %add3A_368, %mul3A_394 : i32
      %dma_start3A_396 = arith.constant 0 : i32
      %dma_start3A_397 = tpu.memref_slice %arg6[%sub3A_395, %dma_start3A_396] : memref<40x128xi32, #tpu.memory_space<vmem>> -> memref<1x128xi32, #tpu.memory_space<vmem>>
      %dma_start3A_398 = tpu.memref_squeeze %dma_start3A_397 : memref<1x128xi32, #tpu.memory_space<vmem>> -> memref<128xi32, #tpu.memory_space<vmem>>
      %dma_start3A_399 = arith.constant 0 : i32
      %dma_start3A_400 = arith.constant 0 : i32
      %dma_start3A_401 = tpu.memref_slice %arg2[%dma_start3A_399, %dma_start3A_400] : memref<10000x128xf32, #tpu.memory_space<hbm>> -> memref<10000x128xf32, #tpu.memory_space<hbm>>
      tpu.enqueue_indirect_dma source(%dma_start3A_401 : memref<10000x128xf32, #tpu.memory_space<hbm>>) target(%arg8 : memref<128x128xf32, #tpu.memory_space<vmem>>) offsets(%dma_start3A_398 : memref<128xi32, #tpu.memory_space<vmem>>) semaphore(%arg10 : memref<!tpu.dma_semaphore, #tpu.memory_space<semaphore_mem>>)
      %mul3A_402 = arith.constant 2 : i32
      %mul3A_403 = arith.muli %mul3A_402, %scan3A_319 : i32
      %add3A_404 = arith.constant 1 : i32
      %add3A_405 = arith.addi %mul3A_403, %add3A_404 : i32
      %add3A_406 = arith.constant 1 : i32
      %add3A_407 = arith.addi %add3A_405, %add3A_406 : i32
      %dma_wait3A_408 = arith.constant 0 : i32
      %dma_wait3A_409 = arith.constant 0 : i32
      %dma_wait3A_410 = tpu.memref_slice %arg6[%dma_wait3A_408, %dma_wait3A_409] : memref<40x128xi32, #tpu.memory_space<vmem>> -> memref<1x128xi32, #tpu.memory_space<vmem>>
      %dma_wait3A_411 = tpu.memref_squeeze %dma_wait3A_410 : memref<1x128xi32, #tpu.memory_space<vmem>> -> memref<128xi32, #tpu.memory_space<vmem>>
      %dma_wait3A_412 = arith.constant 0 : i32
      %dma_wait3A_413 = arith.constant 0 : i32
      %dma_wait3A_414 = tpu.memref_slice %arg2[%dma_wait3A_412, %dma_wait3A_413] : memref<10000x128xf32, #tpu.memory_space<hbm>> -> memref<10000x128xf32, #tpu.memory_space<hbm>>
      tpu.wait_indirect_dma semaphore(%arg10 : memref<!tpu.dma_semaphore, #tpu.memory_space<semaphore_mem>>) src(%dma_wait3A_414 : memref<10000x128xf32, #tpu.memory_space<hbm>>) dst(%arg8 : memref<128x128xf32, #tpu.memory_space<vmem>>)
      %dma_wait3A_415 = arith.constant 0 : i32
      %dma_wait3A_416 = arith.constant 0 : i32
      %dma_wait3A_417 = tpu.memref_slice %arg7[%dma_wait3A_415, %dma_wait3A_416] : memref<40x128xi32, #tpu.memory_space<vmem>> -> memref<1x128xi32, #tpu.memory_space<vmem>>
      %dma_wait3A_418 = tpu.memref_squeeze %dma_wait3A_417 : memref<1x128xi32, #tpu.memory_space<vmem>> -> memref<128xi32, #tpu.memory_space<vmem>>
      %dma_wait3A_419 = arith.constant 0 : i32
      %dma_wait3A_420 = arith.constant 0 : i32
      %dma_wait3A_421 = tpu.memref_slice %arg13[%dma_wait3A_419, %dma_wait3A_420] : memref<10240x128xf32, #tpu.memory_space<vmem_shared>> -> memref<10240x128xf32, #tpu.memory_space<vmem_shared>>
      tpu.wait_indirect_dma semaphore(%arg12 : memref<!tpu.dma_semaphore, #tpu.memory_space<semaphore_mem>>) src(%arg8 : memref<128x128xf32, #tpu.memory_space<vmem>>) dst(%dma_wait3A_421 : memref<10240x128xf32, #tpu.memory_space<vmem_shared>>)
      %eq3A_422 = arith.constant 40 : i32
      %eq3A_423 = arith.cmpi eq, %add3A_407, %eq3A_422 : i32
      %convert_element_type3A_424 = arith.extui %eq3A_423 : i1 to i32
      %cond3A_425 = arith.constant 0 : i32
      %cond3A_426 = arith.cmpi ne, %convert_element_type3A_424, %cond3A_425 : i32
      scf.if %cond3A_426 {
        "tpu.region"() ({
          %run_scoped3A = tpu.sem_alloc : memref<!tpu.dma_semaphore, #tpu.memory_space<semaphore_mem>>
          %dma_start3A_495 = arith.constant 40 : i32
          %dma_start3A_496 = arith.constant 0 : i32
          %dma_start3A_497 = tpu.memref_slice %arg4[%add3A, %dma_start3A_495, %dma_start3A_496] : memref<32x80x128xi32, #tpu.memory_space<hbm>> -> memref<1x40x128xi32, #tpu.memory_space<hbm>>
          %dma_start3A_498 = tpu.memref_squeeze %dma_start3A_497 : memref<1x40x128xi32, #tpu.memory_space<hbm>> -> memref<40x128xi32, #tpu.memory_space<hbm>>
          %dma_start3A_499 = arith.constant 40 : i32
          %dma_start3A_500 = arith.constant 0 : i32
          %dma_start3A_501 = tpu.memref_slice %arg4[%add3A, %dma_start3A_499, %dma_start3A_500] : memref<32x80x128xi32, #tpu.memory_space<hbm>> -> memref<1x40x128xi32, #tpu.memory_space<hbm>>
          %dma_start3A_502 = tpu.memref_squeeze %dma_start3A_501 : memref<1x40x128xi32, #tpu.memory_space<hbm>> -> memref<40x128xi32, #tpu.memory_space<hbm>>
          tpu.enqueue_dma source(%dma_start3A_502 : memref<40x128xi32, #tpu.memory_space<hbm>>) target(%arg7 : memref<40x128xi32, #tpu.memory_space<vmem>>) target_semaphore(%run_scoped3A : memref<!tpu.dma_semaphore, #tpu.memory_space<semaphore_mem>>)
          %dma_wait3A_503 = arith.constant 40 : i32
          %dma_wait3A_504 = arith.constant 0 : i32
          %dma_wait3A_505 = tpu.memref_slice %arg4[%add3A, %dma_wait3A_503, %dma_wait3A_504] : memref<32x80x128xi32, #tpu.memory_space<hbm>> -> memref<1x40x128xi32, #tpu.memory_space<hbm>>
          %dma_wait3A_506 = tpu.memref_squeeze %dma_wait3A_505 : memref<1x40x128xi32, #tpu.memory_space<hbm>> -> memref<40x128xi32, #tpu.memory_space<hbm>>
          %dma_wait3A_507 = arith.constant 40 : i32
          %dma_wait3A_508 = arith.constant 0 : i32
          %dma_wait3A_509 = tpu.memref_slice %arg4[%add3A, %dma_wait3A_507, %dma_wait3A_508] : memref<32x80x128xi32, #tpu.memory_space<hbm>> -> memref<1x40x128xi32, #tpu.memory_space<hbm>>
          %dma_wait3A_510 = tpu.memref_squeeze %dma_wait3A_509 : memref<1x40x128xi32, #tpu.memory_space<hbm>> -> memref<40x128xi32, #tpu.memory_space<hbm>>
          tpu.wait_dma2 semaphore(%run_scoped3A : memref<!tpu.dma_semaphore, #tpu.memory_space<semaphore_mem>>) src(%dma_wait3A_510 : memref<40x128xi32, #tpu.memory_space<hbm>>) dst(%arg7 : memref<40x128xi32, #tpu.memory_space<vmem>>)
          tpu.yield
        }) : () -> ()
      } else {
      }
      %jit3A_427 = arith.constant 40 : i32
      %div3A_428 = arith.divsi %add3A_407, %jit3A_427 : i32
      %sign3A_429 = arith.constant 0 : i32
      %sign3A_430 = arith.cmpi sgt, %add3A_407, %sign3A_429 : i32
      %sign3A_431 = arith.extui %sign3A_430 : i1 to i32
      %sign3A_432 = arith.constant 0 : i32
      %sign3A_433 = arith.cmpi slt, %add3A_407, %sign3A_432 : i32
      %sign3A_434 = arith.extui %sign3A_433 : i1 to i32
      %sign3A_435 = arith.subi %sign3A_431, %sign3A_434 : i32
      %sign3A_436 = arith.constant 0 : i32
      %sign3A_437 = arith.cmpi sgt, %jit3A_427, %sign3A_436 : i32
      %sign3A_438 = arith.extui %sign3A_437 : i1 to i32
      %sign3A_439 = arith.constant 0 : i32
      %sign3A_440 = arith.cmpi slt, %jit3A_427, %sign3A_439 : i32
      %sign3A_441 = arith.extui %sign3A_440 : i1 to i32
      %sign3A_442 = arith.subi %sign3A_438, %sign3A_441 : i32
      %ne3A_443 = arith.cmpi ne, %sign3A_435, %sign3A_442 : i32
      %rem3A_444 = arith.remsi %add3A_407, %jit3A_427 : i32
      %ne3A_445 = arith.constant 0 : i32
      %ne3A_446 = arith.cmpi ne, %rem3A_444, %ne3A_445 : i32
      %and3A_447 = arith.andi %ne3A_443, %ne3A_446 : i1
      %sub3A_448 = arith.constant 1 : i32
      %sub3A_449 = arith.subi %div3A_428, %sub3A_448 : i32
      %select_n3A_450 = arith.select %and3A_447, %sub3A_449, %div3A_428 : i32
      %mul3A_451 = arith.constant 40 : i32
      %mul3A_452 = arith.muli %mul3A_451, %select_n3A_450 : i32
      %sub3A_453 = arith.subi %add3A_407, %mul3A_452 : i32
      %dma_start3A_454 = arith.constant 0 : i32
      %dma_start3A_455 = tpu.memref_slice %arg7[%sub3A_453, %dma_start3A_454] : memref<40x128xi32, #tpu.memory_space<vmem>> -> memref<1x128xi32, #tpu.memory_space<vmem>>
      %dma_start3A_456 = tpu.memref_squeeze %dma_start3A_455 : memref<1x128xi32, #tpu.memory_space<vmem>> -> memref<128xi32, #tpu.memory_space<vmem>>
      %dma_start3A_457 = arith.constant 0 : i32
      %dma_start3A_458 = arith.constant 0 : i32
      %dma_start3A_459 = tpu.memref_slice %arg13[%dma_start3A_457, %dma_start3A_458] : memref<10240x128xf32, #tpu.memory_space<vmem_shared>> -> memref<10240x128xf32, #tpu.memory_space<vmem_shared>>
      tpu.enqueue_indirect_dma source(%arg8 : memref<128x128xf32, #tpu.memory_space<vmem>>) target(%dma_start3A_459 : memref<10240x128xf32, #tpu.memory_space<vmem_shared>>) offsets(%dma_start3A_456 : memref<128xi32, #tpu.memory_space<vmem>>) semaphore(%arg12 : memref<!tpu.dma_semaphore, #tpu.memory_space<semaphore_mem>>) {add = true}
      %add3A_460 = arith.constant 1 : i32
      %add3A_461 = arith.addi %add3A_407, %add3A_460 : i32
      %jit3A_462 = arith.constant 40 : i32
      %div3A_463 = arith.divsi %add3A_461, %jit3A_462 : i32
      %sign3A_464 = arith.constant 0 : i32
      %sign3A_465 = arith.cmpi sgt, %add3A_461, %sign3A_464 : i32
      %sign3A_466 = arith.extui %sign3A_465 : i1 to i32
      %sign3A_467 = arith.constant 0 : i32
      %sign3A_468 = arith.cmpi slt, %add3A_461, %sign3A_467 : i32
      %sign3A_469 = arith.extui %sign3A_468 : i1 to i32
      %sign3A_470 = arith.subi %sign3A_466, %sign3A_469 : i32
      %sign3A_471 = arith.constant 0 : i32
      %sign3A_472 = arith.cmpi sgt, %jit3A_462, %sign3A_471 : i32
      %sign3A_473 = arith.extui %sign3A_472 : i1 to i32
      %sign3A_474 = arith.constant 0 : i32
      %sign3A_475 = arith.cmpi slt, %jit3A_462, %sign3A_474 : i32
      %sign3A_476 = arith.extui %sign3A_475 : i1 to i32
      %sign3A_477 = arith.subi %sign3A_473, %sign3A_476 : i32
      %ne3A_478 = arith.cmpi ne, %sign3A_470, %sign3A_477 : i32
      %rem3A_479 = arith.remsi %add3A_461, %jit3A_462 : i32
      %ne3A_480 = arith.constant 0 : i32
      %ne3A_481 = arith.cmpi ne, %rem3A_479, %ne3A_480 : i32
      %and3A_482 = arith.andi %ne3A_478, %ne3A_481 : i1
      %sub3A_483 = arith.constant 1 : i32
      %sub3A_484 = arith.subi %div3A_463, %sub3A_483 : i32
      %select_n3A_485 = arith.select %and3A_482, %sub3A_484, %div3A_463 : i32
      %mul3A_486 = arith.constant 40 : i32
      %mul3A_487 = arith.muli %mul3A_486, %select_n3A_485 : i32
      %sub3A_488 = arith.subi %add3A_461, %mul3A_487 : i32
      %dma_start3A_489 = arith.constant 0 : i32
      %dma_start3A_490 = tpu.memref_slice %arg6[%sub3A_488, %dma_start3A_489] : memref<40x128xi32, #tpu.memory_space<vmem>> -> memref<1x128xi32, #tpu.memory_space<vmem>>
      %dma_start3A_491 = tpu.memref_squeeze %dma_start3A_490 : memref<1x128xi32, #tpu.memory_space<vmem>> -> memref<128xi32, #tpu.memory_space<vmem>>
      %dma_start3A_492 = arith.constant 0 : i32
      %dma_start3A_493 = arith.constant 0 : i32
      %dma_start3A_494 = tpu.memref_slice %arg2[%dma_start3A_492, %dma_start3A_493] : memref<10000x128xf32, #tpu.memory_space<hbm>> -> memref<10000x128xf32, #tpu.memory_space<hbm>>
      tpu.enqueue_indirect_dma source(%dma_start3A_494 : memref<10000x128xf32, #tpu.memory_space<hbm>>) target(%arg9 : memref<128x128xf32, #tpu.memory_space<vmem>>) offsets(%dma_start3A_491 : memref<128xi32, #tpu.memory_space<vmem>>) semaphore(%arg11 : memref<!tpu.dma_semaphore, #tpu.memory_space<semaphore_mem>>)
    }
    %scan3A_139 = arith.constant 39 : i32
    %dma_wait3A_140 = arith.constant 0 : i32
    %dma_wait3A_141 = arith.constant 0 : i32
    %dma_wait3A_142 = tpu.memref_slice %arg6[%dma_wait3A_140, %dma_wait3A_141] : memref<40x128xi32, #tpu.memory_space<vmem>> -> memref<1x128xi32, #tpu.memory_space<vmem>>
    %dma_wait3A_143 = tpu.memref_squeeze %dma_wait3A_142 : memref<1x128xi32, #tpu.memory_space<vmem>> -> memref<128xi32, #tpu.memory_space<vmem>>
    %dma_wait3A_144 = arith.constant 0 : i32
    %dma_wait3A_145 = arith.constant 0 : i32
    %dma_wait3A_146 = tpu.memref_slice %arg2[%dma_wait3A_144, %dma_wait3A_145] : memref<10000x128xf32, #tpu.memory_space<hbm>> -> memref<10000x128xf32, #tpu.memory_space<hbm>>
    tpu.wait_indirect_dma semaphore(%arg11 : memref<!tpu.dma_semaphore, #tpu.memory_space<semaphore_mem>>) src(%dma_wait3A_146 : memref<10000x128xf32, #tpu.memory_space<hbm>>) dst(%arg9 : memref<128x128xf32, #tpu.memory_space<vmem>>)
    %dma_wait3A_147 = arith.constant 0 : i32
    %dma_wait3A_148 = arith.constant 0 : i32
    %dma_wait3A_149 = tpu.memref_slice %arg7[%dma_wait3A_147, %dma_wait3A_148] : memref<40x128xi32, #tpu.memory_space<vmem>> -> memref<1x128xi32, #tpu.memory_space<vmem>>
    %dma_wait3A_150 = tpu.memref_squeeze %dma_wait3A_149 : memref<1x128xi32, #tpu.memory_space<vmem>> -> memref<128xi32, #tpu.memory_space<vmem>>
    %dma_wait3A_151 = arith.constant 0 : i32
    %dma_wait3A_152 = arith.constant 0 : i32
    %dma_wait3A_153 = tpu.memref_slice %arg13[%dma_wait3A_151, %dma_wait3A_152] : memref<10240x128xf32, #tpu.memory_space<vmem_shared>> -> memref<10240x128xf32, #tpu.memory_space<vmem_shared>>
    tpu.wait_indirect_dma semaphore(%arg12 : memref<!tpu.dma_semaphore, #tpu.memory_space<semaphore_mem>>) src(%arg8 : memref<128x128xf32, #tpu.memory_space<vmem>>) dst(%dma_wait3A_153 : memref<10240x128xf32, #tpu.memory_space<vmem_shared>>)
    %dma_start3A_154 = arith.constant 39 : i32
    %dma_start3A_155 = arith.constant 0 : i32
    %dma_start3A_156 = tpu.memref_slice %arg7[%dma_start3A_154, %dma_start3A_155] : memref<40x128xi32, #tpu.memory_space<vmem>> -> memref<1x128xi32, #tpu.memory_space<vmem>>
    %dma_start3A_157 = tpu.memref_squeeze %dma_start3A_156 : memref<1x128xi32, #tpu.memory_space<vmem>> -> memref<128xi32, #tpu.memory_space<vmem>>
    %dma_start3A_158 = arith.constant 0 : i32
    %dma_start3A_159 = arith.constant 0 : i32
    %dma_start3A_160 = tpu.memref_slice %arg13[%dma_start3A_158, %dma_start3A_159] : memref<10240x128xf32, #tpu.memory_space<vmem_shared>> -> memref<10240x128xf32, #tpu.memory_space<vmem_shared>>
    tpu.enqueue_indirect_dma source(%arg9 : memref<128x128xf32, #tpu.memory_space<vmem>>) target(%dma_start3A_160 : memref<10240x128xf32, #tpu.memory_space<vmem_shared>>) offsets(%dma_start3A_157 : memref<128xi32, #tpu.memory_space<vmem>>) semaphore(%arg12 : memref<!tpu.dma_semaphore, #tpu.memory_space<semaphore_mem>>) {add = true}
    %dma_wait3A_161 = arith.constant 0 : i32
    %dma_wait3A_162 = arith.constant 0 : i32
    %dma_wait3A_163 = tpu.memref_slice %arg7[%dma_wait3A_161, %dma_wait3A_162] : memref<40x128xi32, #tpu.memory_space<vmem>> -> memref<1x128xi32, #tpu.memory_space<vmem>>
    %dma_wait3A_164 = tpu.memref_squeeze %dma_wait3A_163 : memref<1x128xi32, #tpu.memory_space<vmem>> -> memref<128xi32, #tpu.memory_space<vmem>>
    %dma_wait3A_165 = arith.constant 0 : i32
    %dma_wait3A_166 = arith.constant 0 : i32
    %dma_wait3A_167 = tpu.memref_slice %arg13[%dma_wait3A_165, %dma_wait3A_166] : memref<10240x128xf32, #tpu.memory_space<vmem_shared>> -> memref<10240x128xf32, #tpu.memory_space<vmem_shared>>
    tpu.wait_indirect_dma semaphore(%arg12 : memref<!tpu.dma_semaphore, #tpu.memory_space<semaphore_mem>>) src(%arg8 : memref<128x128xf32, #tpu.memory_space<vmem>>) dst(%dma_wait3A_167 : memref<10240x128xf32, #tpu.memory_space<vmem_shared>>)
    %barrier3A_168 = arith.constant 0 : index
    tpu.barrier barrier_id(%barrier3A_168)
    %mul3A_169 = arith.constant 625 : i32
    %mul3A_170 = arith.muli %arg1, %mul3A_169 : i32
    %add3A_171 = arith.constant 0 : i32
    %add3A_172 = arith.addi %mul3A_170, %add3A_171 : i32
    "tpu.region"() ({
      %run_scoped3A = tpu.sem_alloc : memref<!tpu.dma_semaphore, #tpu.memory_space<semaphore_mem>>
      %dma_start3A_319 = arith.constant 0 : i32
      %dma_start3A_320 = arith.constant 0 : i32
      %dma_start3A_321 = tpu.memref_slice %arg8[%dma_start3A_319, %dma_start3A_320] : memref<128x128xf32, #tpu.memory_space<vmem>> -> memref<125x128xf32, #tpu.memory_space<vmem>>
      %dma_start3A_322 = arith.constant 0 : i32
      %dma_start3A_323 = tpu.memref_slice %arg13[%add3A_172, %dma_start3A_322] : memref<10240x128xf32, #tpu.memory_space<vmem_shared>> -> memref<125x128xf32, #tpu.memory_space<vmem_shared>>
      %dma_start3A_324 = arith.constant 0 : i32
      %dma_start3A_325 = arith.constant 0 : i32
      %dma_start3A_326 = tpu.memref_slice %arg8[%dma_start3A_324, %dma_start3A_325] : memref<128x128xf32, #tpu.memory_space<vmem>> -> memref<125x128xf32, #tpu.memory_space<vmem>>
      %dma_start3A_327 = arith.constant 0 : i32
      %dma_start3A_328 = tpu.memref_slice %arg13[%add3A_172, %dma_start3A_327] : memref<10240x128xf32, #tpu.memory_space<vmem_shared>> -> memref<125x128xf32, #tpu.memory_space<vmem_shared>>
      tpu.enqueue_dma source(%dma_start3A_328 : memref<125x128xf32, #tpu.memory_space<vmem_shared>>) target(%dma_start3A_326 : memref<125x128xf32, #tpu.memory_space<vmem>>) target_semaphore(%run_scoped3A : memref<!tpu.dma_semaphore, #tpu.memory_space<semaphore_mem>>)
      %dma_wait3A_329 = arith.constant 0 : i32
      %dma_wait3A_330 = arith.constant 0 : i32
      %dma_wait3A_331 = tpu.memref_slice %arg8[%dma_wait3A_329, %dma_wait3A_330] : memref<128x128xf32, #tpu.memory_space<vmem>> -> memref<125x128xf32, #tpu.memory_space<vmem>>
      %dma_wait3A_332 = arith.constant 0 : i32
      %dma_wait3A_333 = tpu.memref_slice %arg13[%add3A_172, %dma_wait3A_332] : memref<10240x128xf32, #tpu.memory_space<vmem_shared>> -> memref<125x128xf32, #tpu.memory_space<vmem_shared>>
      %dma_wait3A_334 = arith.constant 0 : i32
      %dma_wait3A_335 = arith.constant 0 : i32
      %dma_wait3A_336 = tpu.memref_slice %arg8[%dma_wait3A_334, %dma_wait3A_335] : memref<128x128xf32, #tpu.memory_space<vmem>> -> memref<125x128xf32, #tpu.memory_space<vmem>>
      %dma_wait3A_337 = arith.constant 0 : i32
      %dma_wait3A_338 = tpu.memref_slice %arg13[%add3A_172, %dma_wait3A_337] : memref<10240x128xf32, #tpu.memory_space<vmem_shared>> -> memref<125x128xf32, #tpu.memory_space<vmem_shared>>
      tpu.wait_dma2 semaphore(%run_scoped3A : memref<!tpu.dma_semaphore, #tpu.memory_space<semaphore_mem>>) src(%dma_wait3A_338 : memref<125x128xf32, #tpu.memory_space<vmem_shared>>) dst(%dma_wait3A_336 : memref<125x128xf32, #tpu.memory_space<vmem>>)
      tpu.yield
    }) : () -> ()
    %dma_start3A_173 = arith.constant 0 : i32
    %dma_start3A_174 = arith.constant 0 : i32
    %dma_start3A_175 = tpu.memref_slice %arg8[%dma_start3A_173, %dma_start3A_174] : memref<128x128xf32, #tpu.memory_space<vmem>> -> memref<125x128xf32, #tpu.memory_space<vmem>>
    %dma_start3A_176 = arith.constant 0 : i32
    %dma_start3A_177 = tpu.memref_slice %arg5[%arg0, %add3A_172, %dma_start3A_176] : memref<2x10000x128xf32, #tpu.memory_space<hbm>> -> memref<1x125x128xf32, #tpu.memory_space<hbm>>
    %dma_start3A_178 = tpu.memref_squeeze %dma_start3A_177 : memref<1x125x128xf32, #tpu.memory_space<hbm>> -> memref<125x128xf32, #tpu.memory_space<hbm>>
    %dma_start3A_179 = arith.constant 0 : i32
    %dma_start3A_180 = tpu.memref_slice %arg5[%arg0, %add3A_172, %dma_start3A_179] : memref<2x10000x128xf32, #tpu.memory_space<hbm>> -> memref<1x125x128xf32, #tpu.memory_space<hbm>>
    %dma_start3A_181 = tpu.memref_squeeze %dma_start3A_180 : memref<1x125x128xf32, #tpu.memory_space<hbm>> -> memref<125x128xf32, #tpu.memory_space<hbm>>
    %dma_start3A_182 = arith.constant 0 : i32
    %dma_start3A_183 = arith.constant 0 : i32
    %dma_start3A_184 = tpu.memref_slice %arg8[%dma_start3A_182, %dma_start3A_183] : memref<128x128xf32, #tpu.memory_space<vmem>> -> memref<125x128xf32, #tpu.memory_space<vmem>>
    tpu.enqueue_dma source(%dma_start3A_184 : memref<125x128xf32, #tpu.memory_space<vmem>>) target(%dma_start3A_181 : memref<125x128xf32, #tpu.memory_space<hbm>>) target_semaphore(%arg10 : memref<!tpu.dma_semaphore, #tpu.memory_space<semaphore_mem>>)
    %mul3A_185 = arith.constant 625 : i32
    %mul3A_186 = arith.muli %arg1, %mul3A_185 : i32
    %add3A_187 = arith.constant 125 : i32
    %add3A_188 = arith.addi %mul3A_186, %add3A_187 : i32
    "tpu.region"() ({
      %run_scoped3A = tpu.sem_alloc : memref<!tpu.dma_semaphore, #tpu.memory_space<semaphore_mem>>
      %dma_start3A_319 = arith.constant 0 : i32
      %dma_start3A_320 = arith.constant 0 : i32
      %dma_start3A_321 = tpu.memref_slice %arg9[%dma_start3A_319, %dma_start3A_320] : memref<128x128xf32, #tpu.memory_space<vmem>> -> memref<125x128xf32, #tpu.memory_space<vmem>>
      %dma_start3A_322 = arith.constant 0 : i32
      %dma_start3A_323 = tpu.memref_slice %arg13[%add3A_188, %dma_start3A_322] : memref<10240x128xf32, #tpu.memory_space<vmem_shared>> -> memref<125x128xf32, #tpu.memory_space<vmem_shared>>
      %dma_start3A_324 = arith.constant 0 : i32
      %dma_start3A_325 = arith.constant 0 : i32
      %dma_start3A_326 = tpu.memref_slice %arg9[%dma_start3A_324, %dma_start3A_325] : memref<128x128xf32, #tpu.memory_space<vmem>> -> memref<125x128xf32, #tpu.memory_space<vmem>>
      %dma_start3A_327 = arith.constant 0 : i32
      %dma_start3A_328 = tpu.memref_slice %arg13[%add3A_188, %dma_start3A_327] : memref<10240x128xf32, #tpu.memory_space<vmem_shared>> -> memref<125x128xf32, #tpu.memory_space<vmem_shared>>
      tpu.enqueue_dma source(%dma_start3A_328 : memref<125x128xf32, #tpu.memory_space<vmem_shared>>) target(%dma_start3A_326 : memref<125x128xf32, #tpu.memory_space<vmem>>) target_semaphore(%run_scoped3A : memref<!tpu.dma_semaphore, #tpu.memory_space<semaphore_mem>>)
      %dma_wait3A_329 = arith.constant 0 : i32
      %dma_wait3A_330 = arith.constant 0 : i32
      %dma_wait3A_331 = tpu.memref_slice %arg9[%dma_wait3A_329, %dma_wait3A_330] : memref<128x128xf32, #tpu.memory_space<vmem>> -> memref<125x128xf32, #tpu.memory_space<vmem>>
      %dma_wait3A_332 = arith.constant 0 : i32
      %dma_wait3A_333 = tpu.memref_slice %arg13[%add3A_188, %dma_wait3A_332] : memref<10240x128xf32, #tpu.memory_space<vmem_shared>> -> memref<125x128xf32, #tpu.memory_space<vmem_shared>>
      %dma_wait3A_334 = arith.constant 0 : i32
      %dma_wait3A_335 = arith.constant 0 : i32
      %dma_wait3A_336 = tpu.memref_slice %arg9[%dma_wait3A_334, %dma_wait3A_335] : memref<128x128xf32, #tpu.memory_space<vmem>> -> memref<125x128xf32, #tpu.memory_space<vmem>>
      %dma_wait3A_337 = arith.constant 0 : i32
      %dma_wait3A_338 = tpu.memref_slice %arg13[%add3A_188, %dma_wait3A_337] : memref<10240x128xf32, #tpu.memory_space<vmem_shared>> -> memref<125x128xf32, #tpu.memory_space<vmem_shared>>
      tpu.wait_dma2 semaphore(%run_scoped3A : memref<!tpu.dma_semaphore, #tpu.memory_space<semaphore_mem>>) src(%dma_wait3A_338 : memref<125x128xf32, #tpu.memory_space<vmem_shared>>) dst(%dma_wait3A_336 : memref<125x128xf32, #tpu.memory_space<vmem>>)
      tpu.yield
    }) : () -> ()
    %dma_start3A_189 = arith.constant 0 : i32
    %dma_start3A_190 = arith.constant 0 : i32
    %dma_start3A_191 = tpu.memref_slice %arg9[%dma_start3A_189, %dma_start3A_190] : memref<128x128xf32, #tpu.memory_space<vmem>> -> memref<125x128xf32, #tpu.memory_space<vmem>>
    %dma_start3A_192 = arith.constant 0 : i32
    %dma_start3A_193 = tpu.memref_slice %arg5[%arg0, %add3A_188, %dma_start3A_192] : memref<2x10000x128xf32, #tpu.memory_space<hbm>> -> memref<1x125x128xf32, #tpu.memory_space<hbm>>
    %dma_start3A_194 = tpu.memref_squeeze %dma_start3A_193 : memref<1x125x128xf32, #tpu.memory_space<hbm>> -> memref<125x128xf32, #tpu.memory_space<hbm>>
    %dma_start3A_195 = arith.constant 0 : i32
    %dma_start3A_196 = tpu.memref_slice %arg5[%arg0, %add3A_188, %dma_start3A_195] : memref<2x10000x128xf32, #tpu.memory_space<hbm>> -> memref<1x125x128xf32, #tpu.memory_space<hbm>>
    %dma_start3A_197 = tpu.memref_squeeze %dma_start3A_196 : memref<1x125x128xf32, #tpu.memory_space<hbm>> -> memref<125x128xf32, #tpu.memory_space<hbm>>
    %dma_start3A_198 = arith.constant 0 : i32
    %dma_start3A_199 = arith.constant 0 : i32
    %dma_start3A_200 = tpu.memref_slice %arg9[%dma_start3A_198, %dma_start3A_199] : memref<128x128xf32, #tpu.memory_space<vmem>> -> memref<125x128xf32, #tpu.memory_space<vmem>>
    tpu.enqueue_dma source(%dma_start3A_200 : memref<125x128xf32, #tpu.memory_space<vmem>>) target(%dma_start3A_197 : memref<125x128xf32, #tpu.memory_space<hbm>>) target_semaphore(%arg11 : memref<!tpu.dma_semaphore, #tpu.memory_space<semaphore_mem>>)
    %mul3A_201 = arith.constant 625 : i32
    %mul3A_202 = arith.muli %arg1, %mul3A_201 : i32
    %add3A_203 = arith.constant 250 : i32
    %add3A_204 = arith.addi %mul3A_202, %add3A_203 : i32
    %dma_wait3A_205 = arith.constant 0 : i32
    %dma_wait3A_206 = arith.constant 0 : i32
    %dma_wait3A_207 = tpu.memref_slice %arg8[%dma_wait3A_205, %dma_wait3A_206] : memref<128x128xf32, #tpu.memory_space<vmem>> -> memref<125x128xf32, #tpu.memory_space<vmem>>
    %dma_wait3A_208 = arith.constant 0 : i32
    %dma_wait3A_209 = arith.constant 0 : i32
    %dma_wait3A_210 = tpu.memref_slice %arg5[%arg0, %dma_wait3A_208, %dma_wait3A_209] : memref<2x10000x128xf32, #tpu.memory_space<hbm>> -> memref<1x125x128xf32, #tpu.memory_space<hbm>>
    %dma_wait3A_211 = tpu.memref_squeeze %dma_wait3A_210 : memref<1x125x128xf32, #tpu.memory_space<hbm>> -> memref<125x128xf32, #tpu.memory_space<hbm>>
    %dma_wait3A_212 = arith.constant 0 : i32
    %dma_wait3A_213 = arith.constant 0 : i32
    %dma_wait3A_214 = tpu.memref_slice %arg5[%arg0, %dma_wait3A_212, %dma_wait3A_213] : memref<2x10000x128xf32, #tpu.memory_space<hbm>> -> memref<1x125x128xf32, #tpu.memory_space<hbm>>
    %dma_wait3A_215 = tpu.memref_squeeze %dma_wait3A_214 : memref<1x125x128xf32, #tpu.memory_space<hbm>> -> memref<125x128xf32, #tpu.memory_space<hbm>>
    %dma_wait3A_216 = arith.constant 0 : i32
    %dma_wait3A_217 = arith.constant 0 : i32
    %dma_wait3A_218 = tpu.memref_slice %arg8[%dma_wait3A_216, %dma_wait3A_217] : memref<128x128xf32, #tpu.memory_space<vmem>> -> memref<125x128xf32, #tpu.memory_space<vmem>>
    tpu.wait_dma2 semaphore(%arg10 : memref<!tpu.dma_semaphore, #tpu.memory_space<semaphore_mem>>) src(%dma_wait3A_218 : memref<125x128xf32, #tpu.memory_space<vmem>>) dst(%dma_wait3A_215 : memref<125x128xf32, #tpu.memory_space<hbm>>)
    "tpu.region"() ({
      %run_scoped3A = tpu.sem_alloc : memref<!tpu.dma_semaphore, #tpu.memory_space<semaphore_mem>>
      %dma_start3A_319 = arith.constant 0 : i32
      %dma_start3A_320 = arith.constant 0 : i32
      %dma_start3A_321 = tpu.memref_slice %arg8[%dma_start3A_319, %dma_start3A_320] : memref<128x128xf32, #tpu.memory_space<vmem>> -> memref<125x128xf32, #tpu.memory_space<vmem>>
      %dma_start3A_322 = arith.constant 0 : i32
      %dma_start3A_323 = tpu.memref_slice %arg13[%add3A_204, %dma_start3A_322] : memref<10240x128xf32, #tpu.memory_space<vmem_shared>> -> memref<125x128xf32, #tpu.memory_space<vmem_shared>>
      %dma_start3A_324 = arith.constant 0 : i32
      %dma_start3A_325 = arith.constant 0 : i32
      %dma_start3A_326 = tpu.memref_slice %arg8[%dma_start3A_324, %dma_start3A_325] : memref<128x128xf32, #tpu.memory_space<vmem>> -> memref<125x128xf32, #tpu.memory_space<vmem>>
      %dma_start3A_327 = arith.constant 0 : i32
      %dma_start3A_328 = tpu.memref_slice %arg13[%add3A_204, %dma_start3A_327] : memref<10240x128xf32, #tpu.memory_space<vmem_shared>> -> memref<125x128xf32, #tpu.memory_space<vmem_shared>>
      tpu.enqueue_dma source(%dma_start3A_328 : memref<125x128xf32, #tpu.memory_space<vmem_shared>>) target(%dma_start3A_326 : memref<125x128xf32, #tpu.memory_space<vmem>>) target_semaphore(%run_scoped3A : memref<!tpu.dma_semaphore, #tpu.memory_space<semaphore_mem>>)
      %dma_wait3A_329 = arith.constant 0 : i32
      %dma_wait3A_330 = arith.constant 0 : i32
      %dma_wait3A_331 = tpu.memref_slice %arg8[%dma_wait3A_329, %dma_wait3A_330] : memref<128x128xf32, #tpu.memory_space<vmem>> -> memref<125x128xf32, #tpu.memory_space<vmem>>
      %dma_wait3A_332 = arith.constant 0 : i32
      %dma_wait3A_333 = tpu.memref_slice %arg13[%add3A_204, %dma_wait3A_332] : memref<10240x128xf32, #tpu.memory_space<vmem_shared>> -> memref<125x128xf32, #tpu.memory_space<vmem_shared>>
      %dma_wait3A_334 = arith.constant 0 : i32
      %dma_wait3A_335 = arith.constant 0 : i32
      %dma_wait3A_336 = tpu.memref_slice %arg8[%dma_wait3A_334, %dma_wait3A_335] : memref<128x128xf32, #tpu.memory_space<vmem>> -> memref<125x128xf32, #tpu.memory_space<vmem>>
      %dma_wait3A_337 = arith.constant 0 : i32
      %dma_wait3A_338 = tpu.memref_slice %arg13[%add3A_204, %dma_wait3A_337] : memref<10240x128xf32, #tpu.memory_space<vmem_shared>> -> memref<125x128xf32, #tpu.memory_space<vmem_shared>>
      tpu.wait_dma2 semaphore(%run_scoped3A : memref<!tpu.dma_semaphore, #tpu.memory_space<semaphore_mem>>) src(%dma_wait3A_338 : memref<125x128xf32, #tpu.memory_space<vmem_shared>>) dst(%dma_wait3A_336 : memref<125x128xf32, #tpu.memory_space<vmem>>)
      tpu.yield
    }) : () -> ()
    %dma_start3A_219 = arith.constant 0 : i32
    %dma_start3A_220 = arith.constant 0 : i32
    %dma_start3A_221 = tpu.memref_slice %arg8[%dma_start3A_219, %dma_start3A_220] : memref<128x128xf32, #tpu.memory_space<vmem>> -> memref<125x128xf32, #tpu.memory_space<vmem>>
    %dma_start3A_222 = arith.constant 0 : i32
    %dma_start3A_223 = tpu.memref_slice %arg5[%arg0, %add3A_204, %dma_start3A_222] : memref<2x10000x128xf32, #tpu.memory_space<hbm>> -> memref<1x125x128xf32, #tpu.memory_space<hbm>>
    %dma_start3A_224 = tpu.memref_squeeze %dma_start3A_223 : memref<1x125x128xf32, #tpu.memory_space<hbm>> -> memref<125x128xf32, #tpu.memory_space<hbm>>
    %dma_start3A_225 = arith.constant 0 : i32
    %dma_start3A_226 = tpu.memref_slice %arg5[%arg0, %add3A_204, %dma_start3A_225] : memref<2x10000x128xf32, #tpu.memory_space<hbm>> -> memref<1x125x128xf32, #tpu.memory_space<hbm>>
    %dma_start3A_227 = tpu.memref_squeeze %dma_start3A_226 : memref<1x125x128xf32, #tpu.memory_space<hbm>> -> memref<125x128xf32, #tpu.memory_space<hbm>>
    %dma_start3A_228 = arith.constant 0 : i32
    %dma_start3A_229 = arith.constant 0 : i32
    %dma_start3A_230 = tpu.memref_slice %arg8[%dma_start3A_228, %dma_start3A_229] : memref<128x128xf32, #tpu.memory_space<vmem>> -> memref<125x128xf32, #tpu.memory_space<vmem>>
    tpu.enqueue_dma source(%dma_start3A_230 : memref<125x128xf32, #tpu.memory_space<vmem>>) target(%dma_start3A_227 : memref<125x128xf32, #tpu.memory_space<hbm>>) target_semaphore(%arg10 : memref<!tpu.dma_semaphore, #tpu.memory_space<semaphore_mem>>)
    %mul3A_231 = arith.constant 625 : i32
    %mul3A_232 = arith.muli %arg1, %mul3A_231 : i32
    %add3A_233 = arith.constant 375 : i32
    %add3A_234 = arith.addi %mul3A_232, %add3A_233 : i32
    %dma_wait3A_235 = arith.constant 0 : i32
    %dma_wait3A_236 = arith.constant 0 : i32
    %dma_wait3A_237 = tpu.memref_slice %arg9[%dma_wait3A_235, %dma_wait3A_236] : memref<128x128xf32, #tpu.memory_space<vmem>> -> memref<125x128xf32, #tpu.memory_space<vmem>>
    %dma_wait3A_238 = arith.constant 0 : i32
    %dma_wait3A_239 = arith.constant 0 : i32
    %dma_wait3A_240 = tpu.memref_slice %arg5[%arg0, %dma_wait3A_238, %dma_wait3A_239] : memref<2x10000x128xf32, #tpu.memory_space<hbm>> -> memref<1x125x128xf32, #tpu.memory_space<hbm>>
    %dma_wait3A_241 = tpu.memref_squeeze %dma_wait3A_240 : memref<1x125x128xf32, #tpu.memory_space<hbm>> -> memref<125x128xf32, #tpu.memory_space<hbm>>
    %dma_wait3A_242 = arith.constant 0 : i32
    %dma_wait3A_243 = arith.constant 0 : i32
    %dma_wait3A_244 = tpu.memref_slice %arg5[%arg0, %dma_wait3A_242, %dma_wait3A_243] : memref<2x10000x128xf32, #tpu.memory_space<hbm>> -> memref<1x125x128xf32, #tpu.memory_space<hbm>>
    %dma_wait3A_245 = tpu.memref_squeeze %dma_wait3A_244 : memref<1x125x128xf32, #tpu.memory_space<hbm>> -> memref<125x128xf32, #tpu.memory_space<hbm>>
    %dma_wait3A_246 = arith.constant 0 : i32
    %dma_wait3A_247 = arith.constant 0 : i32
    %dma_wait3A_248 = tpu.memref_slice %arg9[%dma_wait3A_246, %dma_wait3A_247] : memref<128x128xf32, #tpu.memory_space<vmem>> -> memref<125x128xf32, #tpu.memory_space<vmem>>
    tpu.wait_dma2 semaphore(%arg11 : memref<!tpu.dma_semaphore, #tpu.memory_space<semaphore_mem>>) src(%dma_wait3A_248 : memref<125x128xf32, #tpu.memory_space<vmem>>) dst(%dma_wait3A_245 : memref<125x128xf32, #tpu.memory_space<hbm>>)
    "tpu.region"() ({
      %run_scoped3A = tpu.sem_alloc : memref<!tpu.dma_semaphore, #tpu.memory_space<semaphore_mem>>
      %dma_start3A_319 = arith.constant 0 : i32
      %dma_start3A_320 = arith.constant 0 : i32
      %dma_start3A_321 = tpu.memref_slice %arg9[%dma_start3A_319, %dma_start3A_320] : memref<128x128xf32, #tpu.memory_space<vmem>> -> memref<125x128xf32, #tpu.memory_space<vmem>>
      %dma_start3A_322 = arith.constant 0 : i32
      %dma_start3A_323 = tpu.memref_slice %arg13[%add3A_234, %dma_start3A_322] : memref<10240x128xf32, #tpu.memory_space<vmem_shared>> -> memref<125x128xf32, #tpu.memory_space<vmem_shared>>
      %dma_start3A_324 = arith.constant 0 : i32
      %dma_start3A_325 = arith.constant 0 : i32
      %dma_start3A_326 = tpu.memref_slice %arg9[%dma_start3A_324, %dma_start3A_325] : memref<128x128xf32, #tpu.memory_space<vmem>> -> memref<125x128xf32, #tpu.memory_space<vmem>>
      %dma_start3A_327 = arith.constant 0 : i32
      %dma_start3A_328 = tpu.memref_slice %arg13[%add3A_234, %dma_start3A_327] : memref<10240x128xf32, #tpu.memory_space<vmem_shared>> -> memref<125x128xf32, #tpu.memory_space<vmem_shared>>
      tpu.enqueue_dma source(%dma_start3A_328 : memref<125x128xf32, #tpu.memory_space<vmem_shared>>) target(%dma_start3A_326 : memref<125x128xf32, #tpu.memory_space<vmem>>) target_semaphore(%run_scoped3A : memref<!tpu.dma_semaphore, #tpu.memory_space<semaphore_mem>>)
      %dma_wait3A_329 = arith.constant 0 : i32
      %dma_wait3A_330 = arith.constant 0 : i32
      %dma_wait3A_331 = tpu.memref_slice %arg9[%dma_wait3A_329, %dma_wait3A_330] : memref<128x128xf32, #tpu.memory_space<vmem>> -> memref<125x128xf32, #tpu.memory_space<vmem>>
      %dma_wait3A_332 = arith.constant 0 : i32
      %dma_wait3A_333 = tpu.memref_slice %arg13[%add3A_234, %dma_wait3A_332] : memref<10240x128xf32, #tpu.memory_space<vmem_shared>> -> memref<125x128xf32, #tpu.memory_space<vmem_shared>>
      %dma_wait3A_334 = arith.constant 0 : i32
      %dma_wait3A_335 = arith.constant 0 : i32
      %dma_wait3A_336 = tpu.memref_slice %arg9[%dma_wait3A_334, %dma_wait3A_335] : memref<128x128xf32, #tpu.memory_space<vmem>> -> memref<125x128xf32, #tpu.memory_space<vmem>>
      %dma_wait3A_337 = arith.constant 0 : i32
      %dma_wait3A_338 = tpu.memref_slice %arg13[%add3A_234, %dma_wait3A_337] : memref<10240x128xf32, #tpu.memory_space<vmem_shared>> -> memref<125x128xf32, #tpu.memory_space<vmem_shared>>
      tpu.wait_dma2 semaphore(%run_scoped3A : memref<!tpu.dma_semaphore, #tpu.memory_space<semaphore_mem>>) src(%dma_wait3A_338 : memref<125x128xf32, #tpu.memory_space<vmem_shared>>) dst(%dma_wait3A_336 : memref<125x128xf32, #tpu.memory_space<vmem>>)
      tpu.yield
    }) : () -> ()
    %dma_start3A_249 = arith.constant 0 : i32
    %dma_start3A_250 = arith.constant 0 : i32
    %dma_start3A_251 = tpu.memref_slice %arg9[%dma_start3A_249, %dma_start3A_250] : memref<128x128xf32, #tpu.memory_space<vmem>> -> memref<125x128xf32, #tpu.memory_space<vmem>>
    %dma_start3A_252 = arith.constant 0 : i32
    %dma_start3A_253 = tpu.memref_slice %arg5[%arg0, %add3A_234, %dma_start3A_252] : memref<2x10000x128xf32, #tpu.memory_space<hbm>> -> memref<1x125x128xf32, #tpu.memory_space<hbm>>
    %dma_start3A_254 = tpu.memref_squeeze %dma_start3A_253 : memref<1x125x128xf32, #tpu.memory_space<hbm>> -> memref<125x128xf32, #tpu.memory_space<hbm>>
    %dma_start3A_255 = arith.constant 0 : i32
    %dma_start3A_256 = tpu.memref_slice %arg5[%arg0, %add3A_234, %dma_start3A_255] : memref<2x10000x128xf32, #tpu.memory_space<hbm>> -> memref<1x125x128xf32, #tpu.memory_space<hbm>>
    %dma_start3A_257 = tpu.memref_squeeze %dma_start3A_256 : memref<1x125x128xf32, #tpu.memory_space<hbm>> -> memref<125x128xf32, #tpu.memory_space<hbm>>
    %dma_start3A_258 = arith.constant 0 : i32
    %dma_start3A_259 = arith.constant 0 : i32
    %dma_start3A_260 = tpu.memref_slice %arg9[%dma_start3A_258, %dma_start3A_259] : memref<128x128xf32, #tpu.memory_space<vmem>> -> memref<125x128xf32, #tpu.memory_space<vmem>>
    tpu.enqueue_dma source(%dma_start3A_260 : memref<125x128xf32, #tpu.memory_space<vmem>>) target(%dma_start3A_257 : memref<125x128xf32, #tpu.memory_space<hbm>>) target_semaphore(%arg11 : memref<!tpu.dma_semaphore, #tpu.memory_space<semaphore_mem>>)
    %mul3A_261 = arith.constant 625 : i32
    %mul3A_262 = arith.muli %arg1, %mul3A_261 : i32
    %add3A_263 = arith.constant 500 : i32
    %add3A_264 = arith.addi %mul3A_262, %add3A_263 : i32
    %dma_wait3A_265 = arith.constant 0 : i32
    %dma_wait3A_266 = arith.constant 0 : i32
    %dma_wait3A_267 = tpu.memref_slice %arg8[%dma_wait3A_265, %dma_wait3A_266] : memref<128x128xf32, #tpu.memory_space<vmem>> -> memref<125x128xf32, #tpu.memory_space<vmem>>
    %dma_wait3A_268 = arith.constant 0 : i32
    %dma_wait3A_269 = arith.constant 0 : i32
    %dma_wait3A_270 = tpu.memref_slice %arg5[%arg0, %dma_wait3A_268, %dma_wait3A_269] : memref<2x10000x128xf32, #tpu.memory_space<hbm>> -> memref<1x125x128xf32, #tpu.memory_space<hbm>>
    %dma_wait3A_271 = tpu.memref_squeeze %dma_wait3A_270 : memref<1x125x128xf32, #tpu.memory_space<hbm>> -> memref<125x128xf32, #tpu.memory_space<hbm>>
    %dma_wait3A_272 = arith.constant 0 : i32
    %dma_wait3A_273 = arith.constant 0 : i32
    %dma_wait3A_274 = tpu.memref_slice %arg5[%arg0, %dma_wait3A_272, %dma_wait3A_273] : memref<2x10000x128xf32, #tpu.memory_space<hbm>> -> memref<1x125x128xf32, #tpu.memory_space<hbm>>
    %dma_wait3A_275 = tpu.memref_squeeze %dma_wait3A_274 : memref<1x125x128xf32, #tpu.memory_space<hbm>> -> memref<125x128xf32, #tpu.memory_space<hbm>>
    %dma_wait3A_276 = arith.constant 0 : i32
    %dma_wait3A_277 = arith.constant 0 : i32
    %dma_wait3A_278 = tpu.memref_slice %arg8[%dma_wait3A_276, %dma_wait3A_277] : memref<128x128xf32, #tpu.memory_space<vmem>> -> memref<125x128xf32, #tpu.memory_space<vmem>>
    tpu.wait_dma2 semaphore(%arg10 : memref<!tpu.dma_semaphore, #tpu.memory_space<semaphore_mem>>) src(%dma_wait3A_278 : memref<125x128xf32, #tpu.memory_space<vmem>>) dst(%dma_wait3A_275 : memref<125x128xf32, #tpu.memory_space<hbm>>)
    "tpu.region"() ({
      %run_scoped3A = tpu.sem_alloc : memref<!tpu.dma_semaphore, #tpu.memory_space<semaphore_mem>>
      %dma_start3A_319 = arith.constant 0 : i32
      %dma_start3A_320 = arith.constant 0 : i32
      %dma_start3A_321 = tpu.memref_slice %arg8[%dma_start3A_319, %dma_start3A_320] : memref<128x128xf32, #tpu.memory_space<vmem>> -> memref<125x128xf32, #tpu.memory_space<vmem>>
      %dma_start3A_322 = arith.constant 0 : i32
      %dma_start3A_323 = tpu.memref_slice %arg13[%add3A_264, %dma_start3A_322] : memref<10240x128xf32, #tpu.memory_space<vmem_shared>> -> memref<125x128xf32, #tpu.memory_space<vmem_shared>>
      %dma_start3A_324 = arith.constant 0 : i32
      %dma_start3A_325 = arith.constant 0 : i32
      %dma_start3A_326 = tpu.memref_slice %arg8[%dma_start3A_324, %dma_start3A_325] : memref<128x128xf32, #tpu.memory_space<vmem>> -> memref<125x128xf32, #tpu.memory_space<vmem>>
      %dma_start3A_327 = arith.constant 0 : i32
      %dma_start3A_328 = tpu.memref_slice %arg13[%add3A_264, %dma_start3A_327] : memref<10240x128xf32, #tpu.memory_space<vmem_shared>> -> memref<125x128xf32, #tpu.memory_space<vmem_shared>>
      tpu.enqueue_dma source(%dma_start3A_328 : memref<125x128xf32, #tpu.memory_space<vmem_shared>>) target(%dma_start3A_326 : memref<125x128xf32, #tpu.memory_space<vmem>>) target_semaphore(%run_scoped3A : memref<!tpu.dma_semaphore, #tpu.memory_space<semaphore_mem>>)
      %dma_wait3A_329 = arith.constant 0 : i32
      %dma_wait3A_330 = arith.constant 0 : i32
      %dma_wait3A_331 = tpu.memref_slice %arg8[%dma_wait3A_329, %dma_wait3A_330] : memref<128x128xf32, #tpu.memory_space<vmem>> -> memref<125x128xf32, #tpu.memory_space<vmem>>
      %dma_wait3A_332 = arith.constant 0 : i32
      %dma_wait3A_333 = tpu.memref_slice %arg13[%add3A_264, %dma_wait3A_332] : memref<10240x128xf32, #tpu.memory_space<vmem_shared>> -> memref<125x128xf32, #tpu.memory_space<vmem_shared>>
      %dma_wait3A_334 = arith.constant 0 : i32
      %dma_wait3A_335 = arith.constant 0 : i32
      %dma_wait3A_336 = tpu.memref_slice %arg8[%dma_wait3A_334, %dma_wait3A_335] : memref<128x128xf32, #tpu.memory_space<vmem>> -> memref<125x128xf32, #tpu.memory_space<vmem>>
      %dma_wait3A_337 = arith.constant 0 : i32
      %dma_wait3A_338 = tpu.memref_slice %arg13[%add3A_264, %dma_wait3A_337] : memref<10240x128xf32, #tpu.memory_space<vmem_shared>> -> memref<125x128xf32, #tpu.memory_space<vmem_shared>>
      tpu.wait_dma2 semaphore(%run_scoped3A : memref<!tpu.dma_semaphore, #tpu.memory_space<semaphore_mem>>) src(%dma_wait3A_338 : memref<125x128xf32, #tpu.memory_space<vmem_shared>>) dst(%dma_wait3A_336 : memref<125x128xf32, #tpu.memory_space<vmem>>)
      tpu.yield
    }) : () -> ()
    %dma_start3A_279 = arith.constant 0 : i32
    %dma_start3A_280 = arith.constant 0 : i32
    %dma_start3A_281 = tpu.memref_slice %arg8[%dma_start3A_279, %dma_start3A_280] : memref<128x128xf32, #tpu.memory_space<vmem>> -> memref<125x128xf32, #tpu.memory_space<vmem>>
    %dma_start3A_282 = arith.constant 0 : i32
    %dma_start3A_283 = tpu.memref_slice %arg5[%arg0, %add3A_264, %dma_start3A_282] : memref<2x10000x128xf32, #tpu.memory_space<hbm>> -> memref<1x125x128xf32, #tpu.memory_space<hbm>>
    %dma_start3A_284 = tpu.memref_squeeze %dma_start3A_283 : memref<1x125x128xf32, #tpu.memory_space<hbm>> -> memref<125x128xf32, #tpu.memory_space<hbm>>
    %dma_start3A_285 = arith.constant 0 : i32
    %dma_start3A_286 = tpu.memref_slice %arg5[%arg0, %add3A_264, %dma_start3A_285] : memref<2x10000x128xf32, #tpu.memory_space<hbm>> -> memref<1x125x128xf32, #tpu.memory_space<hbm>>
    %dma_start3A_287 = tpu.memref_squeeze %dma_start3A_286 : memref<1x125x128xf32, #tpu.memory_space<hbm>> -> memref<125x128xf32, #tpu.memory_space<hbm>>
    %dma_start3A_288 = arith.constant 0 : i32
    %dma_start3A_289 = arith.constant 0 : i32
    %dma_start3A_290 = tpu.memref_slice %arg8[%dma_start3A_288, %dma_start3A_289] : memref<128x128xf32, #tpu.memory_space<vmem>> -> memref<125x128xf32, #tpu.memory_space<vmem>>
    tpu.enqueue_dma source(%dma_start3A_290 : memref<125x128xf32, #tpu.memory_space<vmem>>) target(%dma_start3A_287 : memref<125x128xf32, #tpu.memory_space<hbm>>) target_semaphore(%arg10 : memref<!tpu.dma_semaphore, #tpu.memory_space<semaphore_mem>>)
    %dma_wait3A_291 = arith.constant 0 : i32
    %dma_wait3A_292 = arith.constant 0 : i32
    %dma_wait3A_293 = tpu.memref_slice %arg9[%dma_wait3A_291, %dma_wait3A_292] : memref<128x128xf32, #tpu.memory_space<vmem>> -> memref<125x128xf32, #tpu.memory_space<vmem>>
    %dma_wait3A_294 = arith.constant 0 : i32
    %dma_wait3A_295 = arith.constant 0 : i32
    %dma_wait3A_296 = tpu.memref_slice %arg5[%arg0, %dma_wait3A_294, %dma_wait3A_295] : memref<2x10000x128xf32, #tpu.memory_space<hbm>> -> memref<1x125x128xf32, #tpu.memory_space<hbm>>
    %dma_wait3A_297 = tpu.memref_squeeze %dma_wait3A_296 : memref<1x125x128xf32, #tpu.memory_space<hbm>> -> memref<125x128xf32, #tpu.memory_space<hbm>>
    %dma_wait3A_298 = arith.constant 0 : i32
    %dma_wait3A_299 = arith.constant 0 : i32
    %dma_wait3A_300 = tpu.memref_slice %arg5[%arg0, %dma_wait3A_298, %dma_wait3A_299] : memref<2x10000x128xf32, #tpu.memory_space<hbm>> -> memref<1x125x128xf32, #tpu.memory_space<hbm>>
    %dma_wait3A_301 = tpu.memref_squeeze %dma_wait3A_300 : memref<1x125x128xf32, #tpu.memory_space<hbm>> -> memref<125x128xf32, #tpu.memory_space<hbm>>
    %dma_wait3A_302 = arith.constant 0 : i32
    %dma_wait3A_303 = arith.constant 0 : i32
    %dma_wait3A_304 = tpu.memref_slice %arg9[%dma_wait3A_302, %dma_wait3A_303] : memref<128x128xf32, #tpu.memory_space<vmem>> -> memref<125x128xf32, #tpu.memory_space<vmem>>
    tpu.wait_dma2 semaphore(%arg11 : memref<!tpu.dma_semaphore, #tpu.memory_space<semaphore_mem>>) src(%dma_wait3A_304 : memref<125x128xf32, #tpu.memory_space<vmem>>) dst(%dma_wait3A_301 : memref<125x128xf32, #tpu.memory_space<hbm>>)
    %dma_wait3A_305 = arith.constant 0 : i32
    %dma_wait3A_306 = arith.constant 0 : i32
    %dma_wait3A_307 = tpu.memref_slice %arg8[%dma_wait3A_305, %dma_wait3A_306] : memref<128x128xf32, #tpu.memory_space<vmem>> -> memref<125x128xf32, #tpu.memory_space<vmem>>
    %dma_wait3A_308 = arith.constant 0 : i32
    %dma_wait3A_309 = arith.constant 0 : i32
    %dma_wait3A_310 = tpu.memref_slice %arg5[%arg0, %dma_wait3A_308, %dma_wait3A_309] : memref<2x10000x128xf32, #tpu.memory_space<hbm>> -> memref<1x125x128xf32, #tpu.memory_space<hbm>>
    %dma_wait3A_311 = tpu.memref_squeeze %dma_wait3A_310 : memref<1x125x128xf32, #tpu.memory_space<hbm>> -> memref<125x128xf32, #tpu.memory_space<hbm>>
    %dma_wait3A_312 = arith.constant 0 : i32
    %dma_wait3A_313 = arith.constant 0 : i32
    %dma_wait3A_314 = tpu.memref_slice %arg5[%arg0, %dma_wait3A_312, %dma_wait3A_313] : memref<2x10000x128xf32, #tpu.memory_space<hbm>> -> memref<1x125x128xf32, #tpu.memory_space<hbm>>
    %dma_wait3A_315 = tpu.memref_squeeze %dma_wait3A_314 : memref<1x125x128xf32, #tpu.memory_space<hbm>> -> memref<125x128xf32, #tpu.memory_space<hbm>>
    %dma_wait3A_316 = arith.constant 0 : i32
    %dma_wait3A_317 = arith.constant 0 : i32
    %dma_wait3A_318 = tpu.memref_slice %arg8[%dma_wait3A_316, %dma_wait3A_317] : memref<128x128xf32, #tpu.memory_space<vmem>> -> memref<125x128xf32, #tpu.memory_space<vmem>>
    tpu.wait_dma2 semaphore(%arg10 : memref<!tpu.dma_semaphore, #tpu.memory_space<semaphore_mem>>) src(%dma_wait3A_318 : memref<125x128xf32, #tpu.memory_space<vmem>>) dst(%dma_wait3A_315 : memref<125x128xf32, #tpu.memory_space<hbm>>)
    return
  }
}

#map = affine_map<(d0, d1) -> (0, 0)>
#map1 = affine_map<(d0, d1) -> (0, 0, 0)>
module attributes {stable_mosaic.version = 14 : i64} {
  func.func @_agg_body(%arg0: i32, %arg1: i32, %arg2: memref<10000x128xf32, #tpu.memory_space<hbm>>, %arg3: memref<32x80x128xi32, #tpu.memory_space<hbm>>, %arg4: memref<32x80x128xi32, #tpu.memory_space<hbm>>, %arg5: memref<2x10000x128xf32, #tpu.memory_space<hbm>>, %arg6: memref<40x128xi32, #tpu.memory_space<vmem>>, %arg7: memref<40x128xi32, #tpu.memory_space<vmem>>, %arg8: memref<128x128xf32, #tpu.memory_space<vmem>>, %arg9: memref<128x128xf32, #tpu.memory_space<vmem>>, %arg10: memref<!tpu.dma_semaphore, #tpu.memory_space<semaphore_mem>>, %arg11: memref<!tpu.dma_semaphore, #tpu.memory_space<semaphore_mem>>, %arg12: memref<!tpu.dma_semaphore, #tpu.memory_space<semaphore_mem>>, %arg13: memref<10240x128xf32, #tpu.memory_space<vmem_shared>>) attributes {dimension_semantics = [#tpu.dimension_semantics<core_parallel>, #tpu.dimension_semantics<subcore_parallel>], iteration_bounds = array<i64: 2, 16>, scalar_prefetch = 0 : i64, scratch_operands = 8 : i64, tpu.core_type = #tpu.core_type<sc_vector_subcore>, window_params = [{transform_indices = #map}, {transform_indices = #map1}, {transform_indices = #map1}, {transform_indices = #map1}]} {
    %mul3A = arith.constant 16 : i32
    %mul3A_0 = arith.muli %arg0, %mul3A : i32
    %add3A = arith.addi %mul3A_0, %arg1 : i32
    %dma_start3A = arith.constant 0 : i32
    %dma_start3A_1 = arith.constant 0 : i32
    %dma_start3A_2 = tpu.memref_slice %arg3[%add3A, %dma_start3A, %dma_start3A_1] : memref<32x80x128xi32, #tpu.memory_space<hbm>> -> memref<1x40x128xi32, #tpu.memory_space<hbm>>
    %dma_start3A_3 = tpu.memref_squeeze %dma_start3A_2 : memref<1x40x128xi32, #tpu.memory_space<hbm>> -> memref<40x128xi32, #tpu.memory_space<hbm>>
    %dma_start3A_4 = arith.constant 0 : i32
    %dma_start3A_5 = arith.constant 0 : i32
    %dma_start3A_6 = tpu.memref_slice %arg3[%add3A, %dma_start3A_4, %dma_start3A_5] : memref<32x80x128xi32, #tpu.memory_space<hbm>> -> memref<1x40x128xi32, #tpu.memory_space<hbm>>
    %dma_start3A_7 = tpu.memref_squeeze %dma_start3A_6 : memref<1x40x128xi32, #tpu.memory_space<hbm>> -> memref<40x128xi32, #tpu.memory_space<hbm>>
    tpu.enqueue_dma source(%dma_start3A_7 : memref<40x128xi32, #tpu.memory_space<hbm>>) target(%arg6 : memref<40x128xi32, #tpu.memory_space<vmem>>) target_semaphore(%arg10 : memref<!tpu.dma_semaphore, #tpu.memory_space<semaphore_mem>>)
    %dma_start3A_8 = arith.constant 0 : i32
    %dma_start3A_9 = arith.constant 0 : i32
    %dma_start3A_10 = tpu.memref_slice %arg4[%add3A, %dma_start3A_8, %dma_start3A_9] : memref<32x80x128xi32, #tpu.memory_space<hbm>> -> memref<1x40x128xi32, #tpu.memory_space<hbm>>
    %dma_start3A_11 = tpu.memref_squeeze %dma_start3A_10 : memref<1x40x128xi32, #tpu.memory_space<hbm>> -> memref<40x128xi32, #tpu.memory_space<hbm>>
    %dma_start3A_12 = arith.constant 0 : i32
    %dma_start3A_13 = arith.constant 0 : i32
    %dma_start3A_14 = tpu.memref_slice %arg4[%add3A, %dma_start3A_12, %dma_start3A_13] : memref<32x80x128xi32, #tpu.memory_space<hbm>> -> memref<1x40x128xi32, #tpu.memory_space<hbm>>
    %dma_start3A_15 = tpu.memref_squeeze %dma_start3A_14 : memref<1x40x128xi32, #tpu.memory_space<hbm>> -> memref<40x128xi32, #tpu.memory_space<hbm>>
    tpu.enqueue_dma source(%dma_start3A_15 : memref<40x128xi32, #tpu.memory_space<hbm>>) target(%arg7 : memref<40x128xi32, #tpu.memory_space<vmem>>) target_semaphore(%arg11 : memref<!tpu.dma_semaphore, #tpu.memory_space<semaphore_mem>>)
    %scan3A = arith.constant 0 : i32
    %scan3A_16 = arith.constant 0 : i32
    %scan3A_17 = arith.constant 128 : i32
    %scan3A_18 = arith.addi %scan3A_16, %scan3A_17 : i32
    %scan3A_19 = arith.constant 1 : i32
    scf.for %scan3A_319 = %scan3A_16 to %scan3A_18 step %scan3A_19  : i32 {
      %broadcast_in_dim3A = arith.constant 0.000000e+00 : f32
      %broadcast_in_dim3A_320 = vector.broadcast %broadcast_in_dim3A : f32 to vector<16xf32>
      %swap3A = arith.index_cast %scan3A_319 : i32 to index
      %swap3A_321 = arith.constant 0 : index
      %swap3A_322 = tpu.vector_load %arg8[%swap3A, %swap3A_321] {strides = array<i32>} : memref<128x128xf32, #tpu.memory_space<vmem>>, vector<1x16xf32>,
      %swap3A_323 = vector.shape_cast %swap3A_322 : vector<1x16xf32> to vector<16xf32>
      %swap3A_324 = vector.shape_cast %broadcast_in_dim3A_320 : vector<16xf32> to vector<1x16xf32>
      tpu.vector_store %arg8[%swap3A, %swap3A_321], %swap3A_324 {strides = array<i32>} : memref<128x128xf32, #tpu.memory_space<vmem>>, vector<1x16xf32>,
      %broadcast_in_dim3A_325 = arith.constant 0.000000e+00 : f32
      %broadcast_in_dim3A_326 = vector.broadcast %broadcast_in_dim3A_325 : f32 to vector<16xf32>
      %swap3A_327 = arith.index_cast %scan3A_319 : i32 to index
      %swap3A_328 = arith.constant 16 : index
      %swap3A_329 = tpu.vector_load %arg8[%swap3A_327, %swap3A_328] {strides = array<i32>} : memref<128x128xf32, #tpu.memory_space<vmem>>, vector<1x16xf32>,
      %swap3A_330 = vector.shape_cast %swap3A_329 : vector<1x16xf32> to vector<16xf32>
      %swap3A_331 = vector.shape_cast %broadcast_in_dim3A_326 : vector<16xf32> to vector<1x16xf32>
      tpu.vector_store %arg8[%swap3A_327, %swap3A_328], %swap3A_331 {strides = array<i32>} : memref<128x128xf32, #tpu.memory_space<vmem>>, vector<1x16xf32>,
      %broadcast_in_dim3A_332 = arith.constant 0.000000e+00 : f32
      %broadcast_in_dim3A_333 = vector.broadcast %broadcast_in_dim3A_332 : f32 to vector<16xf32>
      %swap3A_334 = arith.index_cast %scan3A_319 : i32 to index
      %swap3A_335 = arith.constant 32 : index
      %swap3A_336 = tpu.vector_load %arg8[%swap3A_334, %swap3A_335] {strides = array<i32>} : memref<128x128xf32, #tpu.memory_space<vmem>>, vector<1x16xf32>,
      %swap3A_337 = vector.shape_cast %swap3A_336 : vector<1x16xf32> to vector<16xf32>
      %swap3A_338 = vector.shape_cast %broadcast_in_dim3A_333 : vector<16xf32> to vector<1x16xf32>
      tpu.vector_store %arg8[%swap3A_334, %swap3A_335], %swap3A_338 {strides = array<i32>} : memref<128x128xf32, #tpu.memory_space<vmem>>, vector<1x16xf32>,
      %broadcast_in_dim3A_339 = arith.constant 0.000000e+00 : f32
      %broadcast_in_dim3A_340 = vector.broadcast %broadcast_in_dim3A_339 : f32 to vector<16xf32>
      %swap3A_341 = arith.index_cast %scan3A_319 : i32 to index
      %swap3A_342 = arith.constant 48 : index
      %swap3A_343 = tpu.vector_load %arg8[%swap3A_341, %swap3A_342] {strides = array<i32>} : memref<128x128xf32, #tpu.memory_space<vmem>>, vector<1x16xf32>,
      %swap3A_344 = vector.shape_cast %swap3A_343 : vector<1x16xf32> to vector<16xf32>
      %swap3A_345 = vector.shape_cast %broadcast_in_dim3A_340 : vector<16xf32> to vector<1x16xf32>
      tpu.vector_store %arg8[%swap3A_341, %swap3A_342], %swap3A_345 {strides = array<i32>} : memref<128x128xf32, #tpu.memory_space<vmem>>, vector<1x16xf32>,
      %broadcast_in_dim3A_346 = arith.constant 0.000000e+00 : f32
      %broadcast_in_dim3A_347 = vector.broadcast %broadcast_in_dim3A_346 : f32 to vector<16xf32>
      %swap3A_348 = arith.index_cast %scan3A_319 : i32 to index
      %swap3A_349 = arith.constant 64 : index
      %swap3A_350 = tpu.vector_load %arg8[%swap3A_348, %swap3A_349] {strides = array<i32>} : memref<128x128xf32, #tpu.memory_space<vmem>>, vector<1x16xf32>,
      %swap3A_351 = vector.shape_cast %swap3A_350 : vector<1x16xf32> to vector<16xf32>
      %swap3A_352 = vector.shape_cast %broadcast_in_dim3A_347 : vector<16xf32> to vector<1x16xf32>
      tpu.vector_store %arg8[%swap3A_348, %swap3A_349], %swap3A_352 {strides = array<i32>} : memref<128x128xf32, #tpu.memory_space<vmem>>, vector<1x16xf32>,
      %broadcast_in_dim3A_353 = arith.constant 0.000000e+00 : f32
      %broadcast_in_dim3A_354 = vector.broadcast %broadcast_in_dim3A_353 : f32 to vector<16xf32>
      %swap3A_355 = arith.index_cast %scan3A_319 : i32 to index
      %swap3A_356 = arith.constant 80 : index
      %swap3A_357 = tpu.vector_load %arg8[%swap3A_355, %swap3A_356] {strides = array<i32>} : memref<128x128xf32, #tpu.memory_space<vmem>>, vector<1x16xf32>,
      %swap3A_358 = vector.shape_cast %swap3A_357 : vector<1x16xf32> to vector<16xf32>
      %swap3A_359 = vector.shape_cast %broadcast_in_dim3A_354 : vector<16xf32> to vector<1x16xf32>
      tpu.vector_store %arg8[%swap3A_355, %swap3A_356], %swap3A_359 {strides = array<i32>} : memref<128x128xf32, #tpu.memory_space<vmem>>, vector<1x16xf32>,
      %broadcast_in_dim3A_360 = arith.constant 0.000000e+00 : f32
      %broadcast_in_dim3A_361 = vector.broadcast %broadcast_in_dim3A_360 : f32 to vector<16xf32>
      %swap3A_362 = arith.index_cast %scan3A_319 : i32 to index
      %swap3A_363 = arith.constant 96 : index
      %swap3A_364 = tpu.vector_load %arg8[%swap3A_362, %swap3A_363] {strides = array<i32>} : memref<128x128xf32, #tpu.memory_space<vmem>>, vector<1x16xf32>,
      %swap3A_365 = vector.shape_cast %swap3A_364 : vector<1x16xf32> to vector<16xf32>
      %swap3A_366 = vector.shape_cast %broadcast_in_dim3A_361 : vector<16xf32> to vector<1x16xf32>
      tpu.vector_store %arg8[%swap3A_362, %swap3A_363], %swap3A_366 {strides = array<i32>} : memref<128x128xf32, #tpu.memory_space<vmem>>, vector<1x16xf32>,
      %broadcast_in_dim3A_367 = arith.constant 0.000000e+00 : f32
      %broadcast_in_dim3A_368 = vector.broadcast %broadcast_in_dim3A_367 : f32 to vector<16xf32>
      %swap3A_369 = arith.index_cast %scan3A_319 : i32 to index
      %swap3A_370 = arith.constant 112 : index
      %swap3A_371 = tpu.vector_load %arg8[%swap3A_369, %swap3A_370] {strides = array<i32>} : memref<128x128xf32, #tpu.memory_space<vmem>>, vector<1x16xf32>,
      %swap3A_372 = vector.shape_cast %swap3A_371 : vector<1x16xf32> to vector<16xf32>
      %swap3A_373 = vector.shape_cast %broadcast_in_dim3A_368 : vector<16xf32> to vector<1x16xf32>
      tpu.vector_store %arg8[%swap3A_369, %swap3A_370], %swap3A_373 {strides = array<i32>} : memref<128x128xf32, #tpu.memory_space<vmem>>, vector<1x16xf32>,
    }
    %scan3A_20 = arith.constant 128 : i32
    %mul3A_21 = arith.constant 640 : i32
    %mul3A_22 = arith.muli %arg1, %mul3A_21 : i32
    %add3A_23 = arith.constant 0 : i32
    %add3A_24 = arith.addi %mul3A_22, %add3A_23 : i32
    %dma_start3A_25 = arith.constant 0 : i32
    %dma_start3A_26 = tpu.memref_slice %arg13[%add3A_24, %dma_start3A_25] : memref<10240x128xf32, #tpu.memory_space<vmem_shared>> -> memref<128x128xf32, #tpu.memory_space<vmem_shared>>
    %dma_start3A_27 = arith.constant 0 : i32
    %dma_start3A_28 = tpu.memref_slice %arg13[%add3A_24, %dma_start3A_27] : memref<10240x128xf32, #tpu.memory_space<vmem_shared>> -> memref<128x128xf32, #tpu.memory_space<vmem_shared>>
    tpu.enqueue_dma source(%arg8 : memref<128x128xf32, #tpu.memory_space<vmem>>) target(%dma_start3A_28 : memref<128x128xf32, #tpu.memory_space<vmem_shared>>) target_semaphore(%arg12 : memref<!tpu.dma_semaphore, #tpu.memory_space<semaphore_mem>>)
    %mul3A_29 = arith.constant 640 : i32
    %mul3A_30 = arith.muli %arg1, %mul3A_29 : i32
    %add3A_31 = arith.constant 128 : i32
    %add3A_32 = arith.addi %mul3A_30, %add3A_31 : i32
    %dma_start3A_33 = arith.constant 0 : i32
    %dma_start3A_34 = tpu.memref_slice %arg13[%add3A_32, %dma_start3A_33] : memref<10240x128xf32, #tpu.memory_space<vmem_shared>> -> memref<128x128xf32, #tpu.memory_space<vmem_shared>>
    %dma_start3A_35 = arith.constant 0 : i32
    %dma_start3A_36 = tpu.memref_slice %arg13[%add3A_32, %dma_start3A_35] : memref<10240x128xf32, #tpu.memory_space<vmem_shared>> -> memref<128x128xf32, #tpu.memory_space<vmem_shared>>
    tpu.enqueue_dma source(%arg8 : memref<128x128xf32, #tpu.memory_space<vmem>>) target(%dma_start3A_36 : memref<128x128xf32, #tpu.memory_space<vmem_shared>>) target_semaphore(%arg12 : memref<!tpu.dma_semaphore, #tpu.memory_space<semaphore_mem>>)
    %mul3A_37 = arith.constant 640 : i32
    %mul3A_38 = arith.muli %arg1, %mul3A_37 : i32
    %add3A_39 = arith.constant 256 : i32
    %add3A_40 = arith.addi %mul3A_38, %add3A_39 : i32
    %dma_start3A_41 = arith.constant 0 : i32
    %dma_start3A_42 = tpu.memref_slice %arg13[%add3A_40, %dma_start3A_41] : memref<10240x128xf32, #tpu.memory_space<vmem_shared>> -> memref<128x128xf32, #tpu.memory_space<vmem_shared>>
    %dma_start3A_43 = arith.constant 0 : i32
    %dma_start3A_44 = tpu.memref_slice %arg13[%add3A_40, %dma_start3A_43] : memref<10240x128xf32, #tpu.memory_space<vmem_shared>> -> memref<128x128xf32, #tpu.memory_space<vmem_shared>>
    tpu.enqueue_dma source(%arg8 : memref<128x128xf32, #tpu.memory_space<vmem>>) target(%dma_start3A_44 : memref<128x128xf32, #tpu.memory_space<vmem_shared>>) target_semaphore(%arg12 : memref<!tpu.dma_semaphore, #tpu.memory_space<semaphore_mem>>)
    %mul3A_45 = arith.constant 640 : i32
    %mul3A_46 = arith.muli %arg1, %mul3A_45 : i32
    %add3A_47 = arith.constant 384 : i32
    %add3A_48 = arith.addi %mul3A_46, %add3A_47 : i32
    %dma_start3A_49 = arith.constant 0 : i32
    %dma_start3A_50 = tpu.memref_slice %arg13[%add3A_48, %dma_start3A_49] : memref<10240x128xf32, #tpu.memory_space<vmem_shared>> -> memref<128x128xf32, #tpu.memory_space<vmem_shared>>
    %dma_start3A_51 = arith.constant 0 : i32
    %dma_start3A_52 = tpu.memref_slice %arg13[%add3A_48, %dma_start3A_51] : memref<10240x128xf32, #tpu.memory_space<vmem_shared>> -> memref<128x128xf32, #tpu.memory_space<vmem_shared>>
    tpu.enqueue_dma source(%arg8 : memref<128x128xf32, #tpu.memory_space<vmem>>) target(%dma_start3A_52 : memref<128x128xf32, #tpu.memory_space<vmem_shared>>) target_semaphore(%arg12 : memref<!tpu.dma_semaphore, #tpu.memory_space<semaphore_mem>>)
    %mul3A_53 = arith.constant 640 : i32
    %mul3A_54 = arith.muli %arg1, %mul3A_53 : i32
    %add3A_55 = arith.constant 512 : i32
    %add3A_56 = arith.addi %mul3A_54, %add3A_55 : i32
    %dma_start3A_57 = arith.constant 0 : i32
    %dma_start3A_58 = tpu.memref_slice %arg13[%add3A_56, %dma_start3A_57] : memref<10240x128xf32, #tpu.memory_space<vmem_shared>> -> memref<128x128xf32, #tpu.memory_space<vmem_shared>>
    %dma_start3A_59 = arith.constant 0 : i32
    %dma_start3A_60 = tpu.memref_slice %arg13[%add3A_56, %dma_start3A_59] : memref<10240x128xf32, #tpu.memory_space<vmem_shared>> -> memref<128x128xf32, #tpu.memory_space<vmem_shared>>
    tpu.enqueue_dma source(%arg8 : memref<128x128xf32, #tpu.memory_space<vmem>>) target(%dma_start3A_60 : memref<128x128xf32, #tpu.memory_space<vmem_shared>>) target_semaphore(%arg12 : memref<!tpu.dma_semaphore, #tpu.memory_space<semaphore_mem>>)
    %dma_wait3A = arith.constant 0 : i32
    %dma_wait3A_61 = arith.constant 0 : i32
    %dma_wait3A_62 = tpu.memref_slice %arg13[%dma_wait3A, %dma_wait3A_61] : memref<10240x128xf32, #tpu.memory_space<vmem_shared>> -> memref<128x128xf32, #tpu.memory_space<vmem_shared>>
    %dma_wait3A_63 = arith.constant 0 : i32
    %dma_wait3A_64 = arith.constant 0 : i32
    %dma_wait3A_65 = tpu.memref_slice %arg13[%dma_wait3A_63, %dma_wait3A_64] : memref<10240x128xf32, #tpu.memory_space<vmem_shared>> -> memref<128x128xf32, #tpu.memory_space<vmem_shared>>
    tpu.wait_dma2 semaphore(%arg12 : memref<!tpu.dma_semaphore, #tpu.memory_space<semaphore_mem>>) src(%arg8 : memref<128x128xf32, #tpu.memory_space<vmem>>) dst(%dma_wait3A_65 : memref<128x128xf32, #tpu.memory_space<vmem_shared>>)
    %dma_wait3A_66 = arith.constant 0 : i32
    %dma_wait3A_67 = arith.constant 0 : i32
    %dma_wait3A_68 = tpu.memref_slice %arg13[%dma_wait3A_66, %dma_wait3A_67] : memref<10240x128xf32, #tpu.memory_space<vmem_shared>> -> memref<128x128xf32, #tpu.memory_space<vmem_shared>>
    %dma_wait3A_69 = arith.constant 0 : i32
    %dma_wait3A_70 = arith.constant 0 : i32
    %dma_wait3A_71 = tpu.memref_slice %arg13[%dma_wait3A_69, %dma_wait3A_70] : memref<10240x128xf32, #tpu.memory_space<vmem_shared>> -> memref<128x128xf32, #tpu.memory_space<vmem_shared>>
    tpu.wait_dma2 semaphore(%arg12 : memref<!tpu.dma_semaphore, #tpu.memory_space<semaphore_mem>>) src(%arg8 : memref<128x128xf32, #tpu.memory_space<vmem>>) dst(%dma_wait3A_71 : memref<128x128xf32, #tpu.memory_space<vmem_shared>>)
    %dma_wait3A_72 = arith.constant 0 : i32
    %dma_wait3A_73 = arith.constant 0 : i32
    %dma_wait3A_74 = tpu.memref_slice %arg13[%dma_wait3A_72, %dma_wait3A_73] : memref<10240x128xf32, #tpu.memory_space<vmem_shared>> -> memref<128x128xf32, #tpu.memory_space<vmem_shared>>
    %dma_wait3A_75 = arith.constant 0 : i32
    %dma_wait3A_76 = arith.constant 0 : i32
    %dma_wait3A_77 = tpu.memref_slice %arg13[%dma_wait3A_75, %dma_wait3A_76] : memref<10240x128xf32, #tpu.memory_space<vmem_shared>> -> memref<128x128xf32, #tpu.memory_space<vmem_shared>>
    tpu.wait_dma2 semaphore(%arg12 : memref<!tpu.dma_semaphore, #tpu.memory_space<semaphore_mem>>) src(%arg8 : memref<128x128xf32, #tpu.memory_space<vmem>>) dst(%dma_wait3A_77 : memref<128x128xf32, #tpu.memory_space<vmem_shared>>)
    %dma_wait3A_78 = arith.constant 0 : i32
    %dma_wait3A_79 = arith.constant 0 : i32
    %dma_wait3A_80 = tpu.memref_slice %arg13[%dma_wait3A_78, %dma_wait3A_79] : memref<10240x128xf32, #tpu.memory_space<vmem_shared>> -> memref<128x128xf32, #tpu.memory_space<vmem_shared>>
    %dma_wait3A_81 = arith.constant 0 : i32
    %dma_wait3A_82 = arith.constant 0 : i32
    %dma_wait3A_83 = tpu.memref_slice %arg13[%dma_wait3A_81, %dma_wait3A_82] : memref<10240x128xf32, #tpu.memory_space<vmem_shared>> -> memref<128x128xf32, #tpu.memory_space<vmem_shared>>
    tpu.wait_dma2 semaphore(%arg12 : memref<!tpu.dma_semaphore, #tpu.memory_space<semaphore_mem>>) src(%arg8 : memref<128x128xf32, #tpu.memory_space<vmem>>) dst(%dma_wait3A_83 : memref<128x128xf32, #tpu.memory_space<vmem_shared>>)
    %dma_wait3A_84 = arith.constant 0 : i32
    %dma_wait3A_85 = arith.constant 0 : i32
    %dma_wait3A_86 = tpu.memref_slice %arg13[%dma_wait3A_84, %dma_wait3A_85] : memref<10240x128xf32, #tpu.memory_space<vmem_shared>> -> memref<128x128xf32, #tpu.memory_space<vmem_shared>>
    %dma_wait3A_87 = arith.constant 0 : i32
    %dma_wait3A_88 = arith.constant 0 : i32
    %dma_wait3A_89 = tpu.memref_slice %arg13[%dma_wait3A_87, %dma_wait3A_88] : memref<10240x128xf32, #tpu.memory_space<vmem_shared>> -> memref<128x128xf32, #tpu.memory_space<vmem_shared>>
    tpu.wait_dma2 semaphore(%arg12 : memref<!tpu.dma_semaphore, #tpu.memory_space<semaphore_mem>>) src(%arg8 : memref<128x128xf32, #tpu.memory_space<vmem>>) dst(%dma_wait3A_89 : memref<128x128xf32, #tpu.memory_space<vmem_shared>>)
    %dma_wait3A_90 = arith.constant 0 : i32
    %dma_wait3A_91 = arith.constant 0 : i32
    %dma_wait3A_92 = tpu.memref_slice %arg3[%add3A, %dma_wait3A_90, %dma_wait3A_91] : memref<32x80x128xi32, #tpu.memory_space<hbm>> -> memref<1x40x128xi32, #tpu.memory_space<hbm>>
    %dma_wait3A_93 = tpu.memref_squeeze %dma_wait3A_92 : memref<1x40x128xi32, #tpu.memory_space<hbm>> -> memref<40x128xi32, #tpu.memory_space<hbm>>
    %dma_wait3A_94 = arith.constant 0 : i32
    %dma_wait3A_95 = arith.constant 0 : i32
    %dma_wait3A_96 = tpu.memref_slice %arg3[%add3A, %dma_wait3A_94, %dma_wait3A_95] : memref<32x80x128xi32, #tpu.memory_space<hbm>> -> memref<1x40x128xi32, #tpu.memory_space<hbm>>
    %dma_wait3A_97 = tpu.memref_squeeze %dma_wait3A_96 : memref<1x40x128xi32, #tpu.memory_space<hbm>> -> memref<40x128xi32, #tpu.memory_space<hbm>>
    tpu.wait_dma2 semaphore(%arg10 : memref<!tpu.dma_semaphore, #tpu.memory_space<semaphore_mem>>) src(%dma_wait3A_97 : memref<40x128xi32, #tpu.memory_space<hbm>>) dst(%arg6 : memref<40x128xi32, #tpu.memory_space<vmem>>)
    %dma_wait3A_98 = arith.constant 0 : i32
    %dma_wait3A_99 = arith.constant 0 : i32
    %dma_wait3A_100 = tpu.memref_slice %arg4[%add3A, %dma_wait3A_98, %dma_wait3A_99] : memref<32x80x128xi32, #tpu.memory_space<hbm>> -> memref<1x40x128xi32, #tpu.memory_space<hbm>>
    %dma_wait3A_101 = tpu.memref_squeeze %dma_wait3A_100 : memref<1x40x128xi32, #tpu.memory_space<hbm>> -> memref<40x128xi32, #tpu.memory_space<hbm>>
    %dma_wait3A_102 = arith.constant 0 : i32
    %dma_wait3A_103 = arith.constant 0 : i32
    %dma_wait3A_104 = tpu.memref_slice %arg4[%add3A, %dma_wait3A_102, %dma_wait3A_103] : memref<32x80x128xi32, #tpu.memory_space<hbm>> -> memref<1x40x128xi32, #tpu.memory_space<hbm>>
    %dma_wait3A_105 = tpu.memref_squeeze %dma_wait3A_104 : memref<1x40x128xi32, #tpu.memory_space<hbm>> -> memref<40x128xi32, #tpu.memory_space<hbm>>
    tpu.wait_dma2 semaphore(%arg11 : memref<!tpu.dma_semaphore, #tpu.memory_space<semaphore_mem>>) src(%dma_wait3A_105 : memref<40x128xi32, #tpu.memory_space<hbm>>) dst(%arg7 : memref<40x128xi32, #tpu.memory_space<vmem>>)
    %barrier3A = arith.constant 0 : index
    tpu.barrier barrier_id(%barrier3A)
    %dma_start3A_106 = arith.constant 0 : i32
    %dma_start3A_107 = arith.constant 0 : i32
    %dma_start3A_108 = tpu.memref_slice %arg6[%dma_start3A_106, %dma_start3A_107] : memref<40x128xi32, #tpu.memory_space<vmem>> -> memref<1x128xi32, #tpu.memory_space<vmem>>
    %dma_start3A_109 = tpu.memref_squeeze %dma_start3A_108 : memref<1x128xi32, #tpu.memory_space<vmem>> -> memref<128xi32, #tpu.memory_space<vmem>>
    %dma_start3A_110 = arith.constant 0 : i32
    %dma_start3A_111 = arith.constant 0 : i32
    %dma_start3A_112 = tpu.memref_slice %arg2[%dma_start3A_110, %dma_start3A_111] : memref<10000x128xf32, #tpu.memory_space<hbm>> -> memref<10000x128xf32, #tpu.memory_space<hbm>>
    tpu.enqueue_indirect_dma source(%dma_start3A_112 : memref<10000x128xf32, #tpu.memory_space<hbm>>) target(%arg8 : memref<128x128xf32, #tpu.memory_space<vmem>>) offsets(%dma_start3A_109 : memref<128xi32, #tpu.memory_space<vmem>>) semaphore(%arg10 : memref<!tpu.dma_semaphore, #tpu.memory_space<semaphore_mem>>)
    %dma_wait3A_113 = arith.constant 0 : i32
    %dma_wait3A_114 = arith.constant 0 : i32
    %dma_wait3A_115 = tpu.memref_slice %arg6[%dma_wait3A_113, %dma_wait3A_114] : memref<40x128xi32, #tpu.memory_space<vmem>> -> memref<1x128xi32, #tpu.memory_space<vmem>>
    %dma_wait3A_116 = tpu.memref_squeeze %dma_wait3A_115 : memref<1x128xi32, #tpu.memory_space<vmem>> -> memref<128xi32, #tpu.memory_space<vmem>>
    %dma_wait3A_117 = arith.constant 0 : i32
    %dma_wait3A_118 = arith.constant 0 : i32
    %dma_wait3A_119 = tpu.memref_slice %arg2[%dma_wait3A_117, %dma_wait3A_118] : memref<10000x128xf32, #tpu.memory_space<hbm>> -> memref<10000x128xf32, #tpu.memory_space<hbm>>
    tpu.wait_indirect_dma semaphore(%arg10 : memref<!tpu.dma_semaphore, #tpu.memory_space<semaphore_mem>>) src(%dma_wait3A_119 : memref<10000x128xf32, #tpu.memory_space<hbm>>) dst(%arg8 : memref<128x128xf32, #tpu.memory_space<vmem>>)
    %dma_start3A_120 = arith.constant 0 : i32
    %dma_start3A_121 = arith.constant 0 : i32
    %dma_start3A_122 = tpu.memref_slice %arg7[%dma_start3A_120, %dma_start3A_121] : memref<40x128xi32, #tpu.memory_space<vmem>> -> memref<1x128xi32, #tpu.memory_space<vmem>>
    %dma_start3A_123 = tpu.memref_squeeze %dma_start3A_122 : memref<1x128xi32, #tpu.memory_space<vmem>> -> memref<128xi32, #tpu.memory_space<vmem>>
    %dma_start3A_124 = arith.constant 0 : i32
    %dma_start3A_125 = arith.constant 0 : i32
    %dma_start3A_126 = tpu.memref_slice %arg13[%dma_start3A_124, %dma_start3A_125] : memref<10240x128xf32, #tpu.memory_space<vmem_shared>> -> memref<10240x128xf32, #tpu.memory_space<vmem_shared>>
    tpu.enqueue_indirect_dma source(%arg8 : memref<128x128xf32, #tpu.memory_space<vmem>>) target(%dma_start3A_126 : memref<10240x128xf32, #tpu.memory_space<vmem_shared>>) offsets(%dma_start3A_123 : memref<128xi32, #tpu.memory_space<vmem>>) semaphore(%arg12 : memref<!tpu.dma_semaphore, #tpu.memory_space<semaphore_mem>>) {add = true}
    %dma_start3A_127 = arith.constant 1 : i32
    %dma_start3A_128 = arith.constant 0 : i32
    %dma_start3A_129 = tpu.memref_slice %arg6[%dma_start3A_127, %dma_start3A_128] : memref<40x128xi32, #tpu.memory_space<vmem>> -> memref<1x128xi32, #tpu.memory_space<vmem>>
    %dma_start3A_130 = tpu.memref_squeeze %dma_start3A_129 : memref<1x128xi32, #tpu.memory_space<vmem>> -> memref<128xi32, #tpu.memory_space<vmem>>
    %dma_start3A_131 = arith.constant 0 : i32
    %dma_start3A_132 = arith.constant 0 : i32
    %dma_start3A_133 = tpu.memref_slice %arg2[%dma_start3A_131, %dma_start3A_132] : memref<10000x128xf32, #tpu.memory_space<hbm>> -> memref<10000x128xf32, #tpu.memory_space<hbm>>
    tpu.enqueue_indirect_dma source(%dma_start3A_133 : memref<10000x128xf32, #tpu.memory_space<hbm>>) target(%arg9 : memref<128x128xf32, #tpu.memory_space<vmem>>) offsets(%dma_start3A_130 : memref<128xi32, #tpu.memory_space<vmem>>) semaphore(%arg11 : memref<!tpu.dma_semaphore, #tpu.memory_space<semaphore_mem>>)
    %scan3A_134 = arith.constant 0 : i32
    %scan3A_135 = arith.constant 0 : i32
    %scan3A_136 = arith.constant 39 : i32
    %scan3A_137 = arith.addi %scan3A_135, %scan3A_136 : i32
    %scan3A_138 = arith.constant 1 : i32
    scf.for %scan3A_319 = %scan3A_135 to %scan3A_137 step %scan3A_138  : i32 {
      %mul3A_320 = arith.constant 2 : i32
      %mul3A_321 = arith.muli %mul3A_320, %scan3A_319 : i32
      %add3A_322 = arith.constant 1 : i32
      %add3A_323 = arith.addi %mul3A_321, %add3A_322 : i32
      %add3A_324 = arith.constant 0 : i32
      %add3A_325 = arith.addi %add3A_323, %add3A_324 : i32
      %dma_wait3A_326 = arith.constant 0 : i32
      %dma_wait3A_327 = arith.constant 0 : i32
      %dma_wait3A_328 = tpu.memref_slice %arg6[%dma_wait3A_326, %dma_wait3A_327] : memref<40x128xi32, #tpu.memory_space<vmem>> -> memref<1x128xi32, #tpu.memory_space<vmem>>
      %dma_wait3A_329 = tpu.memref_squeeze %dma_wait3A_328 : memref<1x128xi32, #tpu.memory_space<vmem>> -> memref<128xi32, #tpu.memory_space<vmem>>
      %dma_wait3A_330 = arith.constant 0 : i32
      %dma_wait3A_331 = arith.constant 0 : i32
      %dma_wait3A_332 = tpu.memref_slice %arg2[%dma_wait3A_330, %dma_wait3A_331] : memref<10000x128xf32, #tpu.memory_space<hbm>> -> memref<10000x128xf32, #tpu.memory_space<hbm>>
      tpu.wait_indirect_dma semaphore(%arg11 : memref<!tpu.dma_semaphore, #tpu.memory_space<semaphore_mem>>) src(%dma_wait3A_332 : memref<10000x128xf32, #tpu.memory_space<hbm>>) dst(%arg9 : memref<128x128xf32, #tpu.memory_space<vmem>>)
      %dma_wait3A_333 = arith.constant 0 : i32
      %dma_wait3A_334 = arith.constant 0 : i32
      %dma_wait3A_335 = tpu.memref_slice %arg7[%dma_wait3A_333, %dma_wait3A_334] : memref<40x128xi32, #tpu.memory_space<vmem>> -> memref<1x128xi32, #tpu.memory_space<vmem>>
      %dma_wait3A_336 = tpu.memref_squeeze %dma_wait3A_335 : memref<1x128xi32, #tpu.memory_space<vmem>> -> memref<128xi32, #tpu.memory_space<vmem>>
      %dma_wait3A_337 = arith.constant 0 : i32
      %dma_wait3A_338 = arith.constant 0 : i32
      %dma_wait3A_339 = tpu.memref_slice %arg13[%dma_wait3A_337, %dma_wait3A_338] : memref<10240x128xf32, #tpu.memory_space<vmem_shared>> -> memref<10240x128xf32, #tpu.memory_space<vmem_shared>>
      tpu.wait_indirect_dma semaphore(%arg12 : memref<!tpu.dma_semaphore, #tpu.memory_space<semaphore_mem>>) src(%arg8 : memref<128x128xf32, #tpu.memory_space<vmem>>) dst(%dma_wait3A_339 : memref<10240x128xf32, #tpu.memory_space<vmem_shared>>)
      %eq3A = arith.constant 39 : i32
      %eq3A_340 = arith.cmpi eq, %add3A_325, %eq3A : i32
      %convert_element_type3A = arith.extui %eq3A_340 : i1 to i32
      %cond3A = arith.constant 0 : i32
      %cond3A_341 = arith.cmpi ne, %convert_element_type3A, %cond3A : i32
      scf.if %cond3A_341 {
        "tpu.region"() ({
          %run_scoped3A = tpu.sem_alloc : memref<!tpu.dma_semaphore, #tpu.memory_space<semaphore_mem>>
          %dma_start3A_495 = arith.constant 40 : i32
          %dma_start3A_496 = arith.constant 0 : i32
          %dma_start3A_497 = tpu.memref_slice %arg3[%add3A, %dma_start3A_495, %dma_start3A_496] : memref<32x80x128xi32, #tpu.memory_space<hbm>> -> memref<1x40x128xi32, #tpu.memory_space<hbm>>
          %dma_start3A_498 = tpu.memref_squeeze %dma_start3A_497 : memref<1x40x128xi32, #tpu.memory_space<hbm>> -> memref<40x128xi32, #tpu.memory_space<hbm>>
          %dma_start3A_499 = arith.constant 40 : i32
          %dma_start3A_500 = arith.constant 0 : i32
          %dma_start3A_501 = tpu.memref_slice %arg3[%add3A, %dma_start3A_499, %dma_start3A_500] : memref<32x80x128xi32, #tpu.memory_space<hbm>> -> memref<1x40x128xi32, #tpu.memory_space<hbm>>
          %dma_start3A_502 = tpu.memref_squeeze %dma_start3A_501 : memref<1x40x128xi32, #tpu.memory_space<hbm>> -> memref<40x128xi32, #tpu.memory_space<hbm>>
          tpu.enqueue_dma source(%dma_start3A_502 : memref<40x128xi32, #tpu.memory_space<hbm>>) target(%arg6 : memref<40x128xi32, #tpu.memory_space<vmem>>) target_semaphore(%run_scoped3A : memref<!tpu.dma_semaphore, #tpu.memory_space<semaphore_mem>>)
          %dma_wait3A_503 = arith.constant 40 : i32
          %dma_wait3A_504 = arith.constant 0 : i32
          %dma_wait3A_505 = tpu.memref_slice %arg3[%add3A, %dma_wait3A_503, %dma_wait3A_504] : memref<32x80x128xi32, #tpu.memory_space<hbm>> -> memref<1x40x128xi32, #tpu.memory_space<hbm>>
          %dma_wait3A_506 = tpu.memref_squeeze %dma_wait3A_505 : memref<1x40x128xi32, #tpu.memory_space<hbm>> -> memref<40x128xi32, #tpu.memory_space<hbm>>
          %dma_wait3A_507 = arith.constant 40 : i32
          %dma_wait3A_508 = arith.constant 0 : i32
          %dma_wait3A_509 = tpu.memref_slice %arg3[%add3A, %dma_wait3A_507, %dma_wait3A_508] : memref<32x80x128xi32, #tpu.memory_space<hbm>> -> memref<1x40x128xi32, #tpu.memory_space<hbm>>
          %dma_wait3A_510 = tpu.memref_squeeze %dma_wait3A_509 : memref<1x40x128xi32, #tpu.memory_space<hbm>> -> memref<40x128xi32, #tpu.memory_space<hbm>>
          tpu.wait_dma2 semaphore(%run_scoped3A : memref<!tpu.dma_semaphore, #tpu.memory_space<semaphore_mem>>) src(%dma_wait3A_510 : memref<40x128xi32, #tpu.memory_space<hbm>>) dst(%arg6 : memref<40x128xi32, #tpu.memory_space<vmem>>)
          tpu.yield
        }) : () -> ()
      } else {
      }
      %jit3A = arith.constant 40 : i32
      %div3A = arith.divsi %add3A_325, %jit3A : i32
      %sign3A = arith.constant 0 : i32
      %sign3A_342 = arith.cmpi sgt, %add3A_325, %sign3A : i32
      %sign3A_343 = arith.extui %sign3A_342 : i1 to i32
      %sign3A_344 = arith.constant 0 : i32
      %sign3A_345 = arith.cmpi slt, %add3A_325, %sign3A_344 : i32
      %sign3A_346 = arith.extui %sign3A_345 : i1 to i32
      %sign3A_347 = arith.subi %sign3A_343, %sign3A_346 : i32
      %sign3A_348 = arith.constant 0 : i32
      %sign3A_349 = arith.cmpi sgt, %jit3A, %sign3A_348 : i32
      %sign3A_350 = arith.extui %sign3A_349 : i1 to i32
      %sign3A_351 = arith.constant 0 : i32
      %sign3A_352 = arith.cmpi slt, %jit3A, %sign3A_351 : i32
      %sign3A_353 = arith.extui %sign3A_352 : i1 to i32
      %sign3A_354 = arith.subi %sign3A_350, %sign3A_353 : i32
      %ne3A = arith.cmpi ne, %sign3A_347, %sign3A_354 : i32
      %rem3A = arith.remsi %add3A_325, %jit3A : i32
      %ne3A_355 = arith.constant 0 : i32
      %ne3A_356 = arith.cmpi ne, %rem3A, %ne3A_355 : i32
      %and3A = arith.andi %ne3A, %ne3A_356 : i1
      %sub3A = arith.constant 1 : i32
      %sub3A_357 = arith.subi %div3A, %sub3A : i32
      %select_n3A = arith.select %and3A, %sub3A_357, %div3A : i32
      %mul3A_358 = arith.constant 40 : i32
      %mul3A_359 = arith.muli %mul3A_358, %select_n3A : i32
      %sub3A_360 = arith.subi %add3A_325, %mul3A_359 : i32
      %dma_start3A_361 = arith.constant 0 : i32
      %dma_start3A_362 = tpu.memref_slice %arg7[%sub3A_360, %dma_start3A_361] : memref<40x128xi32, #tpu.memory_space<vmem>> -> memref<1x128xi32, #tpu.memory_space<vmem>>
      %dma_start3A_363 = tpu.memref_squeeze %dma_start3A_362 : memref<1x128xi32, #tpu.memory_space<vmem>> -> memref<128xi32, #tpu.memory_space<vmem>>
      %dma_start3A_364 = arith.constant 0 : i32
      %dma_start3A_365 = arith.constant 0 : i32
      %dma_start3A_366 = tpu.memref_slice %arg13[%dma_start3A_364, %dma_start3A_365] : memref<10240x128xf32, #tpu.memory_space<vmem_shared>> -> memref<10240x128xf32, #tpu.memory_space<vmem_shared>>
      tpu.enqueue_indirect_dma source(%arg9 : memref<128x128xf32, #tpu.memory_space<vmem>>) target(%dma_start3A_366 : memref<10240x128xf32, #tpu.memory_space<vmem_shared>>) offsets(%dma_start3A_363 : memref<128xi32, #tpu.memory_space<vmem>>) semaphore(%arg12 : memref<!tpu.dma_semaphore, #tpu.memory_space<semaphore_mem>>) {add = true}
      %add3A_367 = arith.constant 1 : i32
      %add3A_368 = arith.addi %add3A_325, %add3A_367 : i32
      %jit3A_369 = arith.constant 40 : i32
      %div3A_370 = arith.divsi %add3A_368, %jit3A_369 : i32
      %sign3A_371 = arith.constant 0 : i32
      %sign3A_372 = arith.cmpi sgt, %add3A_368, %sign3A_371 : i32
      %sign3A_373 = arith.extui %sign3A_372 : i1 to i32
      %sign3A_374 = arith.constant 0 : i32
      %sign3A_375 = arith.cmpi slt, %add3A_368, %sign3A_374 : i32
      %sign3A_376 = arith.extui %sign3A_375 : i1 to i32
      %sign3A_377 = arith.subi %sign3A_373, %sign3A_376 : i32
      %sign3A_378 = arith.constant 0 : i32
      %sign3A_379 = arith.cmpi sgt, %jit3A_369, %sign3A_378 : i32
      %sign3A_380 = arith.extui %sign3A_379 : i1 to i32
      %sign3A_381 = arith.constant 0 : i32
      %sign3A_382 = arith.cmpi slt, %jit3A_369, %sign3A_381 : i32
      %sign3A_383 = arith.extui %sign3A_382 : i1 to i32
      %sign3A_384 = arith.subi %sign3A_380, %sign3A_383 : i32
      %ne3A_385 = arith.cmpi ne, %sign3A_377, %sign3A_384 : i32
      %rem3A_386 = arith.remsi %add3A_368, %jit3A_369 : i32
      %ne3A_387 = arith.constant 0 : i32
      %ne3A_388 = arith.cmpi ne, %rem3A_386, %ne3A_387 : i32
      %and3A_389 = arith.andi %ne3A_385, %ne3A_388 : i1
      %sub3A_390 = arith.constant 1 : i32
      %sub3A_391 = arith.subi %div3A_370, %sub3A_390 : i32
      %select_n3A_392 = arith.select %and3A_389, %sub3A_391, %div3A_370 : i32
      %mul3A_393 = arith.constant 40 : i32
      %mul3A_394 = arith.muli %mul3A_393, %select_n3A_392 : i32
      %sub3A_395 = arith.subi %add3A_368, %mul3A_394 : i32
      %dma_start3A_396 = arith.constant 0 : i32
      %dma_start3A_397 = tpu.memref_slice %arg6[%sub3A_395, %dma_start3A_396] : memref<40x128xi32, #tpu.memory_space<vmem>> -> memref<1x128xi32, #tpu.memory_space<vmem>>
      %dma_start3A_398 = tpu.memref_squeeze %dma_start3A_397 : memref<1x128xi32, #tpu.memory_space<vmem>> -> memref<128xi32, #tpu.memory_space<vmem>>
      %dma_start3A_399 = arith.constant 0 : i32
      %dma_start3A_400 = arith.constant 0 : i32
      %dma_start3A_401 = tpu.memref_slice %arg2[%dma_start3A_399, %dma_start3A_400] : memref<10000x128xf32, #tpu.memory_space<hbm>> -> memref<10000x128xf32, #tpu.memory_space<hbm>>
      tpu.enqueue_indirect_dma source(%dma_start3A_401 : memref<10000x128xf32, #tpu.memory_space<hbm>>) target(%arg8 : memref<128x128xf32, #tpu.memory_space<vmem>>) offsets(%dma_start3A_398 : memref<128xi32, #tpu.memory_space<vmem>>) semaphore(%arg10 : memref<!tpu.dma_semaphore, #tpu.memory_space<semaphore_mem>>)
      %mul3A_402 = arith.constant 2 : i32
      %mul3A_403 = arith.muli %mul3A_402, %scan3A_319 : i32
      %add3A_404 = arith.constant 1 : i32
      %add3A_405 = arith.addi %mul3A_403, %add3A_404 : i32
      %add3A_406 = arith.constant 1 : i32
      %add3A_407 = arith.addi %add3A_405, %add3A_406 : i32
      %dma_wait3A_408 = arith.constant 0 : i32
      %dma_wait3A_409 = arith.constant 0 : i32
      %dma_wait3A_410 = tpu.memref_slice %arg6[%dma_wait3A_408, %dma_wait3A_409] : memref<40x128xi32, #tpu.memory_space<vmem>> -> memref<1x128xi32, #tpu.memory_space<vmem>>
      %dma_wait3A_411 = tpu.memref_squeeze %dma_wait3A_410 : memref<1x128xi32, #tpu.memory_space<vmem>> -> memref<128xi32, #tpu.memory_space<vmem>>
      %dma_wait3A_412 = arith.constant 0 : i32
      %dma_wait3A_413 = arith.constant 0 : i32
      %dma_wait3A_414 = tpu.memref_slice %arg2[%dma_wait3A_412, %dma_wait3A_413] : memref<10000x128xf32, #tpu.memory_space<hbm>> -> memref<10000x128xf32, #tpu.memory_space<hbm>>
      tpu.wait_indirect_dma semaphore(%arg10 : memref<!tpu.dma_semaphore, #tpu.memory_space<semaphore_mem>>) src(%dma_wait3A_414 : memref<10000x128xf32, #tpu.memory_space<hbm>>) dst(%arg8 : memref<128x128xf32, #tpu.memory_space<vmem>>)
      %dma_wait3A_415 = arith.constant 0 : i32
      %dma_wait3A_416 = arith.constant 0 : i32
      %dma_wait3A_417 = tpu.memref_slice %arg7[%dma_wait3A_415, %dma_wait3A_416] : memref<40x128xi32, #tpu.memory_space<vmem>> -> memref<1x128xi32, #tpu.memory_space<vmem>>
      %dma_wait3A_418 = tpu.memref_squeeze %dma_wait3A_417 : memref<1x128xi32, #tpu.memory_space<vmem>> -> memref<128xi32, #tpu.memory_space<vmem>>
      %dma_wait3A_419 = arith.constant 0 : i32
      %dma_wait3A_420 = arith.constant 0 : i32
      %dma_wait3A_421 = tpu.memref_slice %arg13[%dma_wait3A_419, %dma_wait3A_420] : memref<10240x128xf32, #tpu.memory_space<vmem_shared>> -> memref<10240x128xf32, #tpu.memory_space<vmem_shared>>
      tpu.wait_indirect_dma semaphore(%arg12 : memref<!tpu.dma_semaphore, #tpu.memory_space<semaphore_mem>>) src(%arg8 : memref<128x128xf32, #tpu.memory_space<vmem>>) dst(%dma_wait3A_421 : memref<10240x128xf32, #tpu.memory_space<vmem_shared>>)
      %eq3A_422 = arith.constant 40 : i32
      %eq3A_423 = arith.cmpi eq, %add3A_407, %eq3A_422 : i32
      %convert_element_type3A_424 = arith.extui %eq3A_423 : i1 to i32
      %cond3A_425 = arith.constant 0 : i32
      %cond3A_426 = arith.cmpi ne, %convert_element_type3A_424, %cond3A_425 : i32
      scf.if %cond3A_426 {
        "tpu.region"() ({
          %run_scoped3A = tpu.sem_alloc : memref<!tpu.dma_semaphore, #tpu.memory_space<semaphore_mem>>
          %dma_start3A_495 = arith.constant 40 : i32
          %dma_start3A_496 = arith.constant 0 : i32
          %dma_start3A_497 = tpu.memref_slice %arg4[%add3A, %dma_start3A_495, %dma_start3A_496] : memref<32x80x128xi32, #tpu.memory_space<hbm>> -> memref<1x40x128xi32, #tpu.memory_space<hbm>>
          %dma_start3A_498 = tpu.memref_squeeze %dma_start3A_497 : memref<1x40x128xi32, #tpu.memory_space<hbm>> -> memref<40x128xi32, #tpu.memory_space<hbm>>
          %dma_start3A_499 = arith.constant 40 : i32
          %dma_start3A_500 = arith.constant 0 : i32
          %dma_start3A_501 = tpu.memref_slice %arg4[%add3A, %dma_start3A_499, %dma_start3A_500] : memref<32x80x128xi32, #tpu.memory_space<hbm>> -> memref<1x40x128xi32, #tpu.memory_space<hbm>>
          %dma_start3A_502 = tpu.memref_squeeze %dma_start3A_501 : memref<1x40x128xi32, #tpu.memory_space<hbm>> -> memref<40x128xi32, #tpu.memory_space<hbm>>
          tpu.enqueue_dma source(%dma_start3A_502 : memref<40x128xi32, #tpu.memory_space<hbm>>) target(%arg7 : memref<40x128xi32, #tpu.memory_space<vmem>>) target_semaphore(%run_scoped3A : memref<!tpu.dma_semaphore, #tpu.memory_space<semaphore_mem>>)
          %dma_wait3A_503 = arith.constant 40 : i32
          %dma_wait3A_504 = arith.constant 0 : i32
          %dma_wait3A_505 = tpu.memref_slice %arg4[%add3A, %dma_wait3A_503, %dma_wait3A_504] : memref<32x80x128xi32, #tpu.memory_space<hbm>> -> memref<1x40x128xi32, #tpu.memory_space<hbm>>
          %dma_wait3A_506 = tpu.memref_squeeze %dma_wait3A_505 : memref<1x40x128xi32, #tpu.memory_space<hbm>> -> memref<40x128xi32, #tpu.memory_space<hbm>>
          %dma_wait3A_507 = arith.constant 40 : i32
          %dma_wait3A_508 = arith.constant 0 : i32
          %dma_wait3A_509 = tpu.memref_slice %arg4[%add3A, %dma_wait3A_507, %dma_wait3A_508] : memref<32x80x128xi32, #tpu.memory_space<hbm>> -> memref<1x40x128xi32, #tpu.memory_space<hbm>>
          %dma_wait3A_510 = tpu.memref_squeeze %dma_wait3A_509 : memref<1x40x128xi32, #tpu.memory_space<hbm>> -> memref<40x128xi32, #tpu.memory_space<hbm>>
          tpu.wait_dma2 semaphore(%run_scoped3A : memref<!tpu.dma_semaphore, #tpu.memory_space<semaphore_mem>>) src(%dma_wait3A_510 : memref<40x128xi32, #tpu.memory_space<hbm>>) dst(%arg7 : memref<40x128xi32, #tpu.memory_space<vmem>>)
          tpu.yield
        }) : () -> ()
      } else {
      }
      %jit3A_427 = arith.constant 40 : i32
      %div3A_428 = arith.divsi %add3A_407, %jit3A_427 : i32
      %sign3A_429 = arith.constant 0 : i32
      %sign3A_430 = arith.cmpi sgt, %add3A_407, %sign3A_429 : i32
      %sign3A_431 = arith.extui %sign3A_430 : i1 to i32
      %sign3A_432 = arith.constant 0 : i32
      %sign3A_433 = arith.cmpi slt, %add3A_407, %sign3A_432 : i32
      %sign3A_434 = arith.extui %sign3A_433 : i1 to i32
      %sign3A_435 = arith.subi %sign3A_431, %sign3A_434 : i32
      %sign3A_436 = arith.constant 0 : i32
      %sign3A_437 = arith.cmpi sgt, %jit3A_427, %sign3A_436 : i32
      %sign3A_438 = arith.extui %sign3A_437 : i1 to i32
      %sign3A_439 = arith.constant 0 : i32
      %sign3A_440 = arith.cmpi slt, %jit3A_427, %sign3A_439 : i32
      %sign3A_441 = arith.extui %sign3A_440 : i1 to i32
      %sign3A_442 = arith.subi %sign3A_438, %sign3A_441 : i32
      %ne3A_443 = arith.cmpi ne, %sign3A_435, %sign3A_442 : i32
      %rem3A_444 = arith.remsi %add3A_407, %jit3A_427 : i32
      %ne3A_445 = arith.constant 0 : i32
      %ne3A_446 = arith.cmpi ne, %rem3A_444, %ne3A_445 : i32
      %and3A_447 = arith.andi %ne3A_443, %ne3A_446 : i1
      %sub3A_448 = arith.constant 1 : i32
      %sub3A_449 = arith.subi %div3A_428, %sub3A_448 : i32
      %select_n3A_450 = arith.select %and3A_447, %sub3A_449, %div3A_428 : i32
      %mul3A_451 = arith.constant 40 : i32
      %mul3A_452 = arith.muli %mul3A_451, %select_n3A_450 : i32
      %sub3A_453 = arith.subi %add3A_407, %mul3A_452 : i32
      %dma_start3A_454 = arith.constant 0 : i32
      %dma_start3A_455 = tpu.memref_slice %arg7[%sub3A_453, %dma_start3A_454] : memref<40x128xi32, #tpu.memory_space<vmem>> -> memref<1x128xi32, #tpu.memory_space<vmem>>
      %dma_start3A_456 = tpu.memref_squeeze %dma_start3A_455 : memref<1x128xi32, #tpu.memory_space<vmem>> -> memref<128xi32, #tpu.memory_space<vmem>>
      %dma_start3A_457 = arith.constant 0 : i32
      %dma_start3A_458 = arith.constant 0 : i32
      %dma_start3A_459 = tpu.memref_slice %arg13[%dma_start3A_457, %dma_start3A_458] : memref<10240x128xf32, #tpu.memory_space<vmem_shared>> -> memref<10240x128xf32, #tpu.memory_space<vmem_shared>>
      tpu.enqueue_indirect_dma source(%arg8 : memref<128x128xf32, #tpu.memory_space<vmem>>) target(%dma_start3A_459 : memref<10240x128xf32, #tpu.memory_space<vmem_shared>>) offsets(%dma_start3A_456 : memref<128xi32, #tpu.memory_space<vmem>>) semaphore(%arg12 : memref<!tpu.dma_semaphore, #tpu.memory_space<semaphore_mem>>) {add = true}
      %add3A_460 = arith.constant 1 : i32
      %add3A_461 = arith.addi %add3A_407, %add3A_460 : i32
      %jit3A_462 = arith.constant 40 : i32
      %div3A_463 = arith.divsi %add3A_461, %jit3A_462 : i32
      %sign3A_464 = arith.constant 0 : i32
      %sign3A_465 = arith.cmpi sgt, %add3A_461, %sign3A_464 : i32
      %sign3A_466 = arith.extui %sign3A_465 : i1 to i32
      %sign3A_467 = arith.constant 0 : i32
      %sign3A_468 = arith.cmpi slt, %add3A_461, %sign3A_467 : i32
      %sign3A_469 = arith.extui %sign3A_468 : i1 to i32
      %sign3A_470 = arith.subi %sign3A_466, %sign3A_469 : i32
      %sign3A_471 = arith.constant 0 : i32
      %sign3A_472 = arith.cmpi sgt, %jit3A_462, %sign3A_471 : i32
      %sign3A_473 = arith.extui %sign3A_472 : i1 to i32
      %sign3A_474 = arith.constant 0 : i32
      %sign3A_475 = arith.cmpi slt, %jit3A_462, %sign3A_474 : i32
      %sign3A_476 = arith.extui %sign3A_475 : i1 to i32
      %sign3A_477 = arith.subi %sign3A_473, %sign3A_476 : i32
      %ne3A_478 = arith.cmpi ne, %sign3A_470, %sign3A_477 : i32
      %rem3A_479 = arith.remsi %add3A_461, %jit3A_462 : i32
      %ne3A_480 = arith.constant 0 : i32
      %ne3A_481 = arith.cmpi ne, %rem3A_479, %ne3A_480 : i32
      %and3A_482 = arith.andi %ne3A_478, %ne3A_481 : i1
      %sub3A_483 = arith.constant 1 : i32
      %sub3A_484 = arith.subi %div3A_463, %sub3A_483 : i32
      %select_n3A_485 = arith.select %and3A_482, %sub3A_484, %div3A_463 : i32
      %mul3A_486 = arith.constant 40 : i32
      %mul3A_487 = arith.muli %mul3A_486, %select_n3A_485 : i32
      %sub3A_488 = arith.subi %add3A_461, %mul3A_487 : i32
      %dma_start3A_489 = arith.constant 0 : i32
      %dma_start3A_490 = tpu.memref_slice %arg6[%sub3A_488, %dma_start3A_489] : memref<40x128xi32, #tpu.memory_space<vmem>> -> memref<1x128xi32, #tpu.memory_space<vmem>>
      %dma_start3A_491 = tpu.memref_squeeze %dma_start3A_490 : memref<1x128xi32, #tpu.memory_space<vmem>> -> memref<128xi32, #tpu.memory_space<vmem>>
      %dma_start3A_492 = arith.constant 0 : i32
      %dma_start3A_493 = arith.constant 0 : i32
      %dma_start3A_494 = tpu.memref_slice %arg2[%dma_start3A_492, %dma_start3A_493] : memref<10000x128xf32, #tpu.memory_space<hbm>> -> memref<10000x128xf32, #tpu.memory_space<hbm>>
      tpu.enqueue_indirect_dma source(%dma_start3A_494 : memref<10000x128xf32, #tpu.memory_space<hbm>>) target(%arg9 : memref<128x128xf32, #tpu.memory_space<vmem>>) offsets(%dma_start3A_491 : memref<128xi32, #tpu.memory_space<vmem>>) semaphore(%arg11 : memref<!tpu.dma_semaphore, #tpu.memory_space<semaphore_mem>>)
    }
    %scan3A_139 = arith.constant 39 : i32
    %dma_wait3A_140 = arith.constant 0 : i32
    %dma_wait3A_141 = arith.constant 0 : i32
    %dma_wait3A_142 = tpu.memref_slice %arg6[%dma_wait3A_140, %dma_wait3A_141] : memref<40x128xi32, #tpu.memory_space<vmem>> -> memref<1x128xi32, #tpu.memory_space<vmem>>
    %dma_wait3A_143 = tpu.memref_squeeze %dma_wait3A_142 : memref<1x128xi32, #tpu.memory_space<vmem>> -> memref<128xi32, #tpu.memory_space<vmem>>
    %dma_wait3A_144 = arith.constant 0 : i32
    %dma_wait3A_145 = arith.constant 0 : i32
    %dma_wait3A_146 = tpu.memref_slice %arg2[%dma_wait3A_144, %dma_wait3A_145] : memref<10000x128xf32, #tpu.memory_space<hbm>> -> memref<10000x128xf32, #tpu.memory_space<hbm>>
    tpu.wait_indirect_dma semaphore(%arg11 : memref<!tpu.dma_semaphore, #tpu.memory_space<semaphore_mem>>) src(%dma_wait3A_146 : memref<10000x128xf32, #tpu.memory_space<hbm>>) dst(%arg9 : memref<128x128xf32, #tpu.memory_space<vmem>>)
    %dma_wait3A_147 = arith.constant 0 : i32
    %dma_wait3A_148 = arith.constant 0 : i32
    %dma_wait3A_149 = tpu.memref_slice %arg7[%dma_wait3A_147, %dma_wait3A_148] : memref<40x128xi32, #tpu.memory_space<vmem>> -> memref<1x128xi32, #tpu.memory_space<vmem>>
    %dma_wait3A_150 = tpu.memref_squeeze %dma_wait3A_149 : memref<1x128xi32, #tpu.memory_space<vmem>> -> memref<128xi32, #tpu.memory_space<vmem>>
    %dma_wait3A_151 = arith.constant 0 : i32
    %dma_wait3A_152 = arith.constant 0 : i32
    %dma_wait3A_153 = tpu.memref_slice %arg13[%dma_wait3A_151, %dma_wait3A_152] : memref<10240x128xf32, #tpu.memory_space<vmem_shared>> -> memref<10240x128xf32, #tpu.memory_space<vmem_shared>>
    tpu.wait_indirect_dma semaphore(%arg12 : memref<!tpu.dma_semaphore, #tpu.memory_space<semaphore_mem>>) src(%arg8 : memref<128x128xf32, #tpu.memory_space<vmem>>) dst(%dma_wait3A_153 : memref<10240x128xf32, #tpu.memory_space<vmem_shared>>)
    %dma_start3A_154 = arith.constant 39 : i32
    %dma_start3A_155 = arith.constant 0 : i32
    %dma_start3A_156 = tpu.memref_slice %arg7[%dma_start3A_154, %dma_start3A_155] : memref<40x128xi32, #tpu.memory_space<vmem>> -> memref<1x128xi32, #tpu.memory_space<vmem>>
    %dma_start3A_157 = tpu.memref_squeeze %dma_start3A_156 : memref<1x128xi32, #tpu.memory_space<vmem>> -> memref<128xi32, #tpu.memory_space<vmem>>
    %dma_start3A_158 = arith.constant 0 : i32
    %dma_start3A_159 = arith.constant 0 : i32
    %dma_start3A_160 = tpu.memref_slice %arg13[%dma_start3A_158, %dma_start3A_159] : memref<10240x128xf32, #tpu.memory_space<vmem_shared>> -> memref<10240x128xf32, #tpu.memory_space<vmem_shared>>
    tpu.enqueue_indirect_dma source(%arg9 : memref<128x128xf32, #tpu.memory_space<vmem>>) target(%dma_start3A_160 : memref<10240x128xf32, #tpu.memory_space<vmem_shared>>) offsets(%dma_start3A_157 : memref<128xi32, #tpu.memory_space<vmem>>) semaphore(%arg12 : memref<!tpu.dma_semaphore, #tpu.memory_space<semaphore_mem>>) {add = true}
    %dma_wait3A_161 = arith.constant 0 : i32
    %dma_wait3A_162 = arith.constant 0 : i32
    %dma_wait3A_163 = tpu.memref_slice %arg7[%dma_wait3A_161, %dma_wait3A_162] : memref<40x128xi32, #tpu.memory_space<vmem>> -> memref<1x128xi32, #tpu.memory_space<vmem>>
    %dma_wait3A_164 = tpu.memref_squeeze %dma_wait3A_163 : memref<1x128xi32, #tpu.memory_space<vmem>> -> memref<128xi32, #tpu.memory_space<vmem>>
    %dma_wait3A_165 = arith.constant 0 : i32
    %dma_wait3A_166 = arith.constant 0 : i32
    %dma_wait3A_167 = tpu.memref_slice %arg13[%dma_wait3A_165, %dma_wait3A_166] : memref<10240x128xf32, #tpu.memory_space<vmem_shared>> -> memref<10240x128xf32, #tpu.memory_space<vmem_shared>>
    tpu.wait_indirect_dma semaphore(%arg12 : memref<!tpu.dma_semaphore, #tpu.memory_space<semaphore_mem>>) src(%arg8 : memref<128x128xf32, #tpu.memory_space<vmem>>) dst(%dma_wait3A_167 : memref<10240x128xf32, #tpu.memory_space<vmem_shared>>)
    %barrier3A_168 = arith.constant 0 : index
    tpu.barrier barrier_id(%barrier3A_168)
    %mul3A_169 = arith.constant 625 : i32
    %mul3A_170 = arith.muli %arg1, %mul3A_169 : i32
    %add3A_171 = arith.constant 0 : i32
    %add3A_172 = arith.addi %mul3A_170, %add3A_171 : i32
    "tpu.region"() ({
      %run_scoped3A = tpu.sem_alloc : memref<!tpu.dma_semaphore, #tpu.memory_space<semaphore_mem>>
      %dma_start3A_319 = arith.constant 0 : i32
      %dma_start3A_320 = arith.constant 0 : i32
      %dma_start3A_321 = tpu.memref_slice %arg8[%dma_start3A_319, %dma_start3A_320] : memref<128x128xf32, #tpu.memory_space<vmem>> -> memref<125x128xf32, #tpu.memory_space<vmem>>
      %dma_start3A_322 = arith.constant 0 : i32
      %dma_start3A_323 = tpu.memref_slice %arg13[%add3A_172, %dma_start3A_322] : memref<10240x128xf32, #tpu.memory_space<vmem_shared>> -> memref<125x128xf32, #tpu.memory_space<vmem_shared>>
      %dma_start3A_324 = arith.constant 0 : i32
      %dma_start3A_325 = arith.constant 0 : i32
      %dma_start3A_326 = tpu.memref_slice %arg8[%dma_start3A_324, %dma_start3A_325] : memref<128x128xf32, #tpu.memory_space<vmem>> -> memref<125x128xf32, #tpu.memory_space<vmem>>
      %dma_start3A_327 = arith.constant 0 : i32
      %dma_start3A_328 = tpu.memref_slice %arg13[%add3A_172, %dma_start3A_327] : memref<10240x128xf32, #tpu.memory_space<vmem_shared>> -> memref<125x128xf32, #tpu.memory_space<vmem_shared>>
      tpu.enqueue_dma source(%dma_start3A_328 : memref<125x128xf32, #tpu.memory_space<vmem_shared>>) target(%dma_start3A_326 : memref<125x128xf32, #tpu.memory_space<vmem>>) target_semaphore(%run_scoped3A : memref<!tpu.dma_semaphore, #tpu.memory_space<semaphore_mem>>)
      %dma_wait3A_329 = arith.constant 0 : i32
      %dma_wait3A_330 = arith.constant 0 : i32
      %dma_wait3A_331 = tpu.memref_slice %arg8[%dma_wait3A_329, %dma_wait3A_330] : memref<128x128xf32, #tpu.memory_space<vmem>> -> memref<125x128xf32, #tpu.memory_space<vmem>>
      %dma_wait3A_332 = arith.constant 0 : i32
      %dma_wait3A_333 = tpu.memref_slice %arg13[%add3A_172, %dma_wait3A_332] : memref<10240x128xf32, #tpu.memory_space<vmem_shared>> -> memref<125x128xf32, #tpu.memory_space<vmem_shared>>
      %dma_wait3A_334 = arith.constant 0 : i32
      %dma_wait3A_335 = arith.constant 0 : i32
      %dma_wait3A_336 = tpu.memref_slice %arg8[%dma_wait3A_334, %dma_wait3A_335] : memref<128x128xf32, #tpu.memory_space<vmem>> -> memref<125x128xf32, #tpu.memory_space<vmem>>
      %dma_wait3A_337 = arith.constant 0 : i32
      %dma_wait3A_338 = tpu.memref_slice %arg13[%add3A_172, %dma_wait3A_337] : memref<10240x128xf32, #tpu.memory_space<vmem_shared>> -> memref<125x128xf32, #tpu.memory_space<vmem_shared>>
      tpu.wait_dma2 semaphore(%run_scoped3A : memref<!tpu.dma_semaphore, #tpu.memory_space<semaphore_mem>>) src(%dma_wait3A_338 : memref<125x128xf32, #tpu.memory_space<vmem_shared>>) dst(%dma_wait3A_336 : memref<125x128xf32, #tpu.memory_space<vmem>>)
      tpu.yield
    }) : () -> ()
    %dma_start3A_173 = arith.constant 0 : i32
    %dma_start3A_174 = arith.constant 0 : i32
    %dma_start3A_175 = tpu.memref_slice %arg8[%dma_start3A_173, %dma_start3A_174] : memref<128x128xf32, #tpu.memory_space<vmem>> -> memref<125x128xf32, #tpu.memory_space<vmem>>
    %dma_start3A_176 = arith.constant 0 : i32
    %dma_start3A_177 = tpu.memref_slice %arg5[%arg0, %add3A_172, %dma_start3A_176] : memref<2x10000x128xf32, #tpu.memory_space<hbm>> -> memref<1x125x128xf32, #tpu.memory_space<hbm>>
    %dma_start3A_178 = tpu.memref_squeeze %dma_start3A_177 : memref<1x125x128xf32, #tpu.memory_space<hbm>> -> memref<125x128xf32, #tpu.memory_space<hbm>>
    %dma_start3A_179 = arith.constant 0 : i32
    %dma_start3A_180 = tpu.memref_slice %arg5[%arg0, %add3A_172, %dma_start3A_179] : memref<2x10000x128xf32, #tpu.memory_space<hbm>> -> memref<1x125x128xf32, #tpu.memory_space<hbm>>
    %dma_start3A_181 = tpu.memref_squeeze %dma_start3A_180 : memref<1x125x128xf32, #tpu.memory_space<hbm>> -> memref<125x128xf32, #tpu.memory_space<hbm>>
    %dma_start3A_182 = arith.constant 0 : i32
    %dma_start3A_183 = arith.constant 0 : i32
    %dma_start3A_184 = tpu.memref_slice %arg8[%dma_start3A_182, %dma_start3A_183] : memref<128x128xf32, #tpu.memory_space<vmem>> -> memref<125x128xf32, #tpu.memory_space<vmem>>
    tpu.enqueue_dma source(%dma_start3A_184 : memref<125x128xf32, #tpu.memory_space<vmem>>) target(%dma_start3A_181 : memref<125x128xf32, #tpu.memory_space<hbm>>) target_semaphore(%arg10 : memref<!tpu.dma_semaphore, #tpu.memory_space<semaphore_mem>>)
    %mul3A_185 = arith.constant 625 : i32
    %mul3A_186 = arith.muli %arg1, %mul3A_185 : i32
    %add3A_187 = arith.constant 125 : i32
    %add3A_188 = arith.addi %mul3A_186, %add3A_187 : i32
    "tpu.region"() ({
      %run_scoped3A = tpu.sem_alloc : memref<!tpu.dma_semaphore, #tpu.memory_space<semaphore_mem>>
      %dma_start3A_319 = arith.constant 0 : i32
      %dma_start3A_320 = arith.constant 0 : i32
      %dma_start3A_321 = tpu.memref_slice %arg9[%dma_start3A_319, %dma_start3A_320] : memref<128x128xf32, #tpu.memory_space<vmem>> -> memref<125x128xf32, #tpu.memory_space<vmem>>
      %dma_start3A_322 = arith.constant 0 : i32
      %dma_start3A_323 = tpu.memref_slice %arg13[%add3A_188, %dma_start3A_322] : memref<10240x128xf32, #tpu.memory_space<vmem_shared>> -> memref<125x128xf32, #tpu.memory_space<vmem_shared>>
      %dma_start3A_324 = arith.constant 0 : i32
      %dma_start3A_325 = arith.constant 0 : i32
      %dma_start3A_326 = tpu.memref_slice %arg9[%dma_start3A_324, %dma_start3A_325] : memref<128x128xf32, #tpu.memory_space<vmem>> -> memref<125x128xf32, #tpu.memory_space<vmem>>
      %dma_start3A_327 = arith.constant 0 : i32
      %dma_start3A_328 = tpu.memref_slice %arg13[%add3A_188, %dma_start3A_327] : memref<10240x128xf32, #tpu.memory_space<vmem_shared>> -> memref<125x128xf32, #tpu.memory_space<vmem_shared>>
      tpu.enqueue_dma source(%dma_start3A_328 : memref<125x128xf32, #tpu.memory_space<vmem_shared>>) target(%dma_start3A_326 : memref<125x128xf32, #tpu.memory_space<vmem>>) target_semaphore(%run_scoped3A : memref<!tpu.dma_semaphore, #tpu.memory_space<semaphore_mem>>)
      %dma_wait3A_329 = arith.constant 0 : i32
      %dma_wait3A_330 = arith.constant 0 : i32
      %dma_wait3A_331 = tpu.memref_slice %arg9[%dma_wait3A_329, %dma_wait3A_330] : memref<128x128xf32, #tpu.memory_space<vmem>> -> memref<125x128xf32, #tpu.memory_space<vmem>>
      %dma_wait3A_332 = arith.constant 0 : i32
      %dma_wait3A_333 = tpu.memref_slice %arg13[%add3A_188, %dma_wait3A_332] : memref<10240x128xf32, #tpu.memory_space<vmem_shared>> -> memref<125x128xf32, #tpu.memory_space<vmem_shared>>
      %dma_wait3A_334 = arith.constant 0 : i32
      %dma_wait3A_335 = arith.constant 0 : i32
      %dma_wait3A_336 = tpu.memref_slice %arg9[%dma_wait3A_334, %dma_wait3A_335] : memref<128x128xf32, #tpu.memory_space<vmem>> -> memref<125x128xf32, #tpu.memory_space<vmem>>
      %dma_wait3A_337 = arith.constant 0 : i32
      %dma_wait3A_338 = tpu.memref_slice %arg13[%add3A_188, %dma_wait3A_337] : memref<10240x128xf32, #tpu.memory_space<vmem_shared>> -> memref<125x128xf32, #tpu.memory_space<vmem_shared>>
      tpu.wait_dma2 semaphore(%run_scoped3A : memref<!tpu.dma_semaphore, #tpu.memory_space<semaphore_mem>>) src(%dma_wait3A_338 : memref<125x128xf32, #tpu.memory_space<vmem_shared>>) dst(%dma_wait3A_336 : memref<125x128xf32, #tpu.memory_space<vmem>>)
      tpu.yield
    }) : () -> ()
    %dma_start3A_189 = arith.constant 0 : i32
    %dma_start3A_190 = arith.constant 0 : i32
    %dma_start3A_191 = tpu.memref_slice %arg9[%dma_start3A_189, %dma_start3A_190] : memref<128x128xf32, #tpu.memory_space<vmem>> -> memref<125x128xf32, #tpu.memory_space<vmem>>
    %dma_start3A_192 = arith.constant 0 : i32
    %dma_start3A_193 = tpu.memref_slice %arg5[%arg0, %add3A_188, %dma_start3A_192] : memref<2x10000x128xf32, #tpu.memory_space<hbm>> -> memref<1x125x128xf32, #tpu.memory_space<hbm>>
    %dma_start3A_194 = tpu.memref_squeeze %dma_start3A_193 : memref<1x125x128xf32, #tpu.memory_space<hbm>> -> memref<125x128xf32, #tpu.memory_space<hbm>>
    %dma_start3A_195 = arith.constant 0 : i32
    %dma_start3A_196 = tpu.memref_slice %arg5[%arg0, %add3A_188, %dma_start3A_195] : memref<2x10000x128xf32, #tpu.memory_space<hbm>> -> memref<1x125x128xf32, #tpu.memory_space<hbm>>
    %dma_start3A_197 = tpu.memref_squeeze %dma_start3A_196 : memref<1x125x128xf32, #tpu.memory_space<hbm>> -> memref<125x128xf32, #tpu.memory_space<hbm>>
    %dma_start3A_198 = arith.constant 0 : i32
    %dma_start3A_199 = arith.constant 0 : i32
    %dma_start3A_200 = tpu.memref_slice %arg9[%dma_start3A_198, %dma_start3A_199] : memref<128x128xf32, #tpu.memory_space<vmem>> -> memref<125x128xf32, #tpu.memory_space<vmem>>
    tpu.enqueue_dma source(%dma_start3A_200 : memref<125x128xf32, #tpu.memory_space<vmem>>) target(%dma_start3A_197 : memref<125x128xf32, #tpu.memory_space<hbm>>) target_semaphore(%arg11 : memref<!tpu.dma_semaphore, #tpu.memory_space<semaphore_mem>>)
    %mul3A_201 = arith.constant 625 : i32
    %mul3A_202 = arith.muli %arg1, %mul3A_201 : i32
    %add3A_203 = arith.constant 250 : i32
    %add3A_204 = arith.addi %mul3A_202, %add3A_203 : i32
    %dma_wait3A_205 = arith.constant 0 : i32
    %dma_wait3A_206 = arith.constant 0 : i32
    %dma_wait3A_207 = tpu.memref_slice %arg8[%dma_wait3A_205, %dma_wait3A_206] : memref<128x128xf32, #tpu.memory_space<vmem>> -> memref<125x128xf32, #tpu.memory_space<vmem>>
    %dma_wait3A_208 = arith.constant 0 : i32
    %dma_wait3A_209 = arith.constant 0 : i32
    %dma_wait3A_210 = tpu.memref_slice %arg5[%arg0, %dma_wait3A_208, %dma_wait3A_209] : memref<2x10000x128xf32, #tpu.memory_space<hbm>> -> memref<1x125x128xf32, #tpu.memory_space<hbm>>
    %dma_wait3A_211 = tpu.memref_squeeze %dma_wait3A_210 : memref<1x125x128xf32, #tpu.memory_space<hbm>> -> memref<125x128xf32, #tpu.memory_space<hbm>>
    %dma_wait3A_212 = arith.constant 0 : i32
    %dma_wait3A_213 = arith.constant 0 : i32
    %dma_wait3A_214 = tpu.memref_slice %arg5[%arg0, %dma_wait3A_212, %dma_wait3A_213] : memref<2x10000x128xf32, #tpu.memory_space<hbm>> -> memref<1x125x128xf32, #tpu.memory_space<hbm>>
    %dma_wait3A_215 = tpu.memref_squeeze %dma_wait3A_214 : memref<1x125x128xf32, #tpu.memory_space<hbm>> -> memref<125x128xf32, #tpu.memory_space<hbm>>
    %dma_wait3A_216 = arith.constant 0 : i32
    %dma_wait3A_217 = arith.constant 0 : i32
    %dma_wait3A_218 = tpu.memref_slice %arg8[%dma_wait3A_216, %dma_wait3A_217] : memref<128x128xf32, #tpu.memory_space<vmem>> -> memref<125x128xf32, #tpu.memory_space<vmem>>
    tpu.wait_dma2 semaphore(%arg10 : memref<!tpu.dma_semaphore, #tpu.memory_space<semaphore_mem>>) src(%dma_wait3A_218 : memref<125x128xf32, #tpu.memory_space<vmem>>) dst(%dma_wait3A_215 : memref<125x128xf32, #tpu.memory_space<hbm>>)
    "tpu.region"() ({
      %run_scoped3A = tpu.sem_alloc : memref<!tpu.dma_semaphore, #tpu.memory_space<semaphore_mem>>
      %dma_start3A_319 = arith.constant 0 : i32
      %dma_start3A_320 = arith.constant 0 : i32
      %dma_start3A_321 = tpu.memref_slice %arg8[%dma_start3A_319, %dma_start3A_320] : memref<128x128xf32, #tpu.memory_space<vmem>> -> memref<125x128xf32, #tpu.memory_space<vmem>>
      %dma_start3A_322 = arith.constant 0 : i32
      %dma_start3A_323 = tpu.memref_slice %arg13[%add3A_204, %dma_start3A_322] : memref<10240x128xf32, #tpu.memory_space<vmem_shared>> -> memref<125x128xf32, #tpu.memory_space<vmem_shared>>
      %dma_start3A_324 = arith.constant 0 : i32
      %dma_start3A_325 = arith.constant 0 : i32
      %dma_start3A_326 = tpu.memref_slice %arg8[%dma_start3A_324, %dma_start3A_325] : memref<128x128xf32, #tpu.memory_space<vmem>> -> memref<125x128xf32, #tpu.memory_space<vmem>>
      %dma_start3A_327 = arith.constant 0 : i32
      %dma_start3A_328 = tpu.memref_slice %arg13[%add3A_204, %dma_start3A_327] : memref<10240x128xf32, #tpu.memory_space<vmem_shared>> -> memref<125x128xf32, #tpu.memory_space<vmem_shared>>
      tpu.enqueue_dma source(%dma_start3A_328 : memref<125x128xf32, #tpu.memory_space<vmem_shared>>) target(%dma_start3A_326 : memref<125x128xf32, #tpu.memory_space<vmem>>) target_semaphore(%run_scoped3A : memref<!tpu.dma_semaphore, #tpu.memory_space<semaphore_mem>>)
      %dma_wait3A_329 = arith.constant 0 : i32
      %dma_wait3A_330 = arith.constant 0 : i32
      %dma_wait3A_331 = tpu.memref_slice %arg8[%dma_wait3A_329, %dma_wait3A_330] : memref<128x128xf32, #tpu.memory_space<vmem>> -> memref<125x128xf32, #tpu.memory_space<vmem>>
      %dma_wait3A_332 = arith.constant 0 : i32
      %dma_wait3A_333 = tpu.memref_slice %arg13[%add3A_204, %dma_wait3A_332] : memref<10240x128xf32, #tpu.memory_space<vmem_shared>> -> memref<125x128xf32, #tpu.memory_space<vmem_shared>>
      %dma_wait3A_334 = arith.constant 0 : i32
      %dma_wait3A_335 = arith.constant 0 : i32
      %dma_wait3A_336 = tpu.memref_slice %arg8[%dma_wait3A_334, %dma_wait3A_335] : memref<128x128xf32, #tpu.memory_space<vmem>> -> memref<125x128xf32, #tpu.memory_space<vmem>>
      %dma_wait3A_337 = arith.constant 0 : i32
      %dma_wait3A_338 = tpu.memref_slice %arg13[%add3A_204, %dma_wait3A_337] : memref<10240x128xf32, #tpu.memory_space<vmem_shared>> -> memref<125x128xf32, #tpu.memory_space<vmem_shared>>
      tpu.wait_dma2 semaphore(%run_scoped3A : memref<!tpu.dma_semaphore, #tpu.memory_space<semaphore_mem>>) src(%dma_wait3A_338 : memref<125x128xf32, #tpu.memory_space<vmem_shared>>) dst(%dma_wait3A_336 : memref<125x128xf32, #tpu.memory_space<vmem>>)
      tpu.yield
    }) : () -> ()
    %dma_start3A_219 = arith.constant 0 : i32
    %dma_start3A_220 = arith.constant 0 : i32
    %dma_start3A_221 = tpu.memref_slice %arg8[%dma_start3A_219, %dma_start3A_220] : memref<128x128xf32, #tpu.memory_space<vmem>> -> memref<125x128xf32, #tpu.memory_space<vmem>>
    %dma_start3A_222 = arith.constant 0 : i32
    %dma_start3A_223 = tpu.memref_slice %arg5[%arg0, %add3A_204, %dma_start3A_222] : memref<2x10000x128xf32, #tpu.memory_space<hbm>> -> memref<1x125x128xf32, #tpu.memory_space<hbm>>
    %dma_start3A_224 = tpu.memref_squeeze %dma_start3A_223 : memref<1x125x128xf32, #tpu.memory_space<hbm>> -> memref<125x128xf32, #tpu.memory_space<hbm>>
    %dma_start3A_225 = arith.constant 0 : i32
    %dma_start3A_226 = tpu.memref_slice %arg5[%arg0, %add3A_204, %dma_start3A_225] : memref<2x10000x128xf32, #tpu.memory_space<hbm>> -> memref<1x125x128xf32, #tpu.memory_space<hbm>>
    %dma_start3A_227 = tpu.memref_squeeze %dma_start3A_226 : memref<1x125x128xf32, #tpu.memory_space<hbm>> -> memref<125x128xf32, #tpu.memory_space<hbm>>
    %dma_start3A_228 = arith.constant 0 : i32
    %dma_start3A_229 = arith.constant 0 : i32
    %dma_start3A_230 = tpu.memref_slice %arg8[%dma_start3A_228, %dma_start3A_229] : memref<128x128xf32, #tpu.memory_space<vmem>> -> memref<125x128xf32, #tpu.memory_space<vmem>>
    tpu.enqueue_dma source(%dma_start3A_230 : memref<125x128xf32, #tpu.memory_space<vmem>>) target(%dma_start3A_227 : memref<125x128xf32, #tpu.memory_space<hbm>>) target_semaphore(%arg10 : memref<!tpu.dma_semaphore, #tpu.memory_space<semaphore_mem>>)
    %mul3A_231 = arith.constant 625 : i32
    %mul3A_232 = arith.muli %arg1, %mul3A_231 : i32
    %add3A_233 = arith.constant 375 : i32
    %add3A_234 = arith.addi %mul3A_232, %add3A_233 : i32
    %dma_wait3A_235 = arith.constant 0 : i32
    %dma_wait3A_236 = arith.constant 0 : i32
    %dma_wait3A_237 = tpu.memref_slice %arg9[%dma_wait3A_235, %dma_wait3A_236] : memref<128x128xf32, #tpu.memory_space<vmem>> -> memref<125x128xf32, #tpu.memory_space<vmem>>
    %dma_wait3A_238 = arith.constant 0 : i32
    %dma_wait3A_239 = arith.constant 0 : i32
    %dma_wait3A_240 = tpu.memref_slice %arg5[%arg0, %dma_wait3A_238, %dma_wait3A_239] : memref<2x10000x128xf32, #tpu.memory_space<hbm>> -> memref<1x125x128xf32, #tpu.memory_space<hbm>>
    %dma_wait3A_241 = tpu.memref_squeeze %dma_wait3A_240 : memref<1x125x128xf32, #tpu.memory_space<hbm>> -> memref<125x128xf32, #tpu.memory_space<hbm>>
    %dma_wait3A_242 = arith.constant 0 : i32
    %dma_wait3A_243 = arith.constant 0 : i32
    %dma_wait3A_244 = tpu.memref_slice %arg5[%arg0, %dma_wait3A_242, %dma_wait3A_243] : memref<2x10000x128xf32, #tpu.memory_space<hbm>> -> memref<1x125x128xf32, #tpu.memory_space<hbm>>
    %dma_wait3A_245 = tpu.memref_squeeze %dma_wait3A_244 : memref<1x125x128xf32, #tpu.memory_space<hbm>> -> memref<125x128xf32, #tpu.memory_space<hbm>>
    %dma_wait3A_246 = arith.constant 0 : i32
    %dma_wait3A_247 = arith.constant 0 : i32
    %dma_wait3A_248 = tpu.memref_slice %arg9[%dma_wait3A_246, %dma_wait3A_247] : memref<128x128xf32, #tpu.memory_space<vmem>> -> memref<125x128xf32, #tpu.memory_space<vmem>>
    tpu.wait_dma2 semaphore(%arg11 : memref<!tpu.dma_semaphore, #tpu.memory_space<semaphore_mem>>) src(%dma_wait3A_248 : memref<125x128xf32, #tpu.memory_space<vmem>>) dst(%dma_wait3A_245 : memref<125x128xf32, #tpu.memory_space<hbm>>)
    "tpu.region"() ({
      %run_scoped3A = tpu.sem_alloc : memref<!tpu.dma_semaphore, #tpu.memory_space<semaphore_mem>>
      %dma_start3A_319 = arith.constant 0 : i32
      %dma_start3A_320 = arith.constant 0 : i32
      %dma_start3A_321 = tpu.memref_slice %arg9[%dma_start3A_319, %dma_start3A_320] : memref<128x128xf32, #tpu.memory_space<vmem>> -> memref<125x128xf32, #tpu.memory_space<vmem>>
      %dma_start3A_322 = arith.constant 0 : i32
      %dma_start3A_323 = tpu.memref_slice %arg13[%add3A_234, %dma_start3A_322] : memref<10240x128xf32, #tpu.memory_space<vmem_shared>> -> memref<125x128xf32, #tpu.memory_space<vmem_shared>>
      %dma_start3A_324 = arith.constant 0 : i32
      %dma_start3A_325 = arith.constant 0 : i32
      %dma_start3A_326 = tpu.memref_slice %arg9[%dma_start3A_324, %dma_start3A_325] : memref<128x128xf32, #tpu.memory_space<vmem>> -> memref<125x128xf32, #tpu.memory_space<vmem>>
      %dma_start3A_327 = arith.constant 0 : i32
      %dma_start3A_328 = tpu.memref_slice %arg13[%add3A_234, %dma_start3A_327] : memref<10240x128xf32, #tpu.memory_space<vmem_shared>> -> memref<125x128xf32, #tpu.memory_space<vmem_shared>>
      tpu.enqueue_dma source(%dma_start3A_328 : memref<125x128xf32, #tpu.memory_space<vmem_shared>>) target(%dma_start3A_326 : memref<125x128xf32, #tpu.memory_space<vmem>>) target_semaphore(%run_scoped3A : memref<!tpu.dma_semaphore, #tpu.memory_space<semaphore_mem>>)
      %dma_wait3A_329 = arith.constant 0 : i32
      %dma_wait3A_330 = arith.constant 0 : i32
      %dma_wait3A_331 = tpu.memref_slice %arg9[%dma_wait3A_329, %dma_wait3A_330] : memref<128x128xf32, #tpu.memory_space<vmem>> -> memref<125x128xf32, #tpu.memory_space<vmem>>
      %dma_wait3A_332 = arith.constant 0 : i32
      %dma_wait3A_333 = tpu.memref_slice %arg13[%add3A_234, %dma_wait3A_332] : memref<10240x128xf32, #tpu.memory_space<vmem_shared>> -> memref<125x128xf32, #tpu.memory_space<vmem_shared>>
      %dma_wait3A_334 = arith.constant 0 : i32
      %dma_wait3A_335 = arith.constant 0 : i32
      %dma_wait3A_336 = tpu.memref_slice %arg9[%dma_wait3A_334, %dma_wait3A_335] : memref<128x128xf32, #tpu.memory_space<vmem>> -> memref<125x128xf32, #tpu.memory_space<vmem>>
      %dma_wait3A_337 = arith.constant 0 : i32
      %dma_wait3A_338 = tpu.memref_slice %arg13[%add3A_234, %dma_wait3A_337] : memref<10240x128xf32, #tpu.memory_space<vmem_shared>> -> memref<125x128xf32, #tpu.memory_space<vmem_shared>>
      tpu.wait_dma2 semaphore(%run_scoped3A : memref<!tpu.dma_semaphore, #tpu.memory_space<semaphore_mem>>) src(%dma_wait3A_338 : memref<125x128xf32, #tpu.memory_space<vmem_shared>>) dst(%dma_wait3A_336 : memref<125x128xf32, #tpu.memory_space<vmem>>)
      tpu.yield
    }) : () -> ()
    %dma_start3A_249 = arith.constant 0 : i32
    %dma_start3A_250 = arith.constant 0 : i32
    %dma_start3A_251 = tpu.memref_slice %arg9[%dma_start3A_249, %dma_start3A_250] : memref<128x128xf32, #tpu.memory_space<vmem>> -> memref<125x128xf32, #tpu.memory_space<vmem>>
    %dma_start3A_252 = arith.constant 0 : i32
    %dma_start3A_253 = tpu.memref_slice %arg5[%arg0, %add3A_234, %dma_start3A_252] : memref<2x10000x128xf32, #tpu.memory_space<hbm>> -> memref<1x125x128xf32, #tpu.memory_space<hbm>>
    %dma_start3A_254 = tpu.memref_squeeze %dma_start3A_253 : memref<1x125x128xf32, #tpu.memory_space<hbm>> -> memref<125x128xf32, #tpu.memory_space<hbm>>
    %dma_start3A_255 = arith.constant 0 : i32
    %dma_start3A_256 = tpu.memref_slice %arg5[%arg0, %add3A_234, %dma_start3A_255] : memref<2x10000x128xf32, #tpu.memory_space<hbm>> -> memref<1x125x128xf32, #tpu.memory_space<hbm>>
    %dma_start3A_257 = tpu.memref_squeeze %dma_start3A_256 : memref<1x125x128xf32, #tpu.memory_space<hbm>> -> memref<125x128xf32, #tpu.memory_space<hbm>>
    %dma_start3A_258 = arith.constant 0 : i32
    %dma_start3A_259 = arith.constant 0 : i32
    %dma_start3A_260 = tpu.memref_slice %arg9[%dma_start3A_258, %dma_start3A_259] : memref<128x128xf32, #tpu.memory_space<vmem>> -> memref<125x128xf32, #tpu.memory_space<vmem>>
    tpu.enqueue_dma source(%dma_start3A_260 : memref<125x128xf32, #tpu.memory_space<vmem>>) target(%dma_start3A_257 : memref<125x128xf32, #tpu.memory_space<hbm>>) target_semaphore(%arg11 : memref<!tpu.dma_semaphore, #tpu.memory_space<semaphore_mem>>)
    %mul3A_261 = arith.constant 625 : i32
    %mul3A_262 = arith.muli %arg1, %mul3A_261 : i32
    %add3A_263 = arith.constant 500 : i32
    %add3A_264 = arith.addi %mul3A_262, %add3A_263 : i32
    %dma_wait3A_265 = arith.constant 0 : i32
    %dma_wait3A_266 = arith.constant 0 : i32
    %dma_wait3A_267 = tpu.memref_slice %arg8[%dma_wait3A_265, %dma_wait3A_266] : memref<128x128xf32, #tpu.memory_space<vmem>> -> memref<125x128xf32, #tpu.memory_space<vmem>>
    %dma_wait3A_268 = arith.constant 0 : i32
    %dma_wait3A_269 = arith.constant 0 : i32
    %dma_wait3A_270 = tpu.memref_slice %arg5[%arg0, %dma_wait3A_268, %dma_wait3A_269] : memref<2x10000x128xf32, #tpu.memory_space<hbm>> -> memref<1x125x128xf32, #tpu.memory_space<hbm>>
    %dma_wait3A_271 = tpu.memref_squeeze %dma_wait3A_270 : memref<1x125x128xf32, #tpu.memory_space<hbm>> -> memref<125x128xf32, #tpu.memory_space<hbm>>
    %dma_wait3A_272 = arith.constant 0 : i32
    %dma_wait3A_273 = arith.constant 0 : i32
    %dma_wait3A_274 = tpu.memref_slice %arg5[%arg0, %dma_wait3A_272, %dma_wait3A_273] : memref<2x10000x128xf32, #tpu.memory_space<hbm>> -> memref<1x125x128xf32, #tpu.memory_space<hbm>>
    %dma_wait3A_275 = tpu.memref_squeeze %dma_wait3A_274 : memref<1x125x128xf32, #tpu.memory_space<hbm>> -> memref<125x128xf32, #tpu.memory_space<hbm>>
    %dma_wait3A_276 = arith.constant 0 : i32
    %dma_wait3A_277 = arith.constant 0 : i32
    %dma_wait3A_278 = tpu.memref_slice %arg8[%dma_wait3A_276, %dma_wait3A_277] : memref<128x128xf32, #tpu.memory_space<vmem>> -> memref<125x128xf32, #tpu.memory_space<vmem>>
    tpu.wait_dma2 semaphore(%arg10 : memref<!tpu.dma_semaphore, #tpu.memory_space<semaphore_mem>>) src(%dma_wait3A_278 : memref<125x128xf32, #tpu.memory_space<vmem>>) dst(%dma_wait3A_275 : memref<125x128xf32, #tpu.memory_space<hbm>>)
    "tpu.region"() ({
      %run_scoped3A = tpu.sem_alloc : memref<!tpu.dma_semaphore, #tpu.memory_space<semaphore_mem>>
      %dma_start3A_319 = arith.constant 0 : i32
      %dma_start3A_320 = arith.constant 0 : i32
      %dma_start3A_321 = tpu.memref_slice %arg8[%dma_start3A_319, %dma_start3A_320] : memref<128x128xf32, #tpu.memory_space<vmem>> -> memref<125x128xf32, #tpu.memory_space<vmem>>
      %dma_start3A_322 = arith.constant 0 : i32
      %dma_start3A_323 = tpu.memref_slice %arg13[%add3A_264, %dma_start3A_322] : memref<10240x128xf32, #tpu.memory_space<vmem_shared>> -> memref<125x128xf32, #tpu.memory_space<vmem_shared>>
      %dma_start3A_324 = arith.constant 0 : i32
      %dma_start3A_325 = arith.constant 0 : i32
      %dma_start3A_326 = tpu.memref_slice %arg8[%dma_start3A_324, %dma_start3A_325] : memref<128x128xf32, #tpu.memory_space<vmem>> -> memref<125x128xf32, #tpu.memory_space<vmem>>
      %dma_start3A_327 = arith.constant 0 : i32
      %dma_start3A_328 = tpu.memref_slice %arg13[%add3A_264, %dma_start3A_327] : memref<10240x128xf32, #tpu.memory_space<vmem_shared>> -> memref<125x128xf32, #tpu.memory_space<vmem_shared>>
      tpu.enqueue_dma source(%dma_start3A_328 : memref<125x128xf32, #tpu.memory_space<vmem_shared>>) target(%dma_start3A_326 : memref<125x128xf32, #tpu.memory_space<vmem>>) target_semaphore(%run_scoped3A : memref<!tpu.dma_semaphore, #tpu.memory_space<semaphore_mem>>)
      %dma_wait3A_329 = arith.constant 0 : i32
      %dma_wait3A_330 = arith.constant 0 : i32
      %dma_wait3A_331 = tpu.memref_slice %arg8[%dma_wait3A_329, %dma_wait3A_330] : memref<128x128xf32, #tpu.memory_space<vmem>> -> memref<125x128xf32, #tpu.memory_space<vmem>>
      %dma_wait3A_332 = arith.constant 0 : i32
      %dma_wait3A_333 = tpu.memref_slice %arg13[%add3A_264, %dma_wait3A_332] : memref<10240x128xf32, #tpu.memory_space<vmem_shared>> -> memref<125x128xf32, #tpu.memory_space<vmem_shared>>
      %dma_wait3A_334 = arith.constant 0 : i32
      %dma_wait3A_335 = arith.constant 0 : i32
      %dma_wait3A_336 = tpu.memref_slice %arg8[%dma_wait3A_334, %dma_wait3A_335] : memref<128x128xf32, #tpu.memory_space<vmem>> -> memref<125x128xf32, #tpu.memory_space<vmem>>
      %dma_wait3A_337 = arith.constant 0 : i32
      %dma_wait3A_338 = tpu.memref_slice %arg13[%add3A_264, %dma_wait3A_337] : memref<10240x128xf32, #tpu.memory_space<vmem_shared>> -> memref<125x128xf32, #tpu.memory_space<vmem_shared>>
      tpu.wait_dma2 semaphore(%run_scoped3A : memref<!tpu.dma_semaphore, #tpu.memory_space<semaphore_mem>>) src(%dma_wait3A_338 : memref<125x128xf32, #tpu.memory_space<vmem_shared>>) dst(%dma_wait3A_336 : memref<125x128xf32, #tpu.memory_space<vmem>>)
      tpu.yield
    }) : () -> ()
    %dma_start3A_279 = arith.constant 0 : i32
    %dma_start3A_280 = arith.constant 0 : i32
    %dma_start3A_281 = tpu.memref_slice %arg8[%dma_start3A_279, %dma_start3A_280] : memref<128x128xf32, #tpu.memory_space<vmem>> -> memref<125x128xf32, #tpu.memory_space<vmem>>
    %dma_start3A_282 = arith.constant 0 : i32
    %dma_start3A_283 = tpu.memref_slice %arg5[%arg0, %add3A_264, %dma_start3A_282] : memref<2x10000x128xf32, #tpu.memory_space<hbm>> -> memref<1x125x128xf32, #tpu.memory_space<hbm>>
    %dma_start3A_284 = tpu.memref_squeeze %dma_start3A_283 : memref<1x125x128xf32, #tpu.memory_space<hbm>> -> memref<125x128xf32, #tpu.memory_space<hbm>>
    %dma_start3A_285 = arith.constant 0 : i32
    %dma_start3A_286 = tpu.memref_slice %arg5[%arg0, %add3A_264, %dma_start3A_285] : memref<2x10000x128xf32, #tpu.memory_space<hbm>> -> memref<1x125x128xf32, #tpu.memory_space<hbm>>
    %dma_start3A_287 = tpu.memref_squeeze %dma_start3A_286 : memref<1x125x128xf32, #tpu.memory_space<hbm>> -> memref<125x128xf32, #tpu.memory_space<hbm>>
    %dma_start3A_288 = arith.constant 0 : i32
    %dma_start3A_289 = arith.constant 0 : i32
    %dma_start3A_290 = tpu.memref_slice %arg8[%dma_start3A_288, %dma_start3A_289] : memref<128x128xf32, #tpu.memory_space<vmem>> -> memref<125x128xf32, #tpu.memory_space<vmem>>
    tpu.enqueue_dma source(%dma_start3A_290 : memref<125x128xf32, #tpu.memory_space<vmem>>) target(%dma_start3A_287 : memref<125x128xf32, #tpu.memory_space<hbm>>) target_semaphore(%arg10 : memref<!tpu.dma_semaphore, #tpu.memory_space<semaphore_mem>>)
    %dma_wait3A_291 = arith.constant 0 : i32
    %dma_wait3A_292 = arith.constant 0 : i32
    %dma_wait3A_293 = tpu.memref_slice %arg9[%dma_wait3A_291, %dma_wait3A_292] : memref<128x128xf32, #tpu.memory_space<vmem>> -> memref<125x128xf32, #tpu.memory_space<vmem>>
    %dma_wait3A_294 = arith.constant 0 : i32
    %dma_wait3A_295 = arith.constant 0 : i32
    %dma_wait3A_296 = tpu.memref_slice %arg5[%arg0, %dma_wait3A_294, %dma_wait3A_295] : memref<2x10000x128xf32, #tpu.memory_space<hbm>> -> memref<1x125x128xf32, #tpu.memory_space<hbm>>
    %dma_wait3A_297 = tpu.memref_squeeze %dma_wait3A_296 : memref<1x125x128xf32, #tpu.memory_space<hbm>> -> memref<125x128xf32, #tpu.memory_space<hbm>>
    %dma_wait3A_298 = arith.constant 0 : i32
    %dma_wait3A_299 = arith.constant 0 : i32
    %dma_wait3A_300 = tpu.memref_slice %arg5[%arg0, %dma_wait3A_298, %dma_wait3A_299] : memref<2x10000x128xf32, #tpu.memory_space<hbm>> -> memref<1x125x128xf32, #tpu.memory_space<hbm>>
    %dma_wait3A_301 = tpu.memref_squeeze %dma_wait3A_300 : memref<1x125x128xf32, #tpu.memory_space<hbm>> -> memref<125x128xf32, #tpu.memory_space<hbm>>
    %dma_wait3A_302 = arith.constant 0 : i32
    %dma_wait3A_303 = arith.constant 0 : i32
    %dma_wait3A_304 = tpu.memref_slice %arg9[%dma_wait3A_302, %dma_wait3A_303] : memref<128x128xf32, #tpu.memory_space<vmem>> -> memref<125x128xf32, #tpu.memory_space<vmem>>
    tpu.wait_dma2 semaphore(%arg11 : memref<!tpu.dma_semaphore, #tpu.memory_space<semaphore_mem>>) src(%dma_wait3A_304 : memref<125x128xf32, #tpu.memory_space<vmem>>) dst(%dma_wait3A_301 : memref<125x128xf32, #tpu.memory_space<hbm>>)
    %dma_wait3A_305 = arith.constant 0 : i32
    %dma_wait3A_306 = arith.constant 0 : i32
    %dma_wait3A_307 = tpu.memref_slice %arg8[%dma_wait3A_305, %dma_wait3A_306] : memref<128x128xf32, #tpu.memory_space<vmem>> -> memref<125x128xf32, #tpu.memory_space<vmem>>
    %dma_wait3A_308 = arith.constant 0 : i32
    %dma_wait3A_309 = arith.constant 0 : i32
    %dma_wait3A_310 = tpu.memref_slice %arg5[%arg0, %dma_wait3A_308, %dma_wait3A_309] : memref<2x10000x128xf32, #tpu.memory_space<hbm>> -> memref<1x125x128xf32, #tpu.memory_space<hbm>>
    %dma_wait3A_311 = tpu.memref_squeeze %dma_wait3A_310 : memref<1x125x128xf32, #tpu.memory_space<hbm>> -> memref<125x128xf32, #tpu.memory_space<hbm>>
    %dma_wait3A_312 = arith.constant 0 : i32
    %dma_wait3A_313 = arith.constant 0 : i32
    %dma_wait3A_314 = tpu.memref_slice %arg5[%arg0, %dma_wait3A_312, %dma_wait3A_313] : memref<2x10000x128xf32, #tpu.memory_space<hbm>> -> memref<1x125x128xf32, #tpu.memory_space<hbm>>
    %dma_wait3A_315 = tpu.memref_squeeze %dma_wait3A_314 : memref<1x125x128xf32, #tpu.memory_space<hbm>> -> memref<125x128xf32, #tpu.memory_space<hbm>>
    %dma_wait3A_316 = arith.constant 0 : i32
    %dma_wait3A_317 = arith.constant 0 : i32
    %dma_wait3A_318 = tpu.memref_slice %arg8[%dma_wait3A_316, %dma_wait3A_317] : memref<128x128xf32, #tpu.memory_space<vmem>> -> memref<125x128xf32, #tpu.memory_space<vmem>>
    tpu.wait_dma2 semaphore(%arg10 : memref<!tpu.dma_semaphore, #tpu.memory_space<semaphore_mem>>) src(%dma_wait3A_318 : memref<125x128xf32, #tpu.memory_space<vmem>>) dst(%dma_wait3A_315 : memref<125x128xf32, #tpu.memory_space<hbm>>)
    return
  }
}

module attributes {stable_mosaic.version = 14 : i64} {
  func.func @_tc1a_body(%arg0: i32, %arg1: memref<5000x128xf32, #tpu.memory_space<vmem>>, %arg2: memref<128x128xf32, #tpu.memory_space<vmem>>, %arg3: memref<5000x128xf32, #tpu.memory_space<vmem>>) attributes {dimension_semantics = [#tpu.dimension_semantics<arbitrary>], iteration_bounds = array<i64: 2>, scalar_prefetch = 0 : i64, scratch_operands = 0 : i64, tpu.core_type = #tpu.core_type<tc>, window_params = [{transform_indices = @transform_0, window_bounds = array<i64: 5000, 128>}, {pipeline_mode = #tpu.pipeline_mode<synchronous>, transform_indices = @transform_1, window_bounds = array<i64: 128, 128>}, {transform_indices = @transform_2, window_bounds = array<i64: 5000, 128>}]} {
    %get3A = arith.constant 0 : index
    %get3A_0 = arith.constant 0 : index
    %get3A_1 = vector.load %arg1[%get3A, %get3A_0] : memref<5000x128xf32, #tpu.memory_space<vmem>>, vector<5000x128xf32>
    %get3A_2 = arith.constant 0 : index
    %get3A_3 = arith.constant 0 : index
    %get3A_4 = vector.load %arg2[%get3A_2, %get3A_3] : memref<128x128xf32, #tpu.memory_space<vmem>>, vector<128x128xf32>
    %dot_general3A = arith.constant dense<0.000000e+00> : vector<5000x128xf32>
    %dot_general3A_5 = tpu.matmul %get3A_1, %get3A_4, %dot_general3A {dimension_numbers = #tpu.dot_dimension_numbers<[1], [0], [0], [1], [0, 0, 1, 1], [], []>, transpose_lhs_hint = false} : vector<5000x128xf32>, vector<128x128xf32>, vector<5000x128xf32> -> vector<5000x128xf32>
    %swap3A = arith.constant 0 : index
    %swap3A_6 = arith.constant 0 : index
    %swap3A_7 = vector.load %arg3[%swap3A, %swap3A_6] : memref<5000x128xf32, #tpu.memory_space<vmem>>, vector<5000x128xf32>
    tpu.vector_store %arg3[%swap3A, %swap3A_6], %dot_general3A_5 {strides = array<i32>} : memref<5000x128xf32, #tpu.memory_space<vmem>>, vector<5000x128xf32>,
    return
  }
  func.func @transform_0(%arg0: i32) -> (i32, i32) {
    %c0_i32 = arith.constant 0 : i32
    %c0_i32_0 = arith.constant 0 : i32
    return %arg0, %c0_i32 : i32, i32
  }
  func.func @transform_1(%arg0: i32) -> (i32, i32) {
    %c0_i32 = arith.constant 0 : i32
    %c0_i32_0 = arith.constant 0 : i32
    %c0_i32_1 = arith.constant 0 : i32
    return %c0_i32, %c0_i32_0 : i32, i32
  }
  func.func @transform_2(%arg0: i32) -> (i32, i32) {
    %c0_i32 = arith.constant 0 : i32
    %c0_i32_0 = arith.constant 0 : i32
    return %arg0, %c0_i32 : i32, i32
  }
}

module attributes {stable_mosaic.version = 14 : i64} {
  func.func @_tc1b_body(%arg0: i32, %arg1: memref<5000x128xf32, #tpu.memory_space<vmem>>, %arg2: memref<2x5000x16xf32, #tpu.memory_space<vmem>>, %arg3: memref<5000x128xf32, #tpu.memory_space<vmem>>, %arg4: memref<5000x1xf32, #tpu.memory_space<vmem>>) attributes {dimension_semantics = [#tpu.dimension_semantics<arbitrary>], iteration_bounds = array<i64: 2>, scalar_prefetch = 0 : i64, scratch_operands = 0 : i64, tpu.core_type = #tpu.core_type<tc>, window_params = [{transform_indices = @transform_0, window_bounds = array<i64: 5000, 128>}, {transform_indices = @transform_1, window_bounds = array<i64: 2, 5000, 16>}, {transform_indices = @transform_2, window_bounds = array<i64: 5000, 128>}, {transform_indices = @transform_3, window_bounds = array<i64: 5000, 1>}]} {
    %get3A = arith.constant 0 : index
    %get3A_0 = arith.constant 0 : index
    %get3A_1 = arith.constant 0 : index
    %get3A_2 = vector.load %arg2[%get3A, %get3A_0, %get3A_1] : memref<2x5000x16xf32, #tpu.memory_space<vmem>>, vector<1x5000x1xf32>
    %get3A_3 = vector.shape_cast %get3A_2 : vector<1x5000x1xf32> to vector<5000x1xf32>
    %get3A_4 = arith.constant 1 : index
    %get3A_5 = arith.constant 0 : index
    %get3A_6 = arith.constant 0 : index
    %get3A_7 = vector.load %arg2[%get3A_4, %get3A_5, %get3A_6] : memref<2x5000x16xf32, #tpu.memory_space<vmem>>, vector<1x5000x1xf32>
    %get3A_8 = vector.shape_cast %get3A_7 : vector<1x5000x1xf32> to vector<5000x1xf32>
    %add3A = arith.addf %get3A_3, %get3A_8 : vector<5000x1xf32>
    %add3A_9 = arith.constant 1.000000e+00 : f32
    %add3A_10 = vector.broadcast %add3A_9 : f32 to vector<5000x1xf32>
    %add3A_11 = arith.addf %add3A, %add3A_10 : vector<5000x1xf32>
    %rsqrt3A = math.rsqrt %add3A_11 : vector<5000x1xf32>
    %swap3A = arith.constant 0 : index
    %swap3A_12 = arith.constant 0 : index
    %swap3A_13 = vector.load %arg4[%swap3A, %swap3A_12] : memref<5000x1xf32, #tpu.memory_space<vmem>>, vector<5000x1xf32>
    tpu.vector_store %arg4[%swap3A, %swap3A_12], %rsqrt3A {strides = array<i32>} : memref<5000x1xf32, #tpu.memory_space<vmem>>, vector<5000x1xf32>,
    %get3A_14 = arith.constant 0 : index
    %get3A_15 = arith.constant 0 : index
    %get3A_16 = vector.load %arg1[%get3A_14, %get3A_15] : memref<5000x128xf32, #tpu.memory_space<vmem>>, vector<5000x128xf32>
    %mul3A = vector.broadcast %rsqrt3A : vector<5000x1xf32> to vector<5000x128xf32>
    %mul3A_17 = arith.mulf %get3A_16, %mul3A : vector<5000x128xf32>
    %swap3A_18 = arith.constant 0 : index
    %swap3A_19 = arith.constant 0 : index
    %swap3A_20 = vector.load %arg3[%swap3A_18, %swap3A_19] : memref<5000x128xf32, #tpu.memory_space<vmem>>, vector<5000x128xf32>
    tpu.vector_store %arg3[%swap3A_18, %swap3A_19], %mul3A_17 {strides = array<i32>} : memref<5000x128xf32, #tpu.memory_space<vmem>>, vector<5000x128xf32>,
    return
  }
  func.func @transform_0(%arg0: i32) -> (i32, i32) {
    %c0_i32 = arith.constant 0 : i32
    %c0_i32_0 = arith.constant 0 : i32
    return %arg0, %c0_i32 : i32, i32
  }
  func.func @transform_1(%arg0: i32) -> (i32, i32, i32) {
    %c0_i32 = arith.constant 0 : i32
    %c0_i32_0 = arith.constant 0 : i32
    %c0_i32_1 = arith.constant 0 : i32
    return %c0_i32, %arg0, %c0_i32_0 : i32, i32, i32
  }
  func.func @transform_2(%arg0: i32) -> (i32, i32) {
    %c0_i32 = arith.constant 0 : i32
    %c0_i32_0 = arith.constant 0 : i32
    return %arg0, %c0_i32 : i32, i32
  }
  func.func @transform_3(%arg0: i32) -> (i32, i32) {
    %c0_i32 = arith.constant 0 : i32
    %c0_i32_0 = arith.constant 0 : i32
    return %arg0, %c0_i32 : i32, i32
  }
}

module attributes {stable_mosaic.version = 14 : i64} {
  func.func @_tc_mid_body(%arg0: i32, %arg1: memref<2x5000x128xf32, #tpu.memory_space<vmem>>, %arg2: memref<5000x128xf32, #tpu.memory_space<vmem>>, %arg3: memref<5000x1xf32, #tpu.memory_space<vmem>>, %arg4: memref<1x128xf32, #tpu.memory_space<vmem>>, %arg5: memref<128x128xf32, #tpu.memory_space<vmem>>, %arg6: memref<5000x128xf32, #tpu.memory_space<vmem>>) attributes {dimension_semantics = [#tpu.dimension_semantics<arbitrary>], iteration_bounds = array<i64: 2>, scalar_prefetch = 0 : i64, scratch_operands = 0 : i64, tpu.core_type = #tpu.core_type<tc>, window_params = [{transform_indices = @transform_0, window_bounds = array<i64: 2, 5000, 128>}, {transform_indices = @transform_1, window_bounds = array<i64: 5000, 128>}, {transform_indices = @transform_2, window_bounds = array<i64: 5000, 1>}, {pipeline_mode = #tpu.pipeline_mode<synchronous>, transform_indices = @transform_3, window_bounds = array<i64: 1, 128>}, {pipeline_mode = #tpu.pipeline_mode<synchronous>, transform_indices = @transform_4, window_bounds = array<i64: 128, 128>}, {transform_indices = @transform_5, window_bounds = array<i64: 5000, 128>}]} {
    %get3A = arith.constant 0 : index
    %get3A_0 = arith.constant 0 : index
    %get3A_1 = vector.load %arg3[%get3A, %get3A_0] : memref<5000x1xf32, #tpu.memory_space<vmem>>, vector<5000x1xf32>
    %get3A_2 = arith.constant 0 : index
    %get3A_3 = arith.constant 0 : index
    %get3A_4 = arith.constant 0 : index
    %get3A_5 = vector.load %arg1[%get3A_2, %get3A_3, %get3A_4] : memref<2x5000x128xf32, #tpu.memory_space<vmem>>, vector<1x5000x128xf32>
    %get3A_6 = vector.shape_cast %get3A_5 : vector<1x5000x128xf32> to vector<5000x128xf32>
    %get3A_7 = arith.constant 1 : index
    %get3A_8 = arith.constant 0 : index
    %get3A_9 = arith.constant 0 : index
    %get3A_10 = vector.load %arg1[%get3A_7, %get3A_8, %get3A_9] : memref<2x5000x128xf32, #tpu.memory_space<vmem>>, vector<1x5000x128xf32>
    %get3A_11 = vector.shape_cast %get3A_10 : vector<1x5000x128xf32> to vector<5000x128xf32>
    %add3A = arith.addf %get3A_6, %get3A_11 : vector<5000x128xf32>
    %get3A_12 = arith.constant 0 : index
    %get3A_13 = arith.constant 0 : index
    %get3A_14 = vector.load %arg2[%get3A_12, %get3A_13] : memref<5000x128xf32, #tpu.memory_space<vmem>>, vector<5000x128xf32>
    %add3A_15 = arith.addf %add3A, %get3A_14 : vector<5000x128xf32>
    %mul3A = vector.broadcast %get3A_1 : vector<5000x1xf32> to vector<5000x128xf32>
    %mul3A_16 = arith.mulf %mul3A, %add3A_15 : vector<5000x128xf32>
    %get3A_17 = arith.constant 0 : index
    %get3A_18 = arith.constant 0 : index
    %get3A_19 = vector.load %arg4[%get3A_17, %get3A_18] : memref<1x128xf32, #tpu.memory_space<vmem>>, vector<1x128xf32>
    %add3A_20 = vector.broadcast %get3A_19 : vector<1x128xf32> to vector<5000x128xf32>
    %add3A_21 = arith.addf %mul3A_16, %add3A_20 : vector<5000x128xf32>
    %max3A = arith.constant 0.000000e+00 : f32
    %max3A_22 = vector.broadcast %max3A : f32 to vector<5000x128xf32>
    %max3A_23 = arith.maximumf %add3A_21, %max3A_22 : vector<5000x128xf32>
    %get3A_24 = arith.constant 0 : index
    %get3A_25 = arith.constant 0 : index
    %get3A_26 = vector.load %arg5[%get3A_24, %get3A_25] : memref<128x128xf32, #tpu.memory_space<vmem>>, vector<128x128xf32>
    %dot_general3A = arith.constant dense<0.000000e+00> : vector<5000x128xf32>
    %dot_general3A_27 = tpu.matmul %max3A_23, %get3A_26, %dot_general3A {dimension_numbers = #tpu.dot_dimension_numbers<[1], [0], [0], [1], [0, 0, 1, 1], [], []>, transpose_lhs_hint = false} : vector<5000x128xf32>, vector<128x128xf32>, vector<5000x128xf32> -> vector<5000x128xf32>
    %mul3A_28 = vector.broadcast %get3A_1 : vector<5000x1xf32> to vector<5000x128xf32>
    %mul3A_29 = arith.mulf %dot_general3A_27, %mul3A_28 : vector<5000x128xf32>
    %swap3A = arith.constant 0 : index
    %swap3A_30 = arith.constant 0 : index
    %swap3A_31 = vector.load %arg6[%swap3A, %swap3A_30] : memref<5000x128xf32, #tpu.memory_space<vmem>>, vector<5000x128xf32>
    tpu.vector_store %arg6[%swap3A, %swap3A_30], %mul3A_29 {strides = array<i32>} : memref<5000x128xf32, #tpu.memory_space<vmem>>, vector<5000x128xf32>,
    return
  }
  func.func @transform_0(%arg0: i32) -> (i32, i32, i32) {
    %c0_i32 = arith.constant 0 : i32
    %c0_i32_0 = arith.constant 0 : i32
    %c0_i32_1 = arith.constant 0 : i32
    return %c0_i32, %arg0, %c0_i32_0 : i32, i32, i32
  }
  func.func @transform_1(%arg0: i32) -> (i32, i32) {
    %c0_i32 = arith.constant 0 : i32
    %c0_i32_0 = arith.constant 0 : i32
    return %arg0, %c0_i32 : i32, i32
  }
  func.func @transform_2(%arg0: i32) -> (i32, i32) {
    %c0_i32 = arith.constant 0 : i32
    %c0_i32_0 = arith.constant 0 : i32
    return %arg0, %c0_i32 : i32, i32
  }
  func.func @transform_3(%arg0: i32) -> (i32, i32) {
    %c0_i32 = arith.constant 0 : i32
    %c0_i32_0 = arith.constant 0 : i32
    %c0_i32_1 = arith.constant 0 : i32
    return %c0_i32, %c0_i32_0 : i32, i32
  }
  func.func @transform_4(%arg0: i32) -> (i32, i32) {
    %c0_i32 = arith.constant 0 : i32
    %c0_i32_0 = arith.constant 0 : i32
    %c0_i32_1 = arith.constant 0 : i32
    return %c0_i32, %c0_i32_0 : i32, i32
  }
  func.func @transform_5(%arg0: i32) -> (i32, i32) {
    %c0_i32 = arith.constant 0 : i32
    %c0_i32_0 = arith.constant 0 : i32
    return %arg0, %c0_i32 : i32, i32
  }
}

module attributes {stable_mosaic.version = 14 : i64} {
  func.func @_tc_fin_body(%arg0: i32, %arg1: memref<2x5000x128xf32, #tpu.memory_space<vmem>>, %arg2: memref<5000x128xf32, #tpu.memory_space<vmem>>, %arg3: memref<5000x1xf32, #tpu.memory_space<vmem>>, %arg4: memref<1x128xf32, #tpu.memory_space<vmem>>, %arg5: memref<1x1x5000xf32, #tpu.memory_space<vmem>>, %arg6: memref<128x11xf32, #tpu.memory_space<vmem>>, %arg7: memref<1x11xf32, #tpu.memory_space<vmem>>, %arg8: memref<64x11xf32, #tpu.memory_space<vmem>>, %arg9: memref<64x128xf32, #tpu.memory_space<vmem>>, %arg10: memref<64x128xf32, #tpu.memory_space<vmem>>) attributes {dimension_semantics = [#tpu.dimension_semantics<arbitrary>], iteration_bounds = array<i64: 2>, scalar_prefetch = 0 : i64, scratch_operands = 2 : i64, tpu.core_type = #tpu.core_type<tc>, window_params = [{transform_indices = @transform_0, window_bounds = array<i64: 2, 5000, 128>}, {transform_indices = @transform_1, window_bounds = array<i64: 5000, 128>}, {transform_indices = @transform_2, window_bounds = array<i64: 5000, 1>}, {pipeline_mode = #tpu.pipeline_mode<synchronous>, transform_indices = @transform_3, window_bounds = array<i64: 1, 128>}, {transform_indices = @transform_4, window_bounds = array<i64: 1, 1, 5000>}, {pipeline_mode = #tpu.pipeline_mode<synchronous>, transform_indices = @transform_5, window_bounds = array<i64: 128, 11>}, {pipeline_mode = #tpu.pipeline_mode<synchronous>, transform_indices = @transform_6, window_bounds = array<i64: 1, 11>}, {pipeline_mode = #tpu.pipeline_mode<synchronous>, transform_indices = @transform_7, window_bounds = array<i64: 64, 11>}]} {
    %eq3A = arith.constant 0 : i32
    %eq3A_0 = arith.cmpi eq, %arg0, %eq3A : i32
    %convert_element_type3A = arith.extui %eq3A_0 : i1 to i32
    %cond3A = arith.constant 0 : i32
    %cond3A_1 = arith.cmpi ne, %convert_element_type3A, %cond3A : i32
    scf.if %cond3A_1 {
      %broadcast_in_dim3A_58 = arith.constant 0.000000e+00 : f32
      %broadcast_in_dim3A_59 = vector.broadcast %broadcast_in_dim3A_58 : f32 to vector<64x128xf32>
      %swap3A_60 = arith.constant 0 : index
      %swap3A_61 = arith.constant 0 : index
      %swap3A_62 = vector.load %arg9[%swap3A_60, %swap3A_61] : memref<64x128xf32, #tpu.memory_space<vmem>>, vector<64x128xf32>
      tpu.vector_store %arg9[%swap3A_60, %swap3A_61], %broadcast_in_dim3A_59 {strides = array<i32>} : memref<64x128xf32, #tpu.memory_space<vmem>>, vector<64x128xf32>,
      %broadcast_in_dim3A_63 = arith.constant 0.000000e+00 : f32
      %broadcast_in_dim3A_64 = vector.broadcast %broadcast_in_dim3A_63 : f32 to vector<64x128xf32>
      %swap3A_65 = arith.constant 0 : index
      %swap3A_66 = arith.constant 0 : index
      %swap3A_67 = vector.load %arg10[%swap3A_65, %swap3A_66] : memref<64x128xf32, #tpu.memory_space<vmem>>, vector<64x128xf32>
      tpu.vector_store %arg10[%swap3A_65, %swap3A_66], %broadcast_in_dim3A_64 {strides = array<i32>} : memref<64x128xf32, #tpu.memory_space<vmem>>, vector<64x128xf32>,
    } else {
    }
    %get3A = arith.constant 0 : index
    %get3A_2 = arith.constant 0 : index
    %get3A_3 = vector.load %arg3[%get3A, %get3A_2] : memref<5000x1xf32, #tpu.memory_space<vmem>>, vector<5000x1xf32>
    %get3A_4 = arith.constant 0 : index
    %get3A_5 = arith.constant 0 : index
    %get3A_6 = arith.constant 0 : index
    %get3A_7 = vector.load %arg1[%get3A_4, %get3A_5, %get3A_6] : memref<2x5000x128xf32, #tpu.memory_space<vmem>>, vector<1x5000x128xf32>
    %get3A_8 = vector.shape_cast %get3A_7 : vector<1x5000x128xf32> to vector<5000x128xf32>
    %get3A_9 = arith.constant 1 : index
    %get3A_10 = arith.constant 0 : index
    %get3A_11 = arith.constant 0 : index
    %get3A_12 = vector.load %arg1[%get3A_9, %get3A_10, %get3A_11] : memref<2x5000x128xf32, #tpu.memory_space<vmem>>, vector<1x5000x128xf32>
    %get3A_13 = vector.shape_cast %get3A_12 : vector<1x5000x128xf32> to vector<5000x128xf32>
    %add3A = arith.addf %get3A_8, %get3A_13 : vector<5000x128xf32>
    %get3A_14 = arith.constant 0 : index
    %get3A_15 = arith.constant 0 : index
    %get3A_16 = vector.load %arg2[%get3A_14, %get3A_15] : memref<5000x128xf32, #tpu.memory_space<vmem>>, vector<5000x128xf32>
    %add3A_17 = arith.addf %add3A, %get3A_16 : vector<5000x128xf32>
    %mul3A = vector.broadcast %get3A_3 : vector<5000x1xf32> to vector<5000x128xf32>
    %mul3A_18 = arith.mulf %mul3A, %add3A_17 : vector<5000x128xf32>
    %get3A_19 = arith.constant 0 : index
    %get3A_20 = arith.constant 0 : index
    %get3A_21 = vector.load %arg4[%get3A_19, %get3A_20] : memref<1x128xf32, #tpu.memory_space<vmem>>, vector<1x128xf32>
    %add3A_22 = vector.broadcast %get3A_21 : vector<1x128xf32> to vector<5000x128xf32>
    %add3A_23 = arith.addf %mul3A_18, %add3A_22 : vector<5000x128xf32>
    %max3A = arith.constant 0.000000e+00 : f32
    %max3A_24 = vector.broadcast %max3A : f32 to vector<5000x128xf32>
    %max3A_25 = arith.maximumf %add3A_23, %max3A_24 : vector<5000x128xf32>
    %iota3A = tpu.iota {dimensions = array<i32: 0>} : vector<64x5000xi32>
    %convert_element_type3A_26 = arith.sitofp %iota3A : vector<64x5000xi32> to vector<64x5000xf32>
    %get3A_27 = arith.constant 0 : index
    %get3A_28 = arith.constant 0 : index
    %get3A_29 = arith.constant 0 : index
    %get3A_30 = vector.load %arg5[%get3A_27, %get3A_28, %get3A_29] : memref<1x1x5000xf32, #tpu.memory_space<vmem>>, vector<1x1x5000xf32>
    %get3A_31 = vector.shape_cast %get3A_30 : vector<1x1x5000xf32> to vector<1x5000xf32>
    %eq3A_32 = vector.broadcast %get3A_31 : vector<1x5000xf32> to vector<64x5000xf32>
    %eq3A_33 = arith.cmpf oeq, %eq3A_32, %convert_element_type3A_26 : vector<64x5000xf32>
    %convert_element_type3A_34 = arith.extui %eq3A_33 : vector<64x5000xi1> to vector<64x5000xi32>
    %convert_element_type3A_35 = arith.sitofp %convert_element_type3A_34 : vector<64x5000xi32> to vector<64x5000xf32>
    %get3A_36 = arith.constant 0 : index
    %get3A_37 = arith.constant 0 : index
    %get3A_38 = vector.load %arg9[%get3A_36, %get3A_37] : memref<64x128xf32, #tpu.memory_space<vmem>>, vector<64x128xf32>
    %dot_general3A = arith.constant dense<0.000000e+00> : vector<64x128xf32>
    %dot_general3A_39 = tpu.matmul %convert_element_type3A_35, %max3A_25, %dot_general3A {dimension_numbers = #tpu.dot_dimension_numbers<[1], [0], [0], [1], [0, 0, 1, 1], [], []>, transpose_lhs_hint = false} : vector<64x5000xf32>, vector<5000x128xf32>, vector<64x128xf32> -> vector<64x128xf32>
    %add3A_40 = arith.addf %get3A_38, %dot_general3A_39 : vector<64x128xf32>
    %swap3A = arith.constant 0 : index
    %swap3A_41 = arith.constant 0 : index
    %swap3A_42 = vector.load %arg9[%swap3A, %swap3A_41] : memref<64x128xf32, #tpu.memory_space<vmem>>, vector<64x128xf32>
    tpu.vector_store %arg9[%swap3A, %swap3A_41], %add3A_40 {strides = array<i32>} : memref<64x128xf32, #tpu.memory_space<vmem>>, vector<64x128xf32>,
    %get3A_43 = arith.constant 0 : index
    %get3A_44 = arith.constant 0 : index
    %get3A_45 = vector.load %arg10[%get3A_43, %get3A_44] : memref<64x128xf32, #tpu.memory_space<vmem>>, vector<64x128xf32>
    %reduce_sum3A = arith.constant dense<0.000000e+00> : vector<64xf32>
    %reduce_sum3A_46 = vector.multi_reduction <add>, %convert_element_type3A_35, %reduce_sum3A [1] : vector<64x5000xf32> to vector<64xf32>
    %broadcast_in_dim3A = vector.shape_cast %reduce_sum3A_46 : vector<64xf32> to vector<64x1xf32>
    %broadcast_in_dim3A_47 = vector.shape_cast %broadcast_in_dim3A : vector<64x1xf32> to vector<64x1xf32>
    %broadcast_in_dim3A_48 = vector.broadcast %broadcast_in_dim3A_47 : vector<64x1xf32> to vector<64x128xf32>
    %add3A_49 = arith.addf %get3A_45, %broadcast_in_dim3A_48 : vector<64x128xf32>
    %swap3A_50 = arith.constant 0 : index
    %swap3A_51 = arith.constant 0 : index
    %swap3A_52 = vector.load %arg10[%swap3A_50, %swap3A_51] : memref<64x128xf32, #tpu.memory_space<vmem>>, vector<64x128xf32>
    tpu.vector_store %arg10[%swap3A_50, %swap3A_51], %add3A_49 {strides = array<i32>} : memref<64x128xf32, #tpu.memory_space<vmem>>, vector<64x128xf32>,
    %eq3A_53 = arith.constant 1 : i32
    %eq3A_54 = arith.cmpi eq, %arg0, %eq3A_53 : i32
    %convert_element_type3A_55 = arith.extui %eq3A_54 : i1 to i32
    %cond3A_56 = arith.constant 0 : i32
    %cond3A_57 = arith.cmpi ne, %convert_element_type3A_55, %cond3A_56 : i32
    scf.if %cond3A_57 {
      %get3A_58 = arith.constant 0 : index
      %get3A_59 = arith.constant 0 : index
      %get3A_60 = vector.load %arg9[%get3A_58, %get3A_59] : memref<64x128xf32, #tpu.memory_space<vmem>>, vector<64x128xf32>
      %get3A_61 = arith.constant 0 : index
      %get3A_62 = arith.constant 0 : index
      %get3A_63 = vector.load %arg10[%get3A_61, %get3A_62] : memref<64x128xf32, #tpu.memory_space<vmem>>, vector<64x128xf32>
      %max3A_64 = arith.constant 1.000000e+00 : f32
      %max3A_65 = vector.broadcast %max3A_64 : f32 to vector<64x128xf32>
      %max3A_66 = arith.maximumf %get3A_63, %max3A_65 : vector<64x128xf32>
      %div3A = arith.divf %get3A_60, %max3A_66 : vector<64x128xf32>
      %get3A_67 = arith.constant 0 : index
      %get3A_68 = arith.constant 0 : index
      %get3A_69 = vector.load %arg6[%get3A_67, %get3A_68] : memref<128x11xf32, #tpu.memory_space<vmem>>, vector<128x11xf32>
      %dot_general3A_70 = arith.constant dense<0.000000e+00> : vector<64x11xf32>
      %dot_general3A_71 = tpu.matmul %div3A, %get3A_69, %dot_general3A_70 {dimension_numbers = #tpu.dot_dimension_numbers<[1], [0], [0], [1], [0, 0, 1, 1], [], []>, transpose_lhs_hint = false} : vector<64x128xf32>, vector<128x11xf32>, vector<64x11xf32> -> vector<64x11xf32>
      %get3A_72 = arith.constant 0 : index
      %get3A_73 = arith.constant 0 : index
      %get3A_74 = vector.load %arg7[%get3A_72, %get3A_73] : memref<1x11xf32, #tpu.memory_space<vmem>>, vector<1x11xf32>
      %add3A_75 = vector.broadcast %get3A_74 : vector<1x11xf32> to vector<64x11xf32>
      %add3A_76 = arith.addf %dot_general3A_71, %add3A_75 : vector<64x11xf32>
      %swap3A_77 = arith.constant 0 : index
      %swap3A_78 = arith.constant 0 : index
      %swap3A_79 = vector.load %arg8[%swap3A_77, %swap3A_78] : memref<64x11xf32, #tpu.memory_space<vmem>>, vector<64x11xf32>
      tpu.vector_store %arg8[%swap3A_77, %swap3A_78], %add3A_76 {strides = array<i32>} : memref<64x11xf32, #tpu.memory_space<vmem>>, vector<64x11xf32>,
    } else {
    }
    return
  }
  func.func @transform_0(%arg0: i32) -> (i32, i32, i32) {
    %c0_i32 = arith.constant 0 : i32
    %c0_i32_0 = arith.constant 0 : i32
    %c0_i32_1 = arith.constant 0 : i32
    return %c0_i32, %arg0, %c0_i32_0 : i32, i32, i32
  }
  func.func @transform_1(%arg0: i32) -> (i32, i32) {
    %c0_i32 = arith.constant 0 : i32
    %c0_i32_0 = arith.constant 0 : i32
    return %arg0, %c0_i32 : i32, i32
  }
  func.func @transform_2(%arg0: i32) -> (i32, i32) {
    %c0_i32 = arith.constant 0 : i32
    %c0_i32_0 = arith.constant 0 : i32
    return %arg0, %c0_i32 : i32, i32
  }
  func.func @transform_3(%arg0: i32) -> (i32, i32) {
    %c0_i32 = arith.constant 0 : i32
    %c0_i32_0 = arith.constant 0 : i32
    %c0_i32_1 = arith.constant 0 : i32
    return %c0_i32, %c0_i32_0 : i32, i32
  }
  func.func @transform_4(%arg0: i32) -> (i32, i32, i32) {
    %c0_i32 = arith.constant 0 : i32
    %c0_i32_0 = arith.constant 0 : i32
    %c0_i32_1 = arith.constant 0 : i32
    return %arg0, %c0_i32, %c0_i32_0 : i32, i32, i32
  }
  func.func @transform_5(%arg0: i32) -> (i32, i32) {
    %c0_i32 = arith.constant 0 : i32
    %c0_i32_0 = arith.constant 0 : i32
    %c0_i32_1 = arith.constant 0 : i32
    return %c0_i32, %c0_i32_0 : i32, i32
  }
  func.func @transform_6(%arg0: i32) -> (i32, i32) {
    %c0_i32 = arith.constant 0 : i32
    %c0_i32_0 = arith.constant 0 : i32
    %c0_i32_1 = arith.constant 0 : i32
    return %c0_i32, %c0_i32_0 : i32, i32
  }
  func.func @transform_7(%arg0: i32) -> (i32, i32) {
    %c0_i32 = arith.constant 0 : i32
    %c0_i32_0 = arith.constant 0 : i32
    %c0_i32_1 = arith.constant 0 : i32
    return %c0_i32, %c0_i32_0 : i32, i32
  }
}

</mosaic_0001>

<sc_bundles>
// kernel: kernel.11.cloned.1.call-start
scs
__scs_entry_jumppad:
0x0: {  	(pc) =	sbr.rel $0x88, $3  }
0x1: {  	(tag) =	ssettag $0x0;
	lr =	simm.s32 $0x1  }
0x2: {  	[smem:$0x3F96] =	sst lr;
	_ =	strace $0xD0000000  }
0x3: {  	_ = 	snop  }
0x4: {  	_ = 	snop  }
0x5: {  	_ = 	snop  }
0x6: {  	_ = 	snop  }
0x7: {  	_ = 	snop  }
__scs_overlays_trampoline_lowered:
0x8: {  	[smem:$0x3FA5] =	sst s0  }
0x9: {  	[smem:$0x3FA6] =	sst s1  }
0xa: {  	[smem:$0x3FA7] =	sst s2  }
0xb: {  	[smem:$0x3FA8] =	sst s3  }
0xc: {  	[smem:$0x3FA9] =	sst s4  }
0xd: {  	[smem:$0x3FAA] =	sst s5  }
0xe: {  	[smem:$0x3FAB] =	sst s6  }
0xf: {  	[smem:$0x3FAC] =	sst s7  }
0x10: {  	[smem:$0x3FAD] =	sst s8  }
0x11: {  	[smem:$0x3FAE] =	sst s9;
	s0 =	simm.s32 @!p0 $0x0  }
0x12: {  	s1 =	sld [smem:$0x3F94];
	s0 =	simm.s32 @p0 $0x1  }
0x13: {  	[smem:$0x3FAF] =	sst s0;
	s0 =	simm.s32 @!p1 $0x0  }
0x14: {  	s2 =	sld [smem:$0x3F93];
	s0 =	simm.s32 @p1 $0x1  }
0x15: {  	[smem:$0x3FB0] =	sst s0;
	s0 =	simm.s32 @!p2 $0x0  }
0x16: {  	s3 =	sld [smem:$0x3FDB];
	s0 =	simm.s32 @p2 $0x1  }
0x17: {  	s4 =	simm.s32 $0x1BF5;
	[smem:$0x3FB2] =	sst s0  }
0x18: {  	s0 =	sld [smem:$0x3F95];
	_ =	swait.ge [sflag:s4], $0x0  }
0x19: {  	s7 =	sld [smem:$0x3F96]  }
0x1a: {  	s8 =	sadd.s32 $0xFFFFE003, lr  }
0x1b: {  	s9 =	sadd.s32 $0xFFFFFEF7, lr;
	s5 =	simm.s32 $0xFFFFFFFF;
	p2 =	slt.u32 s8, $0xFFFFF086  }
0x1c: {  	p1 =	slt.u32 s9, $0xF7A;
	s5 =	simm.s32 @!p2 $0x0  }
0x1d: {  	s5 =	simm.s32 @p1 $0x1;
	p0 =	seq.s32 s7, s2  }
0x1e: {  	s7 =	smul.u32 @!p0 $0xF7A, s2;
	p2 =	seq.s32 @!p0 s5, $0x0  }
0x1f: {  	s9 =	smul.u32 $0xF7A, s1;
	s8 =	simm.s32 @!p0 $0x1BF5;
	p2 =	por !p2, p0  }
0x20: {  	[sflag:s8] =	ssyncset.s32 @!p0 $0xFFFFF086;
	s6 =	sadd.s32 @!p0 s3, s7;
	s7 =	simm.s32 @!p0 $0x108  }
0x21: {  	s3 =	sadd.s32 s3, s9;
	s6 =	sadd.s32 @!p0 $0x88, s6;
	s7 =	simm.s32 @p2 $0x1082  }
0x22: {  	[simem:s7], [sflag:s8] =	dma.local @!p0 [hbm:s6], $0xF7A  }
0x23: {  	s9 =	sor.u32 $0xD0000000, s2;
	s6 =	simm.s32 $0x108;
	_ =	swait.ge @!p0 [sflag:s8], $0x0  }
0x24: {  	s3 =	sadd.s32 $0x88, s3;
	s6 =	simm.s32 @!p1 $0x1082;
	[sflag:s4] =	ssyncset.s32 $0xFFFFF086  }
0x25: {  	[simem:s6], [sflag:s4] =	dma.local [hbm:s3], $0xF7A  }
0x26: {  	[smem:$0x3F96] =	sst s1;
	(tag) =	ssettag s2;
	_ =	strace s9  }
0x27: {  	s1 =	sld [smem:$0x3FA6]  }
0x28: {  	s2 =	sld [smem:$0x3FA7]  }
0x29: {  	s4 =	sld [smem:$0x3FA9]  }
0x2a: {  	p0 =	seq.s32 s5, $0x0;
	s5 =	sld [smem:$0x3FAA]  }
0x2b: {  	s6 =	sld [smem:$0x3FAB]  }
0x2c: {  	s7 =	sld [smem:$0x3FAC]  }
0x2d: {  	s3 =	simm.s32 $0x108;
	s8 =	sld [smem:$0x3FAD]  }
0x2e: {  	s3 =	simm.s32 @!p0 $0x1082;
	s9 =	sld [smem:$0x3FAE]  }
0x2f: {  	lr =	sadd.s32 s0, s3;
	s0 =	sld [smem:$0x3FA5]  }
0x30: {  	s3 =	sld [smem:$0x3FA8]  }
0x31: {  	[smem:$0x3FB1] =	sst s10  }
0x32: {  	s10 =	sld [smem:$0x3FAF];
	_ =	sdelay $0x3  }
0x33: {  	p0 =	seq.s32 s10, $0x1;
	s10 =	sld [smem:$0x3FB1];
	_ =	sdelay $0x3  }
0x34: {  	[smem:$0x3FB1] =	sst s10  }
0x35: {  	s10 =	sld [smem:$0x3FB0];
	_ =	sdelay $0x3  }
0x36: {  	p1 =	seq.s32 s10, $0x1;
	s10 =	sld [smem:$0x3FB1];
	_ =	sdelay $0x3  }
0x37: {  	[smem:$0x3FB1] =	sst s10  }
0x38: {  	s10 =	sld [smem:$0x3FB2]  }
0x39: {  	_ = 	snop;
	(pc) =	sbr.ind lr, $3  }
0x3a: {  	_ = 	snop  }
0x3b: {  	_ = 	snop  }
0x3c: {  	p2 =	seq.s32 s10, $0x1;
	s10 =	sld [smem:$0x3FB1]  }
0x3d: {  	_ =	shalt  }
0x3e: {  	_ =	shalt  }
0x3f: {  	_ =	shalt  }
0x40: {  	_ =	shalt  }
0x41: {  	_ =	shalt  }
0x42: {  	_ =	shalt  }
0x43: {  	_ =	shalt  }
0x44: {  	_ =	shalt  }
0x45: {  	_ =	shalt  }
0x46: {  	_ =	shalt  }
0x47: {  	_ =	shalt  }
0x48: {  	_ =	shalt  }
0x49: {  	_ =	shalt  }
0x4a: {  	_ =	shalt  }
0x4b: {  	_ =	shalt  }
0x4c: {  	_ =	shalt  }
0x4d: {  	_ =	shalt  }
0x4e: {  	_ =	shalt  }
0x4f: {  	_ =	shalt  }
0x50: {  	_ =	shalt  }
0x51: {  	_ =	shalt  }
0x52: {  	_ =	shalt  }
0x53: {  	_ =	shalt  }
0x54: {  	_ =	shalt  }
0x55: {  	_ =	shalt  }
0x56: {  	_ =	shalt  }
0x57: {  	_ =	shalt  }
0x58: {  	_ =	shalt  }
0x59: {  	_ =	shalt  }
0x5a: {  	_ =	shalt  }
0x5b: {  	_ =	shalt  }
0x5c: {  	_ =	shalt  }
0x5d: {  	_ =	shalt  }
0x5e: {  	_ =	shalt  }
0x5f: {  	_ =	shalt  }
0x60: {  	_ =	shalt  }
0x61: {  	_ =	shalt  }
0x62: {  	_ =	shalt  }
0x63: {  	_ =	shalt  }
0x64: {  	_ =	shalt  }
0x65: {  	_ =	shalt  }
0x66: {  	_ =	shalt  }
0x67: {  	_ =	shalt  }
0x68: {  	_ =	shalt  }
0x69: {  	_ =	shalt  }
0x6a: {  	_ =	shalt  }
0x6b: {  	_ =	shalt  }
0x6c: {  	_ =	shalt  }
0x6d: {  	_ =	shalt  }
0x6e: {  	_ =	shalt  }
0x6f: {  	_ =	shalt  }
0x70: {  	_ =	shalt  }
0x71: {  	_ =	shalt  }
0x72: {  	_ =	shalt  }
0x73: {  	_ =	shalt  }
0x74: {  	_ =	shalt  }
0x75: {  	_ =	shalt  }
0x76: {  	_ =	shalt  }
0x77: {  	_ =	shalt  }
0x78: {  	_ =	shalt  }
0x79: {  	_ =	shalt  }
0x7a: {  	_ =	shalt  }
0x7b: {  	_ =	shalt  }
0x7c: {  	_ =	shalt  }
0x7d: {  	_ =	shalt  }
0x7e: {  	_ =	shalt  }
0x7f: {  	_ =	shalt  }
0x80: {  	_ =	shalt  }
0x81: {  	_ =	shalt  }
0x82: {  	_ =	shalt  }
0x83: {  	_ =	shalt  }
0x84: {  	_ =	shalt  }
0x85: {  	_ =	shalt  }
0x86: {  	_ =	shalt  }
0x87: {  	_ =	shalt  }
.Lfunc_end0:
.L_simem_size_0:
called_computation_lowered:
.L_overlay_start_0:
0x88: {  	s2 =	sld [smem:$0x3FD9]  }
0x89: {  	s3 =	sld [smem:$0x3FFE];
	_ =	sdelay $0x1  }
0x8a: {  	s1 =	srdreg.scid  }
0x8b: {  	s0 =	sand.u32 $0x1, s1  }
0x8c: {  	s17 =	sshll.u32 s0, $0xA;
	s2 =	sadd.s32 s3, s2  }
0x8d: {  	s2 =	sadd.s32 s2, s17  }
0x8e: {  	[smem:$0x3FBD] =	sst s2  }
0x8f: {  	_ = 	snop  }
0x90: {  	s2 =	sld [smem:$0x3FD0];
	(tm) =	ssettm $0x1  }
0x91: {  	s18 =	sld [smem:$0x3FFB];
	_ =	sdelay $0x3  }
0x92: {  	_ =	strace s18  }
0x93: {  	s3 =	sld [smem:$0x3FFC];
	_ =	sdelay $0x3  }
0x94: {  	_ =	strace s3  }
0x95: {  	s3 =	sld [smem:$0x3FFD];
	_ =	sdelay $0x3  }
0x96: {  	_ =	strace s3  }
0x97: {  	_ =	strace $0x8FFFFFFF  }
0x98: {  	s19 =	sld [smem:$0x3FDB];
	_ =	sdelay $0x1  }
0x99: {  	s4 =	simm.s32 $_scs_section_size  }
0x9a: {  	s5 =	simm.s32 $_size__tile_overlayer_lowered;
	s6 =	simm.s32 $_tile_overlayer_lowered  }
0x9b: {  	s22 =	simm.s32 $0x1BFF;
	s21 =	sshll.u32 s6, $0x1;
	s3 =	sadd.s32 s4, s19  }
0x9c: {  	s7 =	simm.s32 $0x0;
	s20 =	sshll.u32 s5, $0x1;
	s5 =	sadd.s32 s21, s3  }
0x9d: {  	[timem:s7], [sflag:s22] =	dma.local [hbm:s5], s20  }
0x9e: {  	_ =	swait.ge [sflag:s22], s20  }
0x9f: {  	s4 =	ssub.s32 $0x0, s20;
	[sflag:s22] =	ssyncset.done $0x0  }
0xa0: {  	[sflag:s22] =	ssyncadd.s32 s4;
	_ =	sdelay $0x1  }
0xa1: {  	s23 =	simm.s32 $0x1B8B  }
0xa2: {  	_ =	swait.ge [sflag:s23], $0x1  }
0xa3: {  	[sflag:s23] =	ssyncset.done $0x0  }
0xa4: {  	s25 =	simm.s32 $0x1B8E;
	s24 =	sld [smem:$0x3FFE];
	[sflag:s23] =	ssyncadd.s32 $0xFFFFFFFF  }
0xa5: {  	s26 =	simm.s32 $execute0_lowered;
	[smem:$0x3FD2] =	sst s25  }
0xa6: {  	s5 =	sshll.u32 s26, $0x1;
	_ =	strace $0x80000046;
	[dreg:$0x1] =	wrdreg $0xFFFFFFFF  }
0xa7: {  	s28 =	simm.s32 $_size_execute0_lowered;
	s3 =	sadd.s32 s3, s5;
	[dreg:$0x0] =	wrdreg $0x0  }
0xa8: {  	s5 =	sshll.u32 s28, $0x1;
	[dreg:$0x2] =	wrdreg s3  }
0xa9: {  	[dreg:$0x3] =	wrdreg s5  }
0xaa: {  	[dreg:$0x4] =	wrdreg $0xC0  }
0xab: {  	_ =	task [dreg:s7], $0x5FFFF  }
0xac: {  	[dreg:$0x1] =	wrdreg $0xFFFFFFFF  }
0xad: {  	[dreg:$0x0] =	wrdreg $0x60  }
0xae: {  	[dreg:$0x2] =	wrdreg s24  }
0xaf: {  	[dreg:$0x3] =	wrdreg s2  }
0xb0: {  	[dreg:$0x4] =	wrdreg $0x38000  }
0xb1: {  	[dreg:$0x5] =	wrdreg $0x9  }
0xb2: {  	_ =	task.clear_ibuf [dreg:s7], $0x6FFFF;
	_ =	strace $0x90000046  }
0xb3: {  	s29 =	simm.s32 $0x9;
	_ =	strace $0x80000048  }
0xb4: {  	_ =	swait.ge [sflag:s29], $0x1  }
0xb5: {  	[sflag:s29] =	ssyncadd.s32 $0xFFFFFFFF  }
0xb6: {  	_ =	strace $0x90000048  }
0xb7: {  	_ =	sfence  }
0xb8: {  	s30 =	sld [smem:$0x0];
	_ =	sdelay $0x2  }
0xb9: {  	s31 =	sshll.u32 s1, $0xD;
	s1 =	sshrl.u32 s1, $0x2  }
0xba: {  	s3 =	sand.u32 $0x4000, s31;
	s1 =	sadd.s32 s1, s30  }
0xbb: {  	s0 =	sor.u32 s3, s0;
	s1 =	sshll.u32 s1, $0x11  }
0xbc: {  	s0 =	sor.u32 s1, s0  }
0xbd: {  	s0 =	sadd.s32 $0x8F2B, s0  }
0xbe: {  	[sflag:s0] =	ssyncadd.remote.s32 $0x1  }
0xbf: {  	_ =	sfence.sel $0xFFFF  }
0xc0: {  	[dreg:$0x0] =	wrdreg $0xFFFFFFFF;
	(pc) =	sbr.abs _section_cstart, $3  }
0xc1: {  	[dreg:$0x1] =	wrdreg $0xFFFFFFFF  }
0xc2: {  	_ =	task.clear_ibuf [dreg:s7], $0x2FFFF;
	_ =	strace $0x9FFFFFFF  }
0xc3: {  	(tm) =	ssettm $0x7FFFFFFF  }
tec
execute0_lowered:
.L_overlay_start_1:
0x0: {  	(tag) =	ssettag $0x1  }
0x1: {  	s6 =	rddreg [dreg:$0x0]  }
0x2: {  	s0 =	srdreg.scid;
	s2 =	rddreg [dreg:$0x1]  }
0x3: {  	s3 =	rddreg [dreg:$0x2];
	s1 =	stileid.u32  }
0x4: {  	s4 =	simm.s32 $0x0;
	s25 =	simm.s32 $0x3000;
	s26 =	simm.s32 $0x80  }
0x5: {  	s28 =	simm.s32 $0x0;
	s7 =	sand.u32 $0x1, s0;
	s0 =	rddreg [dreg:$0x3]  }
0x6: {  	[smem:$0x7FF] =	sst s4;
	s8 =	smul.u32 $0xA000, s1;
	s21 =	sadd.s32 $0xE600, s6  }
0x7: {  	s17 =	smul.u32 $0x2710, s1;
	s5 =	sshll.u32 s7, $0x4;
	_ =	strace $0x80000047  }
0x8: {  	s10 =	ssub.s32 $0x2, s7;
	s18 =	smul.u32 $0x27100, s7;
	s5 =	sor.u32 s1, s5  }
0x9: {  	s29 =	sshrl.u32 s8, $0x2;
	s30 =	sshrl.u32 s10, $0x1;
	s14 =	sadd.s32 $0x7D0, s17  }
0xa: {  	s19 =	sadd.s32 $0xFA0, s17;
	s20 =	sadd.s32 $0x1770, s17;
	s23 =	sadd.s32 $0x1F40, s17  }
0xb: {  	s5 =	smul.u32 $0x500, s5;
	s22 =	ssub.s32 s10, s30;
	s12 =	sadd.s32 s17, s18  }
0xc: {  	s15 =	sadd.s32 s18, s14;
	s14 =	sadd.s32 s14, s3;
	s16 =	sadd.s32 s19, s3  }
0xd: {  	s19 =	sadd.s32 s18, s19;
	s31 =	sadd.s32 s18, s20;
	s24 =	sadd.s32 s18, s23  }
0xe: {  	s18 =	sadd.s32 s20, s3;
	s20 =	sadd.s32 s23, s3;
	s23 =	simm.s32 $0x2800  }
0xf: {  	s13 =	sshrl.u32 s12, $0x3;
	s12 =	sadd.s32 s17, s3;
	s15 =	sshrl.u32 s15, $0x3  }
0x10: {  	s19 =	sshrl.u32 s19, $0x3;
	s24 =	sshrl.u32 s24, $0x3;
	s22 =	smax.u32 s22, $0x1  }
0x11: {  	s9 =	sadd.s32 s5, s6;
	s5 =	sadd.s32 $0xE400, s6;
	s6 =	sadd.s32 s29, s3  }
0x12: {  	s13 =	sadd.s32 s21, s13;
	s15 =	sadd.s32 s21, s15;
	s17 =	sadd.s32 s21, s19  }
0x13: {  	s19 =	sshrl.u32 s31, $0x3;
	s7 =	sadd.s32 $0x4400, s9;
	s8 =	sadd.s32 $0x800, s6  }
0x14: {  	s9 =	sadd.s32 $0x1000, s6;
	s10 =	sadd.s32 $0x1800, s6;
	s11 =	sadd.s32 $0x2000, s6  }
0x15: {  	s19 =	sadd.s32 s21, s19;
	s21 =	sadd.s32 s21, s24;
	s24 =	simm.s32 $0x1  }
.LBB2_1:
0x16: {  	[tilespmem:s23], [sflag:$0x1] =	stream.linear.gather [hbm4b:s2+s4], $0x800, $0x38;
	[tilespmem:$0x6000] =	vst v63  }
0x17: {  	_ =	swait.ge [sflag:s24], $0x800  }
0x18: {  	[sflag:s24] =	ssyncset.done $0x0  }
0x19: {  	[sflag:s24] =	ssyncadd.s32 $0xFFFFF800  }
0x1a: {  	[tilespmem:s25], [sflag:$0x1] =	stream.linear.gather [hbm4b:s5+s4], $0x800, $0x38;
	[tilespmem:$0x6000] =	vst v63  }
0x1b: {  	_ =	swait.ge [sflag:s24], $0x800  }
0x1c: {  	[sflag:s24] =	ssyncset.done $0x0  }
0x1d: {  	[sflag:s24] =	ssyncadd.s32 $0xFFFFF800  }
0x1e: {  	[tilespmem:s4], [sflag:$0x1] =	stream.linear.gather [hbm4b:s7+s4], $0x2800, $0x38;
	[tilespmem:$0x6000] =	vst v63  }
0x1f: {  	_ =	swait.ge [sflag:s24], $0x2800  }
0x20: {  	[sflag:s24] =	ssyncset.done $0x0  }
0x21: {  	[sflag:s24] =	ssyncadd.s32 $0xFFFFD800  }
0x22: {  	[spmem:s6] =	stream.linear.scatter [tilespmem:s23], [sflag:$0x1], $0x800, $0x38;
	[tilespmem:$0x6000] =	vst v63  }
0x23: {  	_ =	swait.ge [sflag:s24], $0x800  }
0x24: {  	[sflag:s24] =	ssyncset.done $0x0  }
0x25: {  	[sflag:s24] =	ssyncadd.s32 $0xFFFFF800  }
0x26: {  	[spmem:s8] =	stream.linear.scatter [tilespmem:s23], [sflag:$0x1], $0x800, $0x38;
	[tilespmem:$0x6000] =	vst v63  }
0x27: {  	_ =	swait.ge [sflag:s24], $0x800  }
0x28: {  	[sflag:s24] =	ssyncset.done $0x0  }
0x29: {  	[sflag:s24] =	ssyncadd.s32 $0xFFFFF800  }
0x2a: {  	[spmem:s9] =	stream.linear.scatter [tilespmem:s23], [sflag:$0x1], $0x800, $0x38;
	[tilespmem:$0x6000] =	vst v63  }
0x2b: {  	_ =	swait.ge [sflag:s24], $0x800  }
0x2c: {  	[sflag:s24] =	ssyncset.done $0x0  }
0x2d: {  	[sflag:s24] =	ssyncadd.s32 $0xFFFFF800  }
0x2e: {  	[spmem:s10] =	stream.linear.scatter [tilespmem:s23], [sflag:$0x1], $0x800, $0x38;
	[tilespmem:$0x6000] =	vst v63  }
0x2f: {  	_ =	swait.ge [sflag:s24], $0x800  }
0x30: {  	[sflag:s24] =	ssyncset.done $0x0  }
0x31: {  	[sflag:s24] =	ssyncadd.s32 $0xFFFFF800  }
0x32: {  	[spmem:s11] =	stream.linear.scatter [tilespmem:s23], [sflag:$0x1], $0x800, $0x38;
	[tilespmem:$0x6000] =	vst v63  }
0x33: {  	_ =	swait.ge [sflag:s24], $0x800  }
0x34: {  	[sflag:s24] =	ssyncset.done $0x0  }
0x35: {  	[sflag:s24] =	ssyncadd.s32 $0xFFFFF800  }
0x36: {  	s29 =	simm.s32 $0x0;
	[bflag:$0x0] =	sbarrier.arrive $0xFFFF  }
0x37: {  	[spmem:s3] =	stream.indirect.scatter.add.f32 [tilespmem:s25], [sflag:$0x1], $0x10, s29, s26, $0xb8;
	[tilespmem:$0x6000] =	vst v63  }
0x38: {  	_ =	swait.ge [sflag:s24], $0x800  }
0x39: {  	s29 =	simm.s32 $0x200;
	[sflag:s24] =	ssyncset.done $0x0  }
.LBB2_2:
0x3a: {  	s30 =	sshra.s32 s29, $0x2;
	[sflag:s24] =	ssyncadd.s32 $0xFFFFF800;
	p0 =	sne.s32 s29, $0x9E00  }
0x3b: {  	[spmem:s3] =	stream.indirect.scatter.add.f32 [tilespmem:s25], [sflag:$0x1], $0x10, s30, s26, $0xb8;
	[tilespmem:$0x6000] =	vst v63  }
.Ltmp0:
0x3c: {  	_ = 	snop;
	(pc) =	sbr.rel @p0 .LBB2_2-.Ltmp0, $4  }
0x3d: {  	_ = 	snop  }
0x3e: {  	s29 =	sadd.s32 $0x200, s29  }
0x3f: {  	_ =	swait.ge [sflag:s24], $0x800  }
0x40: {  	[sflag:s24] =	ssyncset.done $0x0  }
0x41: {  	[sflag:s24] =	ssyncadd.s32 $0xFFFFF800  }
0x42: {  	[bflag:$0x0] =	sbarrier.arrive $0xFFFF  }
0x43: {  	[tilespmem:s23], [sflag:$0x1] =	stream.linear.gather [spmem:s12], $0x7D0, $0x38;
	[tilespmem:$0x6000] =	vst v63  }
0x44: {  	_ =	swait.ge [sflag:s24], $0x7D0  }
0x45: {  	[sflag:s24] =	ssyncset.done $0x0  }
0x46: {  	[sflag:s24] =	ssyncadd.s32 $0xFFFFF830  }
0x47: {  	[hbm4b:s13+s4] =	stream.linear.scatter [tilespmem:s23], [sflag:$0x1], $0x7D0, $0x38;
	[tilespmem:$0x6000] =	vst v63  }
0x48: {  	_ =	swait.ge [sflag:s24], $0x7D0  }
0x49: {  	[sflag:s24] =	ssyncset.done $0x0  }
0x4a: {  	[sflag:s24] =	ssyncadd.s32 $0xFFFFF830  }
0x4b: {  	[tilespmem:s23], [sflag:$0x1] =	stream.linear.gather [spmem:s14], $0x7D0, $0x38;
	[tilespmem:$0x6000] =	vst v63  }
0x4c: {  	_ =	swait.ge [sflag:s24], $0x7D0  }
0x4d: {  	[sflag:s24] =	ssyncset.done $0x0  }
0x4e: {  	[sflag:s24] =	ssyncadd.s32 $0xFFFFF830  }
0x4f: {  	[hbm4b:s15+s4] =	stream.linear.scatter [tilespmem:s23], [sflag:$0x1], $0x7D0, $0x38;
	[tilespmem:$0x6000] =	vst v63  }
0x50: {  	_ =	swait.ge [sflag:s24], $0x7D0  }
0x51: {  	[sflag:s24] =	ssyncset.done $0x0  }
0x52: {  	[sflag:s24] =	ssyncadd.s32 $0xFFFFF830  }
0x53: {  	[tilespmem:s23], [sflag:$0x1] =	stream.linear.gather [spmem:s16], $0x7D0, $0x38;
	[tilespmem:$0x6000] =	vst v63  }
0x54: {  	_ =	swait.ge [sflag:s24], $0x7D0  }
0x55: {  	[sflag:s24] =	ssyncset.done $0x0  }
0x56: {  	[sflag:s24] =	ssyncadd.s32 $0xFFFFF830  }
0x57: {  	[hbm4b:s17+s4] =	stream.linear.scatter [tilespmem:s23], [sflag:$0x1], $0x7D0, $0x38;
	[tilespmem:$0x6000] =	vst v63  }
0x58: {  	_ =	swait.ge [sflag:s24], $0x7D0  }
0x59: {  	[sflag:s24] =	ssyncset.done $0x0  }
0x5a: {  	[sflag:s24] =	ssyncadd.s32 $0xFFFFF830  }
0x5b: {  	[tilespmem:s23], [sflag:$0x1] =	stream.linear.gather [spmem:s18], $0x7D0, $0x38;
	[tilespmem:$0x6000] =	vst v63  }
0x5c: {  	_ =	swait.ge [sflag:s24], $0x7D0  }
0x5d: {  	[sflag:s24] =	ssyncset.done $0x0  }
0x5e: {  	[sflag:s24] =	ssyncadd.s32 $0xFFFFF830  }
0x5f: {  	[hbm4b:s19+s4] =	stream.linear.scatter [tilespmem:s23], [sflag:$0x1], $0x7D0, $0x38;
	[tilespmem:$0x6000] =	vst v63  }
0x60: {  	_ =	swait.ge [sflag:s24], $0x7D0  }
0x61: {  	[sflag:s24] =	ssyncset.done $0x0  }
0x62: {  	[sflag:s24] =	ssyncadd.s32 $0xFFFFF830  }
0x63: {  	[tilespmem:s23], [sflag:$0x1] =	stream.linear.gather [spmem:s20], $0x7D0, $0x38;
	[tilespmem:$0x6000] =	vst v63  }
0x64: {  	s28 =	sadd.s32 $0x1, s28;
	_ =	swait.ge [sflag:s24], $0x7D0  }
0x65: {  	p0 =	sne.s32 s28, s22;
	[sflag:s24] =	ssyncset.done $0x0  }
.Ltmp1:
0x66: {  	[sflag:s24] =	ssyncadd.s32 $0xFFFFF830;
	(pc) =	sbr.rel @p0 .LBB2_1-.Ltmp1, $4  }
0x67: {  	[hbm4b:s21+s4] =	stream.linear.scatter [tilespmem:s23], [sflag:$0x1], $0x7D0, $0x38;
	[tilespmem:$0x6000] =	vst v63  }
0x68: {  	_ =	swait.ge [sflag:s24], $0x7D0  }
0x69: {  	[sflag:s24] =	ssyncset.done $0x0  }
0x6a: {  	[sflag:s24] =	ssyncadd.s32 $0xFFFFF830  }
0x6b: {  	_ =	sfence.sel $0x180000  }
0x6c: {  	[bflag:$0x0] =	sbarrier.arrive $0xFFFF  }
0x6d: {  	p0 =	sne.s32 s1, $0x0;
	_ =	strace $0x90000047  }
0x6e: {  	s0 =	sadd.s32 @!p0 $0x100000, s0;
	[bflag:$0x2] =	sbarrier.arrive $0xFFFF  }
0x6f: {  	[sflag:s0] =	ssyncadd.tile.s32 @!p0 $0x1;
	_ =	shalt  }
.Lfunc_end2:
_tile_overlayer_lowered:
.L_overlay_start_2:
0x70: {  	(tag) =	ssettag $0x2  }
0x71: {  	s0 =	rddreg [dreg:$0x0];
	s2 =	stileid.u32  }
0x72: {  	s1 =	rddreg [dreg:$0x1];
	p0 =	sne.s32 s2, $0x0  }
0x73: {  	s3 =	rddreg [dreg:$0x2];
	[bflag:$0x3] =	sbarrier.arrive $0xFFFF;
	s2 =	simm.s32 @!p0 $0x1C01  }
0x74: {  	[timem:s3], [sflag:s2] =	dma.local @!p0 [hbm:s0], s1  }
0x75: {  	s0 =	simm.s32 @!p0 $0x1  }
0x76: {  	_ =	swait.ge @!p0 [sflag:s0], s1  }
0x77: {  	s1 =	ssub.s32 @!p0 $0x0, s1;
	[sflag:s0] =	ssyncset.done @!p0 $0x0  }
0x78: {  	[sflag:s0] =	ssyncadd.s32 @!p0 s1  }
0x79: {  	[bflag:$0x3] =	sbarrier.arrive $0xFFFF  }
0x7a: {  	_ =	shalt  }

// kernel: kernel.14.cloned.1.call-start
scs
__scs_entry_jumppad:
0x0: {  	(pc) =	sbr.rel $0x88, $3  }
0x1: {  	(tag) =	ssettag $0x0;
	lr =	simm.s32 $0x1  }
0x2: {  	[smem:$0x3F96] =	sst lr;
	_ =	strace $0xD0000000  }
0x3: {  	_ = 	snop  }
0x4: {  	_ = 	snop  }
0x5: {  	_ = 	snop  }
0x6: {  	_ = 	snop  }
0x7: {  	_ = 	snop  }
__scs_overlays_trampoline_lowered:
0x8: {  	[smem:$0x3FA5] =	sst s0  }
0x9: {  	[smem:$0x3FA6] =	sst s1  }
0xa: {  	[smem:$0x3FA7] =	sst s2  }
0xb: {  	[smem:$0x3FA8] =	sst s3  }
0xc: {  	[smem:$0x3FA9] =	sst s4  }
0xd: {  	[smem:$0x3FAA] =	sst s5  }
0xe: {  	[smem:$0x3FAB] =	sst s6  }
0xf: {  	[smem:$0x3FAC] =	sst s7  }
0x10: {  	[smem:$0x3FAD] =	sst s8  }
0x11: {  	[smem:$0x3FAE] =	sst s9;
	s0 =	simm.s32 @!p0 $0x0  }
0x12: {  	s1 =	sld [smem:$0x3F94];
	s0 =	simm.s32 @p0 $0x1  }
0x13: {  	[smem:$0x3FAF] =	sst s0;
	s0 =	simm.s32 @!p1 $0x0  }
0x14: {  	s2 =	sld [smem:$0x3F93];
	s0 =	simm.s32 @p1 $0x1  }
0x15: {  	[smem:$0x3FB0] =	sst s0;
	s0 =	simm.s32 @!p2 $0x0  }
0x16: {  	s3 =	sld [smem:$0x3FDB];
	s0 =	simm.s32 @p2 $0x1  }
0x17: {  	s4 =	simm.s32 $0x1BF5;
	[smem:$0x3FB2] =	sst s0  }
0x18: {  	s0 =	sld [smem:$0x3F95];
	_ =	swait.ge [sflag:s4], $0x0  }
0x19: {  	s7 =	sld [smem:$0x3F96]  }
0x1a: {  	s8 =	sadd.s32 $0xFFFFE003, lr  }
0x1b: {  	s9 =	sadd.s32 $0xFFFFFEF7, lr;
	s5 =	simm.s32 $0xFFFFFFFF;
	p2 =	slt.u32 s8, $0xFFFFF086  }
0x1c: {  	p1 =	slt.u32 s9, $0xF7A;
	s5 =	simm.s32 @!p2 $0x0  }
0x1d: {  	s5 =	simm.s32 @p1 $0x1;
	p0 =	seq.s32 s7, s2  }
0x1e: {  	s7 =	smul.u32 @!p0 $0xF7A, s2;
	p2 =	seq.s32 @!p0 s5, $0x0  }
0x1f: {  	s9 =	smul.u32 $0xF7A, s1;
	s8 =	simm.s32 @!p0 $0x1BF5;
	p2 =	por !p2, p0  }
0x20: {  	[sflag:s8] =	ssyncset.s32 @!p0 $0xFFFFF086;
	s6 =	sadd.s32 @!p0 s3, s7;
	s7 =	simm.s32 @!p0 $0x108  }
0x21: {  	s3 =	sadd.s32 s3, s9;
	s6 =	sadd.s32 @!p0 $0x88, s6;
	s7 =	simm.s32 @p2 $0x1082  }
0x22: {  	[simem:s7], [sflag:s8] =	dma.local @!p0 [hbm:s6], $0xF7A  }
0x23: {  	s9 =	sor.u32 $0xD0000000, s2;
	s6 =	simm.s32 $0x108;
	_ =	swait.ge @!p0 [sflag:s8], $0x0  }
0x24: {  	s3 =	sadd.s32 $0x88, s3;
	s6 =	simm.s32 @!p1 $0x1082;
	[sflag:s4] =	ssyncset.s32 $0xFFFFF086  }
0x25: {  	[simem:s6], [sflag:s4] =	dma.local [hbm:s3], $0xF7A  }
0x26: {  	[smem:$0x3F96] =	sst s1;
	(tag) =	ssettag s2;
	_ =	strace s9  }
0x27: {  	s1 =	sld [smem:$0x3FA6]  }
0x28: {  	s2 =	sld [smem:$0x3FA7]  }
0x29: {  	s4 =	sld [smem:$0x3FA9]  }
0x2a: {  	p0 =	seq.s32 s5, $0x0;
	s5 =	sld [smem:$0x3FAA]  }
0x2b: {  	s6 =	sld [smem:$0x3FAB]  }
0x2c: {  	s7 =	sld [smem:$0x3FAC]  }
0x2d: {  	s3 =	simm.s32 $0x108;
	s8 =	sld [smem:$0x3FAD]  }
0x2e: {  	s3 =	simm.s32 @!p0 $0x1082;
	s9 =	sld [smem:$0x3FAE]  }
0x2f: {  	lr =	sadd.s32 s0, s3;
	s0 =	sld [smem:$0x3FA5]  }
0x30: {  	s3 =	sld [smem:$0x3FA8]  }
0x31: {  	[smem:$0x3FB1] =	sst s10  }
0x32: {  	s10 =	sld [smem:$0x3FAF];
	_ =	sdelay $0x3  }
0x33: {  	p0 =	seq.s32 s10, $0x1;
	s10 =	sld [smem:$0x3FB1];
	_ =	sdelay $0x3  }
0x34: {  	[smem:$0x3FB1] =	sst s10  }
0x35: {  	s10 =	sld [smem:$0x3FB0];
	_ =	sdelay $0x3  }
0x36: {  	p1 =	seq.s32 s10, $0x1;
	s10 =	sld [smem:$0x3FB1];
	_ =	sdelay $0x3  }
0x37: {  	[smem:$0x3FB1] =	sst s10  }
0x38: {  	s10 =	sld [smem:$0x3FB2]  }
0x39: {  	_ = 	snop;
	(pc) =	sbr.ind lr, $3  }
0x3a: {  	_ = 	snop  }
0x3b: {  	_ = 	snop  }
0x3c: {  	p2 =	seq.s32 s10, $0x1;
	s10 =	sld [smem:$0x3FB1]  }
0x3d: {  	_ =	shalt  }
0x3e: {  	_ =	shalt  }
0x3f: {  	_ =	shalt  }
0x40: {  	_ =	shalt  }
0x41: {  	_ =	shalt  }
0x42: {  	_ =	shalt  }
0x43: {  	_ =	shalt  }
0x44: {  	_ =	shalt  }
0x45: {  	_ =	shalt  }
0x46: {  	_ =	shalt  }
0x47: {  	_ =	shalt  }
0x48: {  	_ =	shalt  }
0x49: {  	_ =	shalt  }
0x4a: {  	_ =	shalt  }
0x4b: {  	_ =	shalt  }
0x4c: {  	_ =	shalt  }
0x4d: {  	_ =	shalt  }
0x4e: {  	_ =	shalt  }
0x4f: {  	_ =	shalt  }
0x50: {  	_ =	shalt  }
0x51: {  	_ =	shalt  }
0x52: {  	_ =	shalt  }
0x53: {  	_ =	shalt  }
0x54: {  	_ =	shalt  }
0x55: {  	_ =	shalt  }
0x56: {  	_ =	shalt  }
0x57: {  	_ =	shalt  }
0x58: {  	_ =	shalt  }
0x59: {  	_ =	shalt  }
0x5a: {  	_ =	shalt  }
0x5b: {  	_ =	shalt  }
0x5c: {  	_ =	shalt  }
0x5d: {  	_ =	shalt  }
0x5e: {  	_ =	shalt  }
0x5f: {  	_ =	shalt  }
0x60: {  	_ =	shalt  }
0x61: {  	_ =	shalt  }
0x62: {  	_ =	shalt  }
0x63: {  	_ =	shalt  }
0x64: {  	_ =	shalt  }
0x65: {  	_ =	shalt  }
0x66: {  	_ =	shalt  }
0x67: {  	_ =	shalt  }
0x68: {  	_ =	shalt  }
0x69: {  	_ =	shalt  }
0x6a: {  	_ =	shalt  }
0x6b: {  	_ =	shalt  }
0x6c: {  	_ =	shalt  }
0x6d: {  	_ =	shalt  }
0x6e: {  	_ =	shalt  }
0x6f: {  	_ =	shalt  }
0x70: {  	_ =	shalt  }
0x71: {  	_ =	shalt  }
0x72: {  	_ =	shalt  }
0x73: {  	_ =	shalt  }
0x74: {  	_ =	shalt  }
0x75: {  	_ =	shalt  }
0x76: {  	_ =	shalt  }
0x77: {  	_ =	shalt  }
0x78: {  	_ =	shalt  }
0x79: {  	_ =	shalt  }
0x7a: {  	_ =	shalt  }
0x7b: {  	_ =	shalt  }
0x7c: {  	_ =	shalt  }
0x7d: {  	_ =	shalt  }
0x7e: {  	_ =	shalt  }
0x7f: {  	_ =	shalt  }
0x80: {  	_ =	shalt  }
0x81: {  	_ =	shalt  }
0x82: {  	_ =	shalt  }
0x83: {  	_ =	shalt  }
0x84: {  	_ =	shalt  }
0x85: {  	_ =	shalt  }
0x86: {  	_ =	shalt  }
0x87: {  	_ =	shalt  }
.Lfunc_end0:
.L_simem_size_0:
called_computation.1_lowered:
.L_overlay_start_0:
0x88: {  	s2 =	sld [smem:$0x3FD9]  }
0x89: {  	s3 =	sld [smem:$0x3FFE];
	_ =	sdelay $0x1  }
0x8a: {  	s1 =	srdreg.scid  }
0x8b: {  	s0 =	sand.u32 $0x1, s1  }
0x8c: {  	s16 =	sshll.u32 s0, $0xA;
	s2 =	sadd.s32 s3, s2  }
0x8d: {  	s2 =	sadd.s32 s2, s16  }
0x8e: {  	[smem:$0x3FBD] =	sst s2  }
0x8f: {  	_ = 	snop  }
0x90: {  	(tm) =	ssettm $0x1  }
0x91: {  	s17 =	sld [smem:$0x3FFB];
	_ =	sdelay $0x3  }
0x92: {  	_ =	strace s17  }
0x93: {  	s2 =	sld [smem:$0x3FFC];
	_ =	sdelay $0x3  }
0x94: {  	_ =	strace s2  }
0x95: {  	s2 =	sld [smem:$0x3FFD];
	_ =	sdelay $0x3  }
0x96: {  	_ =	strace s2  }
0x97: {  	_ =	strace $0x8FFFFFFF  }
0x98: {  	s18 =	sld [smem:$0x3FDB];
	_ =	sdelay $0x1  }
0x99: {  	s19 =	simm.s32 $_scs_section_size  }
0x9a: {  	s4 =	simm.s32 $_size__tile_overlayer_lowered;
	s5 =	simm.s32 $_tile_overlayer_lowered  }
0x9b: {  	s22 =	simm.s32 $0x1BFF;
	s21 =	sshll.u32 s5, $0x1;
	s2 =	sadd.s32 s19, s18  }
0x9c: {  	s6 =	simm.s32 $0x0;
	s20 =	sshll.u32 s4, $0x1;
	s4 =	sadd.s32 s21, s2  }
0x9d: {  	[timem:s6], [sflag:s22] =	dma.local [hbm:s4], s20  }
0x9e: {  	_ =	swait.ge [sflag:s22], s20  }
0x9f: {  	s3 =	ssub.s32 $0x0, s20;
	[sflag:s22] =	ssyncset.done $0x0  }
0xa0: {  	[sflag:s22] =	ssyncadd.s32 s3;
	_ =	sdelay $0x1  }
0xa1: {  	s23 =	simm.s32 $0x1B8B  }
0xa2: {  	_ =	swait.ge [sflag:s23], $0x1  }
0xa3: {  	[sflag:s23] =	ssyncset.done $0x0  }
0xa4: {  	s25 =	simm.s32 $0x1B8E;
	s24 =	sld [smem:$0x3FFE];
	[sflag:s23] =	ssyncadd.s32 $0xFFFFFFFF  }
0xa5: {  	s26 =	simm.s32 $execute0_lowered;
	[smem:$0x3FD2] =	sst s25  }
0xa6: {  	s4 =	sshll.u32 s26, $0x1;
	_ =	strace $0x80000049;
	[dreg:$0x1] =	wrdreg $0xFFFFFFFF  }
0xa7: {  	s28 =	simm.s32 $_size_execute0_lowered;
	s2 =	sadd.s32 s2, s4;
	[dreg:$0x0] =	wrdreg $0x0  }
0xa8: {  	s4 =	sshll.u32 s28, $0x1;
	[dreg:$0x2] =	wrdreg s2  }
0xa9: {  	[dreg:$0x3] =	wrdreg s4  }
0xaa: {  	[dreg:$0x4] =	wrdreg $0xC0  }
0xab: {  	_ =	task [dreg:s6], $0x5FFFF  }
0xac: {  	[dreg:$0x1] =	wrdreg $0xFFFFFFFF  }
0xad: {  	[dreg:$0x0] =	wrdreg $0x60  }
0xae: {  	[dreg:$0x2] =	wrdreg s24  }
0xaf: {  	[dreg:$0x3] =	wrdreg $0xA8000  }
0xb0: {  	[dreg:$0x4] =	wrdreg $0x9  }
0xb1: {  	_ =	task.clear_ibuf [dreg:s6], $0x5FFFF;
	_ =	strace $0x90000049  }
0xb2: {  	s29 =	simm.s32 $0x9;
	_ =	strace $0x8000004B  }
0xb3: {  	_ =	swait.ge [sflag:s29], $0x1  }
0xb4: {  	[sflag:s29] =	ssyncadd.s32 $0xFFFFFFFF  }
0xb5: {  	_ =	strace $0x9000004B  }
0xb6: {  	_ =	sfence  }
0xb7: {  	s30 =	sld [smem:$0x0];
	_ =	sdelay $0x2  }
0xb8: {  	s31 =	sshll.u32 s1, $0xD;
	s1 =	sshrl.u32 s1, $0x2  }
0xb9: {  	s3 =	sand.u32 $0x4000, s31;
	s1 =	sadd.s32 s1, s30  }
0xba: {  	s0 =	sor.u32 s3, s0;
	s1 =	sshll.u32 s1, $0x11  }
0xbb: {  	s0 =	sor.u32 s1, s0  }
0xbc: {  	s0 =	sadd.s32 $0x8F2B, s0  }
0xbd: {  	[sflag:s0] =	ssyncadd.remote.s32 $0x1  }
0xbe: {  	_ =	sfence.sel $0xFFFF  }
0xbf: {  	[dreg:$0x0] =	wrdreg $0xFFFFFFFF;
	(pc) =	sbr.abs _section_cstart, $3  }
0xc0: {  	[dreg:$0x1] =	wrdreg $0xFFFFFFFF  }
0xc1: {  	_ =	task.clear_ibuf [dreg:s6], $0x2FFFF;
	_ =	strace $0x9FFFFFFF  }
0xc2: {  	(tm) =	ssettm $0x7FFFFFFF  }
0xc3: {  	_ =	shalt  }
tec
execute0_lowered:
.L_overlay_start_1:
0x0: {  	(tag) =	ssettag $0x1  }
0x1: {  	s0 =	rddreg [dreg:$0x0]  }
0x2: {  	s1 =	rddreg [dreg:$0x1];
	s2 =	srdreg.scid  }
0x3: {  	s3 =	simm.s32 $0x0;
	s11 =	stileid.u32;
	s28 =	simm.s32 $0x1  }
0x4: {  	s29 =	simm.s32 $0x2;
	s30 =	simm.s32 $0x80;
	s31 =	simm.s32 $0x6800  }
0x5: {  	s2 =	sand.u32 $0x1, s2;
	[smem:$0x7FF] =	sst s3;
	s6 =	smul.u32 $0x50000, s11  }
0x6: {  	s7 =	sadd.s32 $0x18400, s0;
	s8 =	sadd.s32 $0x4400, s0;
	s26 =	smul.u32 $0x13880, s11  }
0x7: {  	s4 =	sshll.u32 s2, $0x4;
	_ =	strace $0x8000004A;
	s9 =	ssub.s32 $0x2, s2  }
0x8: {  	s2 =	smul.u32 $0x138800, s2;
	s4 =	sor.u32 s11, s4;
	s10 =	sshrl.u32 s9, $0x1  }
0x9: {  	s6 =	sshrl.u32 s6, $0x2;
	s18 =	sadd.s32 $0x3E80, s26;
	s19 =	sadd.s32 s26, s1  }
0xa: {  	s22 =	sadd.s32 $0x7D00, s26;
	s5 =	smul.u32 $0x2800, s4;
	s4 =	sadd.s32 $0x22400, s0  }
0xb: {  	s0 =	sadd.s32 $0x49600, s0;
	s9 =	ssub.s32 s9, s10;
	s6 =	sadd.s32 s6, s1  }
0xc: {  	s17 =	sadd.s32 s26, s2;
	[dreg:$0x9] =	wrdreg s19;
	s25 =	sadd.s32 $0x4000, s6  }
0xd: {  	s20 =	sadd.s32 s2, s18;
	s14 =	sadd.s32 $0x8000, s6;
	[dreg:$0x5] =	wrdreg s25  }
0xe: {  	s15 =	sadd.s32 $0xC000, s6;
	s16 =	sadd.s32 $0x10000, s6;
	[dreg:$0x6] =	wrdreg s14  }
0xf: {  	s21 =	sshrl.u32 s20, $0x3;
	s5 =	sshrl.u32 s5, $0x3;
	[dreg:$0x7] =	wrdreg s15  }
0x10: {  	[dreg:$0x8] =	wrdreg s16;
	s16 =	sadd.s32 s18, s1;
	s23 =	sadd.s32 s7, s5  }
0x11: {  	s24 =	sadd.s32 s8, s5;
	s5 =	sadd.s32 $0x280, s5;
	[dreg:$0x3] =	wrdreg s23  }
0x12: {  	s18 =	sadd.s32 s22, s1;
	[dreg:$0x4] =	wrdreg s24;
	s12 =	sadd.s32 s7, s5  }
0x13: {  	s13 =	sadd.s32 s8, s5;
	s5 =	sshrl.u32 s17, $0x3;
	s17 =	sadd.s32 s0, s21  }
0x14: {  	s23 =	sadd.s32 s2, s22;
	s24 =	sadd.s32 $0xBB80, s26;
	s26 =	sadd.s32 $0xFA00, s26  }
0x15: {  	s5 =	sadd.s32 s0, s5;
	s25 =	sadd.s32 s2, s24;
	s20 =	sadd.s32 s24, s1  }
0x16: {  	s2 =	sadd.s32 s2, s26;
	s22 =	sadd.s32 s26, s1;
	s24 =	smax.u32 s9, $0x1  }
0x17: {  	s26 =	simm.s32 $0x2800;
	[dreg:$0xa] =	wrdreg s5;
	s5 =	sshrl.u32 s23, $0x3  }
0x18: {  	s2 =	sshrl.u32 s2, $0x3;
	s19 =	sadd.s32 s0, s5;
	s5 =	sshrl.u32 s25, $0x3  }
0x19: {  	s23 =	sadd.s32 s0, s2;
	s25 =	simm.s32 $0x1400;
	s2 =	simm.s32 $0x4  }
0x1a: {  	v0 =	vimm.f32 $0.0e+00;
	s21 =	sadd.s32 s0, s5;
	s0 =	simm.s32 $0x3;
	s5 =	simm.s32 $0x0  }
.LBB2_1:
0x1b: {  	s7 =	rddreg [dreg:$0x3]  }
0x1c: {  	[tilespmem:s3], [sflag:$0x1] =	stream.linear.gather [hbm4b:s7+s3], $0x1400, $0x38;
	[tilespmem:$0x1E800] =	vst v63  }
0x1d: {  	s15 =	rddreg [dreg:$0x4];
	s8 =	simm.s32 $0x200;
	s7 =	simm.s32 $0x0  }
0x1e: {  	[tilespmem:s25], [sflag:$0x2] =	stream.linear.gather [hbm4b:s15+s3], $0x1400, $0x38;
	[tilespmem:$0x1E800] =	vst v63  }
.LBB2_2:
0x1f: {  	p0 =	sne.s32 s8, $0xFE00;
	[tilespmem:s7+$0x2870] =	vst v0  }
0x20: {  	[tilespmem:s7+$0x2800] =	vst v0  }
0x21: {  	[tilespmem:s7+$0x2810] =	vst v0  }
.Ltmp0:
0x22: {  	[tilespmem:s7+$0x2820] =	vst v0;
	(pc) =	sbr.rel @p0 .LBB2_2-.Ltmp0, $4  }
0x23: {  	[tilespmem:s7+$0x2830] =	vst v0  }
0x24: {  	[tilespmem:s7+$0x2840] =	vst v0  }
0x25: {  	[tilespmem:s7+$0x2850] =	vst v0  }
0x26: {  	[tilespmem:s7+$0x2860] =	vst v0;
	s7 =	sshra.s32 s8, $0x2;
	s8 =	sadd.s32 $0x200, s8  }
0x27: {  	[tilespmem:s7+$0x2870] =	vst v0  }
0x28: {  	[tilespmem:s7+$0x2800] =	vst v0  }
0x29: {  	[tilespmem:s7+$0x2810] =	vst v0  }
0x2a: {  	[tilespmem:s7+$0x2820] =	vst v0  }
0x2b: {  	[tilespmem:s7+$0x2830] =	vst v0  }
0x2c: {  	[tilespmem:s7+$0x2840] =	vst v0  }
0x2d: {  	[tilespmem:s7+$0x2850] =	vst v0  }
0x2e: {  	[tilespmem:s7+$0x2860] =	vst v0  }
0x2f: {  	[spmem:s6] =	stream.linear.scatter [tilespmem:s26], [sflag:$0x3], $0x4000, $0x38;
	[tilespmem:$0x1E800] =	vst v63  }
0x30: {  	s15 =	rddreg [dreg:$0x5]  }
0x31: {  	[spmem:s15] =	stream.linear.scatter [tilespmem:s26], [sflag:$0x3], $0x4000, $0x38;
	[tilespmem:$0x1E800] =	vst v63  }
0x32: {  	s8 =	rddreg [dreg:$0x6]  }
0x33: {  	[spmem:s8] =	stream.linear.scatter [tilespmem:s26], [sflag:$0x3], $0x4000, $0x38;
	[tilespmem:$0x1E800] =	vst v63  }
0x34: {  	s9 =	rddreg [dreg:$0x7]  }
0x35: {  	[spmem:s9] =	stream.linear.scatter [tilespmem:s26], [sflag:$0x3], $0x4000, $0x38;
	[tilespmem:$0x1E800] =	vst v63  }
0x36: {  	s10 =	rddreg [dreg:$0x8];
	s11 =	simm.s32 $0x3  }
0x37: {  	[spmem:s10] =	stream.linear.scatter [tilespmem:s26], [sflag:$0x3], $0x4000, $0x38;
	[tilespmem:$0x1E800] =	vst v63  }
0x38: {  	_ =	swait.ge [sflag:s11], $0x4000  }
0x39: {  	[sflag:s11] =	ssyncset.done $0x0  }
0x3a: {  	[sflag:s11] =	ssyncadd.s32 $0xFFFFC000  }
0x3b: {  	_ =	swait.ge [sflag:s11], $0x4000  }
0x3c: {  	[sflag:s11] =	ssyncset.done $0x0  }
0x3d: {  	[sflag:s11] =	ssyncadd.s32 $0xFFFFC000  }
0x3e: {  	_ =	swait.ge [sflag:s11], $0x4000  }
0x3f: {  	[sflag:s11] =	ssyncset.done $0x0  }
0x40: {  	[sflag:s11] =	ssyncadd.s32 $0xFFFFC000  }
0x41: {  	_ =	swait.ge [sflag:s11], $0x4000  }
0x42: {  	[sflag:s11] =	ssyncset.done $0x0  }
0x43: {  	[sflag:s11] =	ssyncadd.s32 $0xFFFFC000  }
0x44: {  	_ =	swait.ge [sflag:s11], $0x4000  }
0x45: {  	[sflag:s11] =	ssyncset.done $0x0  }
0x46: {  	[sflag:s11] =	ssyncadd.s32 $0xFFFFC000  }
0x47: {  	_ =	swait.ge [sflag:s28], $0x1400  }
0x48: {  	[sflag:s28] =	ssyncset.done $0x0  }
0x49: {  	[sflag:s28] =	ssyncadd.s32 $0xFFFFEC00  }
0x4a: {  	_ =	swait.ge [sflag:s29], $0x1400  }
0x4b: {  	[sflag:s29] =	ssyncset.done $0x0  }
0x4c: {  	[sflag:s29] =	ssyncadd.s32 $0xFFFFEC00  }
0x4d: {  	s14 =	simm.s32 $0x0;
	[bflag:$0x0] =	sbarrier.arrive $0xFFFF  }
0x4e: {  	[tilespmem:s26], [sflag:$0x1] =	stream.indirect.gather [hbm4b:s4+s30], $0x80, s14, s30, $0xb8;
	[tilespmem:$0x1E800] =	vst v63  }
0x4f: {  	_ =	swait.ge [sflag:s28], $0x4000  }
0x50: {  	[sflag:s28] =	ssyncset.done $0x0  }
0x51: {  	[sflag:s28] =	ssyncadd.s32 $0xFFFFC000  }
0x52: {  	[spmem:s1] =	stream.indirect.scatter.add.f32 [tilespmem:s26], [sflag:$0x3], $0x80, s25, s30, $0xb8;
	[tilespmem:$0x1E800] =	vst v63  }
0x53: {  	_ = 	snop  }
0x54: {  	[tilespmem:s31], [sflag:$0x2] =	stream.indirect.gather [hbm4b:s4+s30], $0x80, s30, s30, $0xb8;
	[tilespmem:$0x1E800] =	vst v63  }
0x55: {  	_ =	swait.ge [sflag:s29], $0x4000  }
0x56: {  	p1 =	por $0x0, $0x0;
	s7 =	simm.s32 $0x7FFFD8;
	[sflag:s29] =	ssyncset.done $0x0  }
0x57: {  	s7 =	simm.s32 @!p1 $0x0;
	[sflag:s29] =	ssyncadd.s32 $0xFFFFC000  }
0x58: {  	p0 =	por $0x1, $0x1;
	s7 =	sadd.s32 $0x3, s7;
	_ =	swait.ge [sflag:s0], $0x4000  }
0x59: {  	p1 =	por $0x1, $0x1;
	s7 =	sshll.u32 s7, $0x9;
	[sflag:s0] =	ssyncset.done $0x0  }
0x5a: {  	s8 =	simm.s32 @!p0 $0x0;
	s9 =	simm.s32 @!p0 $0x4;
	[sflag:s0] =	ssyncadd.s32 $0xFFFFC000  }
0x5b: {  	[tilespmem:s8], [sflag:$0x4] =	stream.linear.gather @!p0 [hbm4b:s12+s8], $0x1400, $0x38;
	[tilespmem:$0x1E800] =	vst v63  }
0x5c: {  	s7 =	sadd.s32 $0xFFFFFC00, s7;
	s10 =	simm.s32 $0xFFFFFFFF;
	_ =	swait.ge @!p0 [sflag:s9], $0x1400  }
0x5d: {  	s7 =	sshra.s32 s7, $0x2;
	s10 =	simm.s32 @!p1 $0xFFFFFFD7;
	[sflag:s9] =	ssyncset.done @!p0 $0x0  }
0x5e: {  	s7 =	sadd.s32 $0x1400, s7;
	s15 =	sadd.s32 $0x3, s10;
	[sflag:s9] =	ssyncadd.s32 @!p0 $0xFFFFEC00  }
0x5f: {  	[spmem:s1] =	stream.indirect.scatter.add.f32 [tilespmem:s31], [sflag:$0x3], $0x80, s7, s30, $0xb8;
	[tilespmem:$0x1E800] =	vst v63  }
0x60: {  	s10 =	sshll.u32 s15, $0x7  }
0x61: {  	[tilespmem:s26], [sflag:$0x1] =	stream.indirect.gather [hbm4b:s4+s30], $0x80, s10, s30, $0xb8;
	[tilespmem:$0x1E800] =	vst v63  }
0x62: {  	_ =	swait.ge [sflag:s28], $0x4000  }
0x63: {  	[sflag:s28] =	ssyncset.done $0x0  }
0x64: {  	[sflag:s28] =	ssyncadd.s32 $0xFFFFC000  }
0x65: {  	_ =	swait.ge [sflag:s0], $0x4000  }
0x66: {  	[sflag:s0] =	ssyncset.done $0x0  }
0x67: {  	s7 =	simm.s32 @!p0 $0x1400;
	[sflag:s0] =	ssyncadd.s32 $0xFFFFC000  }
0x68: {  	[tilespmem:s7], [sflag:$0x4] =	stream.linear.gather @!p0 [hbm4b:s13+s8], $0x1400, $0x38;
	[tilespmem:$0x1E800] =	vst v63  }
0x69: {  	p1 =	por $0x0, $0x0;
	s8 =	simm.s32 $0x7FFFD8  }
0x6a: {  	s10 =	sadd.s32 $0x1400, s10;
	_ =	swait.ge @!p0 [sflag:s9], $0x1400;
	s8 =	simm.s32 @!p1 $0x0  }
0x6b: {  	s7 =	simm.s32 $0x5;
	[sflag:s9] =	ssyncset.done @!p0 $0x0;
	s8 =	sadd.s32 $0x3, s8  }
0x6c: {  	[sflag:s9] =	ssyncadd.s32 @!p0 $0xFFFFEC00;
	s9 =	sshll.u32 s8, $0x9;
	s8 =	simm.s32 $0x1  }
.LBB2_4:
0x6d: {  	[spmem:s1] =	stream.indirect.scatter.add.f32 [tilespmem:s26], [sflag:$0x3], $0x80, s10, s30, $0xb8;
	[tilespmem:$0x1E800] =	vst v63  }
0x6e: {  	s10 =	sshra.s32 s9, $0x2;
	s9 =	smov.u32 s7;
	s7 =	sadd.s32 $0x2, s7  }
0x6f: {  	[tilespmem:s31], [sflag:$0x2] =	stream.indirect.gather [hbm4b:s4+s30], $0x80, s10, s30, $0xb8;
	[tilespmem:$0x1E800] =	vst v63  }
0x70: {  	p0 =	sne.s32 s7, $0x51;
	_ =	swait.ge [sflag:s29], $0x4000  }
0x71: {  	[sflag:s29] =	ssyncset.done $0x0  }
0x72: {  	p2 =	sgt.u32 s8, $0x13;
	s10 =	simm.s32 $0x7FFFD8;
	[sflag:s29] =	ssyncadd.s32 $0xFFFFC000  }
0x73: {  	p1 =	sne.s32 s9, $0x29;
	s10 =	simm.s32 @!p2 $0x0;
	_ =	swait.ge [sflag:s0], $0x4000  }
0x74: {  	s11 =	simm.s32 @!p1 $0x0;
	s10 =	sadd.s32 s9, s10;
	[sflag:s0] =	ssyncset.done $0x0  }
0x75: {  	s14 =	simm.s32 @!p1 $0x4;
	s10 =	sshll.u32 s10, $0x9;
	[sflag:s0] =	ssyncadd.s32 $0xFFFFC000  }
0x76: {  	[tilespmem:s11], [sflag:$0x4] =	stream.linear.gather @!p1 [hbm4b:s12+s11], $0x1400, $0x38;
	[tilespmem:$0x1E800] =	vst v63  }
0x77: {  	s15 =	simm.s32 $0xFFFFFFFF;
	s10 =	sadd.s32 $0xFFFFFC00, s10;
	_ =	swait.ge @!p1 [sflag:s14], $0x1400  }
0x78: {  	p2 =	slt.u32 s8, $0x13;
	s10 =	sshra.s32 s10, $0x2;
	[sflag:s14] =	ssyncset.done @!p1 $0x0  }
0x79: {  	s15 =	simm.s32 @!p2 $0xFFFFFFD7;
	s10 =	sadd.s32 $0x1400, s10;
	[sflag:s14] =	ssyncadd.s32 @!p1 $0xFFFFEC00  }
0x7a: {  	[spmem:s1] =	stream.indirect.scatter.add.f32 [tilespmem:s31], [sflag:$0x3], $0x80, s10, s30, $0xb8;
	[tilespmem:$0x1E800] =	vst v63  }
0x7b: {  	s10 =	sadd.s32 s15, s9  }
0x7c: {  	s10 =	sshll.u32 s10, $0x7  }
0x7d: {  	[tilespmem:s26], [sflag:$0x1] =	stream.indirect.gather [hbm4b:s4+s30], $0x80, s10, s30, $0xb8;
	[tilespmem:$0x1E800] =	vst v63  }
0x7e: {  	_ =	swait.ge [sflag:s28], $0x4000  }
0x7f: {  	[sflag:s28] =	ssyncset.done $0x0  }
0x80: {  	[sflag:s28] =	ssyncadd.s32 $0xFFFFC000  }
0x81: {  	_ =	swait.ge [sflag:s0], $0x4000  }
0x82: {  	s15 =	simm.s32 @!p1 $0x1400;
	[sflag:s0] =	ssyncset.done $0x0  }
0x83: {  	p2 =	sgt.u32 s8, $0x12;
	[sflag:s0] =	ssyncadd.s32 $0xFFFFC000  }
0x84: {  	[tilespmem:s15], [sflag:$0x4] =	stream.linear.gather @!p1 [hbm4b:s13+s11], $0x1400, $0x38;
	[tilespmem:$0x1E800] =	vst v63  }
.Ltmp1:
0x85: {  	_ = 	snop;
	(pc) =	sbr.rel @p0 .LBB2_4-.Ltmp1, $4  }
0x86: {  	s11 =	simm.s32 $0x7FFFD8  }
0x87: {  	_ =	swait.ge @!p1 [sflag:s14], $0x1400;
	s11 =	simm.s32 @!p2 $0x0  }
0x88: {  	s10 =	sadd.s32 $0x1400, s10;
	[sflag:s14] =	ssyncset.done @!p1 $0x0;
	s9 =	sadd.s32 s9, s11  }
0x89: {  	s8 =	sadd.s32 $0x1, s8;
	[sflag:s14] =	ssyncadd.s32 @!p1 $0xFFFFEC00;
	s9 =	sshll.u32 s9, $0x9  }
0x8a: {  	[spmem:s1] =	stream.indirect.scatter.add.f32 [tilespmem:s26], [sflag:$0x3], $0x80, s10, s30, $0xb8;
	[tilespmem:$0x1E800] =	vst v63  }
0x8b: {  	s7 =	sshra.s32 s9, $0x2  }
0x8c: {  	[tilespmem:s31], [sflag:$0x2] =	stream.indirect.gather [hbm4b:s4+s30], $0x80, s7, s30, $0xb8;
	[tilespmem:$0x1E800] =	vst v63  }
0x8d: {  	_ =	swait.ge [sflag:s29], $0x4000  }
0x8e: {  	[sflag:s29] =	ssyncset.done $0x0  }
0x8f: {  	[sflag:s29] =	ssyncadd.s32 $0xFFFFC000  }
0x90: {  	_ =	swait.ge [sflag:s0], $0x4000  }
0x91: {  	[sflag:s0] =	ssyncset.done $0x0  }
0x92: {  	s11 =	simm.s32 $0x2780;
	[sflag:s0] =	ssyncadd.s32 $0xFFFFC000  }
0x93: {  	[spmem:s1] =	stream.indirect.scatter.add.f32 [tilespmem:s31], [sflag:$0x3], $0x80, s11, s30, $0xb8;
	[tilespmem:$0x1E800] =	vst v63  }
0x94: {  	_ =	swait.ge [sflag:s0], $0x4000  }
0x95: {  	[sflag:s0] =	ssyncset.done $0x0  }
0x96: {  	[sflag:s0] =	ssyncadd.s32 $0xFFFFC000  }
0x97: {  	[bflag:$0x0] =	sbarrier.arrive $0xFFFF  }
0x98: {  	s14 =	rddreg [dreg:$0x9]  }
0x99: {  	[tilespmem:s26], [sflag:$0x4] =	stream.linear.gather [spmem:s14], $0x3E80, $0x38;
	[tilespmem:$0x1E800] =	vst v63  }
0x9a: {  	_ =	swait.ge [sflag:s2], $0x3E80  }
0x9b: {  	[sflag:s2] =	ssyncset.done $0x0  }
0x9c: {  	s15 =	rddreg [dreg:$0xa];
	[sflag:s2] =	ssyncadd.s32 $0xFFFFC180  }
0x9d: {  	[hbm4b:s15+s3] =	stream.linear.scatter [tilespmem:s26], [sflag:$0x1], $0x3E80, $0x38;
	[tilespmem:$0x1E800] =	vst v63  }
0x9e: {  	_ = 	snop  }
0x9f: {  	[tilespmem:s31], [sflag:$0x4] =	stream.linear.gather [spmem:s16], $0x3E80, $0x38;
	[tilespmem:$0x1E800] =	vst v63  }
0xa0: {  	_ =	swait.ge [sflag:s2], $0x3E80  }
0xa1: {  	[sflag:s2] =	ssyncset.done $0x0  }
0xa2: {  	[sflag:s2] =	ssyncadd.s32 $0xFFFFC180  }
0xa3: {  	[hbm4b:s17+s3] =	stream.linear.scatter [tilespmem:s31], [sflag:$0x2], $0x3E80, $0x38;
	[tilespmem:$0x1E800] =	vst v63  }
0xa4: {  	_ =	swait.ge [sflag:s28], $0x3E80  }
0xa5: {  	[sflag:s28] =	ssyncset.done $0x0  }
0xa6: {  	[sflag:s28] =	ssyncadd.s32 $0xFFFFC180  }
0xa7: {  	[tilespmem:s26], [sflag:$0x4] =	stream.linear.gather [spmem:s18], $0x3E80, $0x38;
	[tilespmem:$0x1E800] =	vst v63  }
0xa8: {  	_ =	swait.ge [sflag:s2], $0x3E80  }
0xa9: {  	[sflag:s2] =	ssyncset.done $0x0  }
0xaa: {  	[sflag:s2] =	ssyncadd.s32 $0xFFFFC180  }
0xab: {  	[hbm4b:s19+s3] =	stream.linear.scatter [tilespmem:s26], [sflag:$0x1], $0x3E80, $0x38;
	[tilespmem:$0x1E800] =	vst v63  }
0xac: {  	_ =	swait.ge [sflag:s29], $0x3E80  }
0xad: {  	[sflag:s29] =	ssyncset.done $0x0  }
0xae: {  	[sflag:s29] =	ssyncadd.s32 $0xFFFFC180  }
0xaf: {  	[tilespmem:s31], [sflag:$0x4] =	stream.linear.gather [spmem:s20], $0x3E80, $0x38;
	[tilespmem:$0x1E800] =	vst v63  }
0xb0: {  	_ =	swait.ge [sflag:s2], $0x3E80  }
0xb1: {  	[sflag:s2] =	ssyncset.done $0x0  }
0xb2: {  	[sflag:s2] =	ssyncadd.s32 $0xFFFFC180  }
0xb3: {  	[hbm4b:s21+s3] =	stream.linear.scatter [tilespmem:s31], [sflag:$0x2], $0x3E80, $0x38;
	[tilespmem:$0x1E800] =	vst v63  }
0xb4: {  	_ =	swait.ge [sflag:s28], $0x3E80  }
0xb5: {  	[sflag:s28] =	ssyncset.done $0x0  }
0xb6: {  	[sflag:s28] =	ssyncadd.s32 $0xFFFFC180  }
0xb7: {  	[tilespmem:s26], [sflag:$0x4] =	stream.linear.gather [spmem:s22], $0x3E80, $0x38;
	[tilespmem:$0x1E800] =	vst v63  }
0xb8: {  	_ =	swait.ge [sflag:s2], $0x3E80  }
0xb9: {  	[sflag:s2] =	ssyncset.done $0x0  }
0xba: {  	s5 =	sadd.s32 $0x1, s5;
	[sflag:s2] =	ssyncadd.s32 $0xFFFFC180  }
0xbb: {  	[hbm4b:s23+s3] =	stream.linear.scatter [tilespmem:s26], [sflag:$0x1], $0x3E80, $0x38;
	[tilespmem:$0x1E800] =	vst v63  }
0xbc: {  	p0 =	sne.s32 s5, s24;
	_ =	swait.ge [sflag:s29], $0x3E80  }
.Ltmp2:
0xbd: {  	[sflag:s29] =	ssyncset.done $0x0;
	(pc) =	sbr.rel @p0 .LBB2_1-.Ltmp2, $4  }
0xbe: {  	[sflag:s29] =	ssyncadd.s32 $0xFFFFC180  }
0xbf: {  	_ =	swait.ge [sflag:s28], $0x3E80  }
0xc0: {  	[sflag:s28] =	ssyncset.done $0x0  }
0xc1: {  	[sflag:s28] =	ssyncadd.s32 $0xFFFFC180  }
0xc2: {  	_ =	sfence.sel $0x180000  }
0xc3: {  	[bflag:$0x0] =	sbarrier.arrive $0xFFFF  }
0xc4: {  	_ =	strace $0x9000004A  }
0xc5: {  	s0 =	stileid.u32;
	[bflag:$0x2] =	sbarrier.arrive $0xFFFF  }
0xc6: {  	p0 =	sne.s32 s0, $0x0;
	s0 =	rddreg [dreg:$0x2]  }
0xc7: {  	s0 =	sadd.s32 @!p0 $0x100000, s0  }
0xc8: {  	[sflag:s0] =	ssyncadd.tile.s32 @!p0 $0x1;
	_ =	shalt  }
.Lfunc_end2:
_tile_overlayer_lowered:
.L_overlay_start_2:
0xc9: {  	(tag) =	ssettag $0x2  }
0xca: {  	s0 =	rddreg [dreg:$0x0];
	s2 =	stileid.u32  }
0xcb: {  	s1 =	rddreg [dreg:$0x1];
	p0 =	sne.s32 s2, $0x0  }
0xcc: {  	s3 =	rddreg [dreg:$0x2];
	[bflag:$0x3] =	sbarrier.arrive $0xFFFF;
	s2 =	simm.s32 @!p0 $0x1C04  }
0xcd: {  	[timem:s3], [sflag:s2] =	dma.local @!p0 [hbm:s0], s1  }
0xce: {  	s0 =	simm.s32 @!p0 $0x4  }
0xcf: {  	_ =	swait.ge @!p0 [sflag:s0], s1  }
0xd0: {  	s1 =	ssub.s32 @!p0 $0x0, s1;
	[sflag:s0] =	ssyncset.done @!p0 $0x0  }
0xd1: {  	[sflag:s0] =	ssyncadd.s32 @!p0 s1  }
0xd2: {  	[bflag:$0x3] =	sbarrier.arrive $0xFFFF  }
0xd3: {  	_ =	shalt  }

// kernel: kernel.17.cloned.1.call-start
scs
__scs_entry_jumppad:
0x0: {  	(pc) =	sbr.rel $0x88, $3  }
0x1: {  	(tag) =	ssettag $0x0;
	lr =	simm.s32 $0x1  }
0x2: {  	[smem:$0x3F96] =	sst lr;
	_ =	strace $0xD0000000  }
0x3: {  	_ = 	snop  }
0x4: {  	_ = 	snop  }
0x5: {  	_ = 	snop  }
0x6: {  	_ = 	snop  }
0x7: {  	_ = 	snop  }
__scs_overlays_trampoline_lowered:
0x8: {  	[smem:$0x3FA5] =	sst s0  }
0x9: {  	[smem:$0x3FA6] =	sst s1  }
0xa: {  	[smem:$0x3FA7] =	sst s2  }
0xb: {  	[smem:$0x3FA8] =	sst s3  }
0xc: {  	[smem:$0x3FA9] =	sst s4  }
0xd: {  	[smem:$0x3FAA] =	sst s5  }
0xe: {  	[smem:$0x3FAB] =	sst s6  }
0xf: {  	[smem:$0x3FAC] =	sst s7  }
0x10: {  	[smem:$0x3FAD] =	sst s8  }
0x11: {  	[smem:$0x3FAE] =	sst s9;
	s0 =	simm.s32 @!p0 $0x0  }
0x12: {  	s1 =	sld [smem:$0x3F94];
	s0 =	simm.s32 @p0 $0x1  }
0x13: {  	[smem:$0x3FAF] =	sst s0;
	s0 =	simm.s32 @!p1 $0x0  }
0x14: {  	s2 =	sld [smem:$0x3F93];
	s0 =	simm.s32 @p1 $0x1  }
0x15: {  	[smem:$0x3FB0] =	sst s0;
	s0 =	simm.s32 @!p2 $0x0  }
0x16: {  	s3 =	sld [smem:$0x3FDB];
	s0 =	simm.s32 @p2 $0x1  }
0x17: {  	s4 =	simm.s32 $0x1BF5;
	[smem:$0x3FB2] =	sst s0  }
0x18: {  	s0 =	sld [smem:$0x3F95];
	_ =	swait.ge [sflag:s4], $0x0  }
0x19: {  	s7 =	sld [smem:$0x3F96]  }
0x1a: {  	s8 =	sadd.s32 $0xFFFFE003, lr  }
0x1b: {  	s9 =	sadd.s32 $0xFFFFFEF7, lr;
	s5 =	simm.s32 $0xFFFFFFFF;
	p2 =	slt.u32 s8, $0xFFFFF086  }
0x1c: {  	p1 =	slt.u32 s9, $0xF7A;
	s5 =	simm.s32 @!p2 $0x0  }
0x1d: {  	s5 =	simm.s32 @p1 $0x1;
	p0 =	seq.s32 s7, s2  }
0x1e: {  	s7 =	smul.u32 @!p0 $0xF7A, s2;
	p2 =	seq.s32 @!p0 s5, $0x0  }
0x1f: {  	s9 =	smul.u32 $0xF7A, s1;
	s8 =	simm.s32 @!p0 $0x1BF5;
	p2 =	por !p2, p0  }
0x20: {  	[sflag:s8] =	ssyncset.s32 @!p0 $0xFFFFF086;
	s6 =	sadd.s32 @!p0 s3, s7;
	s7 =	simm.s32 @!p0 $0x108  }
0x21: {  	s3 =	sadd.s32 s3, s9;
	s6 =	sadd.s32 @!p0 $0x88, s6;
	s7 =	simm.s32 @p2 $0x1082  }
0x22: {  	[simem:s7], [sflag:s8] =	dma.local @!p0 [hbm:s6], $0xF7A  }
0x23: {  	s9 =	sor.u32 $0xD0000000, s2;
	s6 =	simm.s32 $0x108;
	_ =	swait.ge @!p0 [sflag:s8], $0x0  }
0x24: {  	s3 =	sadd.s32 $0x88, s3;
	s6 =	simm.s32 @!p1 $0x1082;
	[sflag:s4] =	ssyncset.s32 $0xFFFFF086  }
0x25: {  	[simem:s6], [sflag:s4] =	dma.local [hbm:s3], $0xF7A  }
0x26: {  	[smem:$0x3F96] =	sst s1;
	(tag) =	ssettag s2;
	_ =	strace s9  }
0x27: {  	s1 =	sld [smem:$0x3FA6]  }
0x28: {  	s2 =	sld [smem:$0x3FA7]  }
0x29: {  	s4 =	sld [smem:$0x3FA9]  }
0x2a: {  	p0 =	seq.s32 s5, $0x0;
	s5 =	sld [smem:$0x3FAA]  }
0x2b: {  	s6 =	sld [smem:$0x3FAB]  }
0x2c: {  	s7 =	sld [smem:$0x3FAC]  }
0x2d: {  	s3 =	simm.s32 $0x108;
	s8 =	sld [smem:$0x3FAD]  }
0x2e: {  	s3 =	simm.s32 @!p0 $0x1082;
	s9 =	sld [smem:$0x3FAE]  }
0x2f: {  	lr =	sadd.s32 s0, s3;
	s0 =	sld [smem:$0x3FA5]  }
0x30: {  	s3 =	sld [smem:$0x3FA8]  }
0x31: {  	[smem:$0x3FB1] =	sst s10  }
0x32: {  	s10 =	sld [smem:$0x3FAF];
	_ =	sdelay $0x3  }
0x33: {  	p0 =	seq.s32 s10, $0x1;
	s10 =	sld [smem:$0x3FB1];
	_ =	sdelay $0x3  }
0x34: {  	[smem:$0x3FB1] =	sst s10  }
0x35: {  	s10 =	sld [smem:$0x3FB0];
	_ =	sdelay $0x3  }
0x36: {  	p1 =	seq.s32 s10, $0x1;
	s10 =	sld [smem:$0x3FB1];
	_ =	sdelay $0x3  }
0x37: {  	[smem:$0x3FB1] =	sst s10  }
0x38: {  	s10 =	sld [smem:$0x3FB2]  }
0x39: {  	_ = 	snop;
	(pc) =	sbr.ind lr, $3  }
0x3a: {  	_ = 	snop  }
0x3b: {  	_ = 	snop  }
0x3c: {  	p2 =	seq.s32 s10, $0x1;
	s10 =	sld [smem:$0x3FB1]  }
0x3d: {  	_ =	shalt  }
0x3e: {  	_ =	shalt  }
0x3f: {  	_ =	shalt  }
0x40: {  	_ =	shalt  }
0x41: {  	_ =	shalt  }
0x42: {  	_ =	shalt  }
0x43: {  	_ =	shalt  }
0x44: {  	_ =	shalt  }
0x45: {  	_ =	shalt  }
0x46: {  	_ =	shalt  }
0x47: {  	_ =	shalt  }
0x48: {  	_ =	shalt  }
0x49: {  	_ =	shalt  }
0x4a: {  	_ =	shalt  }
0x4b: {  	_ =	shalt  }
0x4c: {  	_ =	shalt  }
0x4d: {  	_ =	shalt  }
0x4e: {  	_ =	shalt  }
0x4f: {  	_ =	shalt  }
0x50: {  	_ =	shalt  }
0x51: {  	_ =	shalt  }
0x52: {  	_ =	shalt  }
0x53: {  	_ =	shalt  }
0x54: {  	_ =	shalt  }
0x55: {  	_ =	shalt  }
0x56: {  	_ =	shalt  }
0x57: {  	_ =	shalt  }
0x58: {  	_ =	shalt  }
0x59: {  	_ =	shalt  }
0x5a: {  	_ =	shalt  }
0x5b: {  	_ =	shalt  }
0x5c: {  	_ =	shalt  }
0x5d: {  	_ =	shalt  }
0x5e: {  	_ =	shalt  }
0x5f: {  	_ =	shalt  }
0x60: {  	_ =	shalt  }
0x61: {  	_ =	shalt  }
0x62: {  	_ =	shalt  }
0x63: {  	_ =	shalt  }
0x64: {  	_ =	shalt  }
0x65: {  	_ =	shalt  }
0x66: {  	_ =	shalt  }
0x67: {  	_ =	shalt  }
0x68: {  	_ =	shalt  }
0x69: {  	_ =	shalt  }
0x6a: {  	_ =	shalt  }
0x6b: {  	_ =	shalt  }
0x6c: {  	_ =	shalt  }
0x6d: {  	_ =	shalt  }
0x6e: {  	_ =	shalt  }
0x6f: {  	_ =	shalt  }
0x70: {  	_ =	shalt  }
0x71: {  	_ =	shalt  }
0x72: {  	_ =	shalt  }
0x73: {  	_ =	shalt  }
0x74: {  	_ =	shalt  }
0x75: {  	_ =	shalt  }
0x76: {  	_ =	shalt  }
0x77: {  	_ =	shalt  }
0x78: {  	_ =	shalt  }
0x79: {  	_ =	shalt  }
0x7a: {  	_ =	shalt  }
0x7b: {  	_ =	shalt  }
0x7c: {  	_ =	shalt  }
0x7d: {  	_ =	shalt  }
0x7e: {  	_ =	shalt  }
0x7f: {  	_ =	shalt  }
0x80: {  	_ =	shalt  }
0x81: {  	_ =	shalt  }
0x82: {  	_ =	shalt  }
0x83: {  	_ =	shalt  }
0x84: {  	_ =	shalt  }
0x85: {  	_ =	shalt  }
0x86: {  	_ =	shalt  }
0x87: {  	_ =	shalt  }
.Lfunc_end0:
.L_simem_size_0:
called_computation.2_lowered:
.L_overlay_start_0:
0x88: {  	s2 =	sld [smem:$0x3FD9]  }
0x89: {  	s3 =	sld [smem:$0x3FFE];
	_ =	sdelay $0x1  }
0x8a: {  	s1 =	srdreg.scid  }
0x8b: {  	s0 =	sand.u32 $0x1, s1  }
0x8c: {  	s16 =	sshll.u32 s0, $0xA;
	s2 =	sadd.s32 s3, s2  }
0x8d: {  	s2 =	sadd.s32 s2, s16  }
0x8e: {  	[smem:$0x3FBD] =	sst s2  }
0x8f: {  	_ = 	snop  }
0x90: {  	(tm) =	ssettm $0x1  }
0x91: {  	s17 =	sld [smem:$0x3FFB];
	_ =	sdelay $0x3  }
0x92: {  	_ =	strace s17  }
0x93: {  	s2 =	sld [smem:$0x3FFC];
	_ =	sdelay $0x3  }
0x94: {  	_ =	strace s2  }
0x95: {  	s2 =	sld [smem:$0x3FFD];
	_ =	sdelay $0x3  }
0x96: {  	_ =	strace s2  }
0x97: {  	_ =	strace $0x8FFFFFFF  }
0x98: {  	s18 =	sld [smem:$0x3FDB];
	_ =	sdelay $0x1  }
0x99: {  	s19 =	simm.s32 $_scs_section_size  }
0x9a: {  	s4 =	simm.s32 $_size__tile_overlayer_lowered;
	s5 =	simm.s32 $_tile_overlayer_lowered  }
0x9b: {  	s22 =	simm.s32 $0x1BFF;
	s21 =	sshll.u32 s5, $0x1;
	s2 =	sadd.s32 s19, s18  }
0x9c: {  	s6 =	simm.s32 $0x0;
	s20 =	sshll.u32 s4, $0x1;
	s4 =	sadd.s32 s21, s2  }
0x9d: {  	[timem:s6], [sflag:s22] =	dma.local [hbm:s4], s20  }
0x9e: {  	_ =	swait.ge [sflag:s22], s20  }
0x9f: {  	s3 =	ssub.s32 $0x0, s20;
	[sflag:s22] =	ssyncset.done $0x0  }
0xa0: {  	[sflag:s22] =	ssyncadd.s32 s3;
	_ =	sdelay $0x1  }
0xa1: {  	s23 =	simm.s32 $0x1B8B  }
0xa2: {  	_ =	swait.ge [sflag:s23], $0x1  }
0xa3: {  	[sflag:s23] =	ssyncset.done $0x0  }
0xa4: {  	s25 =	simm.s32 $0x1B8E;
	s24 =	sld [smem:$0x3FFE];
	[sflag:s23] =	ssyncadd.s32 $0xFFFFFFFF  }
0xa5: {  	s26 =	simm.s32 $execute0_lowered;
	[smem:$0x3FD2] =	sst s25  }
0xa6: {  	s4 =	sshll.u32 s26, $0x1;
	_ =	strace $0x8000004C;
	[dreg:$0x1] =	wrdreg $0xFFFFFFFF  }
0xa7: {  	s28 =	simm.s32 $_size_execute0_lowered;
	s2 =	sadd.s32 s2, s4;
	[dreg:$0x0] =	wrdreg $0x0  }
0xa8: {  	s4 =	sshll.u32 s28, $0x1;
	[dreg:$0x2] =	wrdreg s2  }
0xa9: {  	[dreg:$0x3] =	wrdreg s4  }
0xaa: {  	[dreg:$0x4] =	wrdreg $0xC0  }
0xab: {  	_ =	task [dreg:s6], $0x5FFFF  }
0xac: {  	[dreg:$0x1] =	wrdreg $0xFFFFFFFF  }
0xad: {  	[dreg:$0x0] =	wrdreg $0x60  }
0xae: {  	[dreg:$0x2] =	wrdreg s24  }
0xaf: {  	[dreg:$0x3] =	wrdreg $0xA8000  }
0xb0: {  	[dreg:$0x4] =	wrdreg $0x9  }
0xb1: {  	_ =	task.clear_ibuf [dreg:s6], $0x5FFFF;
	_ =	strace $0x9000004C  }
0xb2: {  	s29 =	simm.s32 $0x9;
	_ =	strace $0x8000004E  }
0xb3: {  	_ =	swait.ge [sflag:s29], $0x1  }
0xb4: {  	[sflag:s29] =	ssyncadd.s32 $0xFFFFFFFF  }
0xb5: {  	_ =	strace $0x9000004E  }
0xb6: {  	_ =	sfence  }
0xb7: {  	s30 =	sld [smem:$0x0];
	_ =	sdelay $0x2  }
0xb8: {  	s31 =	sshll.u32 s1, $0xD;
	s1 =	sshrl.u32 s1, $0x2  }
0xb9: {  	s3 =	sand.u32 $0x4000, s31;
	s1 =	sadd.s32 s1, s30  }
0xba: {  	s0 =	sor.u32 s3, s0;
	s1 =	sshll.u32 s1, $0x11  }
0xbb: {  	s0 =	sor.u32 s1, s0  }
0xbc: {  	s0 =	sadd.s32 $0x8F2B, s0  }
0xbd: {  	[sflag:s0] =	ssyncadd.remote.s32 $0x1  }
0xbe: {  	_ =	sfence.sel $0xFFFF  }
0xbf: {  	[dreg:$0x0] =	wrdreg $0xFFFFFFFF;
	(pc) =	sbr.abs _section_cstart, $3  }
0xc0: {  	[dreg:$0x1] =	wrdreg $0xFFFFFFFF  }
0xc1: {  	_ =	task.clear_ibuf [dreg:s6], $0x2FFFF;
	_ =	strace $0x9FFFFFFF  }
0xc2: {  	(tm) =	ssettm $0x7FFFFFFF  }
0xc3: {  	_ =	shalt  }
tec
execute0_lowered:
.L_overlay_start_1:
0x0: {  	(tag) =	ssettag $0x1  }
0x1: {  	s0 =	rddreg [dreg:$0x0]  }
0x2: {  	s1 =	rddreg [dreg:$0x1];
	s2 =	srdreg.scid  }
0x3: {  	s3 =	simm.s32 $0x0;
	s11 =	stileid.u32;
	s28 =	simm.s32 $0x1  }
0x4: {  	s29 =	simm.s32 $0x2;
	s30 =	simm.s32 $0x80;
	s31 =	simm.s32 $0x6800  }
0x5: {  	s2 =	sand.u32 $0x1, s2;
	[smem:$0x7FF] =	sst s3;
	s6 =	smul.u32 $0x50000, s11  }
0x6: {  	s7 =	sadd.s32 $0x18400, s0;
	s8 =	sadd.s32 $0x4400, s0;
	s26 =	smul.u32 $0x13880, s11  }
0x7: {  	s4 =	sshll.u32 s2, $0x4;
	_ =	strace $0x8000004D;
	s9 =	ssub.s32 $0x2, s2  }
0x8: {  	s2 =	smul.u32 $0x138800, s2;
	s4 =	sor.u32 s11, s4;
	s10 =	sshrl.u32 s9, $0x1  }
0x9: {  	s6 =	sshrl.u32 s6, $0x2;
	s18 =	sadd.s32 $0x3E80, s26;
	s19 =	sadd.s32 s26, s1  }
0xa: {  	s22 =	sadd.s32 $0x7D00, s26;
	s5 =	smul.u32 $0x2800, s4;
	s4 =	sadd.s32 $0x22400, s0  }
0xb: {  	s0 =	sadd.s32 $0x49600, s0;
	s9 =	ssub.s32 s9, s10;
	s6 =	sadd.s32 s6, s1  }
0xc: {  	s17 =	sadd.s32 s26, s2;
	[dreg:$0x9] =	wrdreg s19;
	s25 =	sadd.s32 $0x4000, s6  }
0xd: {  	s20 =	sadd.s32 s2, s18;
	s14 =	sadd.s32 $0x8000, s6;
	[dreg:$0x5] =	wrdreg s25  }
0xe: {  	s15 =	sadd.s32 $0xC000, s6;
	s16 =	sadd.s32 $0x10000, s6;
	[dreg:$0x6] =	wrdreg s14  }
0xf: {  	s21 =	sshrl.u32 s20, $0x3;
	s5 =	sshrl.u32 s5, $0x3;
	[dreg:$0x7] =	wrdreg s15  }
0x10: {  	[dreg:$0x8] =	wrdreg s16;
	s16 =	sadd.s32 s18, s1;
	s23 =	sadd.s32 s7, s5  }
0x11: {  	s24 =	sadd.s32 s8, s5;
	s5 =	sadd.s32 $0x280, s5;
	[dreg:$0x3] =	wrdreg s23  }
0x12: {  	s18 =	sadd.s32 s22, s1;
	[dreg:$0x4] =	wrdreg s24;
	s12 =	sadd.s32 s7, s5  }
0x13: {  	s13 =	sadd.s32 s8, s5;
	s5 =	sshrl.u32 s17, $0x3;
	s17 =	sadd.s32 s0, s21  }
0x14: {  	s23 =	sadd.s32 s2, s22;
	s24 =	sadd.s32 $0xBB80, s26;
	s26 =	sadd.s32 $0xFA00, s26  }
0x15: {  	s5 =	sadd.s32 s0, s5;
	s25 =	sadd.s32 s2, s24;
	s20 =	sadd.s32 s24, s1  }
0x16: {  	s2 =	sadd.s32 s2, s26;
	s22 =	sadd.s32 s26, s1;
	s24 =	smax.u32 s9, $0x1  }
0x17: {  	s26 =	simm.s32 $0x2800;
	[dreg:$0xa] =	wrdreg s5;
	s5 =	sshrl.u32 s23, $0x3  }
0x18: {  	s2 =	sshrl.u32 s2, $0x3;
	s19 =	sadd.s32 s0, s5;
	s5 =	sshrl.u32 s25, $0x3  }
0x19: {  	s23 =	sadd.s32 s0, s2;
	s25 =	simm.s32 $0x1400;
	s2 =	simm.s32 $0x4  }
0x1a: {  	v0 =	vimm.f32 $0.0e+00;
	s21 =	sadd.s32 s0, s5;
	s0 =	simm.s32 $0x3;
	s5 =	simm.s32 $0x0  }
.LBB2_1:
0x1b: {  	s7 =	rddreg [dreg:$0x3]  }
0x1c: {  	[tilespmem:s3], [sflag:$0x1] =	stream.linear.gather [hbm4b:s7+s3], $0x1400, $0x38;
	[tilespmem:$0x1E800] =	vst v63  }
0x1d: {  	s15 =	rddreg [dreg:$0x4];
	s8 =	simm.s32 $0x200;
	s7 =	simm.s32 $0x0  }
0x1e: {  	[tilespmem:s25], [sflag:$0x2] =	stream.linear.gather [hbm4b:s15+s3], $0x1400, $0x38;
	[tilespmem:$0x1E800] =	vst v63  }
.LBB2_2:
0x1f: {  	p0 =	sne.s32 s8, $0xFE00;
	[tilespmem:s7+$0x2870] =	vst v0  }
0x20: {  	[tilespmem:s7+$0x2800] =	vst v0  }
0x21: {  	[tilespmem:s7+$0x2810] =	vst v0  }
.Ltmp0:
0x22: {  	[tilespmem:s7+$0x2820] =	vst v0;
	(pc) =	sbr.rel @p0 .LBB2_2-.Ltmp0, $4  }
0x23: {  	[tilespmem:s7+$0x2830] =	vst v0  }
0x24: {  	[tilespmem:s7+$0x2840] =	vst v0  }
0x25: {  	[tilespmem:s7+$0x2850] =	vst v0  }
0x26: {  	[tilespmem:s7+$0x2860] =	vst v0;
	s7 =	sshra.s32 s8, $0x2;
	s8 =	sadd.s32 $0x200, s8  }
0x27: {  	[tilespmem:s7+$0x2870] =	vst v0  }
0x28: {  	[tilespmem:s7+$0x2800] =	vst v0  }
0x29: {  	[tilespmem:s7+$0x2810] =	vst v0  }
0x2a: {  	[tilespmem:s7+$0x2820] =	vst v0  }
0x2b: {  	[tilespmem:s7+$0x2830] =	vst v0  }
0x2c: {  	[tilespmem:s7+$0x2840] =	vst v0  }
0x2d: {  	[tilespmem:s7+$0x2850] =	vst v0  }
0x2e: {  	[tilespmem:s7+$0x2860] =	vst v0  }
0x2f: {  	[spmem:s6] =	stream.linear.scatter [tilespmem:s26], [sflag:$0x3], $0x4000, $0x38;
	[tilespmem:$0x1E800] =	vst v63  }
0x30: {  	s15 =	rddreg [dreg:$0x5]  }
0x31: {  	[spmem:s15] =	stream.linear.scatter [tilespmem:s26], [sflag:$0x3], $0x4000, $0x38;
	[tilespmem:$0x1E800] =	vst v63  }
0x32: {  	s8 =	rddreg [dreg:$0x6]  }
0x33: {  	[spmem:s8] =	stream.linear.scatter [tilespmem:s26], [sflag:$0x3], $0x4000, $0x38;
	[tilespmem:$0x1E800] =	vst v63  }
0x34: {  	s9 =	rddreg [dreg:$0x7]  }
0x35: {  	[spmem:s9] =	stream.linear.scatter [tilespmem:s26], [sflag:$0x3], $0x4000, $0x38;
	[tilespmem:$0x1E800] =	vst v63  }
0x36: {  	s10 =	rddreg [dreg:$0x8];
	s11 =	simm.s32 $0x3  }
0x37: {  	[spmem:s10] =	stream.linear.scatter [tilespmem:s26], [sflag:$0x3], $0x4000, $0x38;
	[tilespmem:$0x1E800] =	vst v63  }
0x38: {  	_ =	swait.ge [sflag:s11], $0x4000  }
0x39: {  	[sflag:s11] =	ssyncset.done $0x0  }
0x3a: {  	[sflag:s11] =	ssyncadd.s32 $0xFFFFC000  }
0x3b: {  	_ =	swait.ge [sflag:s11], $0x4000  }
0x3c: {  	[sflag:s11] =	ssyncset.done $0x0  }
0x3d: {  	[sflag:s11] =	ssyncadd.s32 $0xFFFFC000  }
0x3e: {  	_ =	swait.ge [sflag:s11], $0x4000  }
0x3f: {  	[sflag:s11] =	ssyncset.done $0x0  }
0x40: {  	[sflag:s11] =	ssyncadd.s32 $0xFFFFC000  }
0x41: {  	_ =	swait.ge [sflag:s11], $0x4000  }
0x42: {  	[sflag:s11] =	ssyncset.done $0x0  }
0x43: {  	[sflag:s11] =	ssyncadd.s32 $0xFFFFC000  }
0x44: {  	_ =	swait.ge [sflag:s11], $0x4000  }
0x45: {  	[sflag:s11] =	ssyncset.done $0x0  }
0x46: {  	[sflag:s11] =	ssyncadd.s32 $0xFFFFC000  }
0x47: {  	_ =	swait.ge [sflag:s28], $0x1400  }
0x48: {  	[sflag:s28] =	ssyncset.done $0x0  }
0x49: {  	[sflag:s28] =	ssyncadd.s32 $0xFFFFEC00  }
0x4a: {  	_ =	swait.ge [sflag:s29], $0x1400  }
0x4b: {  	[sflag:s29] =	ssyncset.done $0x0  }
0x4c: {  	[sflag:s29] =	ssyncadd.s32 $0xFFFFEC00  }
0x4d: {  	s14 =	simm.s32 $0x0;
	[bflag:$0x0] =	sbarrier.arrive $0xFFFF  }
0x4e: {  	[tilespmem:s26], [sflag:$0x1] =	stream.indirect.gather [hbm4b:s4+s30], $0x80, s14, s30, $0xb8;
	[tilespmem:$0x1E800] =	vst v63  }
0x4f: {  	_ =	swait.ge [sflag:s28], $0x4000  }
0x50: {  	[sflag:s28] =	ssyncset.done $0x0  }
0x51: {  	[sflag:s28] =	ssyncadd.s32 $0xFFFFC000  }
0x52: {  	[spmem:s1] =	stream.indirect.scatter.add.f32 [tilespmem:s26], [sflag:$0x3], $0x80, s25, s30, $0xb8;
	[tilespmem:$0x1E800] =	vst v63  }
0x53: {  	_ = 	snop  }
0x54: {  	[tilespmem:s31], [sflag:$0x2] =	stream.indirect.gather [hbm4b:s4+s30], $0x80, s30, s30, $0xb8;
	[tilespmem:$0x1E800] =	vst v63  }
0x55: {  	_ =	swait.ge [sflag:s29], $0x4000  }
0x56: {  	p1 =	por $0x0, $0x0;
	s7 =	simm.s32 $0x7FFFD8;
	[sflag:s29] =	ssyncset.done $0x0  }
0x57: {  	s7 =	simm.s32 @!p1 $0x0;
	[sflag:s29] =	ssyncadd.s32 $0xFFFFC000  }
0x58: {  	p0 =	por $0x1, $0x1;
	s7 =	sadd.s32 $0x3, s7;
	_ =	swait.ge [sflag:s0], $0x4000  }
0x59: {  	p1 =	por $0x1, $0x1;
	s7 =	sshll.u32 s7, $0x9;
	[sflag:s0] =	ssyncset.done $0x0  }
0x5a: {  	s8 =	simm.s32 @!p0 $0x0;
	s9 =	simm.s32 @!p0 $0x4;
	[sflag:s0] =	ssyncadd.s32 $0xFFFFC000  }
0x5b: {  	[tilespmem:s8], [sflag:$0x4] =	stream.linear.gather @!p0 [hbm4b:s12+s8], $0x1400, $0x38;
	[tilespmem:$0x1E800] =	vst v63  }
0x5c: {  	s7 =	sadd.s32 $0xFFFFFC00, s7;
	s10 =	simm.s32 $0xFFFFFFFF;
	_ =	swait.ge @!p0 [sflag:s9], $0x1400  }
0x5d: {  	s7 =	sshra.s32 s7, $0x2;
	s10 =	simm.s32 @!p1 $0xFFFFFFD7;
	[sflag:s9] =	ssyncset.done @!p0 $0x0  }
0x5e: {  	s7 =	sadd.s32 $0x1400, s7;
	s15 =	sadd.s32 $0x3, s10;
	[sflag:s9] =	ssyncadd.s32 @!p0 $0xFFFFEC00  }
0x5f: {  	[spmem:s1] =	stream.indirect.scatter.add.f32 [tilespmem:s31], [sflag:$0x3], $0x80, s7, s30, $0xb8;
	[tilespmem:$0x1E800] =	vst v63  }
0x60: {  	s10 =	sshll.u32 s15, $0x7  }
0x61: {  	[tilespmem:s26], [sflag:$0x1] =	stream.indirect.gather [hbm4b:s4+s30], $0x80, s10, s30, $0xb8;
	[tilespmem:$0x1E800] =	vst v63  }
0x62: {  	_ =	swait.ge [sflag:s28], $0x4000  }
0x63: {  	[sflag:s28] =	ssyncset.done $0x0  }
0x64: {  	[sflag:s28] =	ssyncadd.s32 $0xFFFFC000  }
0x65: {  	_ =	swait.ge [sflag:s0], $0x4000  }
0x66: {  	[sflag:s0] =	ssyncset.done $0x0  }
0x67: {  	s7 =	simm.s32 @!p0 $0x1400;
	[sflag:s0] =	ssyncadd.s32 $0xFFFFC000  }
0x68: {  	[tilespmem:s7], [sflag:$0x4] =	stream.linear.gather @!p0 [hbm4b:s13+s8], $0x1400, $0x38;
	[tilespmem:$0x1E800] =	vst v63  }
0x69: {  	p1 =	por $0x0, $0x0;
	s8 =	simm.s32 $0x7FFFD8  }
0x6a: {  	s10 =	sadd.s32 $0x1400, s10;
	_ =	swait.ge @!p0 [sflag:s9], $0x1400;
	s8 =	simm.s32 @!p1 $0x0  }
0x6b: {  	s7 =	simm.s32 $0x5;
	[sflag:s9] =	ssyncset.done @!p0 $0x0;
	s8 =	sadd.s32 $0x3, s8  }
0x6c: {  	[sflag:s9] =	ssyncadd.s32 @!p0 $0xFFFFEC00;
	s9 =	sshll.u32 s8, $0x9;
	s8 =	simm.s32 $0x1  }
.LBB2_4:
0x6d: {  	[spmem:s1] =	stream.indirect.scatter.add.f32 [tilespmem:s26], [sflag:$0x3], $0x80, s10, s30, $0xb8;
	[tilespmem:$0x1E800] =	vst v63  }
0x6e: {  	s10 =	sshra.s32 s9, $0x2;
	s9 =	smov.u32 s7;
	s7 =	sadd.s32 $0x2, s7  }
0x6f: {  	[tilespmem:s31], [sflag:$0x2] =	stream.indirect.gather [hbm4b:s4+s30], $0x80, s10, s30, $0xb8;
	[tilespmem:$0x1E800] =	vst v63  }
0x70: {  	p0 =	sne.s32 s7, $0x51;
	_ =	swait.ge [sflag:s29], $0x4000  }
0x71: {  	[sflag:s29] =	ssyncset.done $0x0  }
0x72: {  	p2 =	sgt.u32 s8, $0x13;
	s10 =	simm.s32 $0x7FFFD8;
	[sflag:s29] =	ssyncadd.s32 $0xFFFFC000  }
0x73: {  	p1 =	sne.s32 s9, $0x29;
	s10 =	simm.s32 @!p2 $0x0;
	_ =	swait.ge [sflag:s0], $0x4000  }
0x74: {  	s11 =	simm.s32 @!p1 $0x0;
	s10 =	sadd.s32 s9, s10;
	[sflag:s0] =	ssyncset.done $0x0  }
0x75: {  	s14 =	simm.s32 @!p1 $0x4;
	s10 =	sshll.u32 s10, $0x9;
	[sflag:s0] =	ssyncadd.s32 $0xFFFFC000  }
0x76: {  	[tilespmem:s11], [sflag:$0x4] =	stream.linear.gather @!p1 [hbm4b:s12+s11], $0x1400, $0x38;
	[tilespmem:$0x1E800] =	vst v63  }
0x77: {  	s15 =	simm.s32 $0xFFFFFFFF;
	s10 =	sadd.s32 $0xFFFFFC00, s10;
	_ =	swait.ge @!p1 [sflag:s14], $0x1400  }
0x78: {  	p2 =	slt.u32 s8, $0x13;
	s10 =	sshra.s32 s10, $0x2;
	[sflag:s14] =	ssyncset.done @!p1 $0x0  }
0x79: {  	s15 =	simm.s32 @!p2 $0xFFFFFFD7;
	s10 =	sadd.s32 $0x1400, s10;
	[sflag:s14] =	ssyncadd.s32 @!p1 $0xFFFFEC00  }
0x7a: {  	[spmem:s1] =	stream.indirect.scatter.add.f32 [tilespmem:s31], [sflag:$0x3], $0x80, s10, s30, $0xb8;
	[tilespmem:$0x1E800] =	vst v63  }
0x7b: {  	s10 =	sadd.s32 s15, s9  }
0x7c: {  	s10 =	sshll.u32 s10, $0x7  }
0x7d: {  	[tilespmem:s26], [sflag:$0x1] =	stream.indirect.gather [hbm4b:s4+s30], $0x80, s10, s30, $0xb8;
	[tilespmem:$0x1E800] =	vst v63  }
0x7e: {  	_ =	swait.ge [sflag:s28], $0x4000  }
0x7f: {  	[sflag:s28] =	ssyncset.done $0x0  }
0x80: {  	[sflag:s28] =	ssyncadd.s32 $0xFFFFC000  }
0x81: {  	_ =	swait.ge [sflag:s0], $0x4000  }
0x82: {  	s15 =	simm.s32 @!p1 $0x1400;
	[sflag:s0] =	ssyncset.done $0x0  }
0x83: {  	p2 =	sgt.u32 s8, $0x12;
	[sflag:s0] =	ssyncadd.s32 $0xFFFFC000  }
0x84: {  	[tilespmem:s15], [sflag:$0x4] =	stream.linear.gather @!p1 [hbm4b:s13+s11], $0x1400, $0x38;
	[tilespmem:$0x1E800] =	vst v63  }
.Ltmp1:
0x85: {  	_ = 	snop;
	(pc) =	sbr.rel @p0 .LBB2_4-.Ltmp1, $4  }
0x86: {  	s11 =	simm.s32 $0x7FFFD8  }
0x87: {  	_ =	swait.ge @!p1 [sflag:s14], $0x1400;
	s11 =	simm.s32 @!p2 $0x0  }
0x88: {  	s10 =	sadd.s32 $0x1400, s10;
	[sflag:s14] =	ssyncset.done @!p1 $0x0;
	s9 =	sadd.s32 s9, s11  }
0x89: {  	s8 =	sadd.s32 $0x1, s8;
	[sflag:s14] =	ssyncadd.s32 @!p1 $0xFFFFEC00;
	s9 =	sshll.u32 s9, $0x9  }
0x8a: {  	[spmem:s1] =	stream.indirect.scatter.add.f32 [tilespmem:s26], [sflag:$0x3], $0x80, s10, s30, $0xb8;
	[tilespmem:$0x1E800] =	vst v63  }
0x8b: {  	s7 =	sshra.s32 s9, $0x2  }
0x8c: {  	[tilespmem:s31], [sflag:$0x2] =	stream.indirect.gather [hbm4b:s4+s30], $0x80, s7, s30, $0xb8;
	[tilespmem:$0x1E800] =	vst v63  }
0x8d: {  	_ =	swait.ge [sflag:s29], $0x4000  }
0x8e: {  	[sflag:s29] =	ssyncset.done $0x0  }
0x8f: {  	[sflag:s29] =	ssyncadd.s32 $0xFFFFC000  }
0x90: {  	_ =	swait.ge [sflag:s0], $0x4000  }
0x91: {  	[sflag:s0] =	ssyncset.done $0x0  }
0x92: {  	s11 =	simm.s32 $0x2780;
	[sflag:s0] =	ssyncadd.s32 $0xFFFFC000  }
0x93: {  	[spmem:s1] =	stream.indirect.scatter.add.f32 [tilespmem:s31], [sflag:$0x3], $0x80, s11, s30, $0xb8;
	[tilespmem:$0x1E800] =	vst v63  }
0x94: {  	_ =	swait.ge [sflag:s0], $0x4000  }
0x95: {  	[sflag:s0] =	ssyncset.done $0x0  }
0x96: {  	[sflag:s0] =	ssyncadd.s32 $0xFFFFC000  }
0x97: {  	[bflag:$0x0] =	sbarrier.arrive $0xFFFF  }
0x98: {  	s14 =	rddreg [dreg:$0x9]  }
0x99: {  	[tilespmem:s26], [sflag:$0x4] =	stream.linear.gather [spmem:s14], $0x3E80, $0x38;
	[tilespmem:$0x1E800] =	vst v63  }
0x9a: {  	_ =	swait.ge [sflag:s2], $0x3E80  }
0x9b: {  	[sflag:s2] =	ssyncset.done $0x0  }
0x9c: {  	s15 =	rddreg [dreg:$0xa];
	[sflag:s2] =	ssyncadd.s32 $0xFFFFC180  }
0x9d: {  	[hbm4b:s15+s3] =	stream.linear.scatter [tilespmem:s26], [sflag:$0x1], $0x3E80, $0x38;
	[tilespmem:$0x1E800] =	vst v63  }
0x9e: {  	_ = 	snop  }
0x9f: {  	[tilespmem:s31], [sflag:$0x4] =	stream.linear.gather [spmem:s16], $0x3E80, $0x38;
	[tilespmem:$0x1E800] =	vst v63  }
0xa0: {  	_ =	swait.ge [sflag:s2], $0x3E80  }
0xa1: {  	[sflag:s2] =	ssyncset.done $0x0  }
0xa2: {  	[sflag:s2] =	ssyncadd.s32 $0xFFFFC180  }
0xa3: {  	[hbm4b:s17+s3] =	stream.linear.scatter [tilespmem:s31], [sflag:$0x2], $0x3E80, $0x38;
	[tilespmem:$0x1E800] =	vst v63  }
0xa4: {  	_ =	swait.ge [sflag:s28], $0x3E80  }
0xa5: {  	[sflag:s28] =	ssyncset.done $0x0  }
0xa6: {  	[sflag:s28] =	ssyncadd.s32 $0xFFFFC180  }
0xa7: {  	[tilespmem:s26], [sflag:$0x4] =	stream.linear.gather [spmem:s18], $0x3E80, $0x38;
	[tilespmem:$0x1E800] =	vst v63  }
0xa8: {  	_ =	swait.ge [sflag:s2], $0x3E80  }
0xa9: {  	[sflag:s2] =	ssyncset.done $0x0  }
0xaa: {  	[sflag:s2] =	ssyncadd.s32 $0xFFFFC180  }
0xab: {  	[hbm4b:s19+s3] =	stream.linear.scatter [tilespmem:s26], [sflag:$0x1], $0x3E80, $0x38;
	[tilespmem:$0x1E800] =	vst v63  }
0xac: {  	_ =	swait.ge [sflag:s29], $0x3E80  }
0xad: {  	[sflag:s29] =	ssyncset.done $0x0  }
0xae: {  	[sflag:s29] =	ssyncadd.s32 $0xFFFFC180  }
0xaf: {  	[tilespmem:s31], [sflag:$0x4] =	stream.linear.gather [spmem:s20], $0x3E80, $0x38;
	[tilespmem:$0x1E800] =	vst v63  }
0xb0: {  	_ =	swait.ge [sflag:s2], $0x3E80  }
0xb1: {  	[sflag:s2] =	ssyncset.done $0x0  }
0xb2: {  	[sflag:s2] =	ssyncadd.s32 $0xFFFFC180  }
0xb3: {  	[hbm4b:s21+s3] =	stream.linear.scatter [tilespmem:s31], [sflag:$0x2], $0x3E80, $0x38;
	[tilespmem:$0x1E800] =	vst v63  }
0xb4: {  	_ =	swait.ge [sflag:s28], $0x3E80  }
0xb5: {  	[sflag:s28] =	ssyncset.done $0x0  }
0xb6: {  	[sflag:s28] =	ssyncadd.s32 $0xFFFFC180  }
0xb7: {  	[tilespmem:s26], [sflag:$0x4] =	stream.linear.gather [spmem:s22], $0x3E80, $0x38;
	[tilespmem:$0x1E800] =	vst v63  }
0xb8: {  	_ =	swait.ge [sflag:s2], $0x3E80  }
0xb9: {  	[sflag:s2] =	ssyncset.done $0x0  }
0xba: {  	s5 =	sadd.s32 $0x1, s5;
	[sflag:s2] =	ssyncadd.s32 $0xFFFFC180  }
0xbb: {  	[hbm4b:s23+s3] =	stream.linear.scatter [tilespmem:s26], [sflag:$0x1], $0x3E80, $0x38;
	[tilespmem:$0x1E800] =	vst v63  }
0xbc: {  	p0 =	sne.s32 s5, s24;
	_ =	swait.ge [sflag:s29], $0x3E80  }
.Ltmp2:
0xbd: {  	[sflag:s29] =	ssyncset.done $0x0;
	(pc) =	sbr.rel @p0 .LBB2_1-.Ltmp2, $4  }
0xbe: {  	[sflag:s29] =	ssyncadd.s32 $0xFFFFC180  }
0xbf: {  	_ =	swait.ge [sflag:s28], $0x3E80  }
0xc0: {  	[sflag:s28] =	ssyncset.done $0x0  }
0xc1: {  	[sflag:s28] =	ssyncadd.s32 $0xFFFFC180  }
0xc2: {  	_ =	sfence.sel $0x180000  }
0xc3: {  	[bflag:$0x0] =	sbarrier.arrive $0xFFFF  }
0xc4: {  	_ =	strace $0x9000004D  }
0xc5: {  	s0 =	stileid.u32;
	[bflag:$0x2] =	sbarrier.arrive $0xFFFF  }
0xc6: {  	p0 =	sne.s32 s0, $0x0;
	s0 =	rddreg [dreg:$0x2]  }
0xc7: {  	s0 =	sadd.s32 @!p0 $0x100000, s0  }
0xc8: {  	[sflag:s0] =	ssyncadd.tile.s32 @!p0 $0x1;
	_ =	shalt  }
.Lfunc_end2:
_tile_overlayer_lowered:
.L_overlay_start_2:
0xc9: {  	(tag) =	ssettag $0x2  }
0xca: {  	s0 =	rddreg [dreg:$0x0];
	s2 =	stileid.u32  }
0xcb: {  	s1 =	rddreg [dreg:$0x1];
	p0 =	sne.s32 s2, $0x0  }
0xcc: {  	s3 =	rddreg [dreg:$0x2];
	[bflag:$0x3] =	sbarrier.arrive $0xFFFF;
	s2 =	simm.s32 @!p0 $0x1C04  }
0xcd: {  	[timem:s3], [sflag:s2] =	dma.local @!p0 [hbm:s0], s1  }
0xce: {  	s0 =	simm.s32 @!p0 $0x4  }
0xcf: {  	_ =	swait.ge @!p0 [sflag:s0], s1  }
0xd0: {  	s1 =	ssub.s32 @!p0 $0x0, s1;
	[sflag:s0] =	ssyncset.done @!p0 $0x0  }
0xd1: {  	[sflag:s0] =	ssyncadd.s32 @!p0 s1  }
0xd2: {  	[bflag:$0x3] =	sbarrier.arrive $0xFFFF  }
0xd3: {  	_ =	shalt  }

// kernel: kernel.20.cloned.1.call-start
scs
__scs_entry_jumppad:
0x0: {  	(pc) =	sbr.rel $0x88, $3  }
0x1: {  	(tag) =	ssettag $0x0;
	lr =	simm.s32 $0x1  }
0x2: {  	[smem:$0x3F96] =	sst lr;
	_ =	strace $0xD0000000  }
0x3: {  	_ = 	snop  }
0x4: {  	_ = 	snop  }
0x5: {  	_ = 	snop  }
0x6: {  	_ = 	snop  }
0x7: {  	_ = 	snop  }
__scs_overlays_trampoline_lowered:
0x8: {  	[smem:$0x3FA5] =	sst s0  }
0x9: {  	[smem:$0x3FA6] =	sst s1  }
0xa: {  	[smem:$0x3FA7] =	sst s2  }
0xb: {  	[smem:$0x3FA8] =	sst s3  }
0xc: {  	[smem:$0x3FA9] =	sst s4  }
0xd: {  	[smem:$0x3FAA] =	sst s5  }
0xe: {  	[smem:$0x3FAB] =	sst s6  }
0xf: {  	[smem:$0x3FAC] =	sst s7  }
0x10: {  	[smem:$0x3FAD] =	sst s8  }
0x11: {  	[smem:$0x3FAE] =	sst s9;
	s0 =	simm.s32 @!p0 $0x0  }
0x12: {  	s1 =	sld [smem:$0x3F94];
	s0 =	simm.s32 @p0 $0x1  }
0x13: {  	[smem:$0x3FAF] =	sst s0;
	s0 =	simm.s32 @!p1 $0x0  }
0x14: {  	s2 =	sld [smem:$0x3F93];
	s0 =	simm.s32 @p1 $0x1  }
0x15: {  	[smem:$0x3FB0] =	sst s0;
	s0 =	simm.s32 @!p2 $0x0  }
0x16: {  	s3 =	sld [smem:$0x3FDB];
	s0 =	simm.s32 @p2 $0x1  }
0x17: {  	s4 =	simm.s32 $0x1BF5;
	[smem:$0x3FB2] =	sst s0  }
0x18: {  	s0 =	sld [smem:$0x3F95];
	_ =	swait.ge [sflag:s4], $0x0  }
0x19: {  	s7 =	sld [smem:$0x3F96]  }
0x1a: {  	s8 =	sadd.s32 $0xFFFFE003, lr  }
0x1b: {  	s9 =	sadd.s32 $0xFFFFFEF7, lr;
	s5 =	simm.s32 $0xFFFFFFFF;
	p2 =	slt.u32 s8, $0xFFFFF086  }
0x1c: {  	p1 =	slt.u32 s9, $0xF7A;
	s5 =	simm.s32 @!p2 $0x0  }
0x1d: {  	s5 =	simm.s32 @p1 $0x1;
	p0 =	seq.s32 s7, s2  }
0x1e: {  	s7 =	smul.u32 @!p0 $0xF7A, s2;
	p2 =	seq.s32 @!p0 s5, $0x0  }
0x1f: {  	s9 =	smul.u32 $0xF7A, s1;
	s8 =	simm.s32 @!p0 $0x1BF5;
	p2 =	por !p2, p0  }
0x20: {  	[sflag:s8] =	ssyncset.s32 @!p0 $0xFFFFF086;
	s6 =	sadd.s32 @!p0 s3, s7;
	s7 =	simm.s32 @!p0 $0x108  }
0x21: {  	s3 =	sadd.s32 s3, s9;
	s6 =	sadd.s32 @!p0 $0x88, s6;
	s7 =	simm.s32 @p2 $0x1082  }
0x22: {  	[simem:s7], [sflag:s8] =	dma.local @!p0 [hbm:s6], $0xF7A  }
0x23: {  	s9 =	sor.u32 $0xD0000000, s2;
	s6 =	simm.s32 $0x108;
	_ =	swait.ge @!p0 [sflag:s8], $0x0  }
0x24: {  	s3 =	sadd.s32 $0x88, s3;
	s6 =	simm.s32 @!p1 $0x1082;
	[sflag:s4] =	ssyncset.s32 $0xFFFFF086  }
0x25: {  	[simem:s6], [sflag:s4] =	dma.local [hbm:s3], $0xF7A  }
0x26: {  	[smem:$0x3F96] =	sst s1;
	(tag) =	ssettag s2;
	_ =	strace s9  }
0x27: {  	s1 =	sld [smem:$0x3FA6]  }
0x28: {  	s2 =	sld [smem:$0x3FA7]  }
0x29: {  	s4 =	sld [smem:$0x3FA9]  }
0x2a: {  	p0 =	seq.s32 s5, $0x0;
	s5 =	sld [smem:$0x3FAA]  }
0x2b: {  	s6 =	sld [smem:$0x3FAB]  }
0x2c: {  	s7 =	sld [smem:$0x3FAC]  }
0x2d: {  	s3 =	simm.s32 $0x108;
	s8 =	sld [smem:$0x3FAD]  }
0x2e: {  	s3 =	simm.s32 @!p0 $0x1082;
	s9 =	sld [smem:$0x3FAE]  }
0x2f: {  	lr =	sadd.s32 s0, s3;
	s0 =	sld [smem:$0x3FA5]  }
0x30: {  	s3 =	sld [smem:$0x3FA8]  }
0x31: {  	[smem:$0x3FB1] =	sst s10  }
0x32: {  	s10 =	sld [smem:$0x3FAF];
	_ =	sdelay $0x3  }
0x33: {  	p0 =	seq.s32 s10, $0x1;
	s10 =	sld [smem:$0x3FB1];
	_ =	sdelay $0x3  }
0x34: {  	[smem:$0x3FB1] =	sst s10  }
0x35: {  	s10 =	sld [smem:$0x3FB0];
	_ =	sdelay $0x3  }
0x36: {  	p1 =	seq.s32 s10, $0x1;
	s10 =	sld [smem:$0x3FB1];
	_ =	sdelay $0x3  }
0x37: {  	[smem:$0x3FB1] =	sst s10  }
0x38: {  	s10 =	sld [smem:$0x3FB2]  }
0x39: {  	_ = 	snop;
	(pc) =	sbr.ind lr, $3  }
0x3a: {  	_ = 	snop  }
0x3b: {  	_ = 	snop  }
0x3c: {  	p2 =	seq.s32 s10, $0x1;
	s10 =	sld [smem:$0x3FB1]  }
0x3d: {  	_ =	shalt  }
0x3e: {  	_ =	shalt  }
0x3f: {  	_ =	shalt  }
0x40: {  	_ =	shalt  }
0x41: {  	_ =	shalt  }
0x42: {  	_ =	shalt  }
0x43: {  	_ =	shalt  }
0x44: {  	_ =	shalt  }
0x45: {  	_ =	shalt  }
0x46: {  	_ =	shalt  }
0x47: {  	_ =	shalt  }
0x48: {  	_ =	shalt  }
0x49: {  	_ =	shalt  }
0x4a: {  	_ =	shalt  }
0x4b: {  	_ =	shalt  }
0x4c: {  	_ =	shalt  }
0x4d: {  	_ =	shalt  }
0x4e: {  	_ =	shalt  }
0x4f: {  	_ =	shalt  }
0x50: {  	_ =	shalt  }
0x51: {  	_ =	shalt  }
0x52: {  	_ =	shalt  }
0x53: {  	_ =	shalt  }
0x54: {  	_ =	shalt  }
0x55: {  	_ =	shalt  }
0x56: {  	_ =	shalt  }
0x57: {  	_ =	shalt  }
0x58: {  	_ =	shalt  }
0x59: {  	_ =	shalt  }
0x5a: {  	_ =	shalt  }
0x5b: {  	_ =	shalt  }
0x5c: {  	_ =	shalt  }
0x5d: {  	_ =	shalt  }
0x5e: {  	_ =	shalt  }
0x5f: {  	_ =	shalt  }
0x60: {  	_ =	shalt  }
0x61: {  	_ =	shalt  }
0x62: {  	_ =	shalt  }
0x63: {  	_ =	shalt  }
0x64: {  	_ =	shalt  }
0x65: {  	_ =	shalt  }
0x66: {  	_ =	shalt  }
0x67: {  	_ =	shalt  }
0x68: {  	_ =	shalt  }
0x69: {  	_ =	shalt  }
0x6a: {  	_ =	shalt  }
0x6b: {  	_ =	shalt  }
0x6c: {  	_ =	shalt  }
0x6d: {  	_ =	shalt  }
0x6e: {  	_ =	shalt  }
0x6f: {  	_ =	shalt  }
0x70: {  	_ =	shalt  }
0x71: {  	_ =	shalt  }
0x72: {  	_ =	shalt  }
0x73: {  	_ =	shalt  }
0x74: {  	_ =	shalt  }
0x75: {  	_ =	shalt  }
0x76: {  	_ =	shalt  }
0x77: {  	_ =	shalt  }
0x78: {  	_ =	shalt  }
0x79: {  	_ =	shalt  }
0x7a: {  	_ =	shalt  }
0x7b: {  	_ =	shalt  }
0x7c: {  	_ =	shalt  }
0x7d: {  	_ =	shalt  }
0x7e: {  	_ =	shalt  }
0x7f: {  	_ =	shalt  }
0x80: {  	_ =	shalt  }
0x81: {  	_ =	shalt  }
0x82: {  	_ =	shalt  }
0x83: {  	_ =	shalt  }
0x84: {  	_ =	shalt  }
0x85: {  	_ =	shalt  }
0x86: {  	_ =	shalt  }
0x87: {  	_ =	shalt  }
.Lfunc_end0:
.L_simem_size_0:
called_computation.3_lowered:
.L_overlay_start_0:
0x88: {  	s2 =	sld [smem:$0x3FD9]  }
0x89: {  	s3 =	sld [smem:$0x3FFE];
	_ =	sdelay $0x1  }
0x8a: {  	s1 =	srdreg.scid  }
0x8b: {  	s0 =	sand.u32 $0x1, s1  }
0x8c: {  	s16 =	sshll.u32 s0, $0xA;
	s2 =	sadd.s32 s3, s2  }
0x8d: {  	s2 =	sadd.s32 s2, s16  }
0x8e: {  	[smem:$0x3FBD] =	sst s2  }
0x8f: {  	_ = 	snop  }
0x90: {  	(tm) =	ssettm $0x1  }
0x91: {  	s17 =	sld [smem:$0x3FFB];
	_ =	sdelay $0x3  }
0x92: {  	_ =	strace s17  }
0x93: {  	s2 =	sld [smem:$0x3FFC];
	_ =	sdelay $0x3  }
0x94: {  	_ =	strace s2  }
0x95: {  	s2 =	sld [smem:$0x3FFD];
	_ =	sdelay $0x3  }
0x96: {  	_ =	strace s2  }
0x97: {  	_ =	strace $0x8FFFFFFF  }
0x98: {  	s18 =	sld [smem:$0x3FDB];
	_ =	sdelay $0x1  }
0x99: {  	s19 =	simm.s32 $_scs_section_size  }
0x9a: {  	s4 =	simm.s32 $_size__tile_overlayer_lowered;
	s5 =	simm.s32 $_tile_overlayer_lowered  }
0x9b: {  	s22 =	simm.s32 $0x1BFF;
	s21 =	sshll.u32 s5, $0x1;
	s2 =	sadd.s32 s19, s18  }
0x9c: {  	s6 =	simm.s32 $0x0;
	s20 =	sshll.u32 s4, $0x1;
	s4 =	sadd.s32 s21, s2  }
0x9d: {  	[timem:s6], [sflag:s22] =	dma.local [hbm:s4], s20  }
0x9e: {  	_ =	swait.ge [sflag:s22], s20  }
0x9f: {  	s3 =	ssub.s32 $0x0, s20;
	[sflag:s22] =	ssyncset.done $0x0  }
0xa0: {  	[sflag:s22] =	ssyncadd.s32 s3;
	_ =	sdelay $0x1  }
0xa1: {  	s23 =	simm.s32 $0x1B8B  }
0xa2: {  	_ =	swait.ge [sflag:s23], $0x1  }
0xa3: {  	[sflag:s23] =	ssyncset.done $0x0  }
0xa4: {  	s25 =	simm.s32 $0x1B8E;
	s24 =	sld [smem:$0x3FFE];
	[sflag:s23] =	ssyncadd.s32 $0xFFFFFFFF  }
0xa5: {  	s26 =	simm.s32 $execute0_lowered;
	[smem:$0x3FD2] =	sst s25  }
0xa6: {  	s4 =	sshll.u32 s26, $0x1;
	_ =	strace $0x8000004F;
	[dreg:$0x1] =	wrdreg $0xFFFFFFFF  }
0xa7: {  	s28 =	simm.s32 $_size_execute0_lowered;
	s2 =	sadd.s32 s2, s4;
	[dreg:$0x0] =	wrdreg $0x0  }
0xa8: {  	s4 =	sshll.u32 s28, $0x1;
	[dreg:$0x2] =	wrdreg s2  }
0xa9: {  	[dreg:$0x3] =	wrdreg s4  }
0xaa: {  	[dreg:$0x4] =	wrdreg $0xC0  }
0xab: {  	_ =	task [dreg:s6], $0x5FFFF  }
0xac: {  	[dreg:$0x1] =	wrdreg $0xFFFFFFFF  }
0xad: {  	[dreg:$0x0] =	wrdreg $0x60  }
0xae: {  	[dreg:$0x2] =	wrdreg s24  }
0xaf: {  	[dreg:$0x3] =	wrdreg $0xA8000  }
0xb0: {  	[dreg:$0x4] =	wrdreg $0x9  }
0xb1: {  	_ =	task.clear_ibuf [dreg:s6], $0x5FFFF;
	_ =	strace $0x9000004F  }
0xb2: {  	s29 =	simm.s32 $0x9;
	_ =	strace $0x80000051  }
0xb3: {  	_ =	swait.ge [sflag:s29], $0x1  }
0xb4: {  	[sflag:s29] =	ssyncadd.s32 $0xFFFFFFFF  }
0xb5: {  	_ =	strace $0x90000051  }
0xb6: {  	_ =	sfence  }
0xb7: {  	s30 =	sld [smem:$0x0];
	_ =	sdelay $0x2  }
0xb8: {  	s31 =	sshll.u32 s1, $0xD;
	s1 =	sshrl.u32 s1, $0x2  }
0xb9: {  	s3 =	sand.u32 $0x4000, s31;
	s1 =	sadd.s32 s1, s30  }
0xba: {  	s0 =	sor.u32 s3, s0;
	s1 =	sshll.u32 s1, $0x11  }
0xbb: {  	s0 =	sor.u32 s1, s0  }
0xbc: {  	s0 =	sadd.s32 $0x8F2B, s0  }
0xbd: {  	[sflag:s0] =	ssyncadd.remote.s32 $0x1  }
0xbe: {  	_ =	sfence.sel $0xFFFF  }
0xbf: {  	[dreg:$0x0] =	wrdreg $0xFFFFFFFF;
	(pc) =	sbr.abs _section_cstart, $3  }
0xc0: {  	[dreg:$0x1] =	wrdreg $0xFFFFFFFF  }
0xc1: {  	_ =	task.clear_ibuf [dreg:s6], $0x2FFFF;
	_ =	strace $0x9FFFFFFF  }
0xc2: {  	(tm) =	ssettm $0x7FFFFFFF  }
0xc3: {  	_ =	shalt  }
tec
execute0_lowered:
.L_overlay_start_1:
0x0: {  	(tag) =	ssettag $0x1  }
0x1: {  	s0 =	rddreg [dreg:$0x0]  }
0x2: {  	s1 =	rddreg [dreg:$0x1];
	s2 =	srdreg.scid  }
0x3: {  	s3 =	simm.s32 $0x0;
	s11 =	stileid.u32;
	s28 =	simm.s32 $0x1  }
0x4: {  	s29 =	simm.s32 $0x2;
	s30 =	simm.s32 $0x80;
	s31 =	simm.s32 $0x6800  }
0x5: {  	s2 =	sand.u32 $0x1, s2;
	[smem:$0x7FF] =	sst s3;
	s6 =	smul.u32 $0x50000, s11  }
0x6: {  	s7 =	sadd.s32 $0x18400, s0;
	s8 =	sadd.s32 $0x4400, s0;
	s26 =	smul.u32 $0x13880, s11  }
0x7: {  	s4 =	sshll.u32 s2, $0x4;
	_ =	strace $0x80000050;
	s9 =	ssub.s32 $0x2, s2  }
0x8: {  	s2 =	smul.u32 $0x138800, s2;
	s4 =	sor.u32 s11, s4;
	s10 =	sshrl.u32 s9, $0x1  }
0x9: {  	s6 =	sshrl.u32 s6, $0x2;
	s18 =	sadd.s32 $0x3E80, s26;
	s19 =	sadd.s32 s26, s1  }
0xa: {  	s22 =	sadd.s32 $0x7D00, s26;
	s5 =	smul.u32 $0x2800, s4;
	s4 =	sadd.s32 $0x22400, s0  }
0xb: {  	s0 =	sadd.s32 $0x49600, s0;
	s9 =	ssub.s32 s9, s10;
	s6 =	sadd.s32 s6, s1  }
0xc: {  	s17 =	sadd.s32 s26, s2;
	[dreg:$0x9] =	wrdreg s19;
	s25 =	sadd.s32 $0x4000, s6  }
0xd: {  	s20 =	sadd.s32 s2, s18;
	s14 =	sadd.s32 $0x8000, s6;
	[dreg:$0x5] =	wrdreg s25  }
0xe: {  	s15 =	sadd.s32 $0xC000, s6;
	s16 =	sadd.s32 $0x10000, s6;
	[dreg:$0x6] =	wrdreg s14  }
0xf: {  	s21 =	sshrl.u32 s20, $0x3;
	s5 =	sshrl.u32 s5, $0x3;
	[dreg:$0x7] =	wrdreg s15  }
0x10: {  	[dreg:$0x8] =	wrdreg s16;
	s16 =	sadd.s32 s18, s1;
	s23 =	sadd.s32 s7, s5  }
0x11: {  	s24 =	sadd.s32 s8, s5;
	s5 =	sadd.s32 $0x280, s5;
	[dreg:$0x3] =	wrdreg s23  }
0x12: {  	s18 =	sadd.s32 s22, s1;
	[dreg:$0x4] =	wrdreg s24;
	s12 =	sadd.s32 s7, s5  }
0x13: {  	s13 =	sadd.s32 s8, s5;
	s5 =	sshrl.u32 s17, $0x3;
	s17 =	sadd.s32 s0, s21  }
0x14: {  	s23 =	sadd.s32 s2, s22;
	s24 =	sadd.s32 $0xBB80, s26;
	s26 =	sadd.s32 $0xFA00, s26  }
0x15: {  	s5 =	sadd.s32 s0, s5;
	s25 =	sadd.s32 s2, s24;
	s20 =	sadd.s32 s24, s1  }
0x16: {  	s2 =	sadd.s32 s2, s26;
	s22 =	sadd.s32 s26, s1;
	s24 =	smax.u32 s9, $0x1  }
0x17: {  	s26 =	simm.s32 $0x2800;
	[dreg:$0xa] =	wrdreg s5;
	s5 =	sshrl.u32 s23, $0x3  }
0x18: {  	s2 =	sshrl.u32 s2, $0x3;
	s19 =	sadd.s32 s0, s5;
	s5 =	sshrl.u32 s25, $0x3  }
0x19: {  	s23 =	sadd.s32 s0, s2;
	s25 =	simm.s32 $0x1400;
	s2 =	simm.s32 $0x4  }
0x1a: {  	v0 =	vimm.f32 $0.0e+00;
	s21 =	sadd.s32 s0, s5;
	s0 =	simm.s32 $0x3;
	s5 =	simm.s32 $0x0  }
.LBB2_1:
0x1b: {  	s7 =	rddreg [dreg:$0x3]  }
0x1c: {  	[tilespmem:s3], [sflag:$0x1] =	stream.linear.gather [hbm4b:s7+s3], $0x1400, $0x38;
	[tilespmem:$0x1E800] =	vst v63  }
0x1d: {  	s15 =	rddreg [dreg:$0x4];
	s8 =	simm.s32 $0x200;
	s7 =	simm.s32 $0x0  }
0x1e: {  	[tilespmem:s25], [sflag:$0x2] =	stream.linear.gather [hbm4b:s15+s3], $0x1400, $0x38;
	[tilespmem:$0x1E800] =	vst v63  }
.LBB2_2:
0x1f: {  	p0 =	sne.s32 s8, $0xFE00;
	[tilespmem:s7+$0x2870] =	vst v0  }
0x20: {  	[tilespmem:s7+$0x2800] =	vst v0  }
0x21: {  	[tilespmem:s7+$0x2810] =	vst v0  }
.Ltmp0:
0x22: {  	[tilespmem:s7+$0x2820] =	vst v0;
	(pc) =	sbr.rel @p0 .LBB2_2-.Ltmp0, $4  }
0x23: {  	[tilespmem:s7+$0x2830] =	vst v0  }
0x24: {  	[tilespmem:s7+$0x2840] =	vst v0  }
0x25: {  	[tilespmem:s7+$0x2850] =	vst v0  }
0x26: {  	[tilespmem:s7+$0x2860] =	vst v0;
	s7 =	sshra.s32 s8, $0x2;
	s8 =	sadd.s32 $0x200, s8  }
0x27: {  	[tilespmem:s7+$0x2870] =	vst v0  }
0x28: {  	[tilespmem:s7+$0x2800] =	vst v0  }
0x29: {  	[tilespmem:s7+$0x2810] =	vst v0  }
0x2a: {  	[tilespmem:s7+$0x2820] =	vst v0  }
0x2b: {  	[tilespmem:s7+$0x2830] =	vst v0  }
0x2c: {  	[tilespmem:s7+$0x2840] =	vst v0  }
0x2d: {  	[tilespmem:s7+$0x2850] =	vst v0  }
0x2e: {  	[tilespmem:s7+$0x2860] =	vst v0  }
0x2f: {  	[spmem:s6] =	stream.linear.scatter [tilespmem:s26], [sflag:$0x3], $0x4000, $0x38;
	[tilespmem:$0x1E800] =	vst v63  }
0x30: {  	s15 =	rddreg [dreg:$0x5]  }
0x31: {  	[spmem:s15] =	stream.linear.scatter [tilespmem:s26], [sflag:$0x3], $0x4000, $0x38;
	[tilespmem:$0x1E800] =	vst v63  }
0x32: {  	s8 =	rddreg [dreg:$0x6]  }
0x33: {  	[spmem:s8] =	stream.linear.scatter [tilespmem:s26], [sflag:$0x3], $0x4000, $0x38;
	[tilespmem:$0x1E800] =	vst v63  }
0x34: {  	s9 =	rddreg [dreg:$0x7]  }
0x35: {  	[spmem:s9] =	stream.linear.scatter [tilespmem:s26], [sflag:$0x3], $0x4000, $0x38;
	[tilespmem:$0x1E800] =	vst v63  }
0x36: {  	s10 =	rddreg [dreg:$0x8];
	s11 =	simm.s32 $0x3  }
0x37: {  	[spmem:s10] =	stream.linear.scatter [tilespmem:s26], [sflag:$0x3], $0x4000, $0x38;
	[tilespmem:$0x1E800] =	vst v63  }
0x38: {  	_ =	swait.ge [sflag:s11], $0x4000  }
0x39: {  	[sflag:s11] =	ssyncset.done $0x0  }
0x3a: {  	[sflag:s11] =	ssyncadd.s32 $0xFFFFC000  }
0x3b: {  	_ =	swait.ge [sflag:s11], $0x4000  }
0x3c: {  	[sflag:s11] =	ssyncset.done $0x0  }
0x3d: {  	[sflag:s11] =	ssyncadd.s32 $0xFFFFC000  }
0x3e: {  	_ =	swait.ge [sflag:s11], $0x4000  }
0x3f: {  	[sflag:s11] =	ssyncset.done $0x0  }
0x40: {  	[sflag:s11] =	ssyncadd.s32 $0xFFFFC000  }
0x41: {  	_ =	swait.ge [sflag:s11], $0x4000  }
0x42: {  	[sflag:s11] =	ssyncset.done $0x0  }
0x43: {  	[sflag:s11] =	ssyncadd.s32 $0xFFFFC000  }
0x44: {  	_ =	swait.ge [sflag:s11], $0x4000  }
0x45: {  	[sflag:s11] =	ssyncset.done $0x0  }
0x46: {  	[sflag:s11] =	ssyncadd.s32 $0xFFFFC000  }
0x47: {  	_ =	swait.ge [sflag:s28], $0x1400  }
0x48: {  	[sflag:s28] =	ssyncset.done $0x0  }
0x49: {  	[sflag:s28] =	ssyncadd.s32 $0xFFFFEC00  }
0x4a: {  	_ =	swait.ge [sflag:s29], $0x1400  }
0x4b: {  	[sflag:s29] =	ssyncset.done $0x0  }
0x4c: {  	[sflag:s29] =	ssyncadd.s32 $0xFFFFEC00  }
0x4d: {  	s14 =	simm.s32 $0x0;
	[bflag:$0x0] =	sbarrier.arrive $0xFFFF  }
0x4e: {  	[tilespmem:s26], [sflag:$0x1] =	stream.indirect.gather [hbm4b:s4+s30], $0x80, s14, s30, $0xb8;
	[tilespmem:$0x1E800] =	vst v63  }
0x4f: {  	_ =	swait.ge [sflag:s28], $0x4000  }
0x50: {  	[sflag:s28] =	ssyncset.done $0x0  }
0x51: {  	[sflag:s28] =	ssyncadd.s32 $0xFFFFC000  }
0x52: {  	[spmem:s1] =	stream.indirect.scatter.add.f32 [tilespmem:s26], [sflag:$0x3], $0x80, s25, s30, $0xb8;
	[tilespmem:$0x1E800] =	vst v63  }
0x53: {  	_ = 	snop  }
0x54: {  	[tilespmem:s31], [sflag:$0x2] =	stream.indirect.gather [hbm4b:s4+s30], $0x80, s30, s30, $0xb8;
	[tilespmem:$0x1E800] =	vst v63  }
0x55: {  	_ =	swait.ge [sflag:s29], $0x4000  }
0x56: {  	p1 =	por $0x0, $0x0;
	s7 =	simm.s32 $0x7FFFD8;
	[sflag:s29] =	ssyncset.done $0x0  }
0x57: {  	s7 =	simm.s32 @!p1 $0x0;
	[sflag:s29] =	ssyncadd.s32 $0xFFFFC000  }
0x58: {  	p0 =	por $0x1, $0x1;
	s7 =	sadd.s32 $0x3, s7;
	_ =	swait.ge [sflag:s0], $0x4000  }
0x59: {  	p1 =	por $0x1, $0x1;
	s7 =	sshll.u32 s7, $0x9;
	[sflag:s0] =	ssyncset.done $0x0  }
0x5a: {  	s8 =	simm.s32 @!p0 $0x0;
	s9 =	simm.s32 @!p0 $0x4;
	[sflag:s0] =	ssyncadd.s32 $0xFFFFC000  }
0x5b: {  	[tilespmem:s8], [sflag:$0x4] =	stream.linear.gather @!p0 [hbm4b:s12+s8], $0x1400, $0x38;
	[tilespmem:$0x1E800] =	vst v63  }
0x5c: {  	s7 =	sadd.s32 $0xFFFFFC00, s7;
	s10 =	simm.s32 $0xFFFFFFFF;
	_ =	swait.ge @!p0 [sflag:s9], $0x1400  }
0x5d: {  	s7 =	sshra.s32 s7, $0x2;
	s10 =	simm.s32 @!p1 $0xFFFFFFD7;
	[sflag:s9] =	ssyncset.done @!p0 $0x0  }
0x5e: {  	s7 =	sadd.s32 $0x1400, s7;
	s15 =	sadd.s32 $0x3, s10;
	[sflag:s9] =	ssyncadd.s32 @!p0 $0xFFFFEC00  }
0x5f: {  	[spmem:s1] =	stream.indirect.scatter.add.f32 [tilespmem:s31], [sflag:$0x3], $0x80, s7, s30, $0xb8;
	[tilespmem:$0x1E800] =	vst v63  }
0x60: {  	s10 =	sshll.u32 s15, $0x7  }
0x61: {  	[tilespmem:s26], [sflag:$0x1] =	stream.indirect.gather [hbm4b:s4+s30], $0x80, s10, s30, $0xb8;
	[tilespmem:$0x1E800] =	vst v63  }
0x62: {  	_ =	swait.ge [sflag:s28], $0x4000  }
0x63: {  	[sflag:s28] =	ssyncset.done $0x0  }
0x64: {  	[sflag:s28] =	ssyncadd.s32 $0xFFFFC000  }
0x65: {  	_ =	swait.ge [sflag:s0], $0x4000  }
0x66: {  	[sflag:s0] =	ssyncset.done $0x0  }
0x67: {  	s7 =	simm.s32 @!p0 $0x1400;
	[sflag:s0] =	ssyncadd.s32 $0xFFFFC000  }
0x68: {  	[tilespmem:s7], [sflag:$0x4] =	stream.linear.gather @!p0 [hbm4b:s13+s8], $0x1400, $0x38;
	[tilespmem:$0x1E800] =	vst v63  }
0x69: {  	p1 =	por $0x0, $0x0;
	s8 =	simm.s32 $0x7FFFD8  }
0x6a: {  	s10 =	sadd.s32 $0x1400, s10;
	_ =	swait.ge @!p0 [sflag:s9], $0x1400;
	s8 =	simm.s32 @!p1 $0x0  }
0x6b: {  	s7 =	simm.s32 $0x5;
	[sflag:s9] =	ssyncset.done @!p0 $0x0;
	s8 =	sadd.s32 $0x3, s8  }
0x6c: {  	[sflag:s9] =	ssyncadd.s32 @!p0 $0xFFFFEC00;
	s9 =	sshll.u32 s8, $0x9;
	s8 =	simm.s32 $0x1  }
.LBB2_4:
0x6d: {  	[spmem:s1] =	stream.indirect.scatter.add.f32 [tilespmem:s26], [sflag:$0x3], $0x80, s10, s30, $0xb8;
	[tilespmem:$0x1E800] =	vst v63  }
0x6e: {  	s10 =	sshra.s32 s9, $0x2;
	s9 =	smov.u32 s7;
	s7 =	sadd.s32 $0x2, s7  }
0x6f: {  	[tilespmem:s31], [sflag:$0x2] =	stream.indirect.gather [hbm4b:s4+s30], $0x80, s10, s30, $0xb8;
	[tilespmem:$0x1E800] =	vst v63  }
0x70: {  	p0 =	sne.s32 s7, $0x51;
	_ =	swait.ge [sflag:s29], $0x4000  }
0x71: {  	[sflag:s29] =	ssyncset.done $0x0  }
0x72: {  	p2 =	sgt.u32 s8, $0x13;
	s10 =	simm.s32 $0x7FFFD8;
	[sflag:s29] =	ssyncadd.s32 $0xFFFFC000  }
0x73: {  	p1 =	sne.s32 s9, $0x29;
	s10 =	simm.s32 @!p2 $0x0;
	_ =	swait.ge [sflag:s0], $0x4000  }
0x74: {  	s11 =	simm.s32 @!p1 $0x0;
	s10 =	sadd.s32 s9, s10;
	[sflag:s0] =	ssyncset.done $0x0  }
0x75: {  	s14 =	simm.s32 @!p1 $0x4;
	s10 =	sshll.u32 s10, $0x9;
	[sflag:s0] =	ssyncadd.s32 $0xFFFFC000  }
0x76: {  	[tilespmem:s11], [sflag:$0x4] =	stream.linear.gather @!p1 [hbm4b:s12+s11], $0x1400, $0x38;
	[tilespmem:$0x1E800] =	vst v63  }
0x77: {  	s15 =	simm.s32 $0xFFFFFFFF;
	s10 =	sadd.s32 $0xFFFFFC00, s10;
	_ =	swait.ge @!p1 [sflag:s14], $0x1400  }
0x78: {  	p2 =	slt.u32 s8, $0x13;
	s10 =	sshra.s32 s10, $0x2;
	[sflag:s14] =	ssyncset.done @!p1 $0x0  }
0x79: {  	s15 =	simm.s32 @!p2 $0xFFFFFFD7;
	s10 =	sadd.s32 $0x1400, s10;
	[sflag:s14] =	ssyncadd.s32 @!p1 $0xFFFFEC00  }
0x7a: {  	[spmem:s1] =	stream.indirect.scatter.add.f32 [tilespmem:s31], [sflag:$0x3], $0x80, s10, s30, $0xb8;
	[tilespmem:$0x1E800] =	vst v63  }
0x7b: {  	s10 =	sadd.s32 s15, s9  }
0x7c: {  	s10 =	sshll.u32 s10, $0x7  }
0x7d: {  	[tilespmem:s26], [sflag:$0x1] =	stream.indirect.gather [hbm4b:s4+s30], $0x80, s10, s30, $0xb8;
	[tilespmem:$0x1E800] =	vst v63  }
0x7e: {  	_ =	swait.ge [sflag:s28], $0x4000  }
0x7f: {  	[sflag:s28] =	ssyncset.done $0x0  }
0x80: {  	[sflag:s28] =	ssyncadd.s32 $0xFFFFC000  }
0x81: {  	_ =	swait.ge [sflag:s0], $0x4000  }
0x82: {  	s15 =	simm.s32 @!p1 $0x1400;
	[sflag:s0] =	ssyncset.done $0x0  }
0x83: {  	p2 =	sgt.u32 s8, $0x12;
	[sflag:s0] =	ssyncadd.s32 $0xFFFFC000  }
0x84: {  	[tilespmem:s15], [sflag:$0x4] =	stream.linear.gather @!p1 [hbm4b:s13+s11], $0x1400, $0x38;
	[tilespmem:$0x1E800] =	vst v63  }
.Ltmp1:
0x85: {  	_ = 	snop;
	(pc) =	sbr.rel @p0 .LBB2_4-.Ltmp1, $4  }
0x86: {  	s11 =	simm.s32 $0x7FFFD8  }
0x87: {  	_ =	swait.ge @!p1 [sflag:s14], $0x1400;
	s11 =	simm.s32 @!p2 $0x0  }
0x88: {  	s10 =	sadd.s32 $0x1400, s10;
	[sflag:s14] =	ssyncset.done @!p1 $0x0;
	s9 =	sadd.s32 s9, s11  }
0x89: {  	s8 =	sadd.s32 $0x1, s8;
	[sflag:s14] =	ssyncadd.s32 @!p1 $0xFFFFEC00;
	s9 =	sshll.u32 s9, $0x9  }
0x8a: {  	[spmem:s1] =	stream.indirect.scatter.add.f32 [tilespmem:s26], [sflag:$0x3], $0x80, s10, s30, $0xb8;
	[tilespmem:$0x1E800] =	vst v63  }
0x8b: {  	s7 =	sshra.s32 s9, $0x2  }
0x8c: {  	[tilespmem:s31], [sflag:$0x2] =	stream.indirect.gather [hbm4b:s4+s30], $0x80, s7, s30, $0xb8;
	[tilespmem:$0x1E800] =	vst v63  }
0x8d: {  	_ =	swait.ge [sflag:s29], $0x4000  }
0x8e: {  	[sflag:s29] =	ssyncset.done $0x0  }
0x8f: {  	[sflag:s29] =	ssyncadd.s32 $0xFFFFC000  }
0x90: {  	_ =	swait.ge [sflag:s0], $0x4000  }
0x91: {  	[sflag:s0] =	ssyncset.done $0x0  }
0x92: {  	s11 =	simm.s32 $0x2780;
	[sflag:s0] =	ssyncadd.s32 $0xFFFFC000  }
0x93: {  	[spmem:s1] =	stream.indirect.scatter.add.f32 [tilespmem:s31], [sflag:$0x3], $0x80, s11, s30, $0xb8;
	[tilespmem:$0x1E800] =	vst v63  }
0x94: {  	_ =	swait.ge [sflag:s0], $0x4000  }
0x95: {  	[sflag:s0] =	ssyncset.done $0x0  }
0x96: {  	[sflag:s0] =	ssyncadd.s32 $0xFFFFC000  }
0x97: {  	[bflag:$0x0] =	sbarrier.arrive $0xFFFF  }
0x98: {  	s14 =	rddreg [dreg:$0x9]  }
0x99: {  	[tilespmem:s26], [sflag:$0x4] =	stream.linear.gather [spmem:s14], $0x3E80, $0x38;
	[tilespmem:$0x1E800] =	vst v63  }
0x9a: {  	_ =	swait.ge [sflag:s2], $0x3E80  }
0x9b: {  	[sflag:s2] =	ssyncset.done $0x0  }
0x9c: {  	s15 =	rddreg [dreg:$0xa];
	[sflag:s2] =	ssyncadd.s32 $0xFFFFC180  }
0x9d: {  	[hbm4b:s15+s3] =	stream.linear.scatter [tilespmem:s26], [sflag:$0x1], $0x3E80, $0x38;
	[tilespmem:$0x1E800] =	vst v63  }
0x9e: {  	_ = 	snop  }
0x9f: {  	[tilespmem:s31], [sflag:$0x4] =	stream.linear.gather [spmem:s16], $0x3E80, $0x38;
	[tilespmem:$0x1E800] =	vst v63  }
0xa0: {  	_ =	swait.ge [sflag:s2], $0x3E80  }
0xa1: {  	[sflag:s2] =	ssyncset.done $0x0  }
0xa2: {  	[sflag:s2] =	ssyncadd.s32 $0xFFFFC180  }
0xa3: {  	[hbm4b:s17+s3] =	stream.linear.scatter [tilespmem:s31], [sflag:$0x2], $0x3E80, $0x38;
	[tilespmem:$0x1E800] =	vst v63  }
0xa4: {  	_ =	swait.ge [sflag:s28], $0x3E80  }
0xa5: {  	[sflag:s28] =	ssyncset.done $0x0  }
0xa6: {  	[sflag:s28] =	ssyncadd.s32 $0xFFFFC180  }
0xa7: {  	[tilespmem:s26], [sflag:$0x4] =	stream.linear.gather [spmem:s18], $0x3E80, $0x38;
	[tilespmem:$0x1E800] =	vst v63  }
0xa8: {  	_ =	swait.ge [sflag:s2], $0x3E80  }
0xa9: {  	[sflag:s2] =	ssyncset.done $0x0  }
0xaa: {  	[sflag:s2] =	ssyncadd.s32 $0xFFFFC180  }
0xab: {  	[hbm4b:s19+s3] =	stream.linear.scatter [tilespmem:s26], [sflag:$0x1], $0x3E80, $0x38;
	[tilespmem:$0x1E800] =	vst v63  }
0xac: {  	_ =	swait.ge [sflag:s29], $0x3E80  }
0xad: {  	[sflag:s29] =	ssyncset.done $0x0  }
0xae: {  	[sflag:s29] =	ssyncadd.s32 $0xFFFFC180  }
0xaf: {  	[tilespmem:s31], [sflag:$0x4] =	stream.linear.gather [spmem:s20], $0x3E80, $0x38;
	[tilespmem:$0x1E800] =	vst v63  }
0xb0: {  	_ =	swait.ge [sflag:s2], $0x3E80  }
0xb1: {  	[sflag:s2] =	ssyncset.done $0x0  }
0xb2: {  	[sflag:s2] =	ssyncadd.s32 $0xFFFFC180  }
0xb3: {  	[hbm4b:s21+s3] =	stream.linear.scatter [tilespmem:s31], [sflag:$0x2], $0x3E80, $0x38;
	[tilespmem:$0x1E800] =	vst v63  }
0xb4: {  	_ =	swait.ge [sflag:s28], $0x3E80  }
0xb5: {  	[sflag:s28] =	ssyncset.done $0x0  }
0xb6: {  	[sflag:s28] =	ssyncadd.s32 $0xFFFFC180  }
0xb7: {  	[tilespmem:s26], [sflag:$0x4] =	stream.linear.gather [spmem:s22], $0x3E80, $0x38;
	[tilespmem:$0x1E800] =	vst v63  }
0xb8: {  	_ =	swait.ge [sflag:s2], $0x3E80  }
0xb9: {  	[sflag:s2] =	ssyncset.done $0x0  }
0xba: {  	s5 =	sadd.s32 $0x1, s5;
	[sflag:s2] =	ssyncadd.s32 $0xFFFFC180  }
0xbb: {  	[hbm4b:s23+s3] =	stream.linear.scatter [tilespmem:s26], [sflag:$0x1], $0x3E80, $0x38;
	[tilespmem:$0x1E800] =	vst v63  }
0xbc: {  	p0 =	sne.s32 s5, s24;
	_ =	swait.ge [sflag:s29], $0x3E80  }
.Ltmp2:
0xbd: {  	[sflag:s29] =	ssyncset.done $0x0;
	(pc) =	sbr.rel @p0 .LBB2_1-.Ltmp2, $4  }
0xbe: {  	[sflag:s29] =	ssyncadd.s32 $0xFFFFC180  }
0xbf: {  	_ =	swait.ge [sflag:s28], $0x3E80  }
0xc0: {  	[sflag:s28] =	ssyncset.done $0x0  }
0xc1: {  	[sflag:s28] =	ssyncadd.s32 $0xFFFFC180  }
0xc2: {  	_ =	sfence.sel $0x180000  }
0xc3: {  	[bflag:$0x0] =	sbarrier.arrive $0xFFFF  }
0xc4: {  	_ =	strace $0x90000050  }
0xc5: {  	s0 =	stileid.u32;
	[bflag:$0x2] =	sbarrier.arrive $0xFFFF  }
0xc6: {  	p0 =	sne.s32 s0, $0x0;
	s0 =	rddreg [dreg:$0x2]  }
0xc7: {  	s0 =	sadd.s32 @!p0 $0x100000, s0  }
0xc8: {  	[sflag:s0] =	ssyncadd.tile.s32 @!p0 $0x1;
	_ =	shalt  }
.Lfunc_end2:
_tile_overlayer_lowered:
.L_overlay_start_2:
0xc9: {  	(tag) =	ssettag $0x2  }
0xca: {  	s0 =	rddreg [dreg:$0x0];
	s2 =	stileid.u32  }
0xcb: {  	s1 =	rddreg [dreg:$0x1];
	p0 =	sne.s32 s2, $0x0  }
0xcc: {  	s3 =	rddreg [dreg:$0x2];
	[bflag:$0x3] =	sbarrier.arrive $0xFFFF;
	s2 =	simm.s32 @!p0 $0x1C04  }
0xcd: {  	[timem:s3], [sflag:s2] =	dma.local @!p0 [hbm:s0], s1  }
0xce: {  	s0 =	simm.s32 @!p0 $0x4  }
0xcf: {  	_ =	swait.ge @!p0 [sflag:s0], s1  }
0xd0: {  	s1 =	ssub.s32 @!p0 $0x0, s1;
	[sflag:s0] =	ssyncset.done @!p0 $0x0  }
0xd1: {  	[sflag:s0] =	ssyncadd.s32 @!p0 s1  }
0xd2: {  	[bflag:$0x3] =	sbarrier.arrive $0xFFFF  }
0xd3: {  	_ =	shalt  }

</sc_bundles>
